<compile_context>
chip_gen: v7x
topology: tpu7x:2x2x1
jax: 0.10.2.dev20260603
libtpu: 0.0.44.dev20260713+nightly
codegen_flags: <defaults>
</compile_context>

<pallas_src>
import functools

import jax
import jax.numpy as jnp
from jax import lax
from jax.experimental import pallas as pl
from jax.experimental.pallas import tpu as pltpu
from jax.experimental.pallas import tpu_sc as plsc

N = 10000
E = 320000
D = 128
H1 = 64
H2 = 32

NC = 2
NS = 16
NW = NC * NS

EPT = E // NW
OCH = 5
CW = 80
EPT_PAD = 10000
DCH = EPT // OCH
NP = 10240
ROWS_PT = NP // NS
ZR = 128

_mesh = lambda: plsc.VectorSubcoreMesh(core_axis_name="c", subcore_axis_name="s")


@functools.partial(
    pl.kernel,
    out_type=jax.ShapeDtypeStruct((NW, N), jnp.float32),
    mesh=_mesh(),
    scratch_types=[
        pltpu.VMEM((DCH,), jnp.int32),
        pltpu.VMEM((N,), jnp.float32),
    ],
    compiler_params=pltpu.CompilerParams(needs_layout_passes=False),
)
def _deg_kernel(dst_hbm, out_hbm, dstv, degv):
    cid = lax.axis_index("c")
    sid = lax.axis_index("s")
    wid = cid * NS + sid

    zero16 = jnp.zeros((16,), jnp.float32)

    def zbody(i, carry):
        degv[pl.ds(i * 16, 16)] = zero16
        return carry

    lax.fori_loop(0, N // 16, zbody, 0)

    ones16 = jnp.ones((16,), jnp.float32)

    def outer(o, carry):
        pltpu.sync_copy(dst_hbm.at[pl.ds(wid * EPT + o * DCH, DCH)], dstv)

        def inner(j, c2):
            idx = dstv[pl.ds(j * 16, 16)]
            plsc.addupdate_scatter(degv, [idx], ones16)
            return c2

        lax.fori_loop(0, DCH // 16, inner, 0)
        return carry

    lax.fori_loop(0, OCH, outer, 0)
    pltpu.sync_copy(degv, out_hbm.at[wid])


NCH = EPT_PAD // CW
NBUF = 5


def _make_prop(H):
    @functools.partial(
        pl.kernel,
        out_type=jax.ShapeDtypeStruct((NC, NP, H), jnp.float32),
        mesh=_mesh(),
        scratch_types=[
            pltpu.VMEM((NCH, CW), jnp.int32),
            pltpu.VMEM((NCH, CW), jnp.int32),
            pltpu.VMEM((NBUF, CW, H), jnp.float32),
            pltpu.VMEM_SHARED((NP, H), jnp.float32),
            pltpu.SemaphoreType.DMA((2,)),
            pltpu.SemaphoreType.DMA((NBUF,)),
            pltpu.SemaphoreType.DMA((NBUF,)),
        ],
        compiler_params=pltpu.CompilerParams(
            needs_layout_passes=False, use_tc_tiling_on_sc=False
        ),
    )
    def _prop(h_hbm, src_hbm, dst_hbm, out_hbm, src_all, dst_all, rows,
              acc, sem_i, sem_g, sem_s):
        cid = lax.axis_index("c")
        sid = lax.axis_index("s")
        wid = cid * NS + sid

        cp_src = pltpu.async_copy(src_hbm.at[wid], src_all, sem_i.at[0])
        cp_dst = pltpu.async_copy(dst_hbm.at[wid], dst_all, sem_i.at[1])

        zero16 = jnp.zeros((16,), jnp.float32)

        def zbody(i, carry):
            for c in range(H // 16):
                rows[0, i, pl.ds(c * 16, 16)] = zero16
            return carry

        lax.fori_loop(0, CW, zbody, 0)
        for k in range(ROWS_PT // CW):
            pltpu.sync_copy(rows.at[0], acc.at[pl.ds(sid * ROWS_PT + k * CW, CW)])
        cp_src.wait()
        cp_dst.wait()
        plsc.subcore_barrier()

        def gather_wait(i, b):
            pltpu.make_async_copy(
                h_hbm.at[src_all.at[i]], rows.at[b], sem_g.at[b]
            ).wait()

        def gather_start(i, b):
            pltpu.async_copy(h_hbm.at[src_all.at[i]], rows.at[b], sem_g.at[b])

        def scatter_wait(b):
            pltpu.make_async_copy(
                rows.at[b], acc.at[pl.ds(0, CW)], sem_s.at[b]
            ).wait()

        def scatter_start(i, b):
            pltpu.async_copy(
                rows.at[b], acc.at[dst_all.at[i]], sem_s.at[b], add=True
            )

        gather_start(0, 0)
        for b in range(NBUF):
            gather_wait(b, b)
            scatter_start(b, b)
            if b == NBUF - 1:
                scatter_wait(0)
            gather_start(b + 1, (b + 1) % NBUF)

        def outer(o, carry):
            for b in range(NBUF):
                i = o * NBUF + b
                gather_wait(i, b)
                scatter_start(i, b)
                scatter_wait((b + 1) % NBUF)
                gather_start(i + 1, (b + 1) % NBUF)
            return carry

        lax.fori_loop(1, NCH // NBUF - 1, outer, 0)

        for b in range(NBUF):
            i = NCH - NBUF + b
            gather_wait(i, b)
            scatter_start(i, b)
            if b < NBUF - 1:
                scatter_wait((b + 1) % NBUF)
                gather_start(i + 1, (b + 1) % NBUF)
        for b in range(NBUF):
            scatter_wait(b)

        plsc.subcore_barrier()
        pltpu.sync_copy(
            acc.at[pl.ds(sid * ROWS_PT, ROWS_PT)],
            out_hbm.at[cid, pl.ds(sid * ROWS_PT, ROWS_PT)],
        )

    return _prop


_prop_h1 = _make_prop(H1)
_prop_h2 = _make_prop(H2)


def _inv_sqrt_deg(degp_blk):
    deg = jnp.sum(degp_blk, axis=0)
    return lax.rsqrt(jnp.maximum(deg, 1.0))


def _tc1_body(degp_ref, feat_ref, w1_ref, out_ref):
    a = _inv_sqrt_deg(degp_ref[...])
    y = jnp.dot(feat_ref[...], w1_ref[...], preferred_element_type=jnp.float32)
    out_ref[...] = y * a[:, None]


def _tc2_body(p_ref, degp_ref, w2_ref, out_ref):
    a = _inv_sqrt_deg(degp_ref[...])
    s = (p_ref[0, :N] + p_ref[1, :N]) * a[:, None]
    h1 = jnp.maximum(s, 0.0)
    y = jnp.dot(h1, w2_ref[...], preferred_element_type=jnp.float32)
    out_ref[...] = y * a[:, None]


def _tc3_body(p_ref, degp_ref, out_ref):
    a = _inv_sqrt_deg(degp_ref[...])
    out_ref[...] = (p_ref[0, :N] + p_ref[1, :N]) * a[:, None]


def _tc1(degp, feat, W1):
    return pl.pallas_call(
        _tc1_body,
        out_shape=jax.ShapeDtypeStruct((N, H1), jnp.float32),
    )(degp, feat, W1)


def _tc2(p1, degp, W2):
    return pl.pallas_call(
        _tc2_body,
        out_shape=jax.ShapeDtypeStruct((N, H2), jnp.float32),
    )(p1, degp, W2)


def _tc3(p2, degp):
    return pl.pallas_call(
        _tc3_body,
        out_shape=jax.ShapeDtypeStruct((N, H2), jnp.float32),
    )(p2, degp)


def kernel(feat, edge_index, W1, W2):
    if EPT_PAD > EPT:
        pad_src = (
            jnp.arange(NW * (EPT_PAD - EPT), dtype=jnp.int32) * 97 % N
        ).reshape(NW, EPT_PAD - EPT)
        src = jnp.concatenate(
            [edge_index[0].reshape(NW, EPT), pad_src], axis=1
        ).reshape(NW, NCH, CW)
        pad_dst = jnp.broadcast_to(
            N + jnp.arange(EPT_PAD - EPT, dtype=jnp.int32) % (NP - N),
            (NW, EPT_PAD - EPT),
        )
        dst = jnp.concatenate(
            [edge_index[1].reshape(NW, EPT), pad_dst], axis=1
        ).reshape(NW, NCH, CW)
    else:
        src = edge_index[0].reshape(NW, NCH, CW)
        dst = edge_index[1].reshape(NW, NCH, CW)
    dst_flat = edge_index[1]

    degp = _deg_kernel(dst_flat)
    g1 = _tc1(degp, feat, W1)
    p1 = _prop_h1(g1, src, dst)
    g2 = _tc2(p1, degp, W2)
    p2 = _prop_h2(g2, src, dst)
    return _tc3(p2, degp)

# --- scband reference (transcript-rebuilt; emitter-appended) ---
"""Pipeline reference for scband-gcnmodel-43490838839694 (READ-ONLY COPY).

The authoritative reference and input builder live on the scoring server;
editing this copy changes nothing except your own understanding.
"""

import jax, jax.numpy as jnp
import numpy as np

N = 10000
E = 320000
D = 128
H1 = 64
H2 = 32


def setup_inputs(seed: int = 0) -> dict:
    key = jax.random.key(seed)
    k1, k2, k3, k4 = jax.random.split(key, 4)
    feat = jax.random.normal(k1, (N, D), dtype=jnp.float32)
    edge_index = jax.random.randint(k2, (2, E), 0, N, dtype=jnp.int32)
    # Glorot-initialized GCN layer weights (GraphConvolutionSparseMulti / GraphConvolutionMulti)
    s1 = np.sqrt(6.0 / (D + H1)).astype(np.float32)
    s2 = np.sqrt(6.0 / (H1 + H2)).astype(np.float32)
    W1 = jax.random.uniform(k3, (D, H1), dtype=jnp.float32, minval=-s1, maxval=s1)
    W2 = jax.random.uniform(k4, (H1, H2), dtype=jnp.float32, minval=-s2, maxval=s2)
    return {"feat": feat, "edge_index": edge_index, "W1": W1, "W2": W2}


def reference(feat, edge_index, W1, W2):
    # Faithful two-layer GCN (Decagon-style) with symmetric degree normalization.
    # Dropout placeholders are 0 at inference, so dropout is the identity.
    src = edge_index[0]
    dst = edge_index[1]
    deg = jnp.zeros((N,), jnp.float32).at[dst].add(1.0)
    deg = jnp.maximum(deg, 1.0)
    inv_sqrt_deg = 1.0 / jnp.sqrt(deg)
    norm = inv_sqrt_deg[src] * inv_sqrt_deg[dst]

    def propagate(h):
        # sparse adj @ h via gather + scatter-add (SparseCore-friendly)
        msg = jnp.take(h, src, axis=0) * norm[:, None]
        return jnp.zeros((N, h.shape[1]), h.dtype).at[dst].add(msg)

    # Layer 1: GraphConvolutionSparseMulti with act=identity, then tf.nn.relu(tf.add_n(...))
    h1 = jax.nn.relu(propagate(feat @ W1))
    # Layer 2: GraphConvolutionMulti with act=identity, then tf.add_n
    embeddings = propagate(h1 @ W2)
    # innerproduct decoder: latent_inters / latent_varies are identity matrices (constants)
    return embeddings

if __name__ == "__main__":
    import jax
    _d = setup_inputs()
    print(jax.jit(kernel)(*tuple(_d.values())))

</pallas_src>

<mosaic_0001>
#map = affine_map<(d0, d1) -> (0, 0)>
#map1 = affine_map<(d0, d1) -> (0, 0, 0)>
module attributes {stable_mosaic.version = 14 : i64} {
  func.func @_prop(%arg0: i32, %arg1: i32, %arg2: memref<10000x64xf32, #tpu.memory_space<hbm>>, %arg3: memref<32x125x80xi32, #tpu.memory_space<hbm>>, %arg4: memref<32x125x80xi32, #tpu.memory_space<hbm>>, %arg5: memref<2x10240x64xf32, #tpu.memory_space<hbm>>, %arg6: memref<125x80xi32, #tpu.memory_space<vmem>>, %arg7: memref<125x80xi32, #tpu.memory_space<vmem>>, %arg8: memref<5x80x64xf32, #tpu.memory_space<vmem>>, %arg9: memref<10240x64xf32, #tpu.memory_space<vmem_shared>>, %arg10: memref<2x!tpu.dma_semaphore, #tpu.memory_space<semaphore_mem>>, %arg11: memref<5x!tpu.dma_semaphore, #tpu.memory_space<semaphore_mem>>, %arg12: memref<5x!tpu.dma_semaphore, #tpu.memory_space<semaphore_mem>>) attributes {dimension_semantics = [#tpu.dimension_semantics<core_parallel>, #tpu.dimension_semantics<subcore_parallel>], iteration_bounds = array<i64: 2, 16>, scalar_prefetch = 0 : i64, scratch_operands = 7 : i64, tpu.core_type = #tpu.core_type<sc_vector_subcore>, window_params = [{transform_indices = #map}, {transform_indices = #map1}, {transform_indices = #map1}, {transform_indices = #map1}]} {
    %mul3A = arith.constant 16 : i32
    %mul3A_0 = arith.muli %arg0, %mul3A : i32
    %add3A = arith.addi %mul3A_0, %arg1 : i32
    %dma_start3A = arith.constant 0 : i32
    %dma_start3A_1 = arith.constant 0 : i32
    %dma_start3A_2 = arith.constant 0 : i32
    %dma_start3A_3 = tpu.memref_slice %arg3[%add3A, %dma_start3A_1, %dma_start3A_2] : memref<32x125x80xi32, #tpu.memory_space<hbm>> -> memref<1x125x80xi32, #tpu.memory_space<hbm>>
    %dma_start3A_4 = tpu.memref_squeeze %dma_start3A_3 : memref<1x125x80xi32, #tpu.memory_space<hbm>> -> memref<125x80xi32, #tpu.memory_space<hbm>>
    %dma_start3A_5 = tpu.memref_slice %arg10[%dma_start3A] : memref<2x!tpu.dma_semaphore, #tpu.memory_space<semaphore_mem>> -> memref<1x!tpu.dma_semaphore, #tpu.memory_space<semaphore_mem>>
    %dma_start3A_6 = tpu.memref_squeeze %dma_start3A_5 : memref<1x!tpu.dma_semaphore, #tpu.memory_space<semaphore_mem>> -> memref<!tpu.dma_semaphore, #tpu.memory_space<semaphore_mem>>
    %dma_start3A_7 = arith.constant 0 : i32
    %dma_start3A_8 = arith.constant 0 : i32
    %dma_start3A_9 = tpu.memref_slice %arg3[%add3A, %dma_start3A_7, %dma_start3A_8] : memref<32x125x80xi32, #tpu.memory_space<hbm>> -> memref<1x125x80xi32, #tpu.memory_space<hbm>>
    %dma_start3A_10 = tpu.memref_squeeze %dma_start3A_9 : memref<1x125x80xi32, #tpu.memory_space<hbm>> -> memref<125x80xi32, #tpu.memory_space<hbm>>
    tpu.enqueue_dma source(%dma_start3A_10 : memref<125x80xi32, #tpu.memory_space<hbm>>) target(%arg6 : memref<125x80xi32, #tpu.memory_space<vmem>>) target_semaphore(%dma_start3A_6 : memref<!tpu.dma_semaphore, #tpu.memory_space<semaphore_mem>>)
    %dma_start3A_11 = arith.constant 1 : i32
    %dma_start3A_12 = arith.constant 0 : i32
    %dma_start3A_13 = arith.constant 0 : i32
    %dma_start3A_14 = tpu.memref_slice %arg4[%add3A, %dma_start3A_12, %dma_start3A_13] : memref<32x125x80xi32, #tpu.memory_space<hbm>> -> memref<1x125x80xi32, #tpu.memory_space<hbm>>
    %dma_start3A_15 = tpu.memref_squeeze %dma_start3A_14 : memref<1x125x80xi32, #tpu.memory_space<hbm>> -> memref<125x80xi32, #tpu.memory_space<hbm>>
    %dma_start3A_16 = tpu.memref_slice %arg10[%dma_start3A_11] : memref<2x!tpu.dma_semaphore, #tpu.memory_space<semaphore_mem>> -> memref<1x!tpu.dma_semaphore, #tpu.memory_space<semaphore_mem>>
    %dma_start3A_17 = tpu.memref_squeeze %dma_start3A_16 : memref<1x!tpu.dma_semaphore, #tpu.memory_space<semaphore_mem>> -> memref<!tpu.dma_semaphore, #tpu.memory_space<semaphore_mem>>
    %dma_start3A_18 = arith.constant 0 : i32
    %dma_start3A_19 = arith.constant 0 : i32
    %dma_start3A_20 = tpu.memref_slice %arg4[%add3A, %dma_start3A_18, %dma_start3A_19] : memref<32x125x80xi32, #tpu.memory_space<hbm>> -> memref<1x125x80xi32, #tpu.memory_space<hbm>>
    %dma_start3A_21 = tpu.memref_squeeze %dma_start3A_20 : memref<1x125x80xi32, #tpu.memory_space<hbm>> -> memref<125x80xi32, #tpu.memory_space<hbm>>
    tpu.enqueue_dma source(%dma_start3A_21 : memref<125x80xi32, #tpu.memory_space<hbm>>) target(%arg7 : memref<125x80xi32, #tpu.memory_space<vmem>>) target_semaphore(%dma_start3A_17 : memref<!tpu.dma_semaphore, #tpu.memory_space<semaphore_mem>>)
    %broadcast_in_dim3A = arith.constant 0.000000e+00 : f32
    %broadcast_in_dim3A_22 = vector.broadcast %broadcast_in_dim3A : f32 to vector<16xf32>
    %scan3A = arith.constant 0 : i32
    %scan3A_23 = arith.constant 0 : i32
    %scan3A_24 = arith.constant 80 : i32
    %scan3A_25 = arith.addi %scan3A_23, %scan3A_24 : i32
    %scan3A_26 = arith.constant 1 : i32
    scf.for %scan3A_729 = %scan3A_23 to %scan3A_25 step %scan3A_26  : i32 {
      %swap3A = arith.constant 0 : i32
      %swap3A_730 = arith.index_cast %swap3A : i32 to index
      %swap3A_731 = arith.index_cast %scan3A_729 : i32 to index
      %swap3A_732 = arith.constant 0 : index
      %swap3A_733 = tpu.vector_load %arg8[%swap3A_730, %swap3A_731, %swap3A_732] {strides = array<i32>} : memref<5x80x64xf32, #tpu.memory_space<vmem>>, vector<16xf32>,
      tpu.vector_store %arg8[%swap3A_730, %swap3A_731, %swap3A_732], %broadcast_in_dim3A_22 {strides = array<i32>} : memref<5x80x64xf32, #tpu.memory_space<vmem>>, vector<16xf32>,
      %swap3A_734 = arith.constant 0 : i32
      %swap3A_735 = arith.index_cast %swap3A_734 : i32 to index
      %swap3A_736 = arith.index_cast %scan3A_729 : i32 to index
      %swap3A_737 = arith.constant 16 : index
      %swap3A_738 = tpu.vector_load %arg8[%swap3A_735, %swap3A_736, %swap3A_737] {strides = array<i32>} : memref<5x80x64xf32, #tpu.memory_space<vmem>>, vector<16xf32>,
      tpu.vector_store %arg8[%swap3A_735, %swap3A_736, %swap3A_737], %broadcast_in_dim3A_22 {strides = array<i32>} : memref<5x80x64xf32, #tpu.memory_space<vmem>>, vector<16xf32>,
      %swap3A_739 = arith.constant 0 : i32
      %swap3A_740 = arith.index_cast %swap3A_739 : i32 to index
      %swap3A_741 = arith.index_cast %scan3A_729 : i32 to index
      %swap3A_742 = arith.constant 32 : index
      %swap3A_743 = tpu.vector_load %arg8[%swap3A_740, %swap3A_741, %swap3A_742] {strides = array<i32>} : memref<5x80x64xf32, #tpu.memory_space<vmem>>, vector<16xf32>,
      tpu.vector_store %arg8[%swap3A_740, %swap3A_741, %swap3A_742], %broadcast_in_dim3A_22 {strides = array<i32>} : memref<5x80x64xf32, #tpu.memory_space<vmem>>, vector<16xf32>,
      %swap3A_744 = arith.constant 0 : i32
      %swap3A_745 = arith.index_cast %swap3A_744 : i32 to index
      %swap3A_746 = arith.index_cast %scan3A_729 : i32 to index
      %swap3A_747 = arith.constant 48 : index
      %swap3A_748 = tpu.vector_load %arg8[%swap3A_745, %swap3A_746, %swap3A_747] {strides = array<i32>} : memref<5x80x64xf32, #tpu.memory_space<vmem>>, vector<16xf32>,
      tpu.vector_store %arg8[%swap3A_745, %swap3A_746, %swap3A_747], %broadcast_in_dim3A_22 {strides = array<i32>} : memref<5x80x64xf32, #tpu.memory_space<vmem>>, vector<16xf32>,
    }
    %scan3A_27 = arith.constant 80 : i32
    %mul3A_28 = arith.constant 640 : i32
    %mul3A_29 = arith.muli %arg1, %mul3A_28 : i32
    %add3A_30 = arith.constant 0 : i32
    %add3A_31 = arith.addi %mul3A_29, %add3A_30 : i32
    %run_scoped3A = arith.constant 0 : i32
    "tpu.region"() ({
      %run_scoped3A_729 = tpu.sem_alloc : memref<!tpu.dma_semaphore, #tpu.memory_space<semaphore_mem>>
      %dma_start3A_730 = arith.constant 0 : i32
      %dma_start3A_731 = arith.constant 0 : i32
      %dma_start3A_732 = tpu.memref_slice %arg8[%run_scoped3A, %dma_start3A_730, %dma_start3A_731] : memref<5x80x64xf32, #tpu.memory_space<vmem>> -> memref<1x80x64xf32, #tpu.memory_space<vmem>>
      %dma_start3A_733 = tpu.memref_squeeze %dma_start3A_732 : memref<1x80x64xf32, #tpu.memory_space<vmem>> -> memref<80x64xf32, #tpu.memory_space<vmem>>
      %dma_start3A_734 = arith.constant 0 : i32
      %dma_start3A_735 = tpu.memref_slice %arg9[%add3A_31, %dma_start3A_734] : memref<10240x64xf32, #tpu.memory_space<vmem_shared>> -> memref<80x64xf32, #tpu.memory_space<vmem_shared>>
      %dma_start3A_736 = arith.constant 0 : i32
      %dma_start3A_737 = tpu.memref_slice %arg9[%add3A_31, %dma_start3A_736] : memref<10240x64xf32, #tpu.memory_space<vmem_shared>> -> memref<80x64xf32, #tpu.memory_space<vmem_shared>>
      %dma_start3A_738 = arith.constant 0 : i32
      %dma_start3A_739 = arith.constant 0 : i32
      %dma_start3A_740 = tpu.memref_slice %arg8[%run_scoped3A, %dma_start3A_738, %dma_start3A_739] : memref<5x80x64xf32, #tpu.memory_space<vmem>> -> memref<1x80x64xf32, #tpu.memory_space<vmem>>
      %dma_start3A_741 = tpu.memref_squeeze %dma_start3A_740 : memref<1x80x64xf32, #tpu.memory_space<vmem>> -> memref<80x64xf32, #tpu.memory_space<vmem>>
      tpu.enqueue_dma source(%dma_start3A_741 : memref<80x64xf32, #tpu.memory_space<vmem>>) target(%dma_start3A_737 : memref<80x64xf32, #tpu.memory_space<vmem_shared>>) target_semaphore(%run_scoped3A_729 : memref<!tpu.dma_semaphore, #tpu.memory_space<semaphore_mem>>)
      %dma_wait3A_742 = arith.constant 0 : i32
      %dma_wait3A_743 = arith.constant 0 : i32
      %dma_wait3A_744 = tpu.memref_slice %arg8[%run_scoped3A, %dma_wait3A_742, %dma_wait3A_743] : memref<5x80x64xf32, #tpu.memory_space<vmem>> -> memref<1x80x64xf32, #tpu.memory_space<vmem>>
      %dma_wait3A_745 = tpu.memref_squeeze %dma_wait3A_744 : memref<1x80x64xf32, #tpu.memory_space<vmem>> -> memref<80x64xf32, #tpu.memory_space<vmem>>
      %dma_wait3A_746 = arith.constant 0 : i32
      %dma_wait3A_747 = tpu.memref_slice %arg9[%add3A_31, %dma_wait3A_746] : memref<10240x64xf32, #tpu.memory_space<vmem_shared>> -> memref<80x64xf32, #tpu.memory_space<vmem_shared>>
      %dma_wait3A_748 = arith.constant 0 : i32
      %dma_wait3A_749 = tpu.memref_slice %arg9[%add3A_31, %dma_wait3A_748] : memref<10240x64xf32, #tpu.memory_space<vmem_shared>> -> memref<80x64xf32, #tpu.memory_space<vmem_shared>>
      %dma_wait3A_750 = arith.constant 0 : i32
      %dma_wait3A_751 = arith.constant 0 : i32
      %dma_wait3A_752 = tpu.memref_slice %arg8[%run_scoped3A, %dma_wait3A_750, %dma_wait3A_751] : memref<5x80x64xf32, #tpu.memory_space<vmem>> -> memref<1x80x64xf32, #tpu.memory_space<vmem>>
      %dma_wait3A_753 = tpu.memref_squeeze %dma_wait3A_752 : memref<1x80x64xf32, #tpu.memory_space<vmem>> -> memref<80x64xf32, #tpu.memory_space<vmem>>
      tpu.wait_dma2 semaphore(%run_scoped3A_729 : memref<!tpu.dma_semaphore, #tpu.memory_space<semaphore_mem>>) src(%dma_wait3A_753 : memref<80x64xf32, #tpu.memory_space<vmem>>) dst(%dma_wait3A_749 : memref<80x64xf32, #tpu.memory_space<vmem_shared>>)
      tpu.yield
    }) : () -> ()
    %mul3A_32 = arith.constant 640 : i32
    %mul3A_33 = arith.muli %arg1, %mul3A_32 : i32
    %add3A_34 = arith.constant 80 : i32
    %add3A_35 = arith.addi %mul3A_33, %add3A_34 : i32
    %run_scoped3A_36 = arith.constant 0 : i32
    "tpu.region"() ({
      %run_scoped3A_729 = tpu.sem_alloc : memref<!tpu.dma_semaphore, #tpu.memory_space<semaphore_mem>>
      %dma_start3A_730 = arith.constant 0 : i32
      %dma_start3A_731 = arith.constant 0 : i32
      %dma_start3A_732 = tpu.memref_slice %arg8[%run_scoped3A_36, %dma_start3A_730, %dma_start3A_731] : memref<5x80x64xf32, #tpu.memory_space<vmem>> -> memref<1x80x64xf32, #tpu.memory_space<vmem>>
      %dma_start3A_733 = tpu.memref_squeeze %dma_start3A_732 : memref<1x80x64xf32, #tpu.memory_space<vmem>> -> memref<80x64xf32, #tpu.memory_space<vmem>>
      %dma_start3A_734 = arith.constant 0 : i32
      %dma_start3A_735 = tpu.memref_slice %arg9[%add3A_35, %dma_start3A_734] : memref<10240x64xf32, #tpu.memory_space<vmem_shared>> -> memref<80x64xf32, #tpu.memory_space<vmem_shared>>
      %dma_start3A_736 = arith.constant 0 : i32
      %dma_start3A_737 = tpu.memref_slice %arg9[%add3A_35, %dma_start3A_736] : memref<10240x64xf32, #tpu.memory_space<vmem_shared>> -> memref<80x64xf32, #tpu.memory_space<vmem_shared>>
      %dma_start3A_738 = arith.constant 0 : i32
      %dma_start3A_739 = arith.constant 0 : i32
      %dma_start3A_740 = tpu.memref_slice %arg8[%run_scoped3A_36, %dma_start3A_738, %dma_start3A_739] : memref<5x80x64xf32, #tpu.memory_space<vmem>> -> memref<1x80x64xf32, #tpu.memory_space<vmem>>
      %dma_start3A_741 = tpu.memref_squeeze %dma_start3A_740 : memref<1x80x64xf32, #tpu.memory_space<vmem>> -> memref<80x64xf32, #tpu.memory_space<vmem>>
      tpu.enqueue_dma source(%dma_start3A_741 : memref<80x64xf32, #tpu.memory_space<vmem>>) target(%dma_start3A_737 : memref<80x64xf32, #tpu.memory_space<vmem_shared>>) target_semaphore(%run_scoped3A_729 : memref<!tpu.dma_semaphore, #tpu.memory_space<semaphore_mem>>)
      %dma_wait3A_742 = arith.constant 0 : i32
      %dma_wait3A_743 = arith.constant 0 : i32
      %dma_wait3A_744 = tpu.memref_slice %arg8[%run_scoped3A_36, %dma_wait3A_742, %dma_wait3A_743] : memref<5x80x64xf32, #tpu.memory_space<vmem>> -> memref<1x80x64xf32, #tpu.memory_space<vmem>>
      %dma_wait3A_745 = tpu.memref_squeeze %dma_wait3A_744 : memref<1x80x64xf32, #tpu.memory_space<vmem>> -> memref<80x64xf32, #tpu.memory_space<vmem>>
      %dma_wait3A_746 = arith.constant 0 : i32
      %dma_wait3A_747 = tpu.memref_slice %arg9[%add3A_35, %dma_wait3A_746] : memref<10240x64xf32, #tpu.memory_space<vmem_shared>> -> memref<80x64xf32, #tpu.memory_space<vmem_shared>>
      %dma_wait3A_748 = arith.constant 0 : i32
      %dma_wait3A_749 = tpu.memref_slice %arg9[%add3A_35, %dma_wait3A_748] : memref<10240x64xf32, #tpu.memory_space<vmem_shared>> -> memref<80x64xf32, #tpu.memory_space<vmem_shared>>
      %dma_wait3A_750 = arith.constant 0 : i32
      %dma_wait3A_751 = arith.constant 0 : i32
      %dma_wait3A_752 = tpu.memref_slice %arg8[%run_scoped3A_36, %dma_wait3A_750, %dma_wait3A_751] : memref<5x80x64xf32, #tpu.memory_space<vmem>> -> memref<1x80x64xf32, #tpu.memory_space<vmem>>
      %dma_wait3A_753 = tpu.memref_squeeze %dma_wait3A_752 : memref<1x80x64xf32, #tpu.memory_space<vmem>> -> memref<80x64xf32, #tpu.memory_space<vmem>>
      tpu.wait_dma2 semaphore(%run_scoped3A_729 : memref<!tpu.dma_semaphore, #tpu.memory_space<semaphore_mem>>) src(%dma_wait3A_753 : memref<80x64xf32, #tpu.memory_space<vmem>>) dst(%dma_wait3A_749 : memref<80x64xf32, #tpu.memory_space<vmem_shared>>)
      tpu.yield
    }) : () -> ()
    %mul3A_37 = arith.constant 640 : i32
    %mul3A_38 = arith.muli %arg1, %mul3A_37 : i32
    %add3A_39 = arith.constant 160 : i32
    %add3A_40 = arith.addi %mul3A_38, %add3A_39 : i32
    %run_scoped3A_41 = arith.constant 0 : i32
    "tpu.region"() ({
      %run_scoped3A_729 = tpu.sem_alloc : memref<!tpu.dma_semaphore, #tpu.memory_space<semaphore_mem>>
      %dma_start3A_730 = arith.constant 0 : i32
      %dma_start3A_731 = arith.constant 0 : i32
      %dma_start3A_732 = tpu.memref_slice %arg8[%run_scoped3A_41, %dma_start3A_730, %dma_start3A_731] : memref<5x80x64xf32, #tpu.memory_space<vmem>> -> memref<1x80x64xf32, #tpu.memory_space<vmem>>
      %dma_start3A_733 = tpu.memref_squeeze %dma_start3A_732 : memref<1x80x64xf32, #tpu.memory_space<vmem>> -> memref<80x64xf32, #tpu.memory_space<vmem>>
      %dma_start3A_734 = arith.constant 0 : i32
      %dma_start3A_735 = tpu.memref_slice %arg9[%add3A_40, %dma_start3A_734] : memref<10240x64xf32, #tpu.memory_space<vmem_shared>> -> memref<80x64xf32, #tpu.memory_space<vmem_shared>>
      %dma_start3A_736 = arith.constant 0 : i32
      %dma_start3A_737 = tpu.memref_slice %arg9[%add3A_40, %dma_start3A_736] : memref<10240x64xf32, #tpu.memory_space<vmem_shared>> -> memref<80x64xf32, #tpu.memory_space<vmem_shared>>
      %dma_start3A_738 = arith.constant 0 : i32
      %dma_start3A_739 = arith.constant 0 : i32
      %dma_start3A_740 = tpu.memref_slice %arg8[%run_scoped3A_41, %dma_start3A_738, %dma_start3A_739] : memref<5x80x64xf32, #tpu.memory_space<vmem>> -> memref<1x80x64xf32, #tpu.memory_space<vmem>>
      %dma_start3A_741 = tpu.memref_squeeze %dma_start3A_740 : memref<1x80x64xf32, #tpu.memory_space<vmem>> -> memref<80x64xf32, #tpu.memory_space<vmem>>
      tpu.enqueue_dma source(%dma_start3A_741 : memref<80x64xf32, #tpu.memory_space<vmem>>) target(%dma_start3A_737 : memref<80x64xf32, #tpu.memory_space<vmem_shared>>) target_semaphore(%run_scoped3A_729 : memref<!tpu.dma_semaphore, #tpu.memory_space<semaphore_mem>>)
      %dma_wait3A_742 = arith.constant 0 : i32
      %dma_wait3A_743 = arith.constant 0 : i32
      %dma_wait3A_744 = tpu.memref_slice %arg8[%run_scoped3A_41, %dma_wait3A_742, %dma_wait3A_743] : memref<5x80x64xf32, #tpu.memory_space<vmem>> -> memref<1x80x64xf32, #tpu.memory_space<vmem>>
      %dma_wait3A_745 = tpu.memref_squeeze %dma_wait3A_744 : memref<1x80x64xf32, #tpu.memory_space<vmem>> -> memref<80x64xf32, #tpu.memory_space<vmem>>
      %dma_wait3A_746 = arith.constant 0 : i32
      %dma_wait3A_747 = tpu.memref_slice %arg9[%add3A_40, %dma_wait3A_746] : memref<10240x64xf32, #tpu.memory_space<vmem_shared>> -> memref<80x64xf32, #tpu.memory_space<vmem_shared>>
      %dma_wait3A_748 = arith.constant 0 : i32
      %dma_wait3A_749 = tpu.memref_slice %arg9[%add3A_40, %dma_wait3A_748] : memref<10240x64xf32, #tpu.memory_space<vmem_shared>> -> memref<80x64xf32, #tpu.memory_space<vmem_shared>>
      %dma_wait3A_750 = arith.constant 0 : i32
      %dma_wait3A_751 = arith.constant 0 : i32
      %dma_wait3A_752 = tpu.memref_slice %arg8[%run_scoped3A_41, %dma_wait3A_750, %dma_wait3A_751] : memref<5x80x64xf32, #tpu.memory_space<vmem>> -> memref<1x80x64xf32, #tpu.memory_space<vmem>>
      %dma_wait3A_753 = tpu.memref_squeeze %dma_wait3A_752 : memref<1x80x64xf32, #tpu.memory_space<vmem>> -> memref<80x64xf32, #tpu.memory_space<vmem>>
      tpu.wait_dma2 semaphore(%run_scoped3A_729 : memref<!tpu.dma_semaphore, #tpu.memory_space<semaphore_mem>>) src(%dma_wait3A_753 : memref<80x64xf32, #tpu.memory_space<vmem>>) dst(%dma_wait3A_749 : memref<80x64xf32, #tpu.memory_space<vmem_shared>>)
      tpu.yield
    }) : () -> ()
    %mul3A_42 = arith.constant 640 : i32
    %mul3A_43 = arith.muli %arg1, %mul3A_42 : i32
    %add3A_44 = arith.constant 240 : i32
    %add3A_45 = arith.addi %mul3A_43, %add3A_44 : i32
    %run_scoped3A_46 = arith.constant 0 : i32
    "tpu.region"() ({
      %run_scoped3A_729 = tpu.sem_alloc : memref<!tpu.dma_semaphore, #tpu.memory_space<semaphore_mem>>
      %dma_start3A_730 = arith.constant 0 : i32
      %dma_start3A_731 = arith.constant 0 : i32
      %dma_start3A_732 = tpu.memref_slice %arg8[%run_scoped3A_46, %dma_start3A_730, %dma_start3A_731] : memref<5x80x64xf32, #tpu.memory_space<vmem>> -> memref<1x80x64xf32, #tpu.memory_space<vmem>>
      %dma_start3A_733 = tpu.memref_squeeze %dma_start3A_732 : memref<1x80x64xf32, #tpu.memory_space<vmem>> -> memref<80x64xf32, #tpu.memory_space<vmem>>
      %dma_start3A_734 = arith.constant 0 : i32
      %dma_start3A_735 = tpu.memref_slice %arg9[%add3A_45, %dma_start3A_734] : memref<10240x64xf32, #tpu.memory_space<vmem_shared>> -> memref<80x64xf32, #tpu.memory_space<vmem_shared>>
      %dma_start3A_736 = arith.constant 0 : i32
      %dma_start3A_737 = tpu.memref_slice %arg9[%add3A_45, %dma_start3A_736] : memref<10240x64xf32, #tpu.memory_space<vmem_shared>> -> memref<80x64xf32, #tpu.memory_space<vmem_shared>>
      %dma_start3A_738 = arith.constant 0 : i32
      %dma_start3A_739 = arith.constant 0 : i32
      %dma_start3A_740 = tpu.memref_slice %arg8[%run_scoped3A_46, %dma_start3A_738, %dma_start3A_739] : memref<5x80x64xf32, #tpu.memory_space<vmem>> -> memref<1x80x64xf32, #tpu.memory_space<vmem>>
      %dma_start3A_741 = tpu.memref_squeeze %dma_start3A_740 : memref<1x80x64xf32, #tpu.memory_space<vmem>> -> memref<80x64xf32, #tpu.memory_space<vmem>>
      tpu.enqueue_dma source(%dma_start3A_741 : memref<80x64xf32, #tpu.memory_space<vmem>>) target(%dma_start3A_737 : memref<80x64xf32, #tpu.memory_space<vmem_shared>>) target_semaphore(%run_scoped3A_729 : memref<!tpu.dma_semaphore, #tpu.memory_space<semaphore_mem>>)
      %dma_wait3A_742 = arith.constant 0 : i32
      %dma_wait3A_743 = arith.constant 0 : i32
      %dma_wait3A_744 = tpu.memref_slice %arg8[%run_scoped3A_46, %dma_wait3A_742, %dma_wait3A_743] : memref<5x80x64xf32, #tpu.memory_space<vmem>> -> memref<1x80x64xf32, #tpu.memory_space<vmem>>
      %dma_wait3A_745 = tpu.memref_squeeze %dma_wait3A_744 : memref<1x80x64xf32, #tpu.memory_space<vmem>> -> memref<80x64xf32, #tpu.memory_space<vmem>>
      %dma_wait3A_746 = arith.constant 0 : i32
      %dma_wait3A_747 = tpu.memref_slice %arg9[%add3A_45, %dma_wait3A_746] : memref<10240x64xf32, #tpu.memory_space<vmem_shared>> -> memref<80x64xf32, #tpu.memory_space<vmem_shared>>
      %dma_wait3A_748 = arith.constant 0 : i32
      %dma_wait3A_749 = tpu.memref_slice %arg9[%add3A_45, %dma_wait3A_748] : memref<10240x64xf32, #tpu.memory_space<vmem_shared>> -> memref<80x64xf32, #tpu.memory_space<vmem_shared>>
      %dma_wait3A_750 = arith.constant 0 : i32
      %dma_wait3A_751 = arith.constant 0 : i32
      %dma_wait3A_752 = tpu.memref_slice %arg8[%run_scoped3A_46, %dma_wait3A_750, %dma_wait3A_751] : memref<5x80x64xf32, #tpu.memory_space<vmem>> -> memref<1x80x64xf32, #tpu.memory_space<vmem>>
      %dma_wait3A_753 = tpu.memref_squeeze %dma_wait3A_752 : memref<1x80x64xf32, #tpu.memory_space<vmem>> -> memref<80x64xf32, #tpu.memory_space<vmem>>
      tpu.wait_dma2 semaphore(%run_scoped3A_729 : memref<!tpu.dma_semaphore, #tpu.memory_space<semaphore_mem>>) src(%dma_wait3A_753 : memref<80x64xf32, #tpu.memory_space<vmem>>) dst(%dma_wait3A_749 : memref<80x64xf32, #tpu.memory_space<vmem_shared>>)
      tpu.yield
    }) : () -> ()
    %mul3A_47 = arith.constant 640 : i32
    %mul3A_48 = arith.muli %arg1, %mul3A_47 : i32
    %add3A_49 = arith.constant 320 : i32
    %add3A_50 = arith.addi %mul3A_48, %add3A_49 : i32
    %run_scoped3A_51 = arith.constant 0 : i32
    "tpu.region"() ({
      %run_scoped3A_729 = tpu.sem_alloc : memref<!tpu.dma_semaphore, #tpu.memory_space<semaphore_mem>>
      %dma_start3A_730 = arith.constant 0 : i32
      %dma_start3A_731 = arith.constant 0 : i32
      %dma_start3A_732 = tpu.memref_slice %arg8[%run_scoped3A_51, %dma_start3A_730, %dma_start3A_731] : memref<5x80x64xf32, #tpu.memory_space<vmem>> -> memref<1x80x64xf32, #tpu.memory_space<vmem>>
      %dma_start3A_733 = tpu.memref_squeeze %dma_start3A_732 : memref<1x80x64xf32, #tpu.memory_space<vmem>> -> memref<80x64xf32, #tpu.memory_space<vmem>>
      %dma_start3A_734 = arith.constant 0 : i32
      %dma_start3A_735 = tpu.memref_slice %arg9[%add3A_50, %dma_start3A_734] : memref<10240x64xf32, #tpu.memory_space<vmem_shared>> -> memref<80x64xf32, #tpu.memory_space<vmem_shared>>
      %dma_start3A_736 = arith.constant 0 : i32
      %dma_start3A_737 = tpu.memref_slice %arg9[%add3A_50, %dma_start3A_736] : memref<10240x64xf32, #tpu.memory_space<vmem_shared>> -> memref<80x64xf32, #tpu.memory_space<vmem_shared>>
      %dma_start3A_738 = arith.constant 0 : i32
      %dma_start3A_739 = arith.constant 0 : i32
      %dma_start3A_740 = tpu.memref_slice %arg8[%run_scoped3A_51, %dma_start3A_738, %dma_start3A_739] : memref<5x80x64xf32, #tpu.memory_space<vmem>> -> memref<1x80x64xf32, #tpu.memory_space<vmem>>
      %dma_start3A_741 = tpu.memref_squeeze %dma_start3A_740 : memref<1x80x64xf32, #tpu.memory_space<vmem>> -> memref<80x64xf32, #tpu.memory_space<vmem>>
      tpu.enqueue_dma source(%dma_start3A_741 : memref<80x64xf32, #tpu.memory_space<vmem>>) target(%dma_start3A_737 : memref<80x64xf32, #tpu.memory_space<vmem_shared>>) target_semaphore(%run_scoped3A_729 : memref<!tpu.dma_semaphore, #tpu.memory_space<semaphore_mem>>)
      %dma_wait3A_742 = arith.constant 0 : i32
      %dma_wait3A_743 = arith.constant 0 : i32
      %dma_wait3A_744 = tpu.memref_slice %arg8[%run_scoped3A_51, %dma_wait3A_742, %dma_wait3A_743] : memref<5x80x64xf32, #tpu.memory_space<vmem>> -> memref<1x80x64xf32, #tpu.memory_space<vmem>>
      %dma_wait3A_745 = tpu.memref_squeeze %dma_wait3A_744 : memref<1x80x64xf32, #tpu.memory_space<vmem>> -> memref<80x64xf32, #tpu.memory_space<vmem>>
      %dma_wait3A_746 = arith.constant 0 : i32
      %dma_wait3A_747 = tpu.memref_slice %arg9[%add3A_50, %dma_wait3A_746] : memref<10240x64xf32, #tpu.memory_space<vmem_shared>> -> memref<80x64xf32, #tpu.memory_space<vmem_shared>>
      %dma_wait3A_748 = arith.constant 0 : i32
      %dma_wait3A_749 = tpu.memref_slice %arg9[%add3A_50, %dma_wait3A_748] : memref<10240x64xf32, #tpu.memory_space<vmem_shared>> -> memref<80x64xf32, #tpu.memory_space<vmem_shared>>
      %dma_wait3A_750 = arith.constant 0 : i32
      %dma_wait3A_751 = arith.constant 0 : i32
      %dma_wait3A_752 = tpu.memref_slice %arg8[%run_scoped3A_51, %dma_wait3A_750, %dma_wait3A_751] : memref<5x80x64xf32, #tpu.memory_space<vmem>> -> memref<1x80x64xf32, #tpu.memory_space<vmem>>
      %dma_wait3A_753 = tpu.memref_squeeze %dma_wait3A_752 : memref<1x80x64xf32, #tpu.memory_space<vmem>> -> memref<80x64xf32, #tpu.memory_space<vmem>>
      tpu.wait_dma2 semaphore(%run_scoped3A_729 : memref<!tpu.dma_semaphore, #tpu.memory_space<semaphore_mem>>) src(%dma_wait3A_753 : memref<80x64xf32, #tpu.memory_space<vmem>>) dst(%dma_wait3A_749 : memref<80x64xf32, #tpu.memory_space<vmem_shared>>)
      tpu.yield
    }) : () -> ()
    %mul3A_52 = arith.constant 640 : i32
    %mul3A_53 = arith.muli %arg1, %mul3A_52 : i32
    %add3A_54 = arith.constant 400 : i32
    %add3A_55 = arith.addi %mul3A_53, %add3A_54 : i32
    %run_scoped3A_56 = arith.constant 0 : i32
    "tpu.region"() ({
      %run_scoped3A_729 = tpu.sem_alloc : memref<!tpu.dma_semaphore, #tpu.memory_space<semaphore_mem>>
      %dma_start3A_730 = arith.constant 0 : i32
      %dma_start3A_731 = arith.constant 0 : i32
      %dma_start3A_732 = tpu.memref_slice %arg8[%run_scoped3A_56, %dma_start3A_730, %dma_start3A_731] : memref<5x80x64xf32, #tpu.memory_space<vmem>> -> memref<1x80x64xf32, #tpu.memory_space<vmem>>
      %dma_start3A_733 = tpu.memref_squeeze %dma_start3A_732 : memref<1x80x64xf32, #tpu.memory_space<vmem>> -> memref<80x64xf32, #tpu.memory_space<vmem>>
      %dma_start3A_734 = arith.constant 0 : i32
      %dma_start3A_735 = tpu.memref_slice %arg9[%add3A_55, %dma_start3A_734] : memref<10240x64xf32, #tpu.memory_space<vmem_shared>> -> memref<80x64xf32, #tpu.memory_space<vmem_shared>>
      %dma_start3A_736 = arith.constant 0 : i32
      %dma_start3A_737 = tpu.memref_slice %arg9[%add3A_55, %dma_start3A_736] : memref<10240x64xf32, #tpu.memory_space<vmem_shared>> -> memref<80x64xf32, #tpu.memory_space<vmem_shared>>
      %dma_start3A_738 = arith.constant 0 : i32
      %dma_start3A_739 = arith.constant 0 : i32
      %dma_start3A_740 = tpu.memref_slice %arg8[%run_scoped3A_56, %dma_start3A_738, %dma_start3A_739] : memref<5x80x64xf32, #tpu.memory_space<vmem>> -> memref<1x80x64xf32, #tpu.memory_space<vmem>>
      %dma_start3A_741 = tpu.memref_squeeze %dma_start3A_740 : memref<1x80x64xf32, #tpu.memory_space<vmem>> -> memref<80x64xf32, #tpu.memory_space<vmem>>
      tpu.enqueue_dma source(%dma_start3A_741 : memref<80x64xf32, #tpu.memory_space<vmem>>) target(%dma_start3A_737 : memref<80x64xf32, #tpu.memory_space<vmem_shared>>) target_semaphore(%run_scoped3A_729 : memref<!tpu.dma_semaphore, #tpu.memory_space<semaphore_mem>>)
      %dma_wait3A_742 = arith.constant 0 : i32
      %dma_wait3A_743 = arith.constant 0 : i32
      %dma_wait3A_744 = tpu.memref_slice %arg8[%run_scoped3A_56, %dma_wait3A_742, %dma_wait3A_743] : memref<5x80x64xf32, #tpu.memory_space<vmem>> -> memref<1x80x64xf32, #tpu.memory_space<vmem>>
      %dma_wait3A_745 = tpu.memref_squeeze %dma_wait3A_744 : memref<1x80x64xf32, #tpu.memory_space<vmem>> -> memref<80x64xf32, #tpu.memory_space<vmem>>
      %dma_wait3A_746 = arith.constant 0 : i32
      %dma_wait3A_747 = tpu.memref_slice %arg9[%add3A_55, %dma_wait3A_746] : memref<10240x64xf32, #tpu.memory_space<vmem_shared>> -> memref<80x64xf32, #tpu.memory_space<vmem_shared>>
      %dma_wait3A_748 = arith.constant 0 : i32
      %dma_wait3A_749 = tpu.memref_slice %arg9[%add3A_55, %dma_wait3A_748] : memref<10240x64xf32, #tpu.memory_space<vmem_shared>> -> memref<80x64xf32, #tpu.memory_space<vmem_shared>>
      %dma_wait3A_750 = arith.constant 0 : i32
      %dma_wait3A_751 = arith.constant 0 : i32
      %dma_wait3A_752 = tpu.memref_slice %arg8[%run_scoped3A_56, %dma_wait3A_750, %dma_wait3A_751] : memref<5x80x64xf32, #tpu.memory_space<vmem>> -> memref<1x80x64xf32, #tpu.memory_space<vmem>>
      %dma_wait3A_753 = tpu.memref_squeeze %dma_wait3A_752 : memref<1x80x64xf32, #tpu.memory_space<vmem>> -> memref<80x64xf32, #tpu.memory_space<vmem>>
      tpu.wait_dma2 semaphore(%run_scoped3A_729 : memref<!tpu.dma_semaphore, #tpu.memory_space<semaphore_mem>>) src(%dma_wait3A_753 : memref<80x64xf32, #tpu.memory_space<vmem>>) dst(%dma_wait3A_749 : memref<80x64xf32, #tpu.memory_space<vmem_shared>>)
      tpu.yield
    }) : () -> ()
    %mul3A_57 = arith.constant 640 : i32
    %mul3A_58 = arith.muli %arg1, %mul3A_57 : i32
    %add3A_59 = arith.constant 480 : i32
    %add3A_60 = arith.addi %mul3A_58, %add3A_59 : i32
    %run_scoped3A_61 = arith.constant 0 : i32
    "tpu.region"() ({
      %run_scoped3A_729 = tpu.sem_alloc : memref<!tpu.dma_semaphore, #tpu.memory_space<semaphore_mem>>
      %dma_start3A_730 = arith.constant 0 : i32
      %dma_start3A_731 = arith.constant 0 : i32
      %dma_start3A_732 = tpu.memref_slice %arg8[%run_scoped3A_61, %dma_start3A_730, %dma_start3A_731] : memref<5x80x64xf32, #tpu.memory_space<vmem>> -> memref<1x80x64xf32, #tpu.memory_space<vmem>>
      %dma_start3A_733 = tpu.memref_squeeze %dma_start3A_732 : memref<1x80x64xf32, #tpu.memory_space<vmem>> -> memref<80x64xf32, #tpu.memory_space<vmem>>
      %dma_start3A_734 = arith.constant 0 : i32
      %dma_start3A_735 = tpu.memref_slice %arg9[%add3A_60, %dma_start3A_734] : memref<10240x64xf32, #tpu.memory_space<vmem_shared>> -> memref<80x64xf32, #tpu.memory_space<vmem_shared>>
      %dma_start3A_736 = arith.constant 0 : i32
      %dma_start3A_737 = tpu.memref_slice %arg9[%add3A_60, %dma_start3A_736] : memref<10240x64xf32, #tpu.memory_space<vmem_shared>> -> memref<80x64xf32, #tpu.memory_space<vmem_shared>>
      %dma_start3A_738 = arith.constant 0 : i32
      %dma_start3A_739 = arith.constant 0 : i32
      %dma_start3A_740 = tpu.memref_slice %arg8[%run_scoped3A_61, %dma_start3A_738, %dma_start3A_739] : memref<5x80x64xf32, #tpu.memory_space<vmem>> -> memref<1x80x64xf32, #tpu.memory_space<vmem>>
      %dma_start3A_741 = tpu.memref_squeeze %dma_start3A_740 : memref<1x80x64xf32, #tpu.memory_space<vmem>> -> memref<80x64xf32, #tpu.memory_space<vmem>>
      tpu.enqueue_dma source(%dma_start3A_741 : memref<80x64xf32, #tpu.memory_space<vmem>>) target(%dma_start3A_737 : memref<80x64xf32, #tpu.memory_space<vmem_shared>>) target_semaphore(%run_scoped3A_729 : memref<!tpu.dma_semaphore, #tpu.memory_space<semaphore_mem>>)
      %dma_wait3A_742 = arith.constant 0 : i32
      %dma_wait3A_743 = arith.constant 0 : i32
      %dma_wait3A_744 = tpu.memref_slice %arg8[%run_scoped3A_61, %dma_wait3A_742, %dma_wait3A_743] : memref<5x80x64xf32, #tpu.memory_space<vmem>> -> memref<1x80x64xf32, #tpu.memory_space<vmem>>
      %dma_wait3A_745 = tpu.memref_squeeze %dma_wait3A_744 : memref<1x80x64xf32, #tpu.memory_space<vmem>> -> memref<80x64xf32, #tpu.memory_space<vmem>>
      %dma_wait3A_746 = arith.constant 0 : i32
      %dma_wait3A_747 = tpu.memref_slice %arg9[%add3A_60, %dma_wait3A_746] : memref<10240x64xf32, #tpu.memory_space<vmem_shared>> -> memref<80x64xf32, #tpu.memory_space<vmem_shared>>
      %dma_wait3A_748 = arith.constant 0 : i32
      %dma_wait3A_749 = tpu.memref_slice %arg9[%add3A_60, %dma_wait3A_748] : memref<10240x64xf32, #tpu.memory_space<vmem_shared>> -> memref<80x64xf32, #tpu.memory_space<vmem_shared>>
      %dma_wait3A_750 = arith.constant 0 : i32
      %dma_wait3A_751 = arith.constant 0 : i32
      %dma_wait3A_752 = tpu.memref_slice %arg8[%run_scoped3A_61, %dma_wait3A_750, %dma_wait3A_751] : memref<5x80x64xf32, #tpu.memory_space<vmem>> -> memref<1x80x64xf32, #tpu.memory_space<vmem>>
      %dma_wait3A_753 = tpu.memref_squeeze %dma_wait3A_752 : memref<1x80x64xf32, #tpu.memory_space<vmem>> -> memref<80x64xf32, #tpu.memory_space<vmem>>
      tpu.wait_dma2 semaphore(%run_scoped3A_729 : memref<!tpu.dma_semaphore, #tpu.memory_space<semaphore_mem>>) src(%dma_wait3A_753 : memref<80x64xf32, #tpu.memory_space<vmem>>) dst(%dma_wait3A_749 : memref<80x64xf32, #tpu.memory_space<vmem_shared>>)
      tpu.yield
    }) : () -> ()
    %mul3A_62 = arith.constant 640 : i32
    %mul3A_63 = arith.muli %arg1, %mul3A_62 : i32
    %add3A_64 = arith.constant 560 : i32
    %add3A_65 = arith.addi %mul3A_63, %add3A_64 : i32
    %run_scoped3A_66 = arith.constant 0 : i32
    "tpu.region"() ({
      %run_scoped3A_729 = tpu.sem_alloc : memref<!tpu.dma_semaphore, #tpu.memory_space<semaphore_mem>>
      %dma_start3A_730 = arith.constant 0 : i32
      %dma_start3A_731 = arith.constant 0 : i32
      %dma_start3A_732 = tpu.memref_slice %arg8[%run_scoped3A_66, %dma_start3A_730, %dma_start3A_731] : memref<5x80x64xf32, #tpu.memory_space<vmem>> -> memref<1x80x64xf32, #tpu.memory_space<vmem>>
      %dma_start3A_733 = tpu.memref_squeeze %dma_start3A_732 : memref<1x80x64xf32, #tpu.memory_space<vmem>> -> memref<80x64xf32, #tpu.memory_space<vmem>>
      %dma_start3A_734 = arith.constant 0 : i32
      %dma_start3A_735 = tpu.memref_slice %arg9[%add3A_65, %dma_start3A_734] : memref<10240x64xf32, #tpu.memory_space<vmem_shared>> -> memref<80x64xf32, #tpu.memory_space<vmem_shared>>
      %dma_start3A_736 = arith.constant 0 : i32
      %dma_start3A_737 = tpu.memref_slice %arg9[%add3A_65, %dma_start3A_736] : memref<10240x64xf32, #tpu.memory_space<vmem_shared>> -> memref<80x64xf32, #tpu.memory_space<vmem_shared>>
      %dma_start3A_738 = arith.constant 0 : i32
      %dma_start3A_739 = arith.constant 0 : i32
      %dma_start3A_740 = tpu.memref_slice %arg8[%run_scoped3A_66, %dma_start3A_738, %dma_start3A_739] : memref<5x80x64xf32, #tpu.memory_space<vmem>> -> memref<1x80x64xf32, #tpu.memory_space<vmem>>
      %dma_start3A_741 = tpu.memref_squeeze %dma_start3A_740 : memref<1x80x64xf32, #tpu.memory_space<vmem>> -> memref<80x64xf32, #tpu.memory_space<vmem>>
      tpu.enqueue_dma source(%dma_start3A_741 : memref<80x64xf32, #tpu.memory_space<vmem>>) target(%dma_start3A_737 : memref<80x64xf32, #tpu.memory_space<vmem_shared>>) target_semaphore(%run_scoped3A_729 : memref<!tpu.dma_semaphore, #tpu.memory_space<semaphore_mem>>)
      %dma_wait3A_742 = arith.constant 0 : i32
      %dma_wait3A_743 = arith.constant 0 : i32
      %dma_wait3A_744 = tpu.memref_slice %arg8[%run_scoped3A_66, %dma_wait3A_742, %dma_wait3A_743] : memref<5x80x64xf32, #tpu.memory_space<vmem>> -> memref<1x80x64xf32, #tpu.memory_space<vmem>>
      %dma_wait3A_745 = tpu.memref_squeeze %dma_wait3A_744 : memref<1x80x64xf32, #tpu.memory_space<vmem>> -> memref<80x64xf32, #tpu.memory_space<vmem>>
      %dma_wait3A_746 = arith.constant 0 : i32
      %dma_wait3A_747 = tpu.memref_slice %arg9[%add3A_65, %dma_wait3A_746] : memref<10240x64xf32, #tpu.memory_space<vmem_shared>> -> memref<80x64xf32, #tpu.memory_space<vmem_shared>>
      %dma_wait3A_748 = arith.constant 0 : i32
      %dma_wait3A_749 = tpu.memref_slice %arg9[%add3A_65, %dma_wait3A_748] : memref<10240x64xf32, #tpu.memory_space<vmem_shared>> -> memref<80x64xf32, #tpu.memory_space<vmem_shared>>
      %dma_wait3A_750 = arith.constant 0 : i32
      %dma_wait3A_751 = arith.constant 0 : i32
      %dma_wait3A_752 = tpu.memref_slice %arg8[%run_scoped3A_66, %dma_wait3A_750, %dma_wait3A_751] : memref<5x80x64xf32, #tpu.memory_space<vmem>> -> memref<1x80x64xf32, #tpu.memory_space<vmem>>
      %dma_wait3A_753 = tpu.memref_squeeze %dma_wait3A_752 : memref<1x80x64xf32, #tpu.memory_space<vmem>> -> memref<80x64xf32, #tpu.memory_space<vmem>>
      tpu.wait_dma2 semaphore(%run_scoped3A_729 : memref<!tpu.dma_semaphore, #tpu.memory_space<semaphore_mem>>) src(%dma_wait3A_753 : memref<80x64xf32, #tpu.memory_space<vmem>>) dst(%dma_wait3A_749 : memref<80x64xf32, #tpu.memory_space<vmem_shared>>)
      tpu.yield
    }) : () -> ()
    %dma_wait3A = arith.constant 0 : i32
    %dma_wait3A_67 = arith.constant 0 : i32
    %dma_wait3A_68 = arith.constant 0 : i32
    %dma_wait3A_69 = tpu.memref_slice %arg3[%add3A, %dma_wait3A_67, %dma_wait3A_68] : memref<32x125x80xi32, #tpu.memory_space<hbm>> -> memref<1x125x80xi32, #tpu.memory_space<hbm>>
    %dma_wait3A_70 = tpu.memref_squeeze %dma_wait3A_69 : memref<1x125x80xi32, #tpu.memory_space<hbm>> -> memref<125x80xi32, #tpu.memory_space<hbm>>
    %dma_wait3A_71 = tpu.memref_slice %arg10[%dma_wait3A] : memref<2x!tpu.dma_semaphore, #tpu.memory_space<semaphore_mem>> -> memref<1x!tpu.dma_semaphore, #tpu.memory_space<semaphore_mem>>
    %dma_wait3A_72 = tpu.memref_squeeze %dma_wait3A_71 : memref<1x!tpu.dma_semaphore, #tpu.memory_space<semaphore_mem>> -> memref<!tpu.dma_semaphore, #tpu.memory_space<semaphore_mem>>
    %dma_wait3A_73 = arith.constant 0 : i32
    %dma_wait3A_74 = arith.constant 0 : i32
    %dma_wait3A_75 = tpu.memref_slice %arg3[%add3A, %dma_wait3A_73, %dma_wait3A_74] : memref<32x125x80xi32, #tpu.memory_space<hbm>> -> memref<1x125x80xi32, #tpu.memory_space<hbm>>
    %dma_wait3A_76 = tpu.memref_squeeze %dma_wait3A_75 : memref<1x125x80xi32, #tpu.memory_space<hbm>> -> memref<125x80xi32, #tpu.memory_space<hbm>>
    tpu.wait_dma2 semaphore(%dma_wait3A_72 : memref<!tpu.dma_semaphore, #tpu.memory_space<semaphore_mem>>) src(%dma_wait3A_76 : memref<125x80xi32, #tpu.memory_space<hbm>>) dst(%arg6 : memref<125x80xi32, #tpu.memory_space<vmem>>)
    %dma_wait3A_77 = arith.constant 1 : i32
    %dma_wait3A_78 = arith.constant 0 : i32
    %dma_wait3A_79 = arith.constant 0 : i32
    %dma_wait3A_80 = tpu.memref_slice %arg4[%add3A, %dma_wait3A_78, %dma_wait3A_79] : memref<32x125x80xi32, #tpu.memory_space<hbm>> -> memref<1x125x80xi32, #tpu.memory_space<hbm>>
    %dma_wait3A_81 = tpu.memref_squeeze %dma_wait3A_80 : memref<1x125x80xi32, #tpu.memory_space<hbm>> -> memref<125x80xi32, #tpu.memory_space<hbm>>
    %dma_wait3A_82 = tpu.memref_slice %arg10[%dma_wait3A_77] : memref<2x!tpu.dma_semaphore, #tpu.memory_space<semaphore_mem>> -> memref<1x!tpu.dma_semaphore, #tpu.memory_space<semaphore_mem>>
    %dma_wait3A_83 = tpu.memref_squeeze %dma_wait3A_82 : memref<1x!tpu.dma_semaphore, #tpu.memory_space<semaphore_mem>> -> memref<!tpu.dma_semaphore, #tpu.memory_space<semaphore_mem>>
    %dma_wait3A_84 = arith.constant 0 : i32
    %dma_wait3A_85 = arith.constant 0 : i32
    %dma_wait3A_86 = tpu.memref_slice %arg4[%add3A, %dma_wait3A_84, %dma_wait3A_85] : memref<32x125x80xi32, #tpu.memory_space<hbm>> -> memref<1x125x80xi32, #tpu.memory_space<hbm>>
    %dma_wait3A_87 = tpu.memref_squeeze %dma_wait3A_86 : memref<1x125x80xi32, #tpu.memory_space<hbm>> -> memref<125x80xi32, #tpu.memory_space<hbm>>
    tpu.wait_dma2 semaphore(%dma_wait3A_83 : memref<!tpu.dma_semaphore, #tpu.memory_space<semaphore_mem>>) src(%dma_wait3A_87 : memref<125x80xi32, #tpu.memory_space<hbm>>) dst(%arg7 : memref<125x80xi32, #tpu.memory_space<vmem>>)
    %barrier3A = arith.constant 0 : index
    tpu.barrier barrier_id(%barrier3A)
    %dma_start3A_88 = arith.constant 0 : i32
    %dma_start3A_89 = arith.constant 0 : i32
    %dma_start3A_90 = arith.constant 0 : i32
    %dma_start3A_91 = arith.constant 0 : i32
    %dma_start3A_92 = arith.constant 0 : i32
    %dma_start3A_93 = tpu.memref_slice %arg8[%dma_start3A_89, %dma_start3A_91, %dma_start3A_92] : memref<5x80x64xf32, #tpu.memory_space<vmem>> -> memref<1x80x64xf32, #tpu.memory_space<vmem>>
    %dma_start3A_94 = tpu.memref_squeeze %dma_start3A_93 : memref<1x80x64xf32, #tpu.memory_space<vmem>> -> memref<80x64xf32, #tpu.memory_space<vmem>>
    %dma_start3A_95 = arith.constant 0 : i32
    %dma_start3A_96 = tpu.memref_slice %arg6[%dma_start3A_88, %dma_start3A_95] : memref<125x80xi32, #tpu.memory_space<vmem>> -> memref<1x80xi32, #tpu.memory_space<vmem>>
    %dma_start3A_97 = tpu.memref_squeeze %dma_start3A_96 : memref<1x80xi32, #tpu.memory_space<vmem>> -> memref<80xi32, #tpu.memory_space<vmem>>
    %dma_start3A_98 = arith.constant 0 : i32
    %dma_start3A_99 = arith.constant 0 : i32
    %dma_start3A_100 = tpu.memref_slice %arg2[%dma_start3A_98, %dma_start3A_99] : memref<10000x64xf32, #tpu.memory_space<hbm>> -> memref<10000x64xf32, #tpu.memory_space<hbm>>
    %dma_start3A_101 = tpu.memref_slice %arg11[%dma_start3A_90] : memref<5x!tpu.dma_semaphore, #tpu.memory_space<semaphore_mem>> -> memref<1x!tpu.dma_semaphore, #tpu.memory_space<semaphore_mem>>
    %dma_start3A_102 = tpu.memref_squeeze %dma_start3A_101 : memref<1x!tpu.dma_semaphore, #tpu.memory_space<semaphore_mem>> -> memref<!tpu.dma_semaphore, #tpu.memory_space<semaphore_mem>>
    tpu.enqueue_indirect_dma source(%dma_start3A_100 : memref<10000x64xf32, #tpu.memory_space<hbm>>) target(%dma_start3A_94 : memref<80x64xf32, #tpu.memory_space<vmem>>) offsets(%dma_start3A_97 : memref<80xi32, #tpu.memory_space<vmem>>) semaphore(%dma_start3A_102 : memref<!tpu.dma_semaphore, #tpu.memory_space<semaphore_mem>>)
    %dma_wait3A_103 = arith.constant 0 : i32
    %dma_wait3A_104 = arith.constant 0 : i32
    %dma_wait3A_105 = arith.constant 0 : i32
    %dma_wait3A_106 = arith.constant 0 : i32
    %dma_wait3A_107 = arith.constant 0 : i32
    %dma_wait3A_108 = tpu.memref_slice %arg8[%dma_wait3A_104, %dma_wait3A_106, %dma_wait3A_107] : memref<5x80x64xf32, #tpu.memory_space<vmem>> -> memref<1x80x64xf32, #tpu.memory_space<vmem>>
    %dma_wait3A_109 = tpu.memref_squeeze %dma_wait3A_108 : memref<1x80x64xf32, #tpu.memory_space<vmem>> -> memref<80x64xf32, #tpu.memory_space<vmem>>
    %dma_wait3A_110 = arith.constant 0 : i32
    %dma_wait3A_111 = tpu.memref_slice %arg6[%dma_wait3A_103, %dma_wait3A_110] : memref<125x80xi32, #tpu.memory_space<vmem>> -> memref<1x80xi32, #tpu.memory_space<vmem>>
    %dma_wait3A_112 = tpu.memref_squeeze %dma_wait3A_111 : memref<1x80xi32, #tpu.memory_space<vmem>> -> memref<80xi32, #tpu.memory_space<vmem>>
    %dma_wait3A_113 = arith.constant 0 : i32
    %dma_wait3A_114 = arith.constant 0 : i32
    %dma_wait3A_115 = tpu.memref_slice %arg2[%dma_wait3A_113, %dma_wait3A_114] : memref<10000x64xf32, #tpu.memory_space<hbm>> -> memref<10000x64xf32, #tpu.memory_space<hbm>>
    %dma_wait3A_116 = tpu.memref_slice %arg11[%dma_wait3A_105] : memref<5x!tpu.dma_semaphore, #tpu.memory_space<semaphore_mem>> -> memref<1x!tpu.dma_semaphore, #tpu.memory_space<semaphore_mem>>
    %dma_wait3A_117 = tpu.memref_squeeze %dma_wait3A_116 : memref<1x!tpu.dma_semaphore, #tpu.memory_space<semaphore_mem>> -> memref<!tpu.dma_semaphore, #tpu.memory_space<semaphore_mem>>
    tpu.wait_indirect_dma semaphore(%dma_wait3A_117 : memref<!tpu.dma_semaphore, #tpu.memory_space<semaphore_mem>>) src(%dma_wait3A_115 : memref<10000x64xf32, #tpu.memory_space<hbm>>) dst(%dma_wait3A_109 : memref<80x64xf32, #tpu.memory_space<vmem>>)
    %dma_start3A_118 = arith.constant 0 : i32
    %dma_start3A_119 = arith.constant 0 : i32
    %dma_start3A_120 = arith.constant 0 : i32
    %dma_start3A_121 = arith.constant 0 : i32
    %dma_start3A_122 = arith.constant 0 : i32
    %dma_start3A_123 = tpu.memref_slice %arg8[%dma_start3A_118, %dma_start3A_121, %dma_start3A_122] : memref<5x80x64xf32, #tpu.memory_space<vmem>> -> memref<1x80x64xf32, #tpu.memory_space<vmem>>
    %dma_start3A_124 = tpu.memref_squeeze %dma_start3A_123 : memref<1x80x64xf32, #tpu.memory_space<vmem>> -> memref<80x64xf32, #tpu.memory_space<vmem>>
    %dma_start3A_125 = arith.constant 0 : i32
    %dma_start3A_126 = tpu.memref_slice %arg7[%dma_start3A_119, %dma_start3A_125] : memref<125x80xi32, #tpu.memory_space<vmem>> -> memref<1x80xi32, #tpu.memory_space<vmem>>
    %dma_start3A_127 = tpu.memref_squeeze %dma_start3A_126 : memref<1x80xi32, #tpu.memory_space<vmem>> -> memref<80xi32, #tpu.memory_space<vmem>>
    %dma_start3A_128 = arith.constant 0 : i32
    %dma_start3A_129 = arith.constant 0 : i32
    %dma_start3A_130 = tpu.memref_slice %arg9[%dma_start3A_128, %dma_start3A_129] : memref<10240x64xf32, #tpu.memory_space<vmem_shared>> -> memref<10240x64xf32, #tpu.memory_space<vmem_shared>>
    %dma_start3A_131 = tpu.memref_slice %arg12[%dma_start3A_120] : memref<5x!tpu.dma_semaphore, #tpu.memory_space<semaphore_mem>> -> memref<1x!tpu.dma_semaphore, #tpu.memory_space<semaphore_mem>>
    %dma_start3A_132 = tpu.memref_squeeze %dma_start3A_131 : memref<1x!tpu.dma_semaphore, #tpu.memory_space<semaphore_mem>> -> memref<!tpu.dma_semaphore, #tpu.memory_space<semaphore_mem>>
    tpu.enqueue_indirect_dma source(%dma_start3A_124 : memref<80x64xf32, #tpu.memory_space<vmem>>) target(%dma_start3A_130 : memref<10240x64xf32, #tpu.memory_space<vmem_shared>>) offsets(%dma_start3A_127 : memref<80xi32, #tpu.memory_space<vmem>>) semaphore(%dma_start3A_132 : memref<!tpu.dma_semaphore, #tpu.memory_space<semaphore_mem>>) {add = true}
    %dma_start3A_133 = arith.constant 1 : i32
    %dma_start3A_134 = arith.constant 1 : i32
    %dma_start3A_135 = arith.constant 1 : i32
    %dma_start3A_136 = arith.constant 0 : i32
    %dma_start3A_137 = arith.constant 0 : i32
    %dma_start3A_138 = tpu.memref_slice %arg8[%dma_start3A_134, %dma_start3A_136, %dma_start3A_137] : memref<5x80x64xf32, #tpu.memory_space<vmem>> -> memref<1x80x64xf32, #tpu.memory_space<vmem>>
    %dma_start3A_139 = tpu.memref_squeeze %dma_start3A_138 : memref<1x80x64xf32, #tpu.memory_space<vmem>> -> memref<80x64xf32, #tpu.memory_space<vmem>>
    %dma_start3A_140 = arith.constant 0 : i32
    %dma_start3A_141 = tpu.memref_slice %arg6[%dma_start3A_133, %dma_start3A_140] : memref<125x80xi32, #tpu.memory_space<vmem>> -> memref<1x80xi32, #tpu.memory_space<vmem>>
    %dma_start3A_142 = tpu.memref_squeeze %dma_start3A_141 : memref<1x80xi32, #tpu.memory_space<vmem>> -> memref<80xi32, #tpu.memory_space<vmem>>
    %dma_start3A_143 = arith.constant 0 : i32
    %dma_start3A_144 = arith.constant 0 : i32
    %dma_start3A_145 = tpu.memref_slice %arg2[%dma_start3A_143, %dma_start3A_144] : memref<10000x64xf32, #tpu.memory_space<hbm>> -> memref<10000x64xf32, #tpu.memory_space<hbm>>
    %dma_start3A_146 = tpu.memref_slice %arg11[%dma_start3A_135] : memref<5x!tpu.dma_semaphore, #tpu.memory_space<semaphore_mem>> -> memref<1x!tpu.dma_semaphore, #tpu.memory_space<semaphore_mem>>
    %dma_start3A_147 = tpu.memref_squeeze %dma_start3A_146 : memref<1x!tpu.dma_semaphore, #tpu.memory_space<semaphore_mem>> -> memref<!tpu.dma_semaphore, #tpu.memory_space<semaphore_mem>>
    tpu.enqueue_indirect_dma source(%dma_start3A_145 : memref<10000x64xf32, #tpu.memory_space<hbm>>) target(%dma_start3A_139 : memref<80x64xf32, #tpu.memory_space<vmem>>) offsets(%dma_start3A_142 : memref<80xi32, #tpu.memory_space<vmem>>) semaphore(%dma_start3A_147 : memref<!tpu.dma_semaphore, #tpu.memory_space<semaphore_mem>>)
    %dma_wait3A_148 = arith.constant 1 : i32
    %dma_wait3A_149 = arith.constant 1 : i32
    %dma_wait3A_150 = arith.constant 1 : i32
    %dma_wait3A_151 = arith.constant 0 : i32
    %dma_wait3A_152 = arith.constant 0 : i32
    %dma_wait3A_153 = tpu.memref_slice %arg8[%dma_wait3A_149, %dma_wait3A_151, %dma_wait3A_152] : memref<5x80x64xf32, #tpu.memory_space<vmem>> -> memref<1x80x64xf32, #tpu.memory_space<vmem>>
    %dma_wait3A_154 = tpu.memref_squeeze %dma_wait3A_153 : memref<1x80x64xf32, #tpu.memory_space<vmem>> -> memref<80x64xf32, #tpu.memory_space<vmem>>
    %dma_wait3A_155 = arith.constant 0 : i32
    %dma_wait3A_156 = tpu.memref_slice %arg6[%dma_wait3A_148, %dma_wait3A_155] : memref<125x80xi32, #tpu.memory_space<vmem>> -> memref<1x80xi32, #tpu.memory_space<vmem>>
    %dma_wait3A_157 = tpu.memref_squeeze %dma_wait3A_156 : memref<1x80xi32, #tpu.memory_space<vmem>> -> memref<80xi32, #tpu.memory_space<vmem>>
    %dma_wait3A_158 = arith.constant 0 : i32
    %dma_wait3A_159 = arith.constant 0 : i32
    %dma_wait3A_160 = tpu.memref_slice %arg2[%dma_wait3A_158, %dma_wait3A_159] : memref<10000x64xf32, #tpu.memory_space<hbm>> -> memref<10000x64xf32, #tpu.memory_space<hbm>>
    %dma_wait3A_161 = tpu.memref_slice %arg11[%dma_wait3A_150] : memref<5x!tpu.dma_semaphore, #tpu.memory_space<semaphore_mem>> -> memref<1x!tpu.dma_semaphore, #tpu.memory_space<semaphore_mem>>
    %dma_wait3A_162 = tpu.memref_squeeze %dma_wait3A_161 : memref<1x!tpu.dma_semaphore, #tpu.memory_space<semaphore_mem>> -> memref<!tpu.dma_semaphore, #tpu.memory_space<semaphore_mem>>
    tpu.wait_indirect_dma semaphore(%dma_wait3A_162 : memref<!tpu.dma_semaphore, #tpu.memory_space<semaphore_mem>>) src(%dma_wait3A_160 : memref<10000x64xf32, #tpu.memory_space<hbm>>) dst(%dma_wait3A_154 : memref<80x64xf32, #tpu.memory_space<vmem>>)
    %dma_start3A_163 = arith.constant 1 : i32
    %dma_start3A_164 = arith.constant 1 : i32
    %dma_start3A_165 = arith.constant 1 : i32
    %dma_start3A_166 = arith.constant 0 : i32
    %dma_start3A_167 = arith.constant 0 : i32
    %dma_start3A_168 = tpu.memref_slice %arg8[%dma_start3A_163, %dma_start3A_166, %dma_start3A_167] : memref<5x80x64xf32, #tpu.memory_space<vmem>> -> memref<1x80x64xf32, #tpu.memory_space<vmem>>
    %dma_start3A_169 = tpu.memref_squeeze %dma_start3A_168 : memref<1x80x64xf32, #tpu.memory_space<vmem>> -> memref<80x64xf32, #tpu.memory_space<vmem>>
    %dma_start3A_170 = arith.constant 0 : i32
    %dma_start3A_171 = tpu.memref_slice %arg7[%dma_start3A_164, %dma_start3A_170] : memref<125x80xi32, #tpu.memory_space<vmem>> -> memref<1x80xi32, #tpu.memory_space<vmem>>
    %dma_start3A_172 = tpu.memref_squeeze %dma_start3A_171 : memref<1x80xi32, #tpu.memory_space<vmem>> -> memref<80xi32, #tpu.memory_space<vmem>>
    %dma_start3A_173 = arith.constant 0 : i32
    %dma_start3A_174 = arith.constant 0 : i32
    %dma_start3A_175 = tpu.memref_slice %arg9[%dma_start3A_173, %dma_start3A_174] : memref<10240x64xf32, #tpu.memory_space<vmem_shared>> -> memref<10240x64xf32, #tpu.memory_space<vmem_shared>>
    %dma_start3A_176 = tpu.memref_slice %arg12[%dma_start3A_165] : memref<5x!tpu.dma_semaphore, #tpu.memory_space<semaphore_mem>> -> memref<1x!tpu.dma_semaphore, #tpu.memory_space<semaphore_mem>>
    %dma_start3A_177 = tpu.memref_squeeze %dma_start3A_176 : memref<1x!tpu.dma_semaphore, #tpu.memory_space<semaphore_mem>> -> memref<!tpu.dma_semaphore, #tpu.memory_space<semaphore_mem>>
    tpu.enqueue_indirect_dma source(%dma_start3A_169 : memref<80x64xf32, #tpu.memory_space<vmem>>) target(%dma_start3A_175 : memref<10240x64xf32, #tpu.memory_space<vmem_shared>>) offsets(%dma_start3A_172 : memref<80xi32, #tpu.memory_space<vmem>>) semaphore(%dma_start3A_177 : memref<!tpu.dma_semaphore, #tpu.memory_space<semaphore_mem>>) {add = true}
    %dma_start3A_178 = arith.constant 2 : i32
    %dma_start3A_179 = arith.constant 2 : i32
    %dma_start3A_180 = arith.constant 2 : i32
    %dma_start3A_181 = arith.constant 0 : i32
    %dma_start3A_182 = arith.constant 0 : i32
    %dma_start3A_183 = tpu.memref_slice %arg8[%dma_start3A_179, %dma_start3A_181, %dma_start3A_182] : memref<5x80x64xf32, #tpu.memory_space<vmem>> -> memref<1x80x64xf32, #tpu.memory_space<vmem>>
    %dma_start3A_184 = tpu.memref_squeeze %dma_start3A_183 : memref<1x80x64xf32, #tpu.memory_space<vmem>> -> memref<80x64xf32, #tpu.memory_space<vmem>>
    %dma_start3A_185 = arith.constant 0 : i32
    %dma_start3A_186 = tpu.memref_slice %arg6[%dma_start3A_178, %dma_start3A_185] : memref<125x80xi32, #tpu.memory_space<vmem>> -> memref<1x80xi32, #tpu.memory_space<vmem>>
    %dma_start3A_187 = tpu.memref_squeeze %dma_start3A_186 : memref<1x80xi32, #tpu.memory_space<vmem>> -> memref<80xi32, #tpu.memory_space<vmem>>
    %dma_start3A_188 = arith.constant 0 : i32
    %dma_start3A_189 = arith.constant 0 : i32
    %dma_start3A_190 = tpu.memref_slice %arg2[%dma_start3A_188, %dma_start3A_189] : memref<10000x64xf32, #tpu.memory_space<hbm>> -> memref<10000x64xf32, #tpu.memory_space<hbm>>
    %dma_start3A_191 = tpu.memref_slice %arg11[%dma_start3A_180] : memref<5x!tpu.dma_semaphore, #tpu.memory_space<semaphore_mem>> -> memref<1x!tpu.dma_semaphore, #tpu.memory_space<semaphore_mem>>
    %dma_start3A_192 = tpu.memref_squeeze %dma_start3A_191 : memref<1x!tpu.dma_semaphore, #tpu.memory_space<semaphore_mem>> -> memref<!tpu.dma_semaphore, #tpu.memory_space<semaphore_mem>>
    tpu.enqueue_indirect_dma source(%dma_start3A_190 : memref<10000x64xf32, #tpu.memory_space<hbm>>) target(%dma_start3A_184 : memref<80x64xf32, #tpu.memory_space<vmem>>) offsets(%dma_start3A_187 : memref<80xi32, #tpu.memory_space<vmem>>) semaphore(%dma_start3A_192 : memref<!tpu.dma_semaphore, #tpu.memory_space<semaphore_mem>>)
    %dma_wait3A_193 = arith.constant 2 : i32
    %dma_wait3A_194 = arith.constant 2 : i32
    %dma_wait3A_195 = arith.constant 2 : i32
    %dma_wait3A_196 = arith.constant 0 : i32
    %dma_wait3A_197 = arith.constant 0 : i32
    %dma_wait3A_198 = tpu.memref_slice %arg8[%dma_wait3A_194, %dma_wait3A_196, %dma_wait3A_197] : memref<5x80x64xf32, #tpu.memory_space<vmem>> -> memref<1x80x64xf32, #tpu.memory_space<vmem>>
    %dma_wait3A_199 = tpu.memref_squeeze %dma_wait3A_198 : memref<1x80x64xf32, #tpu.memory_space<vmem>> -> memref<80x64xf32, #tpu.memory_space<vmem>>
    %dma_wait3A_200 = arith.constant 0 : i32
    %dma_wait3A_201 = tpu.memref_slice %arg6[%dma_wait3A_193, %dma_wait3A_200] : memref<125x80xi32, #tpu.memory_space<vmem>> -> memref<1x80xi32, #tpu.memory_space<vmem>>
    %dma_wait3A_202 = tpu.memref_squeeze %dma_wait3A_201 : memref<1x80xi32, #tpu.memory_space<vmem>> -> memref<80xi32, #tpu.memory_space<vmem>>
    %dma_wait3A_203 = arith.constant 0 : i32
    %dma_wait3A_204 = arith.constant 0 : i32
    %dma_wait3A_205 = tpu.memref_slice %arg2[%dma_wait3A_203, %dma_wait3A_204] : memref<10000x64xf32, #tpu.memory_space<hbm>> -> memref<10000x64xf32, #tpu.memory_space<hbm>>
    %dma_wait3A_206 = tpu.memref_slice %arg11[%dma_wait3A_195] : memref<5x!tpu.dma_semaphore, #tpu.memory_space<semaphore_mem>> -> memref<1x!tpu.dma_semaphore, #tpu.memory_space<semaphore_mem>>
    %dma_wait3A_207 = tpu.memref_squeeze %dma_wait3A_206 : memref<1x!tpu.dma_semaphore, #tpu.memory_space<semaphore_mem>> -> memref<!tpu.dma_semaphore, #tpu.memory_space<semaphore_mem>>
    tpu.wait_indirect_dma semaphore(%dma_wait3A_207 : memref<!tpu.dma_semaphore, #tpu.memory_space<semaphore_mem>>) src(%dma_wait3A_205 : memref<10000x64xf32, #tpu.memory_space<hbm>>) dst(%dma_wait3A_199 : memref<80x64xf32, #tpu.memory_space<vmem>>)
    %dma_start3A_208 = arith.constant 2 : i32
    %dma_start3A_209 = arith.constant 2 : i32
    %dma_start3A_210 = arith.constant 2 : i32
    %dma_start3A_211 = arith.constant 0 : i32
    %dma_start3A_212 = arith.constant 0 : i32
    %dma_start3A_213 = tpu.memref_slice %arg8[%dma_start3A_208, %dma_start3A_211, %dma_start3A_212] : memref<5x80x64xf32, #tpu.memory_space<vmem>> -> memref<1x80x64xf32, #tpu.memory_space<vmem>>
    %dma_start3A_214 = tpu.memref_squeeze %dma_start3A_213 : memref<1x80x64xf32, #tpu.memory_space<vmem>> -> memref<80x64xf32, #tpu.memory_space<vmem>>
    %dma_start3A_215 = arith.constant 0 : i32
    %dma_start3A_216 = tpu.memref_slice %arg7[%dma_start3A_209, %dma_start3A_215] : memref<125x80xi32, #tpu.memory_space<vmem>> -> memref<1x80xi32, #tpu.memory_space<vmem>>
    %dma_start3A_217 = tpu.memref_squeeze %dma_start3A_216 : memref<1x80xi32, #tpu.memory_space<vmem>> -> memref<80xi32, #tpu.memory_space<vmem>>
    %dma_start3A_218 = arith.constant 0 : i32
    %dma_start3A_219 = arith.constant 0 : i32
    %dma_start3A_220 = tpu.memref_slice %arg9[%dma_start3A_218, %dma_start3A_219] : memref<10240x64xf32, #tpu.memory_space<vmem_shared>> -> memref<10240x64xf32, #tpu.memory_space<vmem_shared>>
    %dma_start3A_221 = tpu.memref_slice %arg12[%dma_start3A_210] : memref<5x!tpu.dma_semaphore, #tpu.memory_space<semaphore_mem>> -> memref<1x!tpu.dma_semaphore, #tpu.memory_space<semaphore_mem>>
    %dma_start3A_222 = tpu.memref_squeeze %dma_start3A_221 : memref<1x!tpu.dma_semaphore, #tpu.memory_space<semaphore_mem>> -> memref<!tpu.dma_semaphore, #tpu.memory_space<semaphore_mem>>
    tpu.enqueue_indirect_dma source(%dma_start3A_214 : memref<80x64xf32, #tpu.memory_space<vmem>>) target(%dma_start3A_220 : memref<10240x64xf32, #tpu.memory_space<vmem_shared>>) offsets(%dma_start3A_217 : memref<80xi32, #tpu.memory_space<vmem>>) semaphore(%dma_start3A_222 : memref<!tpu.dma_semaphore, #tpu.memory_space<semaphore_mem>>) {add = true}
    %dma_start3A_223 = arith.constant 3 : i32
    %dma_start3A_224 = arith.constant 3 : i32
    %dma_start3A_225 = arith.constant 3 : i32
    %dma_start3A_226 = arith.constant 0 : i32
    %dma_start3A_227 = arith.constant 0 : i32
    %dma_start3A_228 = tpu.memref_slice %arg8[%dma_start3A_224, %dma_start3A_226, %dma_start3A_227] : memref<5x80x64xf32, #tpu.memory_space<vmem>> -> memref<1x80x64xf32, #tpu.memory_space<vmem>>
    %dma_start3A_229 = tpu.memref_squeeze %dma_start3A_228 : memref<1x80x64xf32, #tpu.memory_space<vmem>> -> memref<80x64xf32, #tpu.memory_space<vmem>>
    %dma_start3A_230 = arith.constant 0 : i32
    %dma_start3A_231 = tpu.memref_slice %arg6[%dma_start3A_223, %dma_start3A_230] : memref<125x80xi32, #tpu.memory_space<vmem>> -> memref<1x80xi32, #tpu.memory_space<vmem>>
    %dma_start3A_232 = tpu.memref_squeeze %dma_start3A_231 : memref<1x80xi32, #tpu.memory_space<vmem>> -> memref<80xi32, #tpu.memory_space<vmem>>
    %dma_start3A_233 = arith.constant 0 : i32
    %dma_start3A_234 = arith.constant 0 : i32
    %dma_start3A_235 = tpu.memref_slice %arg2[%dma_start3A_233, %dma_start3A_234] : memref<10000x64xf32, #tpu.memory_space<hbm>> -> memref<10000x64xf32, #tpu.memory_space<hbm>>
    %dma_start3A_236 = tpu.memref_slice %arg11[%dma_start3A_225] : memref<5x!tpu.dma_semaphore, #tpu.memory_space<semaphore_mem>> -> memref<1x!tpu.dma_semaphore, #tpu.memory_space<semaphore_mem>>
    %dma_start3A_237 = tpu.memref_squeeze %dma_start3A_236 : memref<1x!tpu.dma_semaphore, #tpu.memory_space<semaphore_mem>> -> memref<!tpu.dma_semaphore, #tpu.memory_space<semaphore_mem>>
    tpu.enqueue_indirect_dma source(%dma_start3A_235 : memref<10000x64xf32, #tpu.memory_space<hbm>>) target(%dma_start3A_229 : memref<80x64xf32, #tpu.memory_space<vmem>>) offsets(%dma_start3A_232 : memref<80xi32, #tpu.memory_space<vmem>>) semaphore(%dma_start3A_237 : memref<!tpu.dma_semaphore, #tpu.memory_space<semaphore_mem>>)
    %dma_wait3A_238 = arith.constant 3 : i32
    %dma_wait3A_239 = arith.constant 3 : i32
    %dma_wait3A_240 = arith.constant 3 : i32
    %dma_wait3A_241 = arith.constant 0 : i32
    %dma_wait3A_242 = arith.constant 0 : i32
    %dma_wait3A_243 = tpu.memref_slice %arg8[%dma_wait3A_239, %dma_wait3A_241, %dma_wait3A_242] : memref<5x80x64xf32, #tpu.memory_space<vmem>> -> memref<1x80x64xf32, #tpu.memory_space<vmem>>
    %dma_wait3A_244 = tpu.memref_squeeze %dma_wait3A_243 : memref<1x80x64xf32, #tpu.memory_space<vmem>> -> memref<80x64xf32, #tpu.memory_space<vmem>>
    %dma_wait3A_245 = arith.constant 0 : i32
    %dma_wait3A_246 = tpu.memref_slice %arg6[%dma_wait3A_238, %dma_wait3A_245] : memref<125x80xi32, #tpu.memory_space<vmem>> -> memref<1x80xi32, #tpu.memory_space<vmem>>
    %dma_wait3A_247 = tpu.memref_squeeze %dma_wait3A_246 : memref<1x80xi32, #tpu.memory_space<vmem>> -> memref<80xi32, #tpu.memory_space<vmem>>
    %dma_wait3A_248 = arith.constant 0 : i32
    %dma_wait3A_249 = arith.constant 0 : i32
    %dma_wait3A_250 = tpu.memref_slice %arg2[%dma_wait3A_248, %dma_wait3A_249] : memref<10000x64xf32, #tpu.memory_space<hbm>> -> memref<10000x64xf32, #tpu.memory_space<hbm>>
    %dma_wait3A_251 = tpu.memref_slice %arg11[%dma_wait3A_240] : memref<5x!tpu.dma_semaphore, #tpu.memory_space<semaphore_mem>> -> memref<1x!tpu.dma_semaphore, #tpu.memory_space<semaphore_mem>>
    %dma_wait3A_252 = tpu.memref_squeeze %dma_wait3A_251 : memref<1x!tpu.dma_semaphore, #tpu.memory_space<semaphore_mem>> -> memref<!tpu.dma_semaphore, #tpu.memory_space<semaphore_mem>>
    tpu.wait_indirect_dma semaphore(%dma_wait3A_252 : memref<!tpu.dma_semaphore, #tpu.memory_space<semaphore_mem>>) src(%dma_wait3A_250 : memref<10000x64xf32, #tpu.memory_space<hbm>>) dst(%dma_wait3A_244 : memref<80x64xf32, #tpu.memory_space<vmem>>)
    %dma_start3A_253 = arith.constant 3 : i32
    %dma_start3A_254 = arith.constant 3 : i32
    %dma_start3A_255 = arith.constant 3 : i32
    %dma_start3A_256 = arith.constant 0 : i32
    %dma_start3A_257 = arith.constant 0 : i32
    %dma_start3A_258 = tpu.memref_slice %arg8[%dma_start3A_253, %dma_start3A_256, %dma_start3A_257] : memref<5x80x64xf32, #tpu.memory_space<vmem>> -> memref<1x80x64xf32, #tpu.memory_space<vmem>>
    %dma_start3A_259 = tpu.memref_squeeze %dma_start3A_258 : memref<1x80x64xf32, #tpu.memory_space<vmem>> -> memref<80x64xf32, #tpu.memory_space<vmem>>
    %dma_start3A_260 = arith.constant 0 : i32
    %dma_start3A_261 = tpu.memref_slice %arg7[%dma_start3A_254, %dma_start3A_260] : memref<125x80xi32, #tpu.memory_space<vmem>> -> memref<1x80xi32, #tpu.memory_space<vmem>>
    %dma_start3A_262 = tpu.memref_squeeze %dma_start3A_261 : memref<1x80xi32, #tpu.memory_space<vmem>> -> memref<80xi32, #tpu.memory_space<vmem>>
    %dma_start3A_263 = arith.constant 0 : i32
    %dma_start3A_264 = arith.constant 0 : i32
    %dma_start3A_265 = tpu.memref_slice %arg9[%dma_start3A_263, %dma_start3A_264] : memref<10240x64xf32, #tpu.memory_space<vmem_shared>> -> memref<10240x64xf32, #tpu.memory_space<vmem_shared>>
    %dma_start3A_266 = tpu.memref_slice %arg12[%dma_start3A_255] : memref<5x!tpu.dma_semaphore, #tpu.memory_space<semaphore_mem>> -> memref<1x!tpu.dma_semaphore, #tpu.memory_space<semaphore_mem>>
    %dma_start3A_267 = tpu.memref_squeeze %dma_start3A_266 : memref<1x!tpu.dma_semaphore, #tpu.memory_space<semaphore_mem>> -> memref<!tpu.dma_semaphore, #tpu.memory_space<semaphore_mem>>
    tpu.enqueue_indirect_dma source(%dma_start3A_259 : memref<80x64xf32, #tpu.memory_space<vmem>>) target(%dma_start3A_265 : memref<10240x64xf32, #tpu.memory_space<vmem_shared>>) offsets(%dma_start3A_262 : memref<80xi32, #tpu.memory_space<vmem>>) semaphore(%dma_start3A_267 : memref<!tpu.dma_semaphore, #tpu.memory_space<semaphore_mem>>) {add = true}
    %dma_start3A_268 = arith.constant 4 : i32
    %dma_start3A_269 = arith.constant 4 : i32
    %dma_start3A_270 = arith.constant 4 : i32
    %dma_start3A_271 = arith.constant 0 : i32
    %dma_start3A_272 = arith.constant 0 : i32
    %dma_start3A_273 = tpu.memref_slice %arg8[%dma_start3A_269, %dma_start3A_271, %dma_start3A_272] : memref<5x80x64xf32, #tpu.memory_space<vmem>> -> memref<1x80x64xf32, #tpu.memory_space<vmem>>
    %dma_start3A_274 = tpu.memref_squeeze %dma_start3A_273 : memref<1x80x64xf32, #tpu.memory_space<vmem>> -> memref<80x64xf32, #tpu.memory_space<vmem>>
    %dma_start3A_275 = arith.constant 0 : i32
    %dma_start3A_276 = tpu.memref_slice %arg6[%dma_start3A_268, %dma_start3A_275] : memref<125x80xi32, #tpu.memory_space<vmem>> -> memref<1x80xi32, #tpu.memory_space<vmem>>
    %dma_start3A_277 = tpu.memref_squeeze %dma_start3A_276 : memref<1x80xi32, #tpu.memory_space<vmem>> -> memref<80xi32, #tpu.memory_space<vmem>>
    %dma_start3A_278 = arith.constant 0 : i32
    %dma_start3A_279 = arith.constant 0 : i32
    %dma_start3A_280 = tpu.memref_slice %arg2[%dma_start3A_278, %dma_start3A_279] : memref<10000x64xf32, #tpu.memory_space<hbm>> -> memref<10000x64xf32, #tpu.memory_space<hbm>>
    %dma_start3A_281 = tpu.memref_slice %arg11[%dma_start3A_270] : memref<5x!tpu.dma_semaphore, #tpu.memory_space<semaphore_mem>> -> memref<1x!tpu.dma_semaphore, #tpu.memory_space<semaphore_mem>>
    %dma_start3A_282 = tpu.memref_squeeze %dma_start3A_281 : memref<1x!tpu.dma_semaphore, #tpu.memory_space<semaphore_mem>> -> memref<!tpu.dma_semaphore, #tpu.memory_space<semaphore_mem>>
    tpu.enqueue_indirect_dma source(%dma_start3A_280 : memref<10000x64xf32, #tpu.memory_space<hbm>>) target(%dma_start3A_274 : memref<80x64xf32, #tpu.memory_space<vmem>>) offsets(%dma_start3A_277 : memref<80xi32, #tpu.memory_space<vmem>>) semaphore(%dma_start3A_282 : memref<!tpu.dma_semaphore, #tpu.memory_space<semaphore_mem>>)
    %dma_wait3A_283 = arith.constant 4 : i32
    %dma_wait3A_284 = arith.constant 4 : i32
    %dma_wait3A_285 = arith.constant 4 : i32
    %dma_wait3A_286 = arith.constant 0 : i32
    %dma_wait3A_287 = arith.constant 0 : i32
    %dma_wait3A_288 = tpu.memref_slice %arg8[%dma_wait3A_284, %dma_wait3A_286, %dma_wait3A_287] : memref<5x80x64xf32, #tpu.memory_space<vmem>> -> memref<1x80x64xf32, #tpu.memory_space<vmem>>
    %dma_wait3A_289 = tpu.memref_squeeze %dma_wait3A_288 : memref<1x80x64xf32, #tpu.memory_space<vmem>> -> memref<80x64xf32, #tpu.memory_space<vmem>>
    %dma_wait3A_290 = arith.constant 0 : i32
    %dma_wait3A_291 = tpu.memref_slice %arg6[%dma_wait3A_283, %dma_wait3A_290] : memref<125x80xi32, #tpu.memory_space<vmem>> -> memref<1x80xi32, #tpu.memory_space<vmem>>
    %dma_wait3A_292 = tpu.memref_squeeze %dma_wait3A_291 : memref<1x80xi32, #tpu.memory_space<vmem>> -> memref<80xi32, #tpu.memory_space<vmem>>
    %dma_wait3A_293 = arith.constant 0 : i32
    %dma_wait3A_294 = arith.constant 0 : i32
    %dma_wait3A_295 = tpu.memref_slice %arg2[%dma_wait3A_293, %dma_wait3A_294] : memref<10000x64xf32, #tpu.memory_space<hbm>> -> memref<10000x64xf32, #tpu.memory_space<hbm>>
    %dma_wait3A_296 = tpu.memref_slice %arg11[%dma_wait3A_285] : memref<5x!tpu.dma_semaphore, #tpu.memory_space<semaphore_mem>> -> memref<1x!tpu.dma_semaphore, #tpu.memory_space<semaphore_mem>>
    %dma_wait3A_297 = tpu.memref_squeeze %dma_wait3A_296 : memref<1x!tpu.dma_semaphore, #tpu.memory_space<semaphore_mem>> -> memref<!tpu.dma_semaphore, #tpu.memory_space<semaphore_mem>>
    tpu.wait_indirect_dma semaphore(%dma_wait3A_297 : memref<!tpu.dma_semaphore, #tpu.memory_space<semaphore_mem>>) src(%dma_wait3A_295 : memref<10000x64xf32, #tpu.memory_space<hbm>>) dst(%dma_wait3A_289 : memref<80x64xf32, #tpu.memory_space<vmem>>)
    %dma_start3A_298 = arith.constant 4 : i32
    %dma_start3A_299 = arith.constant 4 : i32
    %dma_start3A_300 = arith.constant 4 : i32
    %dma_start3A_301 = arith.constant 0 : i32
    %dma_start3A_302 = arith.constant 0 : i32
    %dma_start3A_303 = tpu.memref_slice %arg8[%dma_start3A_298, %dma_start3A_301, %dma_start3A_302] : memref<5x80x64xf32, #tpu.memory_space<vmem>> -> memref<1x80x64xf32, #tpu.memory_space<vmem>>
    %dma_start3A_304 = tpu.memref_squeeze %dma_start3A_303 : memref<1x80x64xf32, #tpu.memory_space<vmem>> -> memref<80x64xf32, #tpu.memory_space<vmem>>
    %dma_start3A_305 = arith.constant 0 : i32
    %dma_start3A_306 = tpu.memref_slice %arg7[%dma_start3A_299, %dma_start3A_305] : memref<125x80xi32, #tpu.memory_space<vmem>> -> memref<1x80xi32, #tpu.memory_space<vmem>>
    %dma_start3A_307 = tpu.memref_squeeze %dma_start3A_306 : memref<1x80xi32, #tpu.memory_space<vmem>> -> memref<80xi32, #tpu.memory_space<vmem>>
    %dma_start3A_308 = arith.constant 0 : i32
    %dma_start3A_309 = arith.constant 0 : i32
    %dma_start3A_310 = tpu.memref_slice %arg9[%dma_start3A_308, %dma_start3A_309] : memref<10240x64xf32, #tpu.memory_space<vmem_shared>> -> memref<10240x64xf32, #tpu.memory_space<vmem_shared>>
    %dma_start3A_311 = tpu.memref_slice %arg12[%dma_start3A_300] : memref<5x!tpu.dma_semaphore, #tpu.memory_space<semaphore_mem>> -> memref<1x!tpu.dma_semaphore, #tpu.memory_space<semaphore_mem>>
    %dma_start3A_312 = tpu.memref_squeeze %dma_start3A_311 : memref<1x!tpu.dma_semaphore, #tpu.memory_space<semaphore_mem>> -> memref<!tpu.dma_semaphore, #tpu.memory_space<semaphore_mem>>
    tpu.enqueue_indirect_dma source(%dma_start3A_304 : memref<80x64xf32, #tpu.memory_space<vmem>>) target(%dma_start3A_310 : memref<10240x64xf32, #tpu.memory_space<vmem_shared>>) offsets(%dma_start3A_307 : memref<80xi32, #tpu.memory_space<vmem>>) semaphore(%dma_start3A_312 : memref<!tpu.dma_semaphore, #tpu.memory_space<semaphore_mem>>) {add = true}
    %dma_wait3A_313 = arith.constant 0 : i32
    %dma_wait3A_314 = arith.constant 0 : i32
    %dma_wait3A_315 = arith.constant 0 : i32
    %dma_wait3A_316 = arith.constant 0 : i32
    %dma_wait3A_317 = tpu.memref_slice %arg8[%dma_wait3A_313, %dma_wait3A_315, %dma_wait3A_316] : memref<5x80x64xf32, #tpu.memory_space<vmem>> -> memref<1x80x64xf32, #tpu.memory_space<vmem>>
    %dma_wait3A_318 = tpu.memref_squeeze %dma_wait3A_317 : memref<1x80x64xf32, #tpu.memory_space<vmem>> -> memref<80x64xf32, #tpu.memory_space<vmem>>
    %dma_wait3A_319 = arith.constant 0 : i32
    %dma_wait3A_320 = arith.constant 0 : i32
    %dma_wait3A_321 = tpu.memref_slice %arg9[%dma_wait3A_319, %dma_wait3A_320] : memref<10240x64xf32, #tpu.memory_space<vmem_shared>> -> memref<80x64xf32, #tpu.memory_space<vmem_shared>>
    %dma_wait3A_322 = tpu.memref_slice %arg12[%dma_wait3A_314] : memref<5x!tpu.dma_semaphore, #tpu.memory_space<semaphore_mem>> -> memref<1x!tpu.dma_semaphore, #tpu.memory_space<semaphore_mem>>
    %dma_wait3A_323 = tpu.memref_squeeze %dma_wait3A_322 : memref<1x!tpu.dma_semaphore, #tpu.memory_space<semaphore_mem>> -> memref<!tpu.dma_semaphore, #tpu.memory_space<semaphore_mem>>
    %dma_wait3A_324 = arith.constant 0 : i32
    %dma_wait3A_325 = arith.constant 0 : i32
    %dma_wait3A_326 = tpu.memref_slice %arg9[%dma_wait3A_324, %dma_wait3A_325] : memref<10240x64xf32, #tpu.memory_space<vmem_shared>> -> memref<80x64xf32, #tpu.memory_space<vmem_shared>>
    %dma_wait3A_327 = arith.constant 0 : i32
    %dma_wait3A_328 = arith.constant 0 : i32
    %dma_wait3A_329 = tpu.memref_slice %arg8[%dma_wait3A_313, %dma_wait3A_327, %dma_wait3A_328] : memref<5x80x64xf32, #tpu.memory_space<vmem>> -> memref<1x80x64xf32, #tpu.memory_space<vmem>>
    %dma_wait3A_330 = tpu.memref_squeeze %dma_wait3A_329 : memref<1x80x64xf32, #tpu.memory_space<vmem>> -> memref<80x64xf32, #tpu.memory_space<vmem>>
    tpu.wait_dma2 semaphore(%dma_wait3A_323 : memref<!tpu.dma_semaphore, #tpu.memory_space<semaphore_mem>>) src(%dma_wait3A_330 : memref<80x64xf32, #tpu.memory_space<vmem>>) dst(%dma_wait3A_326 : memref<80x64xf32, #tpu.memory_space<vmem_shared>>)
    %dma_start3A_331 = arith.constant 5 : i32
    %dma_start3A_332 = arith.constant 0 : i32
    %dma_start3A_333 = arith.constant 0 : i32
    %dma_start3A_334 = arith.constant 0 : i32
    %dma_start3A_335 = arith.constant 0 : i32
    %dma_start3A_336 = tpu.memref_slice %arg8[%dma_start3A_332, %dma_start3A_334, %dma_start3A_335] : memref<5x80x64xf32, #tpu.memory_space<vmem>> -> memref<1x80x64xf32, #tpu.memory_space<vmem>>
    %dma_start3A_337 = tpu.memref_squeeze %dma_start3A_336 : memref<1x80x64xf32, #tpu.memory_space<vmem>> -> memref<80x64xf32, #tpu.memory_space<vmem>>
    %dma_start3A_338 = arith.constant 0 : i32
    %dma_start3A_339 = tpu.memref_slice %arg6[%dma_start3A_331, %dma_start3A_338] : memref<125x80xi32, #tpu.memory_space<vmem>> -> memref<1x80xi32, #tpu.memory_space<vmem>>
    %dma_start3A_340 = tpu.memref_squeeze %dma_start3A_339 : memref<1x80xi32, #tpu.memory_space<vmem>> -> memref<80xi32, #tpu.memory_space<vmem>>
    %dma_start3A_341 = arith.constant 0 : i32
    %dma_start3A_342 = arith.constant 0 : i32
    %dma_start3A_343 = tpu.memref_slice %arg2[%dma_start3A_341, %dma_start3A_342] : memref<10000x64xf32, #tpu.memory_space<hbm>> -> memref<10000x64xf32, #tpu.memory_space<hbm>>
    %dma_start3A_344 = tpu.memref_slice %arg11[%dma_start3A_333] : memref<5x!tpu.dma_semaphore, #tpu.memory_space<semaphore_mem>> -> memref<1x!tpu.dma_semaphore, #tpu.memory_space<semaphore_mem>>
    %dma_start3A_345 = tpu.memref_squeeze %dma_start3A_344 : memref<1x!tpu.dma_semaphore, #tpu.memory_space<semaphore_mem>> -> memref<!tpu.dma_semaphore, #tpu.memory_space<semaphore_mem>>
    tpu.enqueue_indirect_dma source(%dma_start3A_343 : memref<10000x64xf32, #tpu.memory_space<hbm>>) target(%dma_start3A_337 : memref<80x64xf32, #tpu.memory_space<vmem>>) offsets(%dma_start3A_340 : memref<80xi32, #tpu.memory_space<vmem>>) semaphore(%dma_start3A_345 : memref<!tpu.dma_semaphore, #tpu.memory_space<semaphore_mem>>)
    %scan3A_346 = arith.constant 0 : i32
    %scan3A_347 = arith.constant 1 : i32
    %scan3A_348 = arith.constant 23 : i32
    %scan3A_349 = arith.addi %scan3A_347, %scan3A_348 : i32
    %scan3A_350 = arith.constant 1 : i32
    scf.for %scan3A_729 = %scan3A_347 to %scan3A_349 step %scan3A_350  : i32 {
      %mul3A_730 = arith.constant 5 : i32
      %mul3A_731 = arith.muli %scan3A_729, %mul3A_730 : i32
      %add3A_732 = arith.constant 0 : i32
      %add3A_733 = arith.addi %mul3A_731, %add3A_732 : i32
      %dma_wait3A_734 = arith.constant 0 : i32
      %dma_wait3A_735 = arith.constant 0 : i32
      %dma_wait3A_736 = arith.constant 0 : i32
      %dma_wait3A_737 = arith.constant 0 : i32
      %dma_wait3A_738 = tpu.memref_slice %arg8[%dma_wait3A_734, %dma_wait3A_736, %dma_wait3A_737] : memref<5x80x64xf32, #tpu.memory_space<vmem>> -> memref<1x80x64xf32, #tpu.memory_space<vmem>>
      %dma_wait3A_739 = tpu.memref_squeeze %dma_wait3A_738 : memref<1x80x64xf32, #tpu.memory_space<vmem>> -> memref<80x64xf32, #tpu.memory_space<vmem>>
      %dma_wait3A_740 = arith.constant 0 : i32
      %dma_wait3A_741 = tpu.memref_slice %arg6[%add3A_733, %dma_wait3A_740] : memref<125x80xi32, #tpu.memory_space<vmem>> -> memref<1x80xi32, #tpu.memory_space<vmem>>
      %dma_wait3A_742 = tpu.memref_squeeze %dma_wait3A_741 : memref<1x80xi32, #tpu.memory_space<vmem>> -> memref<80xi32, #tpu.memory_space<vmem>>
      %dma_wait3A_743 = arith.constant 0 : i32
      %dma_wait3A_744 = arith.constant 0 : i32
      %dma_wait3A_745 = tpu.memref_slice %arg2[%dma_wait3A_743, %dma_wait3A_744] : memref<10000x64xf32, #tpu.memory_space<hbm>> -> memref<10000x64xf32, #tpu.memory_space<hbm>>
      %dma_wait3A_746 = tpu.memref_slice %arg11[%dma_wait3A_735] : memref<5x!tpu.dma_semaphore, #tpu.memory_space<semaphore_mem>> -> memref<1x!tpu.dma_semaphore, #tpu.memory_space<semaphore_mem>>
      %dma_wait3A_747 = tpu.memref_squeeze %dma_wait3A_746 : memref<1x!tpu.dma_semaphore, #tpu.memory_space<semaphore_mem>> -> memref<!tpu.dma_semaphore, #tpu.memory_space<semaphore_mem>>
      tpu.wait_indirect_dma semaphore(%dma_wait3A_747 : memref<!tpu.dma_semaphore, #tpu.memory_space<semaphore_mem>>) src(%dma_wait3A_745 : memref<10000x64xf32, #tpu.memory_space<hbm>>) dst(%dma_wait3A_739 : memref<80x64xf32, #tpu.memory_space<vmem>>)
      %dma_start3A_748 = arith.constant 0 : i32
      %dma_start3A_749 = arith.constant 0 : i32
      %dma_start3A_750 = arith.constant 0 : i32
      %dma_start3A_751 = arith.constant 0 : i32
      %dma_start3A_752 = tpu.memref_slice %arg8[%dma_start3A_748, %dma_start3A_750, %dma_start3A_751] : memref<5x80x64xf32, #tpu.memory_space<vmem>> -> memref<1x80x64xf32, #tpu.memory_space<vmem>>
      %dma_start3A_753 = tpu.memref_squeeze %dma_start3A_752 : memref<1x80x64xf32, #tpu.memory_space<vmem>> -> memref<80x64xf32, #tpu.memory_space<vmem>>
      %dma_start3A_754 = arith.constant 0 : i32
      %dma_start3A_755 = tpu.memref_slice %arg7[%add3A_733, %dma_start3A_754] : memref<125x80xi32, #tpu.memory_space<vmem>> -> memref<1x80xi32, #tpu.memory_space<vmem>>
      %dma_start3A_756 = tpu.memref_squeeze %dma_start3A_755 : memref<1x80xi32, #tpu.memory_space<vmem>> -> memref<80xi32, #tpu.memory_space<vmem>>
      %dma_start3A_757 = arith.constant 0 : i32
      %dma_start3A_758 = arith.constant 0 : i32
      %dma_start3A_759 = tpu.memref_slice %arg9[%dma_start3A_757, %dma_start3A_758] : memref<10240x64xf32, #tpu.memory_space<vmem_shared>> -> memref<10240x64xf32, #tpu.memory_space<vmem_shared>>
      %dma_start3A_760 = tpu.memref_slice %arg12[%dma_start3A_749] : memref<5x!tpu.dma_semaphore, #tpu.memory_space<semaphore_mem>> -> memref<1x!tpu.dma_semaphore, #tpu.memory_space<semaphore_mem>>
      %dma_start3A_761 = tpu.memref_squeeze %dma_start3A_760 : memref<1x!tpu.dma_semaphore, #tpu.memory_space<semaphore_mem>> -> memref<!tpu.dma_semaphore, #tpu.memory_space<semaphore_mem>>
      tpu.enqueue_indirect_dma source(%dma_start3A_753 : memref<80x64xf32, #tpu.memory_space<vmem>>) target(%dma_start3A_759 : memref<10240x64xf32, #tpu.memory_space<vmem_shared>>) offsets(%dma_start3A_756 : memref<80xi32, #tpu.memory_space<vmem>>) semaphore(%dma_start3A_761 : memref<!tpu.dma_semaphore, #tpu.memory_space<semaphore_mem>>) {add = true}
      %dma_wait3A_762 = arith.constant 1 : i32
      %dma_wait3A_763 = arith.constant 1 : i32
      %dma_wait3A_764 = arith.constant 0 : i32
      %dma_wait3A_765 = arith.constant 0 : i32
      %dma_wait3A_766 = tpu.memref_slice %arg8[%dma_wait3A_762, %dma_wait3A_764, %dma_wait3A_765] : memref<5x80x64xf32, #tpu.memory_space<vmem>> -> memref<1x80x64xf32, #tpu.memory_space<vmem>>
      %dma_wait3A_767 = tpu.memref_squeeze %dma_wait3A_766 : memref<1x80x64xf32, #tpu.memory_space<vmem>> -> memref<80x64xf32, #tpu.memory_space<vmem>>
      %dma_wait3A_768 = arith.constant 0 : i32
      %dma_wait3A_769 = arith.constant 0 : i32
      %dma_wait3A_770 = tpu.memref_slice %arg9[%dma_wait3A_768, %dma_wait3A_769] : memref<10240x64xf32, #tpu.memory_space<vmem_shared>> -> memref<80x64xf32, #tpu.memory_space<vmem_shared>>
      %dma_wait3A_771 = tpu.memref_slice %arg12[%dma_wait3A_763] : memref<5x!tpu.dma_semaphore, #tpu.memory_space<semaphore_mem>> -> memref<1x!tpu.dma_semaphore, #tpu.memory_space<semaphore_mem>>
      %dma_wait3A_772 = tpu.memref_squeeze %dma_wait3A_771 : memref<1x!tpu.dma_semaphore, #tpu.memory_space<semaphore_mem>> -> memref<!tpu.dma_semaphore, #tpu.memory_space<semaphore_mem>>
      %dma_wait3A_773 = arith.constant 0 : i32
      %dma_wait3A_774 = arith.constant 0 : i32
      %dma_wait3A_775 = tpu.memref_slice %arg9[%dma_wait3A_773, %dma_wait3A_774] : memref<10240x64xf32, #tpu.memory_space<vmem_shared>> -> memref<80x64xf32, #tpu.memory_space<vmem_shared>>
      %dma_wait3A_776 = arith.constant 0 : i32
      %dma_wait3A_777 = arith.constant 0 : i32
      %dma_wait3A_778 = tpu.memref_slice %arg8[%dma_wait3A_762, %dma_wait3A_776, %dma_wait3A_777] : memref<5x80x64xf32, #tpu.memory_space<vmem>> -> memref<1x80x64xf32, #tpu.memory_space<vmem>>
      %dma_wait3A_779 = tpu.memref_squeeze %dma_wait3A_778 : memref<1x80x64xf32, #tpu.memory_space<vmem>> -> memref<80x64xf32, #tpu.memory_space<vmem>>
      tpu.wait_dma2 semaphore(%dma_wait3A_772 : memref<!tpu.dma_semaphore, #tpu.memory_space<semaphore_mem>>) src(%dma_wait3A_779 : memref<80x64xf32, #tpu.memory_space<vmem>>) dst(%dma_wait3A_775 : memref<80x64xf32, #tpu.memory_space<vmem_shared>>)
      %add3A_780 = arith.constant 1 : i32
      %add3A_781 = arith.addi %add3A_733, %add3A_780 : i32
      %dma_start3A_782 = arith.constant 1 : i32
      %dma_start3A_783 = arith.constant 1 : i32
      %dma_start3A_784 = arith.constant 0 : i32
      %dma_start3A_785 = arith.constant 0 : i32
      %dma_start3A_786 = tpu.memref_slice %arg8[%dma_start3A_782, %dma_start3A_784, %dma_start3A_785] : memref<5x80x64xf32, #tpu.memory_space<vmem>> -> memref<1x80x64xf32, #tpu.memory_space<vmem>>
      %dma_start3A_787 = tpu.memref_squeeze %dma_start3A_786 : memref<1x80x64xf32, #tpu.memory_space<vmem>> -> memref<80x64xf32, #tpu.memory_space<vmem>>
      %dma_start3A_788 = arith.constant 0 : i32
      %dma_start3A_789 = tpu.memref_slice %arg6[%add3A_781, %dma_start3A_788] : memref<125x80xi32, #tpu.memory_space<vmem>> -> memref<1x80xi32, #tpu.memory_space<vmem>>
      %dma_start3A_790 = tpu.memref_squeeze %dma_start3A_789 : memref<1x80xi32, #tpu.memory_space<vmem>> -> memref<80xi32, #tpu.memory_space<vmem>>
      %dma_start3A_791 = arith.constant 0 : i32
      %dma_start3A_792 = arith.constant 0 : i32
      %dma_start3A_793 = tpu.memref_slice %arg2[%dma_start3A_791, %dma_start3A_792] : memref<10000x64xf32, #tpu.memory_space<hbm>> -> memref<10000x64xf32, #tpu.memory_space<hbm>>
      %dma_start3A_794 = tpu.memref_slice %arg11[%dma_start3A_783] : memref<5x!tpu.dma_semaphore, #tpu.memory_space<semaphore_mem>> -> memref<1x!tpu.dma_semaphore, #tpu.memory_space<semaphore_mem>>
      %dma_start3A_795 = tpu.memref_squeeze %dma_start3A_794 : memref<1x!tpu.dma_semaphore, #tpu.memory_space<semaphore_mem>> -> memref<!tpu.dma_semaphore, #tpu.memory_space<semaphore_mem>>
      tpu.enqueue_indirect_dma source(%dma_start3A_793 : memref<10000x64xf32, #tpu.memory_space<hbm>>) target(%dma_start3A_787 : memref<80x64xf32, #tpu.memory_space<vmem>>) offsets(%dma_start3A_790 : memref<80xi32, #tpu.memory_space<vmem>>) semaphore(%dma_start3A_795 : memref<!tpu.dma_semaphore, #tpu.memory_space<semaphore_mem>>)
      %mul3A_796 = arith.constant 5 : i32
      %mul3A_797 = arith.muli %scan3A_729, %mul3A_796 : i32
      %add3A_798 = arith.constant 1 : i32
      %add3A_799 = arith.addi %mul3A_797, %add3A_798 : i32
      %dma_wait3A_800 = arith.constant 1 : i32
      %dma_wait3A_801 = arith.constant 1 : i32
      %dma_wait3A_802 = arith.constant 0 : i32
      %dma_wait3A_803 = arith.constant 0 : i32
      %dma_wait3A_804 = tpu.memref_slice %arg8[%dma_wait3A_800, %dma_wait3A_802, %dma_wait3A_803] : memref<5x80x64xf32, #tpu.memory_space<vmem>> -> memref<1x80x64xf32, #tpu.memory_space<vmem>>
      %dma_wait3A_805 = tpu.memref_squeeze %dma_wait3A_804 : memref<1x80x64xf32, #tpu.memory_space<vmem>> -> memref<80x64xf32, #tpu.memory_space<vmem>>
      %dma_wait3A_806 = arith.constant 0 : i32
      %dma_wait3A_807 = tpu.memref_slice %arg6[%add3A_799, %dma_wait3A_806] : memref<125x80xi32, #tpu.memory_space<vmem>> -> memref<1x80xi32, #tpu.memory_space<vmem>>
      %dma_wait3A_808 = tpu.memref_squeeze %dma_wait3A_807 : memref<1x80xi32, #tpu.memory_space<vmem>> -> memref<80xi32, #tpu.memory_space<vmem>>
      %dma_wait3A_809 = arith.constant 0 : i32
      %dma_wait3A_810 = arith.constant 0 : i32
      %dma_wait3A_811 = tpu.memref_slice %arg2[%dma_wait3A_809, %dma_wait3A_810] : memref<10000x64xf32, #tpu.memory_space<hbm>> -> memref<10000x64xf32, #tpu.memory_space<hbm>>
      %dma_wait3A_812 = tpu.memref_slice %arg11[%dma_wait3A_801] : memref<5x!tpu.dma_semaphore, #tpu.memory_space<semaphore_mem>> -> memref<1x!tpu.dma_semaphore, #tpu.memory_space<semaphore_mem>>
      %dma_wait3A_813 = tpu.memref_squeeze %dma_wait3A_812 : memref<1x!tpu.dma_semaphore, #tpu.memory_space<semaphore_mem>> -> memref<!tpu.dma_semaphore, #tpu.memory_space<semaphore_mem>>
      tpu.wait_indirect_dma semaphore(%dma_wait3A_813 : memref<!tpu.dma_semaphore, #tpu.memory_space<semaphore_mem>>) src(%dma_wait3A_811 : memref<10000x64xf32, #tpu.memory_space<hbm>>) dst(%dma_wait3A_805 : memref<80x64xf32, #tpu.memory_space<vmem>>)
      %dma_start3A_814 = arith.constant 1 : i32
      %dma_start3A_815 = arith.constant 1 : i32
      %dma_start3A_816 = arith.constant 0 : i32
      %dma_start3A_817 = arith.constant 0 : i32
      %dma_start3A_818 = tpu.memref_slice %arg8[%dma_start3A_814, %dma_start3A_816, %dma_start3A_817] : memref<5x80x64xf32, #tpu.memory_space<vmem>> -> memref<1x80x64xf32, #tpu.memory_space<vmem>>
      %dma_start3A_819 = tpu.memref_squeeze %dma_start3A_818 : memref<1x80x64xf32, #tpu.memory_space<vmem>> -> memref<80x64xf32, #tpu.memory_space<vmem>>
      %dma_start3A_820 = arith.constant 0 : i32
      %dma_start3A_821 = tpu.memref_slice %arg7[%add3A_799, %dma_start3A_820] : memref<125x80xi32, #tpu.memory_space<vmem>> -> memref<1x80xi32, #tpu.memory_space<vmem>>
      %dma_start3A_822 = tpu.memref_squeeze %dma_start3A_821 : memref<1x80xi32, #tpu.memory_space<vmem>> -> memref<80xi32, #tpu.memory_space<vmem>>
      %dma_start3A_823 = arith.constant 0 : i32
      %dma_start3A_824 = arith.constant 0 : i32
      %dma_start3A_825 = tpu.memref_slice %arg9[%dma_start3A_823, %dma_start3A_824] : memref<10240x64xf32, #tpu.memory_space<vmem_shared>> -> memref<10240x64xf32, #tpu.memory_space<vmem_shared>>
      %dma_start3A_826 = tpu.memref_slice %arg12[%dma_start3A_815] : memref<5x!tpu.dma_semaphore, #tpu.memory_space<semaphore_mem>> -> memref<1x!tpu.dma_semaphore, #tpu.memory_space<semaphore_mem>>
      %dma_start3A_827 = tpu.memref_squeeze %dma_start3A_826 : memref<1x!tpu.dma_semaphore, #tpu.memory_space<semaphore_mem>> -> memref<!tpu.dma_semaphore, #tpu.memory_space<semaphore_mem>>
      tpu.enqueue_indirect_dma source(%dma_start3A_819 : memref<80x64xf32, #tpu.memory_space<vmem>>) target(%dma_start3A_825 : memref<10240x64xf32, #tpu.memory_space<vmem_shared>>) offsets(%dma_start3A_822 : memref<80xi32, #tpu.memory_space<vmem>>) semaphore(%dma_start3A_827 : memref<!tpu.dma_semaphore, #tpu.memory_space<semaphore_mem>>) {add = true}
      %dma_wait3A_828 = arith.constant 2 : i32
      %dma_wait3A_829 = arith.constant 2 : i32
      %dma_wait3A_830 = arith.constant 0 : i32
      %dma_wait3A_831 = arith.constant 0 : i32
      %dma_wait3A_832 = tpu.memref_slice %arg8[%dma_wait3A_828, %dma_wait3A_830, %dma_wait3A_831] : memref<5x80x64xf32, #tpu.memory_space<vmem>> -> memref<1x80x64xf32, #tpu.memory_space<vmem>>
      %dma_wait3A_833 = tpu.memref_squeeze %dma_wait3A_832 : memref<1x80x64xf32, #tpu.memory_space<vmem>> -> memref<80x64xf32, #tpu.memory_space<vmem>>
      %dma_wait3A_834 = arith.constant 0 : i32
      %dma_wait3A_835 = arith.constant 0 : i32
      %dma_wait3A_836 = tpu.memref_slice %arg9[%dma_wait3A_834, %dma_wait3A_835] : memref<10240x64xf32, #tpu.memory_space<vmem_shared>> -> memref<80x64xf32, #tpu.memory_space<vmem_shared>>
      %dma_wait3A_837 = tpu.memref_slice %arg12[%dma_wait3A_829] : memref<5x!tpu.dma_semaphore, #tpu.memory_space<semaphore_mem>> -> memref<1x!tpu.dma_semaphore, #tpu.memory_space<semaphore_mem>>
      %dma_wait3A_838 = tpu.memref_squeeze %dma_wait3A_837 : memref<1x!tpu.dma_semaphore, #tpu.memory_space<semaphore_mem>> -> memref<!tpu.dma_semaphore, #tpu.memory_space<semaphore_mem>>
      %dma_wait3A_839 = arith.constant 0 : i32
      %dma_wait3A_840 = arith.constant 0 : i32
      %dma_wait3A_841 = tpu.memref_slice %arg9[%dma_wait3A_839, %dma_wait3A_840] : memref<10240x64xf32, #tpu.memory_space<vmem_shared>> -> memref<80x64xf32, #tpu.memory_space<vmem_shared>>
      %dma_wait3A_842 = arith.constant 0 : i32
      %dma_wait3A_843 = arith.constant 0 : i32
      %dma_wait3A_844 = tpu.memref_slice %arg8[%dma_wait3A_828, %dma_wait3A_842, %dma_wait3A_843] : memref<5x80x64xf32, #tpu.memory_space<vmem>> -> memref<1x80x64xf32, #tpu.memory_space<vmem>>
      %dma_wait3A_845 = tpu.memref_squeeze %dma_wait3A_844 : memref<1x80x64xf32, #tpu.memory_space<vmem>> -> memref<80x64xf32, #tpu.memory_space<vmem>>
      tpu.wait_dma2 semaphore(%dma_wait3A_838 : memref<!tpu.dma_semaphore, #tpu.memory_space<semaphore_mem>>) src(%dma_wait3A_845 : memref<80x64xf32, #tpu.memory_space<vmem>>) dst(%dma_wait3A_841 : memref<80x64xf32, #tpu.memory_space<vmem_shared>>)
      %add3A_846 = arith.constant 1 : i32
      %add3A_847 = arith.addi %add3A_799, %add3A_846 : i32
      %dma_start3A_848 = arith.constant 2 : i32
      %dma_start3A_849 = arith.constant 2 : i32
      %dma_start3A_850 = arith.constant 0 : i32
      %dma_start3A_851 = arith.constant 0 : i32
      %dma_start3A_852 = tpu.memref_slice %arg8[%dma_start3A_848, %dma_start3A_850, %dma_start3A_851] : memref<5x80x64xf32, #tpu.memory_space<vmem>> -> memref<1x80x64xf32, #tpu.memory_space<vmem>>
      %dma_start3A_853 = tpu.memref_squeeze %dma_start3A_852 : memref<1x80x64xf32, #tpu.memory_space<vmem>> -> memref<80x64xf32, #tpu.memory_space<vmem>>
      %dma_start3A_854 = arith.constant 0 : i32
      %dma_start3A_855 = tpu.memref_slice %arg6[%add3A_847, %dma_start3A_854] : memref<125x80xi32, #tpu.memory_space<vmem>> -> memref<1x80xi32, #tpu.memory_space<vmem>>
      %dma_start3A_856 = tpu.memref_squeeze %dma_start3A_855 : memref<1x80xi32, #tpu.memory_space<vmem>> -> memref<80xi32, #tpu.memory_space<vmem>>
      %dma_start3A_857 = arith.constant 0 : i32
      %dma_start3A_858 = arith.constant 0 : i32
      %dma_start3A_859 = tpu.memref_slice %arg2[%dma_start3A_857, %dma_start3A_858] : memref<10000x64xf32, #tpu.memory_space<hbm>> -> memref<10000x64xf32, #tpu.memory_space<hbm>>
      %dma_start3A_860 = tpu.memref_slice %arg11[%dma_start3A_849] : memref<5x!tpu.dma_semaphore, #tpu.memory_space<semaphore_mem>> -> memref<1x!tpu.dma_semaphore, #tpu.memory_space<semaphore_mem>>
      %dma_start3A_861 = tpu.memref_squeeze %dma_start3A_860 : memref<1x!tpu.dma_semaphore, #tpu.memory_space<semaphore_mem>> -> memref<!tpu.dma_semaphore, #tpu.memory_space<semaphore_mem>>
      tpu.enqueue_indirect_dma source(%dma_start3A_859 : memref<10000x64xf32, #tpu.memory_space<hbm>>) target(%dma_start3A_853 : memref<80x64xf32, #tpu.memory_space<vmem>>) offsets(%dma_start3A_856 : memref<80xi32, #tpu.memory_space<vmem>>) semaphore(%dma_start3A_861 : memref<!tpu.dma_semaphore, #tpu.memory_space<semaphore_mem>>)
      %mul3A_862 = arith.constant 5 : i32
      %mul3A_863 = arith.muli %scan3A_729, %mul3A_862 : i32
      %add3A_864 = arith.constant 2 : i32
      %add3A_865 = arith.addi %mul3A_863, %add3A_864 : i32
      %dma_wait3A_866 = arith.constant 2 : i32
      %dma_wait3A_867 = arith.constant 2 : i32
      %dma_wait3A_868 = arith.constant 0 : i32
      %dma_wait3A_869 = arith.constant 0 : i32
      %dma_wait3A_870 = tpu.memref_slice %arg8[%dma_wait3A_866, %dma_wait3A_868, %dma_wait3A_869] : memref<5x80x64xf32, #tpu.memory_space<vmem>> -> memref<1x80x64xf32, #tpu.memory_space<vmem>>
      %dma_wait3A_871 = tpu.memref_squeeze %dma_wait3A_870 : memref<1x80x64xf32, #tpu.memory_space<vmem>> -> memref<80x64xf32, #tpu.memory_space<vmem>>
      %dma_wait3A_872 = arith.constant 0 : i32
      %dma_wait3A_873 = tpu.memref_slice %arg6[%add3A_865, %dma_wait3A_872] : memref<125x80xi32, #tpu.memory_space<vmem>> -> memref<1x80xi32, #tpu.memory_space<vmem>>
      %dma_wait3A_874 = tpu.memref_squeeze %dma_wait3A_873 : memref<1x80xi32, #tpu.memory_space<vmem>> -> memref<80xi32, #tpu.memory_space<vmem>>
      %dma_wait3A_875 = arith.constant 0 : i32
      %dma_wait3A_876 = arith.constant 0 : i32
      %dma_wait3A_877 = tpu.memref_slice %arg2[%dma_wait3A_875, %dma_wait3A_876] : memref<10000x64xf32, #tpu.memory_space<hbm>> -> memref<10000x64xf32, #tpu.memory_space<hbm>>
      %dma_wait3A_878 = tpu.memref_slice %arg11[%dma_wait3A_867] : memref<5x!tpu.dma_semaphore, #tpu.memory_space<semaphore_mem>> -> memref<1x!tpu.dma_semaphore, #tpu.memory_space<semaphore_mem>>
      %dma_wait3A_879 = tpu.memref_squeeze %dma_wait3A_878 : memref<1x!tpu.dma_semaphore, #tpu.memory_space<semaphore_mem>> -> memref<!tpu.dma_semaphore, #tpu.memory_space<semaphore_mem>>
      tpu.wait_indirect_dma semaphore(%dma_wait3A_879 : memref<!tpu.dma_semaphore, #tpu.memory_space<semaphore_mem>>) src(%dma_wait3A_877 : memref<10000x64xf32, #tpu.memory_space<hbm>>) dst(%dma_wait3A_871 : memref<80x64xf32, #tpu.memory_space<vmem>>)
      %dma_start3A_880 = arith.constant 2 : i32
      %dma_start3A_881 = arith.constant 2 : i32
      %dma_start3A_882 = arith.constant 0 : i32
      %dma_start3A_883 = arith.constant 0 : i32
      %dma_start3A_884 = tpu.memref_slice %arg8[%dma_start3A_880, %dma_start3A_882, %dma_start3A_883] : memref<5x80x64xf32, #tpu.memory_space<vmem>> -> memref<1x80x64xf32, #tpu.memory_space<vmem>>
      %dma_start3A_885 = tpu.memref_squeeze %dma_start3A_884 : memref<1x80x64xf32, #tpu.memory_space<vmem>> -> memref<80x64xf32, #tpu.memory_space<vmem>>
      %dma_start3A_886 = arith.constant 0 : i32
      %dma_start3A_887 = tpu.memref_slice %arg7[%add3A_865, %dma_start3A_886] : memref<125x80xi32, #tpu.memory_space<vmem>> -> memref<1x80xi32, #tpu.memory_space<vmem>>
      %dma_start3A_888 = tpu.memref_squeeze %dma_start3A_887 : memref<1x80xi32, #tpu.memory_space<vmem>> -> memref<80xi32, #tpu.memory_space<vmem>>
      %dma_start3A_889 = arith.constant 0 : i32
      %dma_start3A_890 = arith.constant 0 : i32
      %dma_start3A_891 = tpu.memref_slice %arg9[%dma_start3A_889, %dma_start3A_890] : memref<10240x64xf32, #tpu.memory_space<vmem_shared>> -> memref<10240x64xf32, #tpu.memory_space<vmem_shared>>
      %dma_start3A_892 = tpu.memref_slice %arg12[%dma_start3A_881] : memref<5x!tpu.dma_semaphore, #tpu.memory_space<semaphore_mem>> -> memref<1x!tpu.dma_semaphore, #tpu.memory_space<semaphore_mem>>
      %dma_start3A_893 = tpu.memref_squeeze %dma_start3A_892 : memref<1x!tpu.dma_semaphore, #tpu.memory_space<semaphore_mem>> -> memref<!tpu.dma_semaphore, #tpu.memory_space<semaphore_mem>>
      tpu.enqueue_indirect_dma source(%dma_start3A_885 : memref<80x64xf32, #tpu.memory_space<vmem>>) target(%dma_start3A_891 : memref<10240x64xf32, #tpu.memory_space<vmem_shared>>) offsets(%dma_start3A_888 : memref<80xi32, #tpu.memory_space<vmem>>) semaphore(%dma_start3A_893 : memref<!tpu.dma_semaphore, #tpu.memory_space<semaphore_mem>>) {add = true}
      %dma_wait3A_894 = arith.constant 3 : i32
      %dma_wait3A_895 = arith.constant 3 : i32
      %dma_wait3A_896 = arith.constant 0 : i32
      %dma_wait3A_897 = arith.constant 0 : i32
      %dma_wait3A_898 = tpu.memref_slice %arg8[%dma_wait3A_894, %dma_wait3A_896, %dma_wait3A_897] : memref<5x80x64xf32, #tpu.memory_space<vmem>> -> memref<1x80x64xf32, #tpu.memory_space<vmem>>
      %dma_wait3A_899 = tpu.memref_squeeze %dma_wait3A_898 : memref<1x80x64xf32, #tpu.memory_space<vmem>> -> memref<80x64xf32, #tpu.memory_space<vmem>>
      %dma_wait3A_900 = arith.constant 0 : i32
      %dma_wait3A_901 = arith.constant 0 : i32
      %dma_wait3A_902 = tpu.memref_slice %arg9[%dma_wait3A_900, %dma_wait3A_901] : memref<10240x64xf32, #tpu.memory_space<vmem_shared>> -> memref<80x64xf32, #tpu.memory_space<vmem_shared>>
      %dma_wait3A_903 = tpu.memref_slice %arg12[%dma_wait3A_895] : memref<5x!tpu.dma_semaphore, #tpu.memory_space<semaphore_mem>> -> memref<1x!tpu.dma_semaphore, #tpu.memory_space<semaphore_mem>>
      %dma_wait3A_904 = tpu.memref_squeeze %dma_wait3A_903 : memref<1x!tpu.dma_semaphore, #tpu.memory_space<semaphore_mem>> -> memref<!tpu.dma_semaphore, #tpu.memory_space<semaphore_mem>>
      %dma_wait3A_905 = arith.constant 0 : i32
      %dma_wait3A_906 = arith.constant 0 : i32
      %dma_wait3A_907 = tpu.memref_slice %arg9[%dma_wait3A_905, %dma_wait3A_906] : memref<10240x64xf32, #tpu.memory_space<vmem_shared>> -> memref<80x64xf32, #tpu.memory_space<vmem_shared>>
      %dma_wait3A_908 = arith.constant 0 : i32
      %dma_wait3A_909 = arith.constant 0 : i32
      %dma_wait3A_910 = tpu.memref_slice %arg8[%dma_wait3A_894, %dma_wait3A_908, %dma_wait3A_909] : memref<5x80x64xf32, #tpu.memory_space<vmem>> -> memref<1x80x64xf32, #tpu.memory_space<vmem>>
      %dma_wait3A_911 = tpu.memref_squeeze %dma_wait3A_910 : memref<1x80x64xf32, #tpu.memory_space<vmem>> -> memref<80x64xf32, #tpu.memory_space<vmem>>
      tpu.wait_dma2 semaphore(%dma_wait3A_904 : memref<!tpu.dma_semaphore, #tpu.memory_space<semaphore_mem>>) src(%dma_wait3A_911 : memref<80x64xf32, #tpu.memory_space<vmem>>) dst(%dma_wait3A_907 : memref<80x64xf32, #tpu.memory_space<vmem_shared>>)
      %add3A_912 = arith.constant 1 : i32
      %add3A_913 = arith.addi %add3A_865, %add3A_912 : i32
      %dma_start3A_914 = arith.constant 3 : i32
      %dma_start3A_915 = arith.constant 3 : i32
      %dma_start3A_916 = arith.constant 0 : i32
      %dma_start3A_917 = arith.constant 0 : i32
      %dma_start3A_918 = tpu.memref_slice %arg8[%dma_start3A_914, %dma_start3A_916, %dma_start3A_917] : memref<5x80x64xf32, #tpu.memory_space<vmem>> -> memref<1x80x64xf32, #tpu.memory_space<vmem>>
      %dma_start3A_919 = tpu.memref_squeeze %dma_start3A_918 : memref<1x80x64xf32, #tpu.memory_space<vmem>> -> memref<80x64xf32, #tpu.memory_space<vmem>>
      %dma_start3A_920 = arith.constant 0 : i32
      %dma_start3A_921 = tpu.memref_slice %arg6[%add3A_913, %dma_start3A_920] : memref<125x80xi32, #tpu.memory_space<vmem>> -> memref<1x80xi32, #tpu.memory_space<vmem>>
      %dma_start3A_922 = tpu.memref_squeeze %dma_start3A_921 : memref<1x80xi32, #tpu.memory_space<vmem>> -> memref<80xi32, #tpu.memory_space<vmem>>
      %dma_start3A_923 = arith.constant 0 : i32
      %dma_start3A_924 = arith.constant 0 : i32
      %dma_start3A_925 = tpu.memref_slice %arg2[%dma_start3A_923, %dma_start3A_924] : memref<10000x64xf32, #tpu.memory_space<hbm>> -> memref<10000x64xf32, #tpu.memory_space<hbm>>
      %dma_start3A_926 = tpu.memref_slice %arg11[%dma_start3A_915] : memref<5x!tpu.dma_semaphore, #tpu.memory_space<semaphore_mem>> -> memref<1x!tpu.dma_semaphore, #tpu.memory_space<semaphore_mem>>
      %dma_start3A_927 = tpu.memref_squeeze %dma_start3A_926 : memref<1x!tpu.dma_semaphore, #tpu.memory_space<semaphore_mem>> -> memref<!tpu.dma_semaphore, #tpu.memory_space<semaphore_mem>>
      tpu.enqueue_indirect_dma source(%dma_start3A_925 : memref<10000x64xf32, #tpu.memory_space<hbm>>) target(%dma_start3A_919 : memref<80x64xf32, #tpu.memory_space<vmem>>) offsets(%dma_start3A_922 : memref<80xi32, #tpu.memory_space<vmem>>) semaphore(%dma_start3A_927 : memref<!tpu.dma_semaphore, #tpu.memory_space<semaphore_mem>>)
      %mul3A_928 = arith.constant 5 : i32
      %mul3A_929 = arith.muli %scan3A_729, %mul3A_928 : i32
      %add3A_930 = arith.constant 3 : i32
      %add3A_931 = arith.addi %mul3A_929, %add3A_930 : i32
      %dma_wait3A_932 = arith.constant 3 : i32
      %dma_wait3A_933 = arith.constant 3 : i32
      %dma_wait3A_934 = arith.constant 0 : i32
      %dma_wait3A_935 = arith.constant 0 : i32
      %dma_wait3A_936 = tpu.memref_slice %arg8[%dma_wait3A_932, %dma_wait3A_934, %dma_wait3A_935] : memref<5x80x64xf32, #tpu.memory_space<vmem>> -> memref<1x80x64xf32, #tpu.memory_space<vmem>>
      %dma_wait3A_937 = tpu.memref_squeeze %dma_wait3A_936 : memref<1x80x64xf32, #tpu.memory_space<vmem>> -> memref<80x64xf32, #tpu.memory_space<vmem>>
      %dma_wait3A_938 = arith.constant 0 : i32
      %dma_wait3A_939 = tpu.memref_slice %arg6[%add3A_931, %dma_wait3A_938] : memref<125x80xi32, #tpu.memory_space<vmem>> -> memref<1x80xi32, #tpu.memory_space<vmem>>
      %dma_wait3A_940 = tpu.memref_squeeze %dma_wait3A_939 : memref<1x80xi32, #tpu.memory_space<vmem>> -> memref<80xi32, #tpu.memory_space<vmem>>
      %dma_wait3A_941 = arith.constant 0 : i32
      %dma_wait3A_942 = arith.constant 0 : i32
      %dma_wait3A_943 = tpu.memref_slice %arg2[%dma_wait3A_941, %dma_wait3A_942] : memref<10000x64xf32, #tpu.memory_space<hbm>> -> memref<10000x64xf32, #tpu.memory_space<hbm>>
      %dma_wait3A_944 = tpu.memref_slice %arg11[%dma_wait3A_933] : memref<5x!tpu.dma_semaphore, #tpu.memory_space<semaphore_mem>> -> memref<1x!tpu.dma_semaphore, #tpu.memory_space<semaphore_mem>>
      %dma_wait3A_945 = tpu.memref_squeeze %dma_wait3A_944 : memref<1x!tpu.dma_semaphore, #tpu.memory_space<semaphore_mem>> -> memref<!tpu.dma_semaphore, #tpu.memory_space<semaphore_mem>>
      tpu.wait_indirect_dma semaphore(%dma_wait3A_945 : memref<!tpu.dma_semaphore, #tpu.memory_space<semaphore_mem>>) src(%dma_wait3A_943 : memref<10000x64xf32, #tpu.memory_space<hbm>>) dst(%dma_wait3A_937 : memref<80x64xf32, #tpu.memory_space<vmem>>)
      %dma_start3A_946 = arith.constant 3 : i32
      %dma_start3A_947 = arith.constant 3 : i32
      %dma_start3A_948 = arith.constant 0 : i32
      %dma_start3A_949 = arith.constant 0 : i32
      %dma_start3A_950 = tpu.memref_slice %arg8[%dma_start3A_946, %dma_start3A_948, %dma_start3A_949] : memref<5x80x64xf32, #tpu.memory_space<vmem>> -> memref<1x80x64xf32, #tpu.memory_space<vmem>>
      %dma_start3A_951 = tpu.memref_squeeze %dma_start3A_950 : memref<1x80x64xf32, #tpu.memory_space<vmem>> -> memref<80x64xf32, #tpu.memory_space<vmem>>
      %dma_start3A_952 = arith.constant 0 : i32
      %dma_start3A_953 = tpu.memref_slice %arg7[%add3A_931, %dma_start3A_952] : memref<125x80xi32, #tpu.memory_space<vmem>> -> memref<1x80xi32, #tpu.memory_space<vmem>>
      %dma_start3A_954 = tpu.memref_squeeze %dma_start3A_953 : memref<1x80xi32, #tpu.memory_space<vmem>> -> memref<80xi32, #tpu.memory_space<vmem>>
      %dma_start3A_955 = arith.constant 0 : i32
      %dma_start3A_956 = arith.constant 0 : i32
      %dma_start3A_957 = tpu.memref_slice %arg9[%dma_start3A_955, %dma_start3A_956] : memref<10240x64xf32, #tpu.memory_space<vmem_shared>> -> memref<10240x64xf32, #tpu.memory_space<vmem_shared>>
      %dma_start3A_958 = tpu.memref_slice %arg12[%dma_start3A_947] : memref<5x!tpu.dma_semaphore, #tpu.memory_space<semaphore_mem>> -> memref<1x!tpu.dma_semaphore, #tpu.memory_space<semaphore_mem>>
      %dma_start3A_959 = tpu.memref_squeeze %dma_start3A_958 : memref<1x!tpu.dma_semaphore, #tpu.memory_space<semaphore_mem>> -> memref<!tpu.dma_semaphore, #tpu.memory_space<semaphore_mem>>
      tpu.enqueue_indirect_dma source(%dma_start3A_951 : memref<80x64xf32, #tpu.memory_space<vmem>>) target(%dma_start3A_957 : memref<10240x64xf32, #tpu.memory_space<vmem_shared>>) offsets(%dma_start3A_954 : memref<80xi32, #tpu.memory_space<vmem>>) semaphore(%dma_start3A_959 : memref<!tpu.dma_semaphore, #tpu.memory_space<semaphore_mem>>) {add = true}
      %dma_wait3A_960 = arith.constant 4 : i32
      %dma_wait3A_961 = arith.constant 4 : i32
      %dma_wait3A_962 = arith.constant 0 : i32
      %dma_wait3A_963 = arith.constant 0 : i32
      %dma_wait3A_964 = tpu.memref_slice %arg8[%dma_wait3A_960, %dma_wait3A_962, %dma_wait3A_963] : memref<5x80x64xf32, #tpu.memory_space<vmem>> -> memref<1x80x64xf32, #tpu.memory_space<vmem>>
      %dma_wait3A_965 = tpu.memref_squeeze %dma_wait3A_964 : memref<1x80x64xf32, #tpu.memory_space<vmem>> -> memref<80x64xf32, #tpu.memory_space<vmem>>
      %dma_wait3A_966 = arith.constant 0 : i32
      %dma_wait3A_967 = arith.constant 0 : i32
      %dma_wait3A_968 = tpu.memref_slice %arg9[%dma_wait3A_966, %dma_wait3A_967] : memref<10240x64xf32, #tpu.memory_space<vmem_shared>> -> memref<80x64xf32, #tpu.memory_space<vmem_shared>>
      %dma_wait3A_969 = tpu.memref_slice %arg12[%dma_wait3A_961] : memref<5x!tpu.dma_semaphore, #tpu.memory_space<semaphore_mem>> -> memref<1x!tpu.dma_semaphore, #tpu.memory_space<semaphore_mem>>
      %dma_wait3A_970 = tpu.memref_squeeze %dma_wait3A_969 : memref<1x!tpu.dma_semaphore, #tpu.memory_space<semaphore_mem>> -> memref<!tpu.dma_semaphore, #tpu.memory_space<semaphore_mem>>
      %dma_wait3A_971 = arith.constant 0 : i32
      %dma_wait3A_972 = arith.constant 0 : i32
      %dma_wait3A_973 = tpu.memref_slice %arg9[%dma_wait3A_971, %dma_wait3A_972] : memref<10240x64xf32, #tpu.memory_space<vmem_shared>> -> memref<80x64xf32, #tpu.memory_space<vmem_shared>>
      %dma_wait3A_974 = arith.constant 0 : i32
      %dma_wait3A_975 = arith.constant 0 : i32
      %dma_wait3A_976 = tpu.memref_slice %arg8[%dma_wait3A_960, %dma_wait3A_974, %dma_wait3A_975] : memref<5x80x64xf32, #tpu.memory_space<vmem>> -> memref<1x80x64xf32, #tpu.memory_space<vmem>>
      %dma_wait3A_977 = tpu.memref_squeeze %dma_wait3A_976 : memref<1x80x64xf32, #tpu.memory_space<vmem>> -> memref<80x64xf32, #tpu.memory_space<vmem>>
      tpu.wait_dma2 semaphore(%dma_wait3A_970 : memref<!tpu.dma_semaphore, #tpu.memory_space<semaphore_mem>>) src(%dma_wait3A_977 : memref<80x64xf32, #tpu.memory_space<vmem>>) dst(%dma_wait3A_973 : memref<80x64xf32, #tpu.memory_space<vmem_shared>>)
      %add3A_978 = arith.constant 1 : i32
      %add3A_979 = arith.addi %add3A_931, %add3A_978 : i32
      %dma_start3A_980 = arith.constant 4 : i32
      %dma_start3A_981 = arith.constant 4 : i32
      %dma_start3A_982 = arith.constant 0 : i32
      %dma_start3A_983 = arith.constant 0 : i32
      %dma_start3A_984 = tpu.memref_slice %arg8[%dma_start3A_980, %dma_start3A_982, %dma_start3A_983] : memref<5x80x64xf32, #tpu.memory_space<vmem>> -> memref<1x80x64xf32, #tpu.memory_space<vmem>>
      %dma_start3A_985 = tpu.memref_squeeze %dma_start3A_984 : memref<1x80x64xf32, #tpu.memory_space<vmem>> -> memref<80x64xf32, #tpu.memory_space<vmem>>
      %dma_start3A_986 = arith.constant 0 : i32
      %dma_start3A_987 = tpu.memref_slice %arg6[%add3A_979, %dma_start3A_986] : memref<125x80xi32, #tpu.memory_space<vmem>> -> memref<1x80xi32, #tpu.memory_space<vmem>>
      %dma_start3A_988 = tpu.memref_squeeze %dma_start3A_987 : memref<1x80xi32, #tpu.memory_space<vmem>> -> memref<80xi32, #tpu.memory_space<vmem>>
      %dma_start3A_989 = arith.constant 0 : i32
      %dma_start3A_990 = arith.constant 0 : i32
      %dma_start3A_991 = tpu.memref_slice %arg2[%dma_start3A_989, %dma_start3A_990] : memref<10000x64xf32, #tpu.memory_space<hbm>> -> memref<10000x64xf32, #tpu.memory_space<hbm>>
      %dma_start3A_992 = tpu.memref_slice %arg11[%dma_start3A_981] : memref<5x!tpu.dma_semaphore, #tpu.memory_space<semaphore_mem>> -> memref<1x!tpu.dma_semaphore, #tpu.memory_space<semaphore_mem>>
      %dma_start3A_993 = tpu.memref_squeeze %dma_start3A_992 : memref<1x!tpu.dma_semaphore, #tpu.memory_space<semaphore_mem>> -> memref<!tpu.dma_semaphore, #tpu.memory_space<semaphore_mem>>
      tpu.enqueue_indirect_dma source(%dma_start3A_991 : memref<10000x64xf32, #tpu.memory_space<hbm>>) target(%dma_start3A_985 : memref<80x64xf32, #tpu.memory_space<vmem>>) offsets(%dma_start3A_988 : memref<80xi32, #tpu.memory_space<vmem>>) semaphore(%dma_start3A_993 : memref<!tpu.dma_semaphore, #tpu.memory_space<semaphore_mem>>)
      %mul3A_994 = arith.constant 5 : i32
      %mul3A_995 = arith.muli %scan3A_729, %mul3A_994 : i32
      %add3A_996 = arith.constant 4 : i32
      %add3A_997 = arith.addi %mul3A_995, %add3A_996 : i32
      %dma_wait3A_998 = arith.constant 4 : i32
      %dma_wait3A_999 = arith.constant 4 : i32
      %dma_wait3A_1000 = arith.constant 0 : i32
      %dma_wait3A_1001 = arith.constant 0 : i32
      %dma_wait3A_1002 = tpu.memref_slice %arg8[%dma_wait3A_998, %dma_wait3A_1000, %dma_wait3A_1001] : memref<5x80x64xf32, #tpu.memory_space<vmem>> -> memref<1x80x64xf32, #tpu.memory_space<vmem>>
      %dma_wait3A_1003 = tpu.memref_squeeze %dma_wait3A_1002 : memref<1x80x64xf32, #tpu.memory_space<vmem>> -> memref<80x64xf32, #tpu.memory_space<vmem>>
      %dma_wait3A_1004 = arith.constant 0 : i32
      %dma_wait3A_1005 = tpu.memref_slice %arg6[%add3A_997, %dma_wait3A_1004] : memref<125x80xi32, #tpu.memory_space<vmem>> -> memref<1x80xi32, #tpu.memory_space<vmem>>
      %dma_wait3A_1006 = tpu.memref_squeeze %dma_wait3A_1005 : memref<1x80xi32, #tpu.memory_space<vmem>> -> memref<80xi32, #tpu.memory_space<vmem>>
      %dma_wait3A_1007 = arith.constant 0 : i32
      %dma_wait3A_1008 = arith.constant 0 : i32
      %dma_wait3A_1009 = tpu.memref_slice %arg2[%dma_wait3A_1007, %dma_wait3A_1008] : memref<10000x64xf32, #tpu.memory_space<hbm>> -> memref<10000x64xf32, #tpu.memory_space<hbm>>
      %dma_wait3A_1010 = tpu.memref_slice %arg11[%dma_wait3A_999] : memref<5x!tpu.dma_semaphore, #tpu.memory_space<semaphore_mem>> -> memref<1x!tpu.dma_semaphore, #tpu.memory_space<semaphore_mem>>
      %dma_wait3A_1011 = tpu.memref_squeeze %dma_wait3A_1010 : memref<1x!tpu.dma_semaphore, #tpu.memory_space<semaphore_mem>> -> memref<!tpu.dma_semaphore, #tpu.memory_space<semaphore_mem>>
      tpu.wait_indirect_dma semaphore(%dma_wait3A_1011 : memref<!tpu.dma_semaphore, #tpu.memory_space<semaphore_mem>>) src(%dma_wait3A_1009 : memref<10000x64xf32, #tpu.memory_space<hbm>>) dst(%dma_wait3A_1003 : memref<80x64xf32, #tpu.memory_space<vmem>>)
      %dma_start3A_1012 = arith.constant 4 : i32
      %dma_start3A_1013 = arith.constant 4 : i32
      %dma_start3A_1014 = arith.constant 0 : i32
      %dma_start3A_1015 = arith.constant 0 : i32
      %dma_start3A_1016 = tpu.memref_slice %arg8[%dma_start3A_1012, %dma_start3A_1014, %dma_start3A_1015] : memref<5x80x64xf32, #tpu.memory_space<vmem>> -> memref<1x80x64xf32, #tpu.memory_space<vmem>>
      %dma_start3A_1017 = tpu.memref_squeeze %dma_start3A_1016 : memref<1x80x64xf32, #tpu.memory_space<vmem>> -> memref<80x64xf32, #tpu.memory_space<vmem>>
      %dma_start3A_1018 = arith.constant 0 : i32
      %dma_start3A_1019 = tpu.memref_slice %arg7[%add3A_997, %dma_start3A_1018] : memref<125x80xi32, #tpu.memory_space<vmem>> -> memref<1x80xi32, #tpu.memory_space<vmem>>
      %dma_start3A_1020 = tpu.memref_squeeze %dma_start3A_1019 : memref<1x80xi32, #tpu.memory_space<vmem>> -> memref<80xi32, #tpu.memory_space<vmem>>
      %dma_start3A_1021 = arith.constant 0 : i32
      %dma_start3A_1022 = arith.constant 0 : i32
      %dma_start3A_1023 = tpu.memref_slice %arg9[%dma_start3A_1021, %dma_start3A_1022] : memref<10240x64xf32, #tpu.memory_space<vmem_shared>> -> memref<10240x64xf32, #tpu.memory_space<vmem_shared>>
      %dma_start3A_1024 = tpu.memref_slice %arg12[%dma_start3A_1013] : memref<5x!tpu.dma_semaphore, #tpu.memory_space<semaphore_mem>> -> memref<1x!tpu.dma_semaphore, #tpu.memory_space<semaphore_mem>>
      %dma_start3A_1025 = tpu.memref_squeeze %dma_start3A_1024 : memref<1x!tpu.dma_semaphore, #tpu.memory_space<semaphore_mem>> -> memref<!tpu.dma_semaphore, #tpu.memory_space<semaphore_mem>>
      tpu.enqueue_indirect_dma source(%dma_start3A_1017 : memref<80x64xf32, #tpu.memory_space<vmem>>) target(%dma_start3A_1023 : memref<10240x64xf32, #tpu.memory_space<vmem_shared>>) offsets(%dma_start3A_1020 : memref<80xi32, #tpu.memory_space<vmem>>) semaphore(%dma_start3A_1025 : memref<!tpu.dma_semaphore, #tpu.memory_space<semaphore_mem>>) {add = true}
      %dma_wait3A_1026 = arith.constant 0 : i32
      %dma_wait3A_1027 = arith.constant 0 : i32
      %dma_wait3A_1028 = arith.constant 0 : i32
      %dma_wait3A_1029 = arith.constant 0 : i32
      %dma_wait3A_1030 = tpu.memref_slice %arg8[%dma_wait3A_1026, %dma_wait3A_1028, %dma_wait3A_1029] : memref<5x80x64xf32, #tpu.memory_space<vmem>> -> memref<1x80x64xf32, #tpu.memory_space<vmem>>
      %dma_wait3A_1031 = tpu.memref_squeeze %dma_wait3A_1030 : memref<1x80x64xf32, #tpu.memory_space<vmem>> -> memref<80x64xf32, #tpu.memory_space<vmem>>
      %dma_wait3A_1032 = arith.constant 0 : i32
      %dma_wait3A_1033 = arith.constant 0 : i32
      %dma_wait3A_1034 = tpu.memref_slice %arg9[%dma_wait3A_1032, %dma_wait3A_1033] : memref<10240x64xf32, #tpu.memory_space<vmem_shared>> -> memref<80x64xf32, #tpu.memory_space<vmem_shared>>
      %dma_wait3A_1035 = tpu.memref_slice %arg12[%dma_wait3A_1027] : memref<5x!tpu.dma_semaphore, #tpu.memory_space<semaphore_mem>> -> memref<1x!tpu.dma_semaphore, #tpu.memory_space<semaphore_mem>>
      %dma_wait3A_1036 = tpu.memref_squeeze %dma_wait3A_1035 : memref<1x!tpu.dma_semaphore, #tpu.memory_space<semaphore_mem>> -> memref<!tpu.dma_semaphore, #tpu.memory_space<semaphore_mem>>
      %dma_wait3A_1037 = arith.constant 0 : i32
      %dma_wait3A_1038 = arith.constant 0 : i32
      %dma_wait3A_1039 = tpu.memref_slice %arg9[%dma_wait3A_1037, %dma_wait3A_1038] : memref<10240x64xf32, #tpu.memory_space<vmem_shared>> -> memref<80x64xf32, #tpu.memory_space<vmem_shared>>
      %dma_wait3A_1040 = arith.constant 0 : i32
      %dma_wait3A_1041 = arith.constant 0 : i32
      %dma_wait3A_1042 = tpu.memref_slice %arg8[%dma_wait3A_1026, %dma_wait3A_1040, %dma_wait3A_1041] : memref<5x80x64xf32, #tpu.memory_space<vmem>> -> memref<1x80x64xf32, #tpu.memory_space<vmem>>
      %dma_wait3A_1043 = tpu.memref_squeeze %dma_wait3A_1042 : memref<1x80x64xf32, #tpu.memory_space<vmem>> -> memref<80x64xf32, #tpu.memory_space<vmem>>
      tpu.wait_dma2 semaphore(%dma_wait3A_1036 : memref<!tpu.dma_semaphore, #tpu.memory_space<semaphore_mem>>) src(%dma_wait3A_1043 : memref<80x64xf32, #tpu.memory_space<vmem>>) dst(%dma_wait3A_1039 : memref<80x64xf32, #tpu.memory_space<vmem_shared>>)
      %add3A_1044 = arith.constant 1 : i32
      %add3A_1045 = arith.addi %add3A_997, %add3A_1044 : i32
      %dma_start3A_1046 = arith.constant 0 : i32
      %dma_start3A_1047 = arith.constant 0 : i32
      %dma_start3A_1048 = arith.constant 0 : i32
      %dma_start3A_1049 = arith.constant 0 : i32
      %dma_start3A_1050 = tpu.memref_slice %arg8[%dma_start3A_1046, %dma_start3A_1048, %dma_start3A_1049] : memref<5x80x64xf32, #tpu.memory_space<vmem>> -> memref<1x80x64xf32, #tpu.memory_space<vmem>>
      %dma_start3A_1051 = tpu.memref_squeeze %dma_start3A_1050 : memref<1x80x64xf32, #tpu.memory_space<vmem>> -> memref<80x64xf32, #tpu.memory_space<vmem>>
      %dma_start3A_1052 = arith.constant 0 : i32
      %dma_start3A_1053 = tpu.memref_slice %arg6[%add3A_1045, %dma_start3A_1052] : memref<125x80xi32, #tpu.memory_space<vmem>> -> memref<1x80xi32, #tpu.memory_space<vmem>>
      %dma_start3A_1054 = tpu.memref_squeeze %dma_start3A_1053 : memref<1x80xi32, #tpu.memory_space<vmem>> -> memref<80xi32, #tpu.memory_space<vmem>>
      %dma_start3A_1055 = arith.constant 0 : i32
      %dma_start3A_1056 = arith.constant 0 : i32
      %dma_start3A_1057 = tpu.memref_slice %arg2[%dma_start3A_1055, %dma_start3A_1056] : memref<10000x64xf32, #tpu.memory_space<hbm>> -> memref<10000x64xf32, #tpu.memory_space<hbm>>
      %dma_start3A_1058 = tpu.memref_slice %arg11[%dma_start3A_1047] : memref<5x!tpu.dma_semaphore, #tpu.memory_space<semaphore_mem>> -> memref<1x!tpu.dma_semaphore, #tpu.memory_space<semaphore_mem>>
      %dma_start3A_1059 = tpu.memref_squeeze %dma_start3A_1058 : memref<1x!tpu.dma_semaphore, #tpu.memory_space<semaphore_mem>> -> memref<!tpu.dma_semaphore, #tpu.memory_space<semaphore_mem>>
      tpu.enqueue_indirect_dma source(%dma_start3A_1057 : memref<10000x64xf32, #tpu.memory_space<hbm>>) target(%dma_start3A_1051 : memref<80x64xf32, #tpu.memory_space<vmem>>) offsets(%dma_start3A_1054 : memref<80xi32, #tpu.memory_space<vmem>>) semaphore(%dma_start3A_1059 : memref<!tpu.dma_semaphore, #tpu.memory_space<semaphore_mem>>)
    }
    %scan3A_351 = arith.constant 23 : i32
    %dma_wait3A_352 = arith.constant 120 : i32
    %dma_wait3A_353 = arith.constant 0 : i32
    %dma_wait3A_354 = arith.constant 0 : i32
    %dma_wait3A_355 = arith.constant 0 : i32
    %dma_wait3A_356 = arith.constant 0 : i32
    %dma_wait3A_357 = tpu.memref_slice %arg8[%dma_wait3A_353, %dma_wait3A_355, %dma_wait3A_356] : memref<5x80x64xf32, #tpu.memory_space<vmem>> -> memref<1x80x64xf32, #tpu.memory_space<vmem>>
    %dma_wait3A_358 = tpu.memref_squeeze %dma_wait3A_357 : memref<1x80x64xf32, #tpu.memory_space<vmem>> -> memref<80x64xf32, #tpu.memory_space<vmem>>
    %dma_wait3A_359 = arith.constant 0 : i32
    %dma_wait3A_360 = tpu.memref_slice %arg6[%dma_wait3A_352, %dma_wait3A_359] : memref<125x80xi32, #tpu.memory_space<vmem>> -> memref<1x80xi32, #tpu.memory_space<vmem>>
    %dma_wait3A_361 = tpu.memref_squeeze %dma_wait3A_360 : memref<1x80xi32, #tpu.memory_space<vmem>> -> memref<80xi32, #tpu.memory_space<vmem>>
    %dma_wait3A_362 = arith.constant 0 : i32
    %dma_wait3A_363 = arith.constant 0 : i32
    %dma_wait3A_364 = tpu.memref_slice %arg2[%dma_wait3A_362, %dma_wait3A_363] : memref<10000x64xf32, #tpu.memory_space<hbm>> -> memref<10000x64xf32, #tpu.memory_space<hbm>>
    %dma_wait3A_365 = tpu.memref_slice %arg11[%dma_wait3A_354] : memref<5x!tpu.dma_semaphore, #tpu.memory_space<semaphore_mem>> -> memref<1x!tpu.dma_semaphore, #tpu.memory_space<semaphore_mem>>
    %dma_wait3A_366 = tpu.memref_squeeze %dma_wait3A_365 : memref<1x!tpu.dma_semaphore, #tpu.memory_space<semaphore_mem>> -> memref<!tpu.dma_semaphore, #tpu.memory_space<semaphore_mem>>
    tpu.wait_indirect_dma semaphore(%dma_wait3A_366 : memref<!tpu.dma_semaphore, #tpu.memory_space<semaphore_mem>>) src(%dma_wait3A_364 : memref<10000x64xf32, #tpu.memory_space<hbm>>) dst(%dma_wait3A_358 : memref<80x64xf32, #tpu.memory_space<vmem>>)
    %dma_start3A_367 = arith.constant 0 : i32
    %dma_start3A_368 = arith.constant 120 : i32
    %dma_start3A_369 = arith.constant 0 : i32
    %dma_start3A_370 = arith.constant 0 : i32
    %dma_start3A_371 = arith.constant 0 : i32
    %dma_start3A_372 = tpu.memref_slice %arg8[%dma_start3A_367, %dma_start3A_370, %dma_start3A_371] : memref<5x80x64xf32, #tpu.memory_space<vmem>> -> memref<1x80x64xf32, #tpu.memory_space<vmem>>
    %dma_start3A_373 = tpu.memref_squeeze %dma_start3A_372 : memref<1x80x64xf32, #tpu.memory_space<vmem>> -> memref<80x64xf32, #tpu.memory_space<vmem>>
    %dma_start3A_374 = arith.constant 0 : i32
    %dma_start3A_375 = tpu.memref_slice %arg7[%dma_start3A_368, %dma_start3A_374] : memref<125x80xi32, #tpu.memory_space<vmem>> -> memref<1x80xi32, #tpu.memory_space<vmem>>
    %dma_start3A_376 = tpu.memref_squeeze %dma_start3A_375 : memref<1x80xi32, #tpu.memory_space<vmem>> -> memref<80xi32, #tpu.memory_space<vmem>>
    %dma_start3A_377 = arith.constant 0 : i32
    %dma_start3A_378 = arith.constant 0 : i32
    %dma_start3A_379 = tpu.memref_slice %arg9[%dma_start3A_377, %dma_start3A_378] : memref<10240x64xf32, #tpu.memory_space<vmem_shared>> -> memref<10240x64xf32, #tpu.memory_space<vmem_shared>>
    %dma_start3A_380 = tpu.memref_slice %arg12[%dma_start3A_369] : memref<5x!tpu.dma_semaphore, #tpu.memory_space<semaphore_mem>> -> memref<1x!tpu.dma_semaphore, #tpu.memory_space<semaphore_mem>>
    %dma_start3A_381 = tpu.memref_squeeze %dma_start3A_380 : memref<1x!tpu.dma_semaphore, #tpu.memory_space<semaphore_mem>> -> memref<!tpu.dma_semaphore, #tpu.memory_space<semaphore_mem>>
    tpu.enqueue_indirect_dma source(%dma_start3A_373 : memref<80x64xf32, #tpu.memory_space<vmem>>) target(%dma_start3A_379 : memref<10240x64xf32, #tpu.memory_space<vmem_shared>>) offsets(%dma_start3A_376 : memref<80xi32, #tpu.memory_space<vmem>>) semaphore(%dma_start3A_381 : memref<!tpu.dma_semaphore, #tpu.memory_space<semaphore_mem>>) {add = true}
    %dma_wait3A_382 = arith.constant 1 : i32
    %dma_wait3A_383 = arith.constant 1 : i32
    %dma_wait3A_384 = arith.constant 0 : i32
    %dma_wait3A_385 = arith.constant 0 : i32
    %dma_wait3A_386 = tpu.memref_slice %arg8[%dma_wait3A_382, %dma_wait3A_384, %dma_wait3A_385] : memref<5x80x64xf32, #tpu.memory_space<vmem>> -> memref<1x80x64xf32, #tpu.memory_space<vmem>>
    %dma_wait3A_387 = tpu.memref_squeeze %dma_wait3A_386 : memref<1x80x64xf32, #tpu.memory_space<vmem>> -> memref<80x64xf32, #tpu.memory_space<vmem>>
    %dma_wait3A_388 = arith.constant 0 : i32
    %dma_wait3A_389 = arith.constant 0 : i32
    %dma_wait3A_390 = tpu.memref_slice %arg9[%dma_wait3A_388, %dma_wait3A_389] : memref<10240x64xf32, #tpu.memory_space<vmem_shared>> -> memref<80x64xf32, #tpu.memory_space<vmem_shared>>
    %dma_wait3A_391 = tpu.memref_slice %arg12[%dma_wait3A_383] : memref<5x!tpu.dma_semaphore, #tpu.memory_space<semaphore_mem>> -> memref<1x!tpu.dma_semaphore, #tpu.memory_space<semaphore_mem>>
    %dma_wait3A_392 = tpu.memref_squeeze %dma_wait3A_391 : memref<1x!tpu.dma_semaphore, #tpu.memory_space<semaphore_mem>> -> memref<!tpu.dma_semaphore, #tpu.memory_space<semaphore_mem>>
    %dma_wait3A_393 = arith.constant 0 : i32
    %dma_wait3A_394 = arith.constant 0 : i32
    %dma_wait3A_395 = tpu.memref_slice %arg9[%dma_wait3A_393, %dma_wait3A_394] : memref<10240x64xf32, #tpu.memory_space<vmem_shared>> -> memref<80x64xf32, #tpu.memory_space<vmem_shared>>
    %dma_wait3A_396 = arith.constant 0 : i32
    %dma_wait3A_397 = arith.constant 0 : i32
    %dma_wait3A_398 = tpu.memref_slice %arg8[%dma_wait3A_382, %dma_wait3A_396, %dma_wait3A_397] : memref<5x80x64xf32, #tpu.memory_space<vmem>> -> memref<1x80x64xf32, #tpu.memory_space<vmem>>
    %dma_wait3A_399 = tpu.memref_squeeze %dma_wait3A_398 : memref<1x80x64xf32, #tpu.memory_space<vmem>> -> memref<80x64xf32, #tpu.memory_space<vmem>>
    tpu.wait_dma2 semaphore(%dma_wait3A_392 : memref<!tpu.dma_semaphore, #tpu.memory_space<semaphore_mem>>) src(%dma_wait3A_399 : memref<80x64xf32, #tpu.memory_space<vmem>>) dst(%dma_wait3A_395 : memref<80x64xf32, #tpu.memory_space<vmem_shared>>)
    %dma_start3A_400 = arith.constant 121 : i32
    %dma_start3A_401 = arith.constant 1 : i32
    %dma_start3A_402 = arith.constant 1 : i32
    %dma_start3A_403 = arith.constant 0 : i32
    %dma_start3A_404 = arith.constant 0 : i32
    %dma_start3A_405 = tpu.memref_slice %arg8[%dma_start3A_401, %dma_start3A_403, %dma_start3A_404] : memref<5x80x64xf32, #tpu.memory_space<vmem>> -> memref<1x80x64xf32, #tpu.memory_space<vmem>>
    %dma_start3A_406 = tpu.memref_squeeze %dma_start3A_405 : memref<1x80x64xf32, #tpu.memory_space<vmem>> -> memref<80x64xf32, #tpu.memory_space<vmem>>
    %dma_start3A_407 = arith.constant 0 : i32
    %dma_start3A_408 = tpu.memref_slice %arg6[%dma_start3A_400, %dma_start3A_407] : memref<125x80xi32, #tpu.memory_space<vmem>> -> memref<1x80xi32, #tpu.memory_space<vmem>>
    %dma_start3A_409 = tpu.memref_squeeze %dma_start3A_408 : memref<1x80xi32, #tpu.memory_space<vmem>> -> memref<80xi32, #tpu.memory_space<vmem>>
    %dma_start3A_410 = arith.constant 0 : i32
    %dma_start3A_411 = arith.constant 0 : i32
    %dma_start3A_412 = tpu.memref_slice %arg2[%dma_start3A_410, %dma_start3A_411] : memref<10000x64xf32, #tpu.memory_space<hbm>> -> memref<10000x64xf32, #tpu.memory_space<hbm>>
    %dma_start3A_413 = tpu.memref_slice %arg11[%dma_start3A_402] : memref<5x!tpu.dma_semaphore, #tpu.memory_space<semaphore_mem>> -> memref<1x!tpu.dma_semaphore, #tpu.memory_space<semaphore_mem>>
    %dma_start3A_414 = tpu.memref_squeeze %dma_start3A_413 : memref<1x!tpu.dma_semaphore, #tpu.memory_space<semaphore_mem>> -> memref<!tpu.dma_semaphore, #tpu.memory_space<semaphore_mem>>
    tpu.enqueue_indirect_dma source(%dma_start3A_412 : memref<10000x64xf32, #tpu.memory_space<hbm>>) target(%dma_start3A_406 : memref<80x64xf32, #tpu.memory_space<vmem>>) offsets(%dma_start3A_409 : memref<80xi32, #tpu.memory_space<vmem>>) semaphore(%dma_start3A_414 : memref<!tpu.dma_semaphore, #tpu.memory_space<semaphore_mem>>)
    %dma_wait3A_415 = arith.constant 121 : i32
    %dma_wait3A_416 = arith.constant 1 : i32
    %dma_wait3A_417 = arith.constant 1 : i32
    %dma_wait3A_418 = arith.constant 0 : i32
    %dma_wait3A_419 = arith.constant 0 : i32
    %dma_wait3A_420 = tpu.memref_slice %arg8[%dma_wait3A_416, %dma_wait3A_418, %dma_wait3A_419] : memref<5x80x64xf32, #tpu.memory_space<vmem>> -> memref<1x80x64xf32, #tpu.memory_space<vmem>>
    %dma_wait3A_421 = tpu.memref_squeeze %dma_wait3A_420 : memref<1x80x64xf32, #tpu.memory_space<vmem>> -> memref<80x64xf32, #tpu.memory_space<vmem>>
    %dma_wait3A_422 = arith.constant 0 : i32
    %dma_wait3A_423 = tpu.memref_slice %arg6[%dma_wait3A_415, %dma_wait3A_422] : memref<125x80xi32, #tpu.memory_space<vmem>> -> memref<1x80xi32, #tpu.memory_space<vmem>>
    %dma_wait3A_424 = tpu.memref_squeeze %dma_wait3A_423 : memref<1x80xi32, #tpu.memory_space<vmem>> -> memref<80xi32, #tpu.memory_space<vmem>>
    %dma_wait3A_425 = arith.constant 0 : i32
    %dma_wait3A_426 = arith.constant 0 : i32
    %dma_wait3A_427 = tpu.memref_slice %arg2[%dma_wait3A_425, %dma_wait3A_426] : memref<10000x64xf32, #tpu.memory_space<hbm>> -> memref<10000x64xf32, #tpu.memory_space<hbm>>
    %dma_wait3A_428 = tpu.memref_slice %arg11[%dma_wait3A_417] : memref<5x!tpu.dma_semaphore, #tpu.memory_space<semaphore_mem>> -> memref<1x!tpu.dma_semaphore, #tpu.memory_space<semaphore_mem>>
    %dma_wait3A_429 = tpu.memref_squeeze %dma_wait3A_428 : memref<1x!tpu.dma_semaphore, #tpu.memory_space<semaphore_mem>> -> memref<!tpu.dma_semaphore, #tpu.memory_space<semaphore_mem>>
    tpu.wait_indirect_dma semaphore(%dma_wait3A_429 : memref<!tpu.dma_semaphore, #tpu.memory_space<semaphore_mem>>) src(%dma_wait3A_427 : memref<10000x64xf32, #tpu.memory_space<hbm>>) dst(%dma_wait3A_421 : memref<80x64xf32, #tpu.memory_space<vmem>>)
    %dma_start3A_430 = arith.constant 1 : i32
    %dma_start3A_431 = arith.constant 121 : i32
    %dma_start3A_432 = arith.constant 1 : i32
    %dma_start3A_433 = arith.constant 0 : i32
    %dma_start3A_434 = arith.constant 0 : i32
    %dma_start3A_435 = tpu.memref_slice %arg8[%dma_start3A_430, %dma_start3A_433, %dma_start3A_434] : memref<5x80x64xf32, #tpu.memory_space<vmem>> -> memref<1x80x64xf32, #tpu.memory_space<vmem>>
    %dma_start3A_436 = tpu.memref_squeeze %dma_start3A_435 : memref<1x80x64xf32, #tpu.memory_space<vmem>> -> memref<80x64xf32, #tpu.memory_space<vmem>>
    %dma_start3A_437 = arith.constant 0 : i32
    %dma_start3A_438 = tpu.memref_slice %arg7[%dma_start3A_431, %dma_start3A_437] : memref<125x80xi32, #tpu.memory_space<vmem>> -> memref<1x80xi32, #tpu.memory_space<vmem>>
    %dma_start3A_439 = tpu.memref_squeeze %dma_start3A_438 : memref<1x80xi32, #tpu.memory_space<vmem>> -> memref<80xi32, #tpu.memory_space<vmem>>
    %dma_start3A_440 = arith.constant 0 : i32
    %dma_start3A_441 = arith.constant 0 : i32
    %dma_start3A_442 = tpu.memref_slice %arg9[%dma_start3A_440, %dma_start3A_441] : memref<10240x64xf32, #tpu.memory_space<vmem_shared>> -> memref<10240x64xf32, #tpu.memory_space<vmem_shared>>
    %dma_start3A_443 = tpu.memref_slice %arg12[%dma_start3A_432] : memref<5x!tpu.dma_semaphore, #tpu.memory_space<semaphore_mem>> -> memref<1x!tpu.dma_semaphore, #tpu.memory_space<semaphore_mem>>
    %dma_start3A_444 = tpu.memref_squeeze %dma_start3A_443 : memref<1x!tpu.dma_semaphore, #tpu.memory_space<semaphore_mem>> -> memref<!tpu.dma_semaphore, #tpu.memory_space<semaphore_mem>>
    tpu.enqueue_indirect_dma source(%dma_start3A_436 : memref<80x64xf32, #tpu.memory_space<vmem>>) target(%dma_start3A_442 : memref<10240x64xf32, #tpu.memory_space<vmem_shared>>) offsets(%dma_start3A_439 : memref<80xi32, #tpu.memory_space<vmem>>) semaphore(%dma_start3A_444 : memref<!tpu.dma_semaphore, #tpu.memory_space<semaphore_mem>>) {add = true}
    %dma_wait3A_445 = arith.constant 2 : i32
    %dma_wait3A_446 = arith.constant 2 : i32
    %dma_wait3A_447 = arith.constant 0 : i32
    %dma_wait3A_448 = arith.constant 0 : i32
    %dma_wait3A_449 = tpu.memref_slice %arg8[%dma_wait3A_445, %dma_wait3A_447, %dma_wait3A_448] : memref<5x80x64xf32, #tpu.memory_space<vmem>> -> memref<1x80x64xf32, #tpu.memory_space<vmem>>
    %dma_wait3A_450 = tpu.memref_squeeze %dma_wait3A_449 : memref<1x80x64xf32, #tpu.memory_space<vmem>> -> memref<80x64xf32, #tpu.memory_space<vmem>>
    %dma_wait3A_451 = arith.constant 0 : i32
    %dma_wait3A_452 = arith.constant 0 : i32
    %dma_wait3A_453 = tpu.memref_slice %arg9[%dma_wait3A_451, %dma_wait3A_452] : memref<10240x64xf32, #tpu.memory_space<vmem_shared>> -> memref<80x64xf32, #tpu.memory_space<vmem_shared>>
    %dma_wait3A_454 = tpu.memref_slice %arg12[%dma_wait3A_446] : memref<5x!tpu.dma_semaphore, #tpu.memory_space<semaphore_mem>> -> memref<1x!tpu.dma_semaphore, #tpu.memory_space<semaphore_mem>>
    %dma_wait3A_455 = tpu.memref_squeeze %dma_wait3A_454 : memref<1x!tpu.dma_semaphore, #tpu.memory_space<semaphore_mem>> -> memref<!tpu.dma_semaphore, #tpu.memory_space<semaphore_mem>>
    %dma_wait3A_456 = arith.constant 0 : i32
    %dma_wait3A_457 = arith.constant 0 : i32
    %dma_wait3A_458 = tpu.memref_slice %arg9[%dma_wait3A_456, %dma_wait3A_457] : memref<10240x64xf32, #tpu.memory_space<vmem_shared>> -> memref<80x64xf32, #tpu.memory_space<vmem_shared>>
    %dma_wait3A_459 = arith.constant 0 : i32
    %dma_wait3A_460 = arith.constant 0 : i32
    %dma_wait3A_461 = tpu.memref_slice %arg8[%dma_wait3A_445, %dma_wait3A_459, %dma_wait3A_460] : memref<5x80x64xf32, #tpu.memory_space<vmem>> -> memref<1x80x64xf32, #tpu.memory_space<vmem>>
    %dma_wait3A_462 = tpu.memref_squeeze %dma_wait3A_461 : memref<1x80x64xf32, #tpu.memory_space<vmem>> -> memref<80x64xf32, #tpu.memory_space<vmem>>
    tpu.wait_dma2 semaphore(%dma_wait3A_455 : memref<!tpu.dma_semaphore, #tpu.memory_space<semaphore_mem>>) src(%dma_wait3A_462 : memref<80x64xf32, #tpu.memory_space<vmem>>) dst(%dma_wait3A_458 : memref<80x64xf32, #tpu.memory_space<vmem_shared>>)
    %dma_start3A_463 = arith.constant 122 : i32
    %dma_start3A_464 = arith.constant 2 : i32
    %dma_start3A_465 = arith.constant 2 : i32
    %dma_start3A_466 = arith.constant 0 : i32
    %dma_start3A_467 = arith.constant 0 : i32
    %dma_start3A_468 = tpu.memref_slice %arg8[%dma_start3A_464, %dma_start3A_466, %dma_start3A_467] : memref<5x80x64xf32, #tpu.memory_space<vmem>> -> memref<1x80x64xf32, #tpu.memory_space<vmem>>
    %dma_start3A_469 = tpu.memref_squeeze %dma_start3A_468 : memref<1x80x64xf32, #tpu.memory_space<vmem>> -> memref<80x64xf32, #tpu.memory_space<vmem>>
    %dma_start3A_470 = arith.constant 0 : i32
    %dma_start3A_471 = tpu.memref_slice %arg6[%dma_start3A_463, %dma_start3A_470] : memref<125x80xi32, #tpu.memory_space<vmem>> -> memref<1x80xi32, #tpu.memory_space<vmem>>
    %dma_start3A_472 = tpu.memref_squeeze %dma_start3A_471 : memref<1x80xi32, #tpu.memory_space<vmem>> -> memref<80xi32, #tpu.memory_space<vmem>>
    %dma_start3A_473 = arith.constant 0 : i32
    %dma_start3A_474 = arith.constant 0 : i32
    %dma_start3A_475 = tpu.memref_slice %arg2[%dma_start3A_473, %dma_start3A_474] : memref<10000x64xf32, #tpu.memory_space<hbm>> -> memref<10000x64xf32, #tpu.memory_space<hbm>>
    %dma_start3A_476 = tpu.memref_slice %arg11[%dma_start3A_465] : memref<5x!tpu.dma_semaphore, #tpu.memory_space<semaphore_mem>> -> memref<1x!tpu.dma_semaphore, #tpu.memory_space<semaphore_mem>>
    %dma_start3A_477 = tpu.memref_squeeze %dma_start3A_476 : memref<1x!tpu.dma_semaphore, #tpu.memory_space<semaphore_mem>> -> memref<!tpu.dma_semaphore, #tpu.memory_space<semaphore_mem>>
    tpu.enqueue_indirect_dma source(%dma_start3A_475 : memref<10000x64xf32, #tpu.memory_space<hbm>>) target(%dma_start3A_469 : memref<80x64xf32, #tpu.memory_space<vmem>>) offsets(%dma_start3A_472 : memref<80xi32, #tpu.memory_space<vmem>>) semaphore(%dma_start3A_477 : memref<!tpu.dma_semaphore, #tpu.memory_space<semaphore_mem>>)
    %dma_wait3A_478 = arith.constant 122 : i32
    %dma_wait3A_479 = arith.constant 2 : i32
    %dma_wait3A_480 = arith.constant 2 : i32
    %dma_wait3A_481 = arith.constant 0 : i32
    %dma_wait3A_482 = arith.constant 0 : i32
    %dma_wait3A_483 = tpu.memref_slice %arg8[%dma_wait3A_479, %dma_wait3A_481, %dma_wait3A_482] : memref<5x80x64xf32, #tpu.memory_space<vmem>> -> memref<1x80x64xf32, #tpu.memory_space<vmem>>
    %dma_wait3A_484 = tpu.memref_squeeze %dma_wait3A_483 : memref<1x80x64xf32, #tpu.memory_space<vmem>> -> memref<80x64xf32, #tpu.memory_space<vmem>>
    %dma_wait3A_485 = arith.constant 0 : i32
    %dma_wait3A_486 = tpu.memref_slice %arg6[%dma_wait3A_478, %dma_wait3A_485] : memref<125x80xi32, #tpu.memory_space<vmem>> -> memref<1x80xi32, #tpu.memory_space<vmem>>
    %dma_wait3A_487 = tpu.memref_squeeze %dma_wait3A_486 : memref<1x80xi32, #tpu.memory_space<vmem>> -> memref<80xi32, #tpu.memory_space<vmem>>
    %dma_wait3A_488 = arith.constant 0 : i32
    %dma_wait3A_489 = arith.constant 0 : i32
    %dma_wait3A_490 = tpu.memref_slice %arg2[%dma_wait3A_488, %dma_wait3A_489] : memref<10000x64xf32, #tpu.memory_space<hbm>> -> memref<10000x64xf32, #tpu.memory_space<hbm>>
    %dma_wait3A_491 = tpu.memref_slice %arg11[%dma_wait3A_480] : memref<5x!tpu.dma_semaphore, #tpu.memory_space<semaphore_mem>> -> memref<1x!tpu.dma_semaphore, #tpu.memory_space<semaphore_mem>>
    %dma_wait3A_492 = tpu.memref_squeeze %dma_wait3A_491 : memref<1x!tpu.dma_semaphore, #tpu.memory_space<semaphore_mem>> -> memref<!tpu.dma_semaphore, #tpu.memory_space<semaphore_mem>>
    tpu.wait_indirect_dma semaphore(%dma_wait3A_492 : memref<!tpu.dma_semaphore, #tpu.memory_space<semaphore_mem>>) src(%dma_wait3A_490 : memref<10000x64xf32, #tpu.memory_space<hbm>>) dst(%dma_wait3A_484 : memref<80x64xf32, #tpu.memory_space<vmem>>)
    %dma_start3A_493 = arith.constant 2 : i32
    %dma_start3A_494 = arith.constant 122 : i32
    %dma_start3A_495 = arith.constant 2 : i32
    %dma_start3A_496 = arith.constant 0 : i32
    %dma_start3A_497 = arith.constant 0 : i32
    %dma_start3A_498 = tpu.memref_slice %arg8[%dma_start3A_493, %dma_start3A_496, %dma_start3A_497] : memref<5x80x64xf32, #tpu.memory_space<vmem>> -> memref<1x80x64xf32, #tpu.memory_space<vmem>>
    %dma_start3A_499 = tpu.memref_squeeze %dma_start3A_498 : memref<1x80x64xf32, #tpu.memory_space<vmem>> -> memref<80x64xf32, #tpu.memory_space<vmem>>
    %dma_start3A_500 = arith.constant 0 : i32
    %dma_start3A_501 = tpu.memref_slice %arg7[%dma_start3A_494, %dma_start3A_500] : memref<125x80xi32, #tpu.memory_space<vmem>> -> memref<1x80xi32, #tpu.memory_space<vmem>>
    %dma_start3A_502 = tpu.memref_squeeze %dma_start3A_501 : memref<1x80xi32, #tpu.memory_space<vmem>> -> memref<80xi32, #tpu.memory_space<vmem>>
    %dma_start3A_503 = arith.constant 0 : i32
    %dma_start3A_504 = arith.constant 0 : i32
    %dma_start3A_505 = tpu.memref_slice %arg9[%dma_start3A_503, %dma_start3A_504] : memref<10240x64xf32, #tpu.memory_space<vmem_shared>> -> memref<10240x64xf32, #tpu.memory_space<vmem_shared>>
    %dma_start3A_506 = tpu.memref_slice %arg12[%dma_start3A_495] : memref<5x!tpu.dma_semaphore, #tpu.memory_space<semaphore_mem>> -> memref<1x!tpu.dma_semaphore, #tpu.memory_space<semaphore_mem>>
    %dma_start3A_507 = tpu.memref_squeeze %dma_start3A_506 : memref<1x!tpu.dma_semaphore, #tpu.memory_space<semaphore_mem>> -> memref<!tpu.dma_semaphore, #tpu.memory_space<semaphore_mem>>
    tpu.enqueue_indirect_dma source(%dma_start3A_499 : memref<80x64xf32, #tpu.memory_space<vmem>>) target(%dma_start3A_505 : memref<10240x64xf32, #tpu.memory_space<vmem_shared>>) offsets(%dma_start3A_502 : memref<80xi32, #tpu.memory_space<vmem>>) semaphore(%dma_start3A_507 : memref<!tpu.dma_semaphore, #tpu.memory_space<semaphore_mem>>) {add = true}
    %dma_wait3A_508 = arith.constant 3 : i32
    %dma_wait3A_509 = arith.constant 3 : i32
    %dma_wait3A_510 = arith.constant 0 : i32
    %dma_wait3A_511 = arith.constant 0 : i32
    %dma_wait3A_512 = tpu.memref_slice %arg8[%dma_wait3A_508, %dma_wait3A_510, %dma_wait3A_511] : memref<5x80x64xf32, #tpu.memory_space<vmem>> -> memref<1x80x64xf32, #tpu.memory_space<vmem>>
    %dma_wait3A_513 = tpu.memref_squeeze %dma_wait3A_512 : memref<1x80x64xf32, #tpu.memory_space<vmem>> -> memref<80x64xf32, #tpu.memory_space<vmem>>
    %dma_wait3A_514 = arith.constant 0 : i32
    %dma_wait3A_515 = arith.constant 0 : i32
    %dma_wait3A_516 = tpu.memref_slice %arg9[%dma_wait3A_514, %dma_wait3A_515] : memref<10240x64xf32, #tpu.memory_space<vmem_shared>> -> memref<80x64xf32, #tpu.memory_space<vmem_shared>>
    %dma_wait3A_517 = tpu.memref_slice %arg12[%dma_wait3A_509] : memref<5x!tpu.dma_semaphore, #tpu.memory_space<semaphore_mem>> -> memref<1x!tpu.dma_semaphore, #tpu.memory_space<semaphore_mem>>
    %dma_wait3A_518 = tpu.memref_squeeze %dma_wait3A_517 : memref<1x!tpu.dma_semaphore, #tpu.memory_space<semaphore_mem>> -> memref<!tpu.dma_semaphore, #tpu.memory_space<semaphore_mem>>
    %dma_wait3A_519 = arith.constant 0 : i32
    %dma_wait3A_520 = arith.constant 0 : i32
    %dma_wait3A_521 = tpu.memref_slice %arg9[%dma_wait3A_519, %dma_wait3A_520] : memref<10240x64xf32, #tpu.memory_space<vmem_shared>> -> memref<80x64xf32, #tpu.memory_space<vmem_shared>>
    %dma_wait3A_522 = arith.constant 0 : i32
    %dma_wait3A_523 = arith.constant 0 : i32
    %dma_wait3A_524 = tpu.memref_slice %arg8[%dma_wait3A_508, %dma_wait3A_522, %dma_wait3A_523] : memref<5x80x64xf32, #tpu.memory_space<vmem>> -> memref<1x80x64xf32, #tpu.memory_space<vmem>>
    %dma_wait3A_525 = tpu.memref_squeeze %dma_wait3A_524 : memref<1x80x64xf32, #tpu.memory_space<vmem>> -> memref<80x64xf32, #tpu.memory_space<vmem>>
    tpu.wait_dma2 semaphore(%dma_wait3A_518 : memref<!tpu.dma_semaphore, #tpu.memory_space<semaphore_mem>>) src(%dma_wait3A_525 : memref<80x64xf32, #tpu.memory_space<vmem>>) dst(%dma_wait3A_521 : memref<80x64xf32, #tpu.memory_space<vmem_shared>>)
    %dma_start3A_526 = arith.constant 123 : i32
    %dma_start3A_527 = arith.constant 3 : i32
    %dma_start3A_528 = arith.constant 3 : i32
    %dma_start3A_529 = arith.constant 0 : i32
    %dma_start3A_530 = arith.constant 0 : i32
    %dma_start3A_531 = tpu.memref_slice %arg8[%dma_start3A_527, %dma_start3A_529, %dma_start3A_530] : memref<5x80x64xf32, #tpu.memory_space<vmem>> -> memref<1x80x64xf32, #tpu.memory_space<vmem>>
    %dma_start3A_532 = tpu.memref_squeeze %dma_start3A_531 : memref<1x80x64xf32, #tpu.memory_space<vmem>> -> memref<80x64xf32, #tpu.memory_space<vmem>>
    %dma_start3A_533 = arith.constant 0 : i32
    %dma_start3A_534 = tpu.memref_slice %arg6[%dma_start3A_526, %dma_start3A_533] : memref<125x80xi32, #tpu.memory_space<vmem>> -> memref<1x80xi32, #tpu.memory_space<vmem>>
    %dma_start3A_535 = tpu.memref_squeeze %dma_start3A_534 : memref<1x80xi32, #tpu.memory_space<vmem>> -> memref<80xi32, #tpu.memory_space<vmem>>
    %dma_start3A_536 = arith.constant 0 : i32
    %dma_start3A_537 = arith.constant 0 : i32
    %dma_start3A_538 = tpu.memref_slice %arg2[%dma_start3A_536, %dma_start3A_537] : memref<10000x64xf32, #tpu.memory_space<hbm>> -> memref<10000x64xf32, #tpu.memory_space<hbm>>
    %dma_start3A_539 = tpu.memref_slice %arg11[%dma_start3A_528] : memref<5x!tpu.dma_semaphore, #tpu.memory_space<semaphore_mem>> -> memref<1x!tpu.dma_semaphore, #tpu.memory_space<semaphore_mem>>
    %dma_start3A_540 = tpu.memref_squeeze %dma_start3A_539 : memref<1x!tpu.dma_semaphore, #tpu.memory_space<semaphore_mem>> -> memref<!tpu.dma_semaphore, #tpu.memory_space<semaphore_mem>>
    tpu.enqueue_indirect_dma source(%dma_start3A_538 : memref<10000x64xf32, #tpu.memory_space<hbm>>) target(%dma_start3A_532 : memref<80x64xf32, #tpu.memory_space<vmem>>) offsets(%dma_start3A_535 : memref<80xi32, #tpu.memory_space<vmem>>) semaphore(%dma_start3A_540 : memref<!tpu.dma_semaphore, #tpu.memory_space<semaphore_mem>>)
    %dma_wait3A_541 = arith.constant 123 : i32
    %dma_wait3A_542 = arith.constant 3 : i32
    %dma_wait3A_543 = arith.constant 3 : i32
    %dma_wait3A_544 = arith.constant 0 : i32
    %dma_wait3A_545 = arith.constant 0 : i32
    %dma_wait3A_546 = tpu.memref_slice %arg8[%dma_wait3A_542, %dma_wait3A_544, %dma_wait3A_545] : memref<5x80x64xf32, #tpu.memory_space<vmem>> -> memref<1x80x64xf32, #tpu.memory_space<vmem>>
    %dma_wait3A_547 = tpu.memref_squeeze %dma_wait3A_546 : memref<1x80x64xf32, #tpu.memory_space<vmem>> -> memref<80x64xf32, #tpu.memory_space<vmem>>
    %dma_wait3A_548 = arith.constant 0 : i32
    %dma_wait3A_549 = tpu.memref_slice %arg6[%dma_wait3A_541, %dma_wait3A_548] : memref<125x80xi32, #tpu.memory_space<vmem>> -> memref<1x80xi32, #tpu.memory_space<vmem>>
    %dma_wait3A_550 = tpu.memref_squeeze %dma_wait3A_549 : memref<1x80xi32, #tpu.memory_space<vmem>> -> memref<80xi32, #tpu.memory_space<vmem>>
    %dma_wait3A_551 = arith.constant 0 : i32
    %dma_wait3A_552 = arith.constant 0 : i32
    %dma_wait3A_553 = tpu.memref_slice %arg2[%dma_wait3A_551, %dma_wait3A_552] : memref<10000x64xf32, #tpu.memory_space<hbm>> -> memref<10000x64xf32, #tpu.memory_space<hbm>>
    %dma_wait3A_554 = tpu.memref_slice %arg11[%dma_wait3A_543] : memref<5x!tpu.dma_semaphore, #tpu.memory_space<semaphore_mem>> -> memref<1x!tpu.dma_semaphore, #tpu.memory_space<semaphore_mem>>
    %dma_wait3A_555 = tpu.memref_squeeze %dma_wait3A_554 : memref<1x!tpu.dma_semaphore, #tpu.memory_space<semaphore_mem>> -> memref<!tpu.dma_semaphore, #tpu.memory_space<semaphore_mem>>
    tpu.wait_indirect_dma semaphore(%dma_wait3A_555 : memref<!tpu.dma_semaphore, #tpu.memory_space<semaphore_mem>>) src(%dma_wait3A_553 : memref<10000x64xf32, #tpu.memory_space<hbm>>) dst(%dma_wait3A_547 : memref<80x64xf32, #tpu.memory_space<vmem>>)
    %dma_start3A_556 = arith.constant 3 : i32
    %dma_start3A_557 = arith.constant 123 : i32
    %dma_start3A_558 = arith.constant 3 : i32
    %dma_start3A_559 = arith.constant 0 : i32
    %dma_start3A_560 = arith.constant 0 : i32
    %dma_start3A_561 = tpu.memref_slice %arg8[%dma_start3A_556, %dma_start3A_559, %dma_start3A_560] : memref<5x80x64xf32, #tpu.memory_space<vmem>> -> memref<1x80x64xf32, #tpu.memory_space<vmem>>
    %dma_start3A_562 = tpu.memref_squeeze %dma_start3A_561 : memref<1x80x64xf32, #tpu.memory_space<vmem>> -> memref<80x64xf32, #tpu.memory_space<vmem>>
    %dma_start3A_563 = arith.constant 0 : i32
    %dma_start3A_564 = tpu.memref_slice %arg7[%dma_start3A_557, %dma_start3A_563] : memref<125x80xi32, #tpu.memory_space<vmem>> -> memref<1x80xi32, #tpu.memory_space<vmem>>
    %dma_start3A_565 = tpu.memref_squeeze %dma_start3A_564 : memref<1x80xi32, #tpu.memory_space<vmem>> -> memref<80xi32, #tpu.memory_space<vmem>>
    %dma_start3A_566 = arith.constant 0 : i32
    %dma_start3A_567 = arith.constant 0 : i32
    %dma_start3A_568 = tpu.memref_slice %arg9[%dma_start3A_566, %dma_start3A_567] : memref<10240x64xf32, #tpu.memory_space<vmem_shared>> -> memref<10240x64xf32, #tpu.memory_space<vmem_shared>>
    %dma_start3A_569 = tpu.memref_slice %arg12[%dma_start3A_558] : memref<5x!tpu.dma_semaphore, #tpu.memory_space<semaphore_mem>> -> memref<1x!tpu.dma_semaphore, #tpu.memory_space<semaphore_mem>>
    %dma_start3A_570 = tpu.memref_squeeze %dma_start3A_569 : memref<1x!tpu.dma_semaphore, #tpu.memory_space<semaphore_mem>> -> memref<!tpu.dma_semaphore, #tpu.memory_space<semaphore_mem>>
    tpu.enqueue_indirect_dma source(%dma_start3A_562 : memref<80x64xf32, #tpu.memory_space<vmem>>) target(%dma_start3A_568 : memref<10240x64xf32, #tpu.memory_space<vmem_shared>>) offsets(%dma_start3A_565 : memref<80xi32, #tpu.memory_space<vmem>>) semaphore(%dma_start3A_570 : memref<!tpu.dma_semaphore, #tpu.memory_space<semaphore_mem>>) {add = true}
    %dma_wait3A_571 = arith.constant 4 : i32
    %dma_wait3A_572 = arith.constant 4 : i32
    %dma_wait3A_573 = arith.constant 0 : i32
    %dma_wait3A_574 = arith.constant 0 : i32
    %dma_wait3A_575 = tpu.memref_slice %arg8[%dma_wait3A_571, %dma_wait3A_573, %dma_wait3A_574] : memref<5x80x64xf32, #tpu.memory_space<vmem>> -> memref<1x80x64xf32, #tpu.memory_space<vmem>>
    %dma_wait3A_576 = tpu.memref_squeeze %dma_wait3A_575 : memref<1x80x64xf32, #tpu.memory_space<vmem>> -> memref<80x64xf32, #tpu.memory_space<vmem>>
    %dma_wait3A_577 = arith.constant 0 : i32
    %dma_wait3A_578 = arith.constant 0 : i32
    %dma_wait3A_579 = tpu.memref_slice %arg9[%dma_wait3A_577, %dma_wait3A_578] : memref<10240x64xf32, #tpu.memory_space<vmem_shared>> -> memref<80x64xf32, #tpu.memory_space<vmem_shared>>
    %dma_wait3A_580 = tpu.memref_slice %arg12[%dma_wait3A_572] : memref<5x!tpu.dma_semaphore, #tpu.memory_space<semaphore_mem>> -> memref<1x!tpu.dma_semaphore, #tpu.memory_space<semaphore_mem>>
    %dma_wait3A_581 = tpu.memref_squeeze %dma_wait3A_580 : memref<1x!tpu.dma_semaphore, #tpu.memory_space<semaphore_mem>> -> memref<!tpu.dma_semaphore, #tpu.memory_space<semaphore_mem>>
    %dma_wait3A_582 = arith.constant 0 : i32
    %dma_wait3A_583 = arith.constant 0 : i32
    %dma_wait3A_584 = tpu.memref_slice %arg9[%dma_wait3A_582, %dma_wait3A_583] : memref<10240x64xf32, #tpu.memory_space<vmem_shared>> -> memref<80x64xf32, #tpu.memory_space<vmem_shared>>
    %dma_wait3A_585 = arith.constant 0 : i32
    %dma_wait3A_586 = arith.constant 0 : i32
    %dma_wait3A_587 = tpu.memref_slice %arg8[%dma_wait3A_571, %dma_wait3A_585, %dma_wait3A_586] : memref<5x80x64xf32, #tpu.memory_space<vmem>> -> memref<1x80x64xf32, #tpu.memory_space<vmem>>
    %dma_wait3A_588 = tpu.memref_squeeze %dma_wait3A_587 : memref<1x80x64xf32, #tpu.memory_space<vmem>> -> memref<80x64xf32, #tpu.memory_space<vmem>>
    tpu.wait_dma2 semaphore(%dma_wait3A_581 : memref<!tpu.dma_semaphore, #tpu.memory_space<semaphore_mem>>) src(%dma_wait3A_588 : memref<80x64xf32, #tpu.memory_space<vmem>>) dst(%dma_wait3A_584 : memref<80x64xf32, #tpu.memory_space<vmem_shared>>)
    %dma_start3A_589 = arith.constant 124 : i32
    %dma_start3A_590 = arith.constant 4 : i32
    %dma_start3A_591 = arith.constant 4 : i32
    %dma_start3A_592 = arith.constant 0 : i32
    %dma_start3A_593 = arith.constant 0 : i32
    %dma_start3A_594 = tpu.memref_slice %arg8[%dma_start3A_590, %dma_start3A_592, %dma_start3A_593] : memref<5x80x64xf32, #tpu.memory_space<vmem>> -> memref<1x80x64xf32, #tpu.memory_space<vmem>>
    %dma_start3A_595 = tpu.memref_squeeze %dma_start3A_594 : memref<1x80x64xf32, #tpu.memory_space<vmem>> -> memref<80x64xf32, #tpu.memory_space<vmem>>
    %dma_start3A_596 = arith.constant 0 : i32
    %dma_start3A_597 = tpu.memref_slice %arg6[%dma_start3A_589, %dma_start3A_596] : memref<125x80xi32, #tpu.memory_space<vmem>> -> memref<1x80xi32, #tpu.memory_space<vmem>>
    %dma_start3A_598 = tpu.memref_squeeze %dma_start3A_597 : memref<1x80xi32, #tpu.memory_space<vmem>> -> memref<80xi32, #tpu.memory_space<vmem>>
    %dma_start3A_599 = arith.constant 0 : i32
    %dma_start3A_600 = arith.constant 0 : i32
    %dma_start3A_601 = tpu.memref_slice %arg2[%dma_start3A_599, %dma_start3A_600] : memref<10000x64xf32, #tpu.memory_space<hbm>> -> memref<10000x64xf32, #tpu.memory_space<hbm>>
    %dma_start3A_602 = tpu.memref_slice %arg11[%dma_start3A_591] : memref<5x!tpu.dma_semaphore, #tpu.memory_space<semaphore_mem>> -> memref<1x!tpu.dma_semaphore, #tpu.memory_space<semaphore_mem>>
    %dma_start3A_603 = tpu.memref_squeeze %dma_start3A_602 : memref<1x!tpu.dma_semaphore, #tpu.memory_space<semaphore_mem>> -> memref<!tpu.dma_semaphore, #tpu.memory_space<semaphore_mem>>
    tpu.enqueue_indirect_dma source(%dma_start3A_601 : memref<10000x64xf32, #tpu.memory_space<hbm>>) target(%dma_start3A_595 : memref<80x64xf32, #tpu.memory_space<vmem>>) offsets(%dma_start3A_598 : memref<80xi32, #tpu.memory_space<vmem>>) semaphore(%dma_start3A_603 : memref<!tpu.dma_semaphore, #tpu.memory_space<semaphore_mem>>)
    %dma_wait3A_604 = arith.constant 124 : i32
    %dma_wait3A_605 = arith.constant 4 : i32
    %dma_wait3A_606 = arith.constant 4 : i32
    %dma_wait3A_607 = arith.constant 0 : i32
    %dma_wait3A_608 = arith.constant 0 : i32
    %dma_wait3A_609 = tpu.memref_slice %arg8[%dma_wait3A_605, %dma_wait3A_607, %dma_wait3A_608] : memref<5x80x64xf32, #tpu.memory_space<vmem>> -> memref<1x80x64xf32, #tpu.memory_space<vmem>>
    %dma_wait3A_610 = tpu.memref_squeeze %dma_wait3A_609 : memref<1x80x64xf32, #tpu.memory_space<vmem>> -> memref<80x64xf32, #tpu.memory_space<vmem>>
    %dma_wait3A_611 = arith.constant 0 : i32
    %dma_wait3A_612 = tpu.memref_slice %arg6[%dma_wait3A_604, %dma_wait3A_611] : memref<125x80xi32, #tpu.memory_space<vmem>> -> memref<1x80xi32, #tpu.memory_space<vmem>>
    %dma_wait3A_613 = tpu.memref_squeeze %dma_wait3A_612 : memref<1x80xi32, #tpu.memory_space<vmem>> -> memref<80xi32, #tpu.memory_space<vmem>>
    %dma_wait3A_614 = arith.constant 0 : i32
    %dma_wait3A_615 = arith.constant 0 : i32
    %dma_wait3A_616 = tpu.memref_slice %arg2[%dma_wait3A_614, %dma_wait3A_615] : memref<10000x64xf32, #tpu.memory_space<hbm>> -> memref<10000x64xf32, #tpu.memory_space<hbm>>
    %dma_wait3A_617 = tpu.memref_slice %arg11[%dma_wait3A_606] : memref<5x!tpu.dma_semaphore, #tpu.memory_space<semaphore_mem>> -> memref<1x!tpu.dma_semaphore, #tpu.memory_space<semaphore_mem>>
    %dma_wait3A_618 = tpu.memref_squeeze %dma_wait3A_617 : memref<1x!tpu.dma_semaphore, #tpu.memory_space<semaphore_mem>> -> memref<!tpu.dma_semaphore, #tpu.memory_space<semaphore_mem>>
    tpu.wait_indirect_dma semaphore(%dma_wait3A_618 : memref<!tpu.dma_semaphore, #tpu.memory_space<semaphore_mem>>) src(%dma_wait3A_616 : memref<10000x64xf32, #tpu.memory_space<hbm>>) dst(%dma_wait3A_610 : memref<80x64xf32, #tpu.memory_space<vmem>>)
    %dma_start3A_619 = arith.constant 4 : i32
    %dma_start3A_620 = arith.constant 124 : i32
    %dma_start3A_621 = arith.constant 4 : i32
    %dma_start3A_622 = arith.constant 0 : i32
    %dma_start3A_623 = arith.constant 0 : i32
    %dma_start3A_624 = tpu.memref_slice %arg8[%dma_start3A_619, %dma_start3A_622, %dma_start3A_623] : memref<5x80x64xf32, #tpu.memory_space<vmem>> -> memref<1x80x64xf32, #tpu.memory_space<vmem>>
    %dma_start3A_625 = tpu.memref_squeeze %dma_start3A_624 : memref<1x80x64xf32, #tpu.memory_space<vmem>> -> memref<80x64xf32, #tpu.memory_space<vmem>>
    %dma_start3A_626 = arith.constant 0 : i32
    %dma_start3A_627 = tpu.memref_slice %arg7[%dma_start3A_620, %dma_start3A_626] : memref<125x80xi32, #tpu.memory_space<vmem>> -> memref<1x80xi32, #tpu.memory_space<vmem>>
    %dma_start3A_628 = tpu.memref_squeeze %dma_start3A_627 : memref<1x80xi32, #tpu.memory_space<vmem>> -> memref<80xi32, #tpu.memory_space<vmem>>
    %dma_start3A_629 = arith.constant 0 : i32
    %dma_start3A_630 = arith.constant 0 : i32
    %dma_start3A_631 = tpu.memref_slice %arg9[%dma_start3A_629, %dma_start3A_630] : memref<10240x64xf32, #tpu.memory_space<vmem_shared>> -> memref<10240x64xf32, #tpu.memory_space<vmem_shared>>
    %dma_start3A_632 = tpu.memref_slice %arg12[%dma_start3A_621] : memref<5x!tpu.dma_semaphore, #tpu.memory_space<semaphore_mem>> -> memref<1x!tpu.dma_semaphore, #tpu.memory_space<semaphore_mem>>
    %dma_start3A_633 = tpu.memref_squeeze %dma_start3A_632 : memref<1x!tpu.dma_semaphore, #tpu.memory_space<semaphore_mem>> -> memref<!tpu.dma_semaphore, #tpu.memory_space<semaphore_mem>>
    tpu.enqueue_indirect_dma source(%dma_start3A_625 : memref<80x64xf32, #tpu.memory_space<vmem>>) target(%dma_start3A_631 : memref<10240x64xf32, #tpu.memory_space<vmem_shared>>) offsets(%dma_start3A_628 : memref<80xi32, #tpu.memory_space<vmem>>) semaphore(%dma_start3A_633 : memref<!tpu.dma_semaphore, #tpu.memory_space<semaphore_mem>>) {add = true}
    %dma_wait3A_634 = arith.constant 0 : i32
    %dma_wait3A_635 = arith.constant 0 : i32
    %dma_wait3A_636 = arith.constant 0 : i32
    %dma_wait3A_637 = arith.constant 0 : i32
    %dma_wait3A_638 = tpu.memref_slice %arg8[%dma_wait3A_634, %dma_wait3A_636, %dma_wait3A_637] : memref<5x80x64xf32, #tpu.memory_space<vmem>> -> memref<1x80x64xf32, #tpu.memory_space<vmem>>
    %dma_wait3A_639 = tpu.memref_squeeze %dma_wait3A_638 : memref<1x80x64xf32, #tpu.memory_space<vmem>> -> memref<80x64xf32, #tpu.memory_space<vmem>>
    %dma_wait3A_640 = arith.constant 0 : i32
    %dma_wait3A_641 = arith.constant 0 : i32
    %dma_wait3A_642 = tpu.memref_slice %arg9[%dma_wait3A_640, %dma_wait3A_641] : memref<10240x64xf32, #tpu.memory_space<vmem_shared>> -> memref<80x64xf32, #tpu.memory_space<vmem_shared>>
    %dma_wait3A_643 = tpu.memref_slice %arg12[%dma_wait3A_635] : memref<5x!tpu.dma_semaphore, #tpu.memory_space<semaphore_mem>> -> memref<1x!tpu.dma_semaphore, #tpu.memory_space<semaphore_mem>>
    %dma_wait3A_644 = tpu.memref_squeeze %dma_wait3A_643 : memref<1x!tpu.dma_semaphore, #tpu.memory_space<semaphore_mem>> -> memref<!tpu.dma_semaphore, #tpu.memory_space<semaphore_mem>>
    %dma_wait3A_645 = arith.constant 0 : i32
    %dma_wait3A_646 = arith.constant 0 : i32
    %dma_wait3A_647 = tpu.memref_slice %arg9[%dma_wait3A_645, %dma_wait3A_646] : memref<10240x64xf32, #tpu.memory_space<vmem_shared>> -> memref<80x64xf32, #tpu.memory_space<vmem_shared>>
    %dma_wait3A_648 = arith.constant 0 : i32
    %dma_wait3A_649 = arith.constant 0 : i32
    %dma_wait3A_650 = tpu.memref_slice %arg8[%dma_wait3A_634, %dma_wait3A_648, %dma_wait3A_649] : memref<5x80x64xf32, #tpu.memory_space<vmem>> -> memref<1x80x64xf32, #tpu.memory_space<vmem>>
    %dma_wait3A_651 = tpu.memref_squeeze %dma_wait3A_650 : memref<1x80x64xf32, #tpu.memory_space<vmem>> -> memref<80x64xf32, #tpu.memory_space<vmem>>
    tpu.wait_dma2 semaphore(%dma_wait3A_644 : memref<!tpu.dma_semaphore, #tpu.memory_space<semaphore_mem>>) src(%dma_wait3A_651 : memref<80x64xf32, #tpu.memory_space<vmem>>) dst(%dma_wait3A_647 : memref<80x64xf32, #tpu.memory_space<vmem_shared>>)
    %dma_wait3A_652 = arith.constant 1 : i32
    %dma_wait3A_653 = arith.constant 1 : i32
    %dma_wait3A_654 = arith.constant 0 : i32
    %dma_wait3A_655 = arith.constant 0 : i32
    %dma_wait3A_656 = tpu.memref_slice %arg8[%dma_wait3A_652, %dma_wait3A_654, %dma_wait3A_655] : memref<5x80x64xf32, #tpu.memory_space<vmem>> -> memref<1x80x64xf32, #tpu.memory_space<vmem>>
    %dma_wait3A_657 = tpu.memref_squeeze %dma_wait3A_656 : memref<1x80x64xf32, #tpu.memory_space<vmem>> -> memref<80x64xf32, #tpu.memory_space<vmem>>
    %dma_wait3A_658 = arith.constant 0 : i32
    %dma_wait3A_659 = arith.constant 0 : i32
    %dma_wait3A_660 = tpu.memref_slice %arg9[%dma_wait3A_658, %dma_wait3A_659] : memref<10240x64xf32, #tpu.memory_space<vmem_shared>> -> memref<80x64xf32, #tpu.memory_space<vmem_shared>>
    %dma_wait3A_661 = tpu.memref_slice %arg12[%dma_wait3A_653] : memref<5x!tpu.dma_semaphore, #tpu.memory_space<semaphore_mem>> -> memref<1x!tpu.dma_semaphore, #tpu.memory_space<semaphore_mem>>
    %dma_wait3A_662 = tpu.memref_squeeze %dma_wait3A_661 : memref<1x!tpu.dma_semaphore, #tpu.memory_space<semaphore_mem>> -> memref<!tpu.dma_semaphore, #tpu.memory_space<semaphore_mem>>
    %dma_wait3A_663 = arith.constant 0 : i32
    %dma_wait3A_664 = arith.constant 0 : i32
    %dma_wait3A_665 = tpu.memref_slice %arg9[%dma_wait3A_663, %dma_wait3A_664] : memref<10240x64xf32, #tpu.memory_space<vmem_shared>> -> memref<80x64xf32, #tpu.memory_space<vmem_shared>>
    %dma_wait3A_666 = arith.constant 0 : i32
    %dma_wait3A_667 = arith.constant 0 : i32
    %dma_wait3A_668 = tpu.memref_slice %arg8[%dma_wait3A_652, %dma_wait3A_666, %dma_wait3A_667] : memref<5x80x64xf32, #tpu.memory_space<vmem>> -> memref<1x80x64xf32, #tpu.memory_space<vmem>>
    %dma_wait3A_669 = tpu.memref_squeeze %dma_wait3A_668 : memref<1x80x64xf32, #tpu.memory_space<vmem>> -> memref<80x64xf32, #tpu.memory_space<vmem>>
    tpu.wait_dma2 semaphore(%dma_wait3A_662 : memref<!tpu.dma_semaphore, #tpu.memory_space<semaphore_mem>>) src(%dma_wait3A_669 : memref<80x64xf32, #tpu.memory_space<vmem>>) dst(%dma_wait3A_665 : memref<80x64xf32, #tpu.memory_space<vmem_shared>>)
    %dma_wait3A_670 = arith.constant 2 : i32
    %dma_wait3A_671 = arith.constant 2 : i32
    %dma_wait3A_672 = arith.constant 0 : i32
    %dma_wait3A_673 = arith.constant 0 : i32
    %dma_wait3A_674 = tpu.memref_slice %arg8[%dma_wait3A_670, %dma_wait3A_672, %dma_wait3A_673] : memref<5x80x64xf32, #tpu.memory_space<vmem>> -> memref<1x80x64xf32, #tpu.memory_space<vmem>>
    %dma_wait3A_675 = tpu.memref_squeeze %dma_wait3A_674 : memref<1x80x64xf32, #tpu.memory_space<vmem>> -> memref<80x64xf32, #tpu.memory_space<vmem>>
    %dma_wait3A_676 = arith.constant 0 : i32
    %dma_wait3A_677 = arith.constant 0 : i32
    %dma_wait3A_678 = tpu.memref_slice %arg9[%dma_wait3A_676, %dma_wait3A_677] : memref<10240x64xf32, #tpu.memory_space<vmem_shared>> -> memref<80x64xf32, #tpu.memory_space<vmem_shared>>
    %dma_wait3A_679 = tpu.memref_slice %arg12[%dma_wait3A_671] : memref<5x!tpu.dma_semaphore, #tpu.memory_space<semaphore_mem>> -> memref<1x!tpu.dma_semaphore, #tpu.memory_space<semaphore_mem>>
    %dma_wait3A_680 = tpu.memref_squeeze %dma_wait3A_679 : memref<1x!tpu.dma_semaphore, #tpu.memory_space<semaphore_mem>> -> memref<!tpu.dma_semaphore, #tpu.memory_space<semaphore_mem>>
    %dma_wait3A_681 = arith.constant 0 : i32
    %dma_wait3A_682 = arith.constant 0 : i32
    %dma_wait3A_683 = tpu.memref_slice %arg9[%dma_wait3A_681, %dma_wait3A_682] : memref<10240x64xf32, #tpu.memory_space<vmem_shared>> -> memref<80x64xf32, #tpu.memory_space<vmem_shared>>
    %dma_wait3A_684 = arith.constant 0 : i32
    %dma_wait3A_685 = arith.constant 0 : i32
    %dma_wait3A_686 = tpu.memref_slice %arg8[%dma_wait3A_670, %dma_wait3A_684, %dma_wait3A_685] : memref<5x80x64xf32, #tpu.memory_space<vmem>> -> memref<1x80x64xf32, #tpu.memory_space<vmem>>
    %dma_wait3A_687 = tpu.memref_squeeze %dma_wait3A_686 : memref<1x80x64xf32, #tpu.memory_space<vmem>> -> memref<80x64xf32, #tpu.memory_space<vmem>>
    tpu.wait_dma2 semaphore(%dma_wait3A_680 : memref<!tpu.dma_semaphore, #tpu.memory_space<semaphore_mem>>) src(%dma_wait3A_687 : memref<80x64xf32, #tpu.memory_space<vmem>>) dst(%dma_wait3A_683 : memref<80x64xf32, #tpu.memory_space<vmem_shared>>)
    %dma_wait3A_688 = arith.constant 3 : i32
    %dma_wait3A_689 = arith.constant 3 : i32
    %dma_wait3A_690 = arith.constant 0 : i32
    %dma_wait3A_691 = arith.constant 0 : i32
    %dma_wait3A_692 = tpu.memref_slice %arg8[%dma_wait3A_688, %dma_wait3A_690, %dma_wait3A_691] : memref<5x80x64xf32, #tpu.memory_space<vmem>> -> memref<1x80x64xf32, #tpu.memory_space<vmem>>
    %dma_wait3A_693 = tpu.memref_squeeze %dma_wait3A_692 : memref<1x80x64xf32, #tpu.memory_space<vmem>> -> memref<80x64xf32, #tpu.memory_space<vmem>>
    %dma_wait3A_694 = arith.constant 0 : i32
    %dma_wait3A_695 = arith.constant 0 : i32
    %dma_wait3A_696 = tpu.memref_slice %arg9[%dma_wait3A_694, %dma_wait3A_695] : memref<10240x64xf32, #tpu.memory_space<vmem_shared>> -> memref<80x64xf32, #tpu.memory_space<vmem_shared>>
    %dma_wait3A_697 = tpu.memref_slice %arg12[%dma_wait3A_689] : memref<5x!tpu.dma_semaphore, #tpu.memory_space<semaphore_mem>> -> memref<1x!tpu.dma_semaphore, #tpu.memory_space<semaphore_mem>>
    %dma_wait3A_698 = tpu.memref_squeeze %dma_wait3A_697 : memref<1x!tpu.dma_semaphore, #tpu.memory_space<semaphore_mem>> -> memref<!tpu.dma_semaphore, #tpu.memory_space<semaphore_mem>>
    %dma_wait3A_699 = arith.constant 0 : i32
    %dma_wait3A_700 = arith.constant 0 : i32
    %dma_wait3A_701 = tpu.memref_slice %arg9[%dma_wait3A_699, %dma_wait3A_700] : memref<10240x64xf32, #tpu.memory_space<vmem_shared>> -> memref<80x64xf32, #tpu.memory_space<vmem_shared>>
    %dma_wait3A_702 = arith.constant 0 : i32
    %dma_wait3A_703 = arith.constant 0 : i32
    %dma_wait3A_704 = tpu.memref_slice %arg8[%dma_wait3A_688, %dma_wait3A_702, %dma_wait3A_703] : memref<5x80x64xf32, #tpu.memory_space<vmem>> -> memref<1x80x64xf32, #tpu.memory_space<vmem>>
    %dma_wait3A_705 = tpu.memref_squeeze %dma_wait3A_704 : memref<1x80x64xf32, #tpu.memory_space<vmem>> -> memref<80x64xf32, #tpu.memory_space<vmem>>
    tpu.wait_dma2 semaphore(%dma_wait3A_698 : memref<!tpu.dma_semaphore, #tpu.memory_space<semaphore_mem>>) src(%dma_wait3A_705 : memref<80x64xf32, #tpu.memory_space<vmem>>) dst(%dma_wait3A_701 : memref<80x64xf32, #tpu.memory_space<vmem_shared>>)
    %dma_wait3A_706 = arith.constant 4 : i32
    %dma_wait3A_707 = arith.constant 4 : i32
    %dma_wait3A_708 = arith.constant 0 : i32
    %dma_wait3A_709 = arith.constant 0 : i32
    %dma_wait3A_710 = tpu.memref_slice %arg8[%dma_wait3A_706, %dma_wait3A_708, %dma_wait3A_709] : memref<5x80x64xf32, #tpu.memory_space<vmem>> -> memref<1x80x64xf32, #tpu.memory_space<vmem>>
    %dma_wait3A_711 = tpu.memref_squeeze %dma_wait3A_710 : memref<1x80x64xf32, #tpu.memory_space<vmem>> -> memref<80x64xf32, #tpu.memory_space<vmem>>
    %dma_wait3A_712 = arith.constant 0 : i32
    %dma_wait3A_713 = arith.constant 0 : i32
    %dma_wait3A_714 = tpu.memref_slice %arg9[%dma_wait3A_712, %dma_wait3A_713] : memref<10240x64xf32, #tpu.memory_space<vmem_shared>> -> memref<80x64xf32, #tpu.memory_space<vmem_shared>>
    %dma_wait3A_715 = tpu.memref_slice %arg12[%dma_wait3A_707] : memref<5x!tpu.dma_semaphore, #tpu.memory_space<semaphore_mem>> -> memref<1x!tpu.dma_semaphore, #tpu.memory_space<semaphore_mem>>
    %dma_wait3A_716 = tpu.memref_squeeze %dma_wait3A_715 : memref<1x!tpu.dma_semaphore, #tpu.memory_space<semaphore_mem>> -> memref<!tpu.dma_semaphore, #tpu.memory_space<semaphore_mem>>
    %dma_wait3A_717 = arith.constant 0 : i32
    %dma_wait3A_718 = arith.constant 0 : i32
    %dma_wait3A_719 = tpu.memref_slice %arg9[%dma_wait3A_717, %dma_wait3A_718] : memref<10240x64xf32, #tpu.memory_space<vmem_shared>> -> memref<80x64xf32, #tpu.memory_space<vmem_shared>>
    %dma_wait3A_720 = arith.constant 0 : i32
    %dma_wait3A_721 = arith.constant 0 : i32
    %dma_wait3A_722 = tpu.memref_slice %arg8[%dma_wait3A_706, %dma_wait3A_720, %dma_wait3A_721] : memref<5x80x64xf32, #tpu.memory_space<vmem>> -> memref<1x80x64xf32, #tpu.memory_space<vmem>>
    %dma_wait3A_723 = tpu.memref_squeeze %dma_wait3A_722 : memref<1x80x64xf32, #tpu.memory_space<vmem>> -> memref<80x64xf32, #tpu.memory_space<vmem>>
    tpu.wait_dma2 semaphore(%dma_wait3A_716 : memref<!tpu.dma_semaphore, #tpu.memory_space<semaphore_mem>>) src(%dma_wait3A_723 : memref<80x64xf32, #tpu.memory_space<vmem>>) dst(%dma_wait3A_719 : memref<80x64xf32, #tpu.memory_space<vmem_shared>>)
    %barrier3A_724 = arith.constant 0 : index
    tpu.barrier barrier_id(%barrier3A_724)
    %mul3A_725 = arith.constant 640 : i32
    %mul3A_726 = arith.muli %arg1, %mul3A_725 : i32
    %mul3A_727 = arith.constant 640 : i32
    %mul3A_728 = arith.muli %arg1, %mul3A_727 : i32
    "tpu.region"() ({
      %run_scoped3A_729 = tpu.sem_alloc : memref<!tpu.dma_semaphore, #tpu.memory_space<semaphore_mem>>
      %dma_start3A_730 = arith.constant 0 : i32
      %dma_start3A_731 = tpu.memref_slice %arg5[%arg0, %mul3A_728, %dma_start3A_730] : memref<2x10240x64xf32, #tpu.memory_space<hbm>> -> memref<1x640x64xf32, #tpu.memory_space<hbm>>
      %dma_start3A_732 = tpu.memref_squeeze %dma_start3A_731 : memref<1x640x64xf32, #tpu.memory_space<hbm>> -> memref<640x64xf32, #tpu.memory_space<hbm>>
      %dma_start3A_733 = arith.constant 0 : i32
      %dma_start3A_734 = tpu.memref_slice %arg9[%mul3A_726, %dma_start3A_733] : memref<10240x64xf32, #tpu.memory_space<vmem_shared>> -> memref<640x64xf32, #tpu.memory_space<vmem_shared>>
      tpu.enqueue_dma source(%dma_start3A_734 : memref<640x64xf32, #tpu.memory_space<vmem_shared>>) target(%dma_start3A_732 : memref<640x64xf32, #tpu.memory_space<hbm>>) target_semaphore(%run_scoped3A_729 : memref<!tpu.dma_semaphore, #tpu.memory_space<semaphore_mem>>)
      %dma_wait3A_735 = arith.constant 0 : i32
      %dma_wait3A_736 = tpu.memref_slice %arg5[%arg0, %mul3A_728, %dma_wait3A_735] : memref<2x10240x64xf32, #tpu.memory_space<hbm>> -> memref<1x640x64xf32, #tpu.memory_space<hbm>>
      %dma_wait3A_737 = tpu.memref_squeeze %dma_wait3A_736 : memref<1x640x64xf32, #tpu.memory_space<hbm>> -> memref<640x64xf32, #tpu.memory_space<hbm>>
      %dma_wait3A_738 = arith.constant 0 : i32
      %dma_wait3A_739 = tpu.memref_slice %arg9[%mul3A_726, %dma_wait3A_738] : memref<10240x64xf32, #tpu.memory_space<vmem_shared>> -> memref<640x64xf32, #tpu.memory_space<vmem_shared>>
      tpu.wait_dma2 semaphore(%run_scoped3A_729 : memref<!tpu.dma_semaphore, #tpu.memory_space<semaphore_mem>>) src(%dma_wait3A_739 : memref<640x64xf32, #tpu.memory_space<vmem_shared>>) dst(%dma_wait3A_737 : memref<640x64xf32, #tpu.memory_space<hbm>>)
      tpu.yield
    }) : () -> ()
    return
  }
}

#map = affine_map<(d0, d1) -> (0)>
#map1 = affine_map<(d0, d1) -> (0, 0)>
module attributes {stable_mosaic.version = 14 : i64} {
  func.func @_deg_kernel(%arg0: i32, %arg1: i32, %arg2: memref<320000xi32, #tpu.memory_space<hbm>>, %arg3: memref<32x10000xf32, #tpu.memory_space<hbm>>, %arg4: memref<2000xi32, #tpu.memory_space<vmem>>, %arg5: memref<10000xf32, #tpu.memory_space<vmem>>) attributes {dimension_semantics = [#tpu.dimension_semantics<core_parallel>, #tpu.dimension_semantics<subcore_parallel>], iteration_bounds = array<i64: 2, 16>, scalar_prefetch = 0 : i64, scratch_operands = 2 : i64, tpu.core_type = #tpu.core_type<sc_vector_subcore>, window_params = [{transform_indices = #map}, {transform_indices = #map1}]} {
    %mul3A = arith.constant 16 : i32
    %mul3A_0 = arith.muli %arg0, %mul3A : i32
    %add3A = arith.addi %mul3A_0, %arg1 : i32
    %broadcast_in_dim3A = arith.constant 0.000000e+00 : f32
    %broadcast_in_dim3A_1 = vector.broadcast %broadcast_in_dim3A : f32 to vector<16xf32>
    %scan3A = arith.constant 0 : i32
    %scan3A_2 = arith.constant 0 : i32
    %scan3A_3 = arith.constant 625 : i32
    %scan3A_4 = arith.addi %scan3A_2, %scan3A_3 : i32
    %scan3A_5 = arith.constant 1 : i32
    scf.for %scan3A_15 = %scan3A_2 to %scan3A_4 step %scan3A_5  : i32 {
      %mul3A_16 = arith.constant 16 : i32
      %mul3A_17 = arith.muli %scan3A_15, %mul3A_16 : i32
      %swap3A = arith.index_cast %mul3A_17 : i32 to index
      %swap3A_18 = tpu.vector_load %arg5[%swap3A] {strides = array<i32>} : memref<10000xf32, #tpu.memory_space<vmem>>, vector<16xf32>,
      tpu.vector_store %arg5[%swap3A], %broadcast_in_dim3A_1 {strides = array<i32>} : memref<10000xf32, #tpu.memory_space<vmem>>, vector<16xf32>,
    }
    %scan3A_6 = arith.constant 625 : i32
    %broadcast_in_dim3A_7 = arith.constant 1.000000e+00 : f32
    %broadcast_in_dim3A_8 = vector.broadcast %broadcast_in_dim3A_7 : f32 to vector<16xf32>
    %scan3A_9 = arith.constant 0 : i32
    %scan3A_10 = arith.constant 0 : i32
    %scan3A_11 = arith.constant 5 : i32
    %scan3A_12 = arith.addi %scan3A_10, %scan3A_11 : i32
    %scan3A_13 = arith.constant 1 : i32
    scf.for %scan3A_15 = %scan3A_10 to %scan3A_12 step %scan3A_13  : i32 {
      %mul3A_16 = arith.constant 10000 : i32
      %mul3A_17 = arith.muli %add3A, %mul3A_16 : i32
      %mul3A_18 = arith.constant 2000 : i32
      %mul3A_19 = arith.muli %scan3A_15, %mul3A_18 : i32
      %add3A_20 = arith.addi %mul3A_17, %mul3A_19 : i32
      "tpu.region"() ({
        %run_scoped3A = tpu.sem_alloc : memref<!tpu.dma_semaphore, #tpu.memory_space<semaphore_mem>>
        %dma_start3A = tpu.memref_slice %arg2[%add3A_20] : memref<320000xi32, #tpu.memory_space<hbm>> -> memref<2000xi32, #tpu.memory_space<hbm>>
        %dma_start3A_27 = tpu.memref_slice %arg2[%add3A_20] : memref<320000xi32, #tpu.memory_space<hbm>> -> memref<2000xi32, #tpu.memory_space<hbm>>
        tpu.enqueue_dma source(%dma_start3A_27 : memref<2000xi32, #tpu.memory_space<hbm>>) target(%arg4 : memref<2000xi32, #tpu.memory_space<vmem>>) target_semaphore(%run_scoped3A : memref<!tpu.dma_semaphore, #tpu.memory_space<semaphore_mem>>)
        %dma_wait3A = tpu.memref_slice %arg2[%add3A_20] : memref<320000xi32, #tpu.memory_space<hbm>> -> memref<2000xi32, #tpu.memory_space<hbm>>
        %dma_wait3A_28 = tpu.memref_slice %arg2[%add3A_20] : memref<320000xi32, #tpu.memory_space<hbm>> -> memref<2000xi32, #tpu.memory_space<hbm>>
        tpu.wait_dma2 semaphore(%run_scoped3A : memref<!tpu.dma_semaphore, #tpu.memory_space<semaphore_mem>>) src(%dma_wait3A_28 : memref<2000xi32, #tpu.memory_space<hbm>>) dst(%arg4 : memref<2000xi32, #tpu.memory_space<vmem>>)
        tpu.yield
      }) : () -> ()
      %scan3A_21 = arith.constant 0 : i32
      %scan3A_22 = arith.constant 0 : i32
      %scan3A_23 = arith.constant 125 : i32
      %scan3A_24 = arith.addi %scan3A_22, %scan3A_23 : i32
      %scan3A_25 = arith.constant 1 : i32
      scf.for %scan3A_27 = %scan3A_22 to %scan3A_24 step %scan3A_25  : i32 {
        %mul3A_28 = arith.constant 16 : i32
        %mul3A_29 = arith.muli %scan3A_27, %mul3A_28 : i32
        %get3A = arith.index_cast %mul3A_29 : i32 to index
        %get3A_30 = tpu.vector_load %arg4[%get3A] {strides = array<i32>} : memref<2000xi32, #tpu.memory_space<vmem>>, vector<16xi32>,
        tpu.vector_store_idx %arg5[%get3A_30], %broadcast_in_dim3A_8 {add = true} : memref<10000xf32, #tpu.memory_space<vmem>>[vector<16xi32>], vector<16xf32>,
      }
      %scan3A_26 = arith.constant 125 : i32
    }
    %scan3A_14 = arith.constant 5 : i32
    "tpu.region"() ({
      %run_scoped3A = tpu.sem_alloc : memref<!tpu.dma_semaphore, #tpu.memory_space<semaphore_mem>>
      %dma_start3A = arith.constant 0 : i32
      %dma_start3A_15 = tpu.memref_slice %arg3[%add3A, %dma_start3A] : memref<32x10000xf32, #tpu.memory_space<hbm>> -> memref<1x10000xf32, #tpu.memory_space<hbm>>
      %dma_start3A_16 = tpu.memref_squeeze %dma_start3A_15 : memref<1x10000xf32, #tpu.memory_space<hbm>> -> memref<10000xf32, #tpu.memory_space<hbm>>
      %dma_start3A_17 = arith.constant 0 : i32
      %dma_start3A_18 = tpu.memref_slice %arg3[%add3A, %dma_start3A_17] : memref<32x10000xf32, #tpu.memory_space<hbm>> -> memref<1x10000xf32, #tpu.memory_space<hbm>>
      %dma_start3A_19 = tpu.memref_squeeze %dma_start3A_18 : memref<1x10000xf32, #tpu.memory_space<hbm>> -> memref<10000xf32, #tpu.memory_space<hbm>>
      tpu.enqueue_dma source(%arg5 : memref<10000xf32, #tpu.memory_space<vmem>>) target(%dma_start3A_19 : memref<10000xf32, #tpu.memory_space<hbm>>) target_semaphore(%run_scoped3A : memref<!tpu.dma_semaphore, #tpu.memory_space<semaphore_mem>>)
      %dma_wait3A = arith.constant 0 : i32
      %dma_wait3A_20 = tpu.memref_slice %arg3[%add3A, %dma_wait3A] : memref<32x10000xf32, #tpu.memory_space<hbm>> -> memref<1x10000xf32, #tpu.memory_space<hbm>>
      %dma_wait3A_21 = tpu.memref_squeeze %dma_wait3A_20 : memref<1x10000xf32, #tpu.memory_space<hbm>> -> memref<10000xf32, #tpu.memory_space<hbm>>
      %dma_wait3A_22 = arith.constant 0 : i32
      %dma_wait3A_23 = tpu.memref_slice %arg3[%add3A, %dma_wait3A_22] : memref<32x10000xf32, #tpu.memory_space<hbm>> -> memref<1x10000xf32, #tpu.memory_space<hbm>>
      %dma_wait3A_24 = tpu.memref_squeeze %dma_wait3A_23 : memref<1x10000xf32, #tpu.memory_space<hbm>> -> memref<10000xf32, #tpu.memory_space<hbm>>
      tpu.wait_dma2 semaphore(%run_scoped3A : memref<!tpu.dma_semaphore, #tpu.memory_space<semaphore_mem>>) src(%arg5 : memref<10000xf32, #tpu.memory_space<vmem>>) dst(%dma_wait3A_24 : memref<10000xf32, #tpu.memory_space<hbm>>)
      tpu.yield
    }) : () -> ()
    return
  }
}

#map = affine_map<(d0, d1) -> (0, 0)>
#map1 = affine_map<(d0, d1) -> (0, 0, 0)>
module attributes {stable_mosaic.version = 14 : i64} {
  func.func @_prop(%arg0: i32, %arg1: i32, %arg2: memref<10000x32xf32, #tpu.memory_space<hbm>>, %arg3: memref<32x125x80xi32, #tpu.memory_space<hbm>>, %arg4: memref<32x125x80xi32, #tpu.memory_space<hbm>>, %arg5: memref<2x10240x32xf32, #tpu.memory_space<hbm>>, %arg6: memref<125x80xi32, #tpu.memory_space<vmem>>, %arg7: memref<125x80xi32, #tpu.memory_space<vmem>>, %arg8: memref<5x80x32xf32, #tpu.memory_space<vmem>>, %arg9: memref<10240x32xf32, #tpu.memory_space<vmem_shared>>, %arg10: memref<2x!tpu.dma_semaphore, #tpu.memory_space<semaphore_mem>>, %arg11: memref<5x!tpu.dma_semaphore, #tpu.memory_space<semaphore_mem>>, %arg12: memref<5x!tpu.dma_semaphore, #tpu.memory_space<semaphore_mem>>) attributes {dimension_semantics = [#tpu.dimension_semantics<core_parallel>, #tpu.dimension_semantics<subcore_parallel>], iteration_bounds = array<i64: 2, 16>, scalar_prefetch = 0 : i64, scratch_operands = 7 : i64, tpu.core_type = #tpu.core_type<sc_vector_subcore>, window_params = [{transform_indices = #map}, {transform_indices = #map1}, {transform_indices = #map1}, {transform_indices = #map1}]} {
    %mul3A = arith.constant 16 : i32
    %mul3A_0 = arith.muli %arg0, %mul3A : i32
    %add3A = arith.addi %mul3A_0, %arg1 : i32
    %dma_start3A = arith.constant 0 : i32
    %dma_start3A_1 = arith.constant 0 : i32
    %dma_start3A_2 = arith.constant 0 : i32
    %dma_start3A_3 = tpu.memref_slice %arg3[%add3A, %dma_start3A_1, %dma_start3A_2] : memref<32x125x80xi32, #tpu.memory_space<hbm>> -> memref<1x125x80xi32, #tpu.memory_space<hbm>>
    %dma_start3A_4 = tpu.memref_squeeze %dma_start3A_3 : memref<1x125x80xi32, #tpu.memory_space<hbm>> -> memref<125x80xi32, #tpu.memory_space<hbm>>
    %dma_start3A_5 = tpu.memref_slice %arg10[%dma_start3A] : memref<2x!tpu.dma_semaphore, #tpu.memory_space<semaphore_mem>> -> memref<1x!tpu.dma_semaphore, #tpu.memory_space<semaphore_mem>>
    %dma_start3A_6 = tpu.memref_squeeze %dma_start3A_5 : memref<1x!tpu.dma_semaphore, #tpu.memory_space<semaphore_mem>> -> memref<!tpu.dma_semaphore, #tpu.memory_space<semaphore_mem>>
    %dma_start3A_7 = arith.constant 0 : i32
    %dma_start3A_8 = arith.constant 0 : i32
    %dma_start3A_9 = tpu.memref_slice %arg3[%add3A, %dma_start3A_7, %dma_start3A_8] : memref<32x125x80xi32, #tpu.memory_space<hbm>> -> memref<1x125x80xi32, #tpu.memory_space<hbm>>
    %dma_start3A_10 = tpu.memref_squeeze %dma_start3A_9 : memref<1x125x80xi32, #tpu.memory_space<hbm>> -> memref<125x80xi32, #tpu.memory_space<hbm>>
    tpu.enqueue_dma source(%dma_start3A_10 : memref<125x80xi32, #tpu.memory_space<hbm>>) target(%arg6 : memref<125x80xi32, #tpu.memory_space<vmem>>) target_semaphore(%dma_start3A_6 : memref<!tpu.dma_semaphore, #tpu.memory_space<semaphore_mem>>)
    %dma_start3A_11 = arith.constant 1 : i32
    %dma_start3A_12 = arith.constant 0 : i32
    %dma_start3A_13 = arith.constant 0 : i32
    %dma_start3A_14 = tpu.memref_slice %arg4[%add3A, %dma_start3A_12, %dma_start3A_13] : memref<32x125x80xi32, #tpu.memory_space<hbm>> -> memref<1x125x80xi32, #tpu.memory_space<hbm>>
    %dma_start3A_15 = tpu.memref_squeeze %dma_start3A_14 : memref<1x125x80xi32, #tpu.memory_space<hbm>> -> memref<125x80xi32, #tpu.memory_space<hbm>>
    %dma_start3A_16 = tpu.memref_slice %arg10[%dma_start3A_11] : memref<2x!tpu.dma_semaphore, #tpu.memory_space<semaphore_mem>> -> memref<1x!tpu.dma_semaphore, #tpu.memory_space<semaphore_mem>>
    %dma_start3A_17 = tpu.memref_squeeze %dma_start3A_16 : memref<1x!tpu.dma_semaphore, #tpu.memory_space<semaphore_mem>> -> memref<!tpu.dma_semaphore, #tpu.memory_space<semaphore_mem>>
    %dma_start3A_18 = arith.constant 0 : i32
    %dma_start3A_19 = arith.constant 0 : i32
    %dma_start3A_20 = tpu.memref_slice %arg4[%add3A, %dma_start3A_18, %dma_start3A_19] : memref<32x125x80xi32, #tpu.memory_space<hbm>> -> memref<1x125x80xi32, #tpu.memory_space<hbm>>
    %dma_start3A_21 = tpu.memref_squeeze %dma_start3A_20 : memref<1x125x80xi32, #tpu.memory_space<hbm>> -> memref<125x80xi32, #tpu.memory_space<hbm>>
    tpu.enqueue_dma source(%dma_start3A_21 : memref<125x80xi32, #tpu.memory_space<hbm>>) target(%arg7 : memref<125x80xi32, #tpu.memory_space<vmem>>) target_semaphore(%dma_start3A_17 : memref<!tpu.dma_semaphore, #tpu.memory_space<semaphore_mem>>)
    %broadcast_in_dim3A = arith.constant 0.000000e+00 : f32
    %broadcast_in_dim3A_22 = vector.broadcast %broadcast_in_dim3A : f32 to vector<16xf32>
    %scan3A = arith.constant 0 : i32
    %scan3A_23 = arith.constant 0 : i32
    %scan3A_24 = arith.constant 80 : i32
    %scan3A_25 = arith.addi %scan3A_23, %scan3A_24 : i32
    %scan3A_26 = arith.constant 1 : i32
    scf.for %scan3A_729 = %scan3A_23 to %scan3A_25 step %scan3A_26  : i32 {
      %swap3A = arith.constant 0 : i32
      %swap3A_730 = arith.index_cast %swap3A : i32 to index
      %swap3A_731 = arith.index_cast %scan3A_729 : i32 to index
      %swap3A_732 = arith.constant 0 : index
      %swap3A_733 = tpu.vector_load %arg8[%swap3A_730, %swap3A_731, %swap3A_732] {strides = array<i32>} : memref<5x80x32xf32, #tpu.memory_space<vmem>>, vector<16xf32>,
      tpu.vector_store %arg8[%swap3A_730, %swap3A_731, %swap3A_732], %broadcast_in_dim3A_22 {strides = array<i32>} : memref<5x80x32xf32, #tpu.memory_space<vmem>>, vector<16xf32>,
      %swap3A_734 = arith.constant 0 : i32
      %swap3A_735 = arith.index_cast %swap3A_734 : i32 to index
      %swap3A_736 = arith.index_cast %scan3A_729 : i32 to index
      %swap3A_737 = arith.constant 16 : index
      %swap3A_738 = tpu.vector_load %arg8[%swap3A_735, %swap3A_736, %swap3A_737] {strides = array<i32>} : memref<5x80x32xf32, #tpu.memory_space<vmem>>, vector<16xf32>,
      tpu.vector_store %arg8[%swap3A_735, %swap3A_736, %swap3A_737], %broadcast_in_dim3A_22 {strides = array<i32>} : memref<5x80x32xf32, #tpu.memory_space<vmem>>, vector<16xf32>,
    }
    %scan3A_27 = arith.constant 80 : i32
    %mul3A_28 = arith.constant 640 : i32
    %mul3A_29 = arith.muli %arg1, %mul3A_28 : i32
    %add3A_30 = arith.constant 0 : i32
    %add3A_31 = arith.addi %mul3A_29, %add3A_30 : i32
    %run_scoped3A = arith.constant 0 : i32
    "tpu.region"() ({
      %run_scoped3A_729 = tpu.sem_alloc : memref<!tpu.dma_semaphore, #tpu.memory_space<semaphore_mem>>
      %dma_start3A_730 = arith.constant 0 : i32
      %dma_start3A_731 = arith.constant 0 : i32
      %dma_start3A_732 = tpu.memref_slice %arg8[%run_scoped3A, %dma_start3A_730, %dma_start3A_731] : memref<5x80x32xf32, #tpu.memory_space<vmem>> -> memref<1x80x32xf32, #tpu.memory_space<vmem>>
      %dma_start3A_733 = tpu.memref_squeeze %dma_start3A_732 : memref<1x80x32xf32, #tpu.memory_space<vmem>> -> memref<80x32xf32, #tpu.memory_space<vmem>>
      %dma_start3A_734 = arith.constant 0 : i32
      %dma_start3A_735 = tpu.memref_slice %arg9[%add3A_31, %dma_start3A_734] : memref<10240x32xf32, #tpu.memory_space<vmem_shared>> -> memref<80x32xf32, #tpu.memory_space<vmem_shared>>
      %dma_start3A_736 = arith.constant 0 : i32
      %dma_start3A_737 = tpu.memref_slice %arg9[%add3A_31, %dma_start3A_736] : memref<10240x32xf32, #tpu.memory_space<vmem_shared>> -> memref<80x32xf32, #tpu.memory_space<vmem_shared>>
      %dma_start3A_738 = arith.constant 0 : i32
      %dma_start3A_739 = arith.constant 0 : i32
      %dma_start3A_740 = tpu.memref_slice %arg8[%run_scoped3A, %dma_start3A_738, %dma_start3A_739] : memref<5x80x32xf32, #tpu.memory_space<vmem>> -> memref<1x80x32xf32, #tpu.memory_space<vmem>>
      %dma_start3A_741 = tpu.memref_squeeze %dma_start3A_740 : memref<1x80x32xf32, #tpu.memory_space<vmem>> -> memref<80x32xf32, #tpu.memory_space<vmem>>
      tpu.enqueue_dma source(%dma_start3A_741 : memref<80x32xf32, #tpu.memory_space<vmem>>) target(%dma_start3A_737 : memref<80x32xf32, #tpu.memory_space<vmem_shared>>) target_semaphore(%run_scoped3A_729 : memref<!tpu.dma_semaphore, #tpu.memory_space<semaphore_mem>>)
      %dma_wait3A_742 = arith.constant 0 : i32
      %dma_wait3A_743 = arith.constant 0 : i32
      %dma_wait3A_744 = tpu.memref_slice %arg8[%run_scoped3A, %dma_wait3A_742, %dma_wait3A_743] : memref<5x80x32xf32, #tpu.memory_space<vmem>> -> memref<1x80x32xf32, #tpu.memory_space<vmem>>
      %dma_wait3A_745 = tpu.memref_squeeze %dma_wait3A_744 : memref<1x80x32xf32, #tpu.memory_space<vmem>> -> memref<80x32xf32, #tpu.memory_space<vmem>>
      %dma_wait3A_746 = arith.constant 0 : i32
      %dma_wait3A_747 = tpu.memref_slice %arg9[%add3A_31, %dma_wait3A_746] : memref<10240x32xf32, #tpu.memory_space<vmem_shared>> -> memref<80x32xf32, #tpu.memory_space<vmem_shared>>
      %dma_wait3A_748 = arith.constant 0 : i32
      %dma_wait3A_749 = tpu.memref_slice %arg9[%add3A_31, %dma_wait3A_748] : memref<10240x32xf32, #tpu.memory_space<vmem_shared>> -> memref<80x32xf32, #tpu.memory_space<vmem_shared>>
      %dma_wait3A_750 = arith.constant 0 : i32
      %dma_wait3A_751 = arith.constant 0 : i32
      %dma_wait3A_752 = tpu.memref_slice %arg8[%run_scoped3A, %dma_wait3A_750, %dma_wait3A_751] : memref<5x80x32xf32, #tpu.memory_space<vmem>> -> memref<1x80x32xf32, #tpu.memory_space<vmem>>
      %dma_wait3A_753 = tpu.memref_squeeze %dma_wait3A_752 : memref<1x80x32xf32, #tpu.memory_space<vmem>> -> memref<80x32xf32, #tpu.memory_space<vmem>>
      tpu.wait_dma2 semaphore(%run_scoped3A_729 : memref<!tpu.dma_semaphore, #tpu.memory_space<semaphore_mem>>) src(%dma_wait3A_753 : memref<80x32xf32, #tpu.memory_space<vmem>>) dst(%dma_wait3A_749 : memref<80x32xf32, #tpu.memory_space<vmem_shared>>)
      tpu.yield
    }) : () -> ()
    %mul3A_32 = arith.constant 640 : i32
    %mul3A_33 = arith.muli %arg1, %mul3A_32 : i32
    %add3A_34 = arith.constant 80 : i32
    %add3A_35 = arith.addi %mul3A_33, %add3A_34 : i32
    %run_scoped3A_36 = arith.constant 0 : i32
    "tpu.region"() ({
      %run_scoped3A_729 = tpu.sem_alloc : memref<!tpu.dma_semaphore, #tpu.memory_space<semaphore_mem>>
      %dma_start3A_730 = arith.constant 0 : i32
      %dma_start3A_731 = arith.constant 0 : i32
      %dma_start3A_732 = tpu.memref_slice %arg8[%run_scoped3A_36, %dma_start3A_730, %dma_start3A_731] : memref<5x80x32xf32, #tpu.memory_space<vmem>> -> memref<1x80x32xf32, #tpu.memory_space<vmem>>
      %dma_start3A_733 = tpu.memref_squeeze %dma_start3A_732 : memref<1x80x32xf32, #tpu.memory_space<vmem>> -> memref<80x32xf32, #tpu.memory_space<vmem>>
      %dma_start3A_734 = arith.constant 0 : i32
      %dma_start3A_735 = tpu.memref_slice %arg9[%add3A_35, %dma_start3A_734] : memref<10240x32xf32, #tpu.memory_space<vmem_shared>> -> memref<80x32xf32, #tpu.memory_space<vmem_shared>>
      %dma_start3A_736 = arith.constant 0 : i32
      %dma_start3A_737 = tpu.memref_slice %arg9[%add3A_35, %dma_start3A_736] : memref<10240x32xf32, #tpu.memory_space<vmem_shared>> -> memref<80x32xf32, #tpu.memory_space<vmem_shared>>
      %dma_start3A_738 = arith.constant 0 : i32
      %dma_start3A_739 = arith.constant 0 : i32
      %dma_start3A_740 = tpu.memref_slice %arg8[%run_scoped3A_36, %dma_start3A_738, %dma_start3A_739] : memref<5x80x32xf32, #tpu.memory_space<vmem>> -> memref<1x80x32xf32, #tpu.memory_space<vmem>>
      %dma_start3A_741 = tpu.memref_squeeze %dma_start3A_740 : memref<1x80x32xf32, #tpu.memory_space<vmem>> -> memref<80x32xf32, #tpu.memory_space<vmem>>
      tpu.enqueue_dma source(%dma_start3A_741 : memref<80x32xf32, #tpu.memory_space<vmem>>) target(%dma_start3A_737 : memref<80x32xf32, #tpu.memory_space<vmem_shared>>) target_semaphore(%run_scoped3A_729 : memref<!tpu.dma_semaphore, #tpu.memory_space<semaphore_mem>>)
      %dma_wait3A_742 = arith.constant 0 : i32
      %dma_wait3A_743 = arith.constant 0 : i32
      %dma_wait3A_744 = tpu.memref_slice %arg8[%run_scoped3A_36, %dma_wait3A_742, %dma_wait3A_743] : memref<5x80x32xf32, #tpu.memory_space<vmem>> -> memref<1x80x32xf32, #tpu.memory_space<vmem>>
      %dma_wait3A_745 = tpu.memref_squeeze %dma_wait3A_744 : memref<1x80x32xf32, #tpu.memory_space<vmem>> -> memref<80x32xf32, #tpu.memory_space<vmem>>
      %dma_wait3A_746 = arith.constant 0 : i32
      %dma_wait3A_747 = tpu.memref_slice %arg9[%add3A_35, %dma_wait3A_746] : memref<10240x32xf32, #tpu.memory_space<vmem_shared>> -> memref<80x32xf32, #tpu.memory_space<vmem_shared>>
      %dma_wait3A_748 = arith.constant 0 : i32
      %dma_wait3A_749 = tpu.memref_slice %arg9[%add3A_35, %dma_wait3A_748] : memref<10240x32xf32, #tpu.memory_space<vmem_shared>> -> memref<80x32xf32, #tpu.memory_space<vmem_shared>>
      %dma_wait3A_750 = arith.constant 0 : i32
      %dma_wait3A_751 = arith.constant 0 : i32
      %dma_wait3A_752 = tpu.memref_slice %arg8[%run_scoped3A_36, %dma_wait3A_750, %dma_wait3A_751] : memref<5x80x32xf32, #tpu.memory_space<vmem>> -> memref<1x80x32xf32, #tpu.memory_space<vmem>>
      %dma_wait3A_753 = tpu.memref_squeeze %dma_wait3A_752 : memref<1x80x32xf32, #tpu.memory_space<vmem>> -> memref<80x32xf32, #tpu.memory_space<vmem>>
      tpu.wait_dma2 semaphore(%run_scoped3A_729 : memref<!tpu.dma_semaphore, #tpu.memory_space<semaphore_mem>>) src(%dma_wait3A_753 : memref<80x32xf32, #tpu.memory_space<vmem>>) dst(%dma_wait3A_749 : memref<80x32xf32, #tpu.memory_space<vmem_shared>>)
      tpu.yield
    }) : () -> ()
    %mul3A_37 = arith.constant 640 : i32
    %mul3A_38 = arith.muli %arg1, %mul3A_37 : i32
    %add3A_39 = arith.constant 160 : i32
    %add3A_40 = arith.addi %mul3A_38, %add3A_39 : i32
    %run_scoped3A_41 = arith.constant 0 : i32
    "tpu.region"() ({
      %run_scoped3A_729 = tpu.sem_alloc : memref<!tpu.dma_semaphore, #tpu.memory_space<semaphore_mem>>
      %dma_start3A_730 = arith.constant 0 : i32
      %dma_start3A_731 = arith.constant 0 : i32
      %dma_start3A_732 = tpu.memref_slice %arg8[%run_scoped3A_41, %dma_start3A_730, %dma_start3A_731] : memref<5x80x32xf32, #tpu.memory_space<vmem>> -> memref<1x80x32xf32, #tpu.memory_space<vmem>>
      %dma_start3A_733 = tpu.memref_squeeze %dma_start3A_732 : memref<1x80x32xf32, #tpu.memory_space<vmem>> -> memref<80x32xf32, #tpu.memory_space<vmem>>
      %dma_start3A_734 = arith.constant 0 : i32
      %dma_start3A_735 = tpu.memref_slice %arg9[%add3A_40, %dma_start3A_734] : memref<10240x32xf32, #tpu.memory_space<vmem_shared>> -> memref<80x32xf32, #tpu.memory_space<vmem_shared>>
      %dma_start3A_736 = arith.constant 0 : i32
      %dma_start3A_737 = tpu.memref_slice %arg9[%add3A_40, %dma_start3A_736] : memref<10240x32xf32, #tpu.memory_space<vmem_shared>> -> memref<80x32xf32, #tpu.memory_space<vmem_shared>>
      %dma_start3A_738 = arith.constant 0 : i32
      %dma_start3A_739 = arith.constant 0 : i32
      %dma_start3A_740 = tpu.memref_slice %arg8[%run_scoped3A_41, %dma_start3A_738, %dma_start3A_739] : memref<5x80x32xf32, #tpu.memory_space<vmem>> -> memref<1x80x32xf32, #tpu.memory_space<vmem>>
      %dma_start3A_741 = tpu.memref_squeeze %dma_start3A_740 : memref<1x80x32xf32, #tpu.memory_space<vmem>> -> memref<80x32xf32, #tpu.memory_space<vmem>>
      tpu.enqueue_dma source(%dma_start3A_741 : memref<80x32xf32, #tpu.memory_space<vmem>>) target(%dma_start3A_737 : memref<80x32xf32, #tpu.memory_space<vmem_shared>>) target_semaphore(%run_scoped3A_729 : memref<!tpu.dma_semaphore, #tpu.memory_space<semaphore_mem>>)
      %dma_wait3A_742 = arith.constant 0 : i32
      %dma_wait3A_743 = arith.constant 0 : i32
      %dma_wait3A_744 = tpu.memref_slice %arg8[%run_scoped3A_41, %dma_wait3A_742, %dma_wait3A_743] : memref<5x80x32xf32, #tpu.memory_space<vmem>> -> memref<1x80x32xf32, #tpu.memory_space<vmem>>
      %dma_wait3A_745 = tpu.memref_squeeze %dma_wait3A_744 : memref<1x80x32xf32, #tpu.memory_space<vmem>> -> memref<80x32xf32, #tpu.memory_space<vmem>>
      %dma_wait3A_746 = arith.constant 0 : i32
      %dma_wait3A_747 = tpu.memref_slice %arg9[%add3A_40, %dma_wait3A_746] : memref<10240x32xf32, #tpu.memory_space<vmem_shared>> -> memref<80x32xf32, #tpu.memory_space<vmem_shared>>
      %dma_wait3A_748 = arith.constant 0 : i32
      %dma_wait3A_749 = tpu.memref_slice %arg9[%add3A_40, %dma_wait3A_748] : memref<10240x32xf32, #tpu.memory_space<vmem_shared>> -> memref<80x32xf32, #tpu.memory_space<vmem_shared>>
      %dma_wait3A_750 = arith.constant 0 : i32
      %dma_wait3A_751 = arith.constant 0 : i32
      %dma_wait3A_752 = tpu.memref_slice %arg8[%run_scoped3A_41, %dma_wait3A_750, %dma_wait3A_751] : memref<5x80x32xf32, #tpu.memory_space<vmem>> -> memref<1x80x32xf32, #tpu.memory_space<vmem>>
      %dma_wait3A_753 = tpu.memref_squeeze %dma_wait3A_752 : memref<1x80x32xf32, #tpu.memory_space<vmem>> -> memref<80x32xf32, #tpu.memory_space<vmem>>
      tpu.wait_dma2 semaphore(%run_scoped3A_729 : memref<!tpu.dma_semaphore, #tpu.memory_space<semaphore_mem>>) src(%dma_wait3A_753 : memref<80x32xf32, #tpu.memory_space<vmem>>) dst(%dma_wait3A_749 : memref<80x32xf32, #tpu.memory_space<vmem_shared>>)
      tpu.yield
    }) : () -> ()
    %mul3A_42 = arith.constant 640 : i32
    %mul3A_43 = arith.muli %arg1, %mul3A_42 : i32
    %add3A_44 = arith.constant 240 : i32
    %add3A_45 = arith.addi %mul3A_43, %add3A_44 : i32
    %run_scoped3A_46 = arith.constant 0 : i32
    "tpu.region"() ({
      %run_scoped3A_729 = tpu.sem_alloc : memref<!tpu.dma_semaphore, #tpu.memory_space<semaphore_mem>>
      %dma_start3A_730 = arith.constant 0 : i32
      %dma_start3A_731 = arith.constant 0 : i32
      %dma_start3A_732 = tpu.memref_slice %arg8[%run_scoped3A_46, %dma_start3A_730, %dma_start3A_731] : memref<5x80x32xf32, #tpu.memory_space<vmem>> -> memref<1x80x32xf32, #tpu.memory_space<vmem>>
      %dma_start3A_733 = tpu.memref_squeeze %dma_start3A_732 : memref<1x80x32xf32, #tpu.memory_space<vmem>> -> memref<80x32xf32, #tpu.memory_space<vmem>>
      %dma_start3A_734 = arith.constant 0 : i32
      %dma_start3A_735 = tpu.memref_slice %arg9[%add3A_45, %dma_start3A_734] : memref<10240x32xf32, #tpu.memory_space<vmem_shared>> -> memref<80x32xf32, #tpu.memory_space<vmem_shared>>
      %dma_start3A_736 = arith.constant 0 : i32
      %dma_start3A_737 = tpu.memref_slice %arg9[%add3A_45, %dma_start3A_736] : memref<10240x32xf32, #tpu.memory_space<vmem_shared>> -> memref<80x32xf32, #tpu.memory_space<vmem_shared>>
      %dma_start3A_738 = arith.constant 0 : i32
      %dma_start3A_739 = arith.constant 0 : i32
      %dma_start3A_740 = tpu.memref_slice %arg8[%run_scoped3A_46, %dma_start3A_738, %dma_start3A_739] : memref<5x80x32xf32, #tpu.memory_space<vmem>> -> memref<1x80x32xf32, #tpu.memory_space<vmem>>
      %dma_start3A_741 = tpu.memref_squeeze %dma_start3A_740 : memref<1x80x32xf32, #tpu.memory_space<vmem>> -> memref<80x32xf32, #tpu.memory_space<vmem>>
      tpu.enqueue_dma source(%dma_start3A_741 : memref<80x32xf32, #tpu.memory_space<vmem>>) target(%dma_start3A_737 : memref<80x32xf32, #tpu.memory_space<vmem_shared>>) target_semaphore(%run_scoped3A_729 : memref<!tpu.dma_semaphore, #tpu.memory_space<semaphore_mem>>)
      %dma_wait3A_742 = arith.constant 0 : i32
      %dma_wait3A_743 = arith.constant 0 : i32
      %dma_wait3A_744 = tpu.memref_slice %arg8[%run_scoped3A_46, %dma_wait3A_742, %dma_wait3A_743] : memref<5x80x32xf32, #tpu.memory_space<vmem>> -> memref<1x80x32xf32, #tpu.memory_space<vmem>>
      %dma_wait3A_745 = tpu.memref_squeeze %dma_wait3A_744 : memref<1x80x32xf32, #tpu.memory_space<vmem>> -> memref<80x32xf32, #tpu.memory_space<vmem>>
      %dma_wait3A_746 = arith.constant 0 : i32
      %dma_wait3A_747 = tpu.memref_slice %arg9[%add3A_45, %dma_wait3A_746] : memref<10240x32xf32, #tpu.memory_space<vmem_shared>> -> memref<80x32xf32, #tpu.memory_space<vmem_shared>>
      %dma_wait3A_748 = arith.constant 0 : i32
      %dma_wait3A_749 = tpu.memref_slice %arg9[%add3A_45, %dma_wait3A_748] : memref<10240x32xf32, #tpu.memory_space<vmem_shared>> -> memref<80x32xf32, #tpu.memory_space<vmem_shared>>
      %dma_wait3A_750 = arith.constant 0 : i32
      %dma_wait3A_751 = arith.constant 0 : i32
      %dma_wait3A_752 = tpu.memref_slice %arg8[%run_scoped3A_46, %dma_wait3A_750, %dma_wait3A_751] : memref<5x80x32xf32, #tpu.memory_space<vmem>> -> memref<1x80x32xf32, #tpu.memory_space<vmem>>
      %dma_wait3A_753 = tpu.memref_squeeze %dma_wait3A_752 : memref<1x80x32xf32, #tpu.memory_space<vmem>> -> memref<80x32xf32, #tpu.memory_space<vmem>>
      tpu.wait_dma2 semaphore(%run_scoped3A_729 : memref<!tpu.dma_semaphore, #tpu.memory_space<semaphore_mem>>) src(%dma_wait3A_753 : memref<80x32xf32, #tpu.memory_space<vmem>>) dst(%dma_wait3A_749 : memref<80x32xf32, #tpu.memory_space<vmem_shared>>)
      tpu.yield
    }) : () -> ()
    %mul3A_47 = arith.constant 640 : i32
    %mul3A_48 = arith.muli %arg1, %mul3A_47 : i32
    %add3A_49 = arith.constant 320 : i32
    %add3A_50 = arith.addi %mul3A_48, %add3A_49 : i32
    %run_scoped3A_51 = arith.constant 0 : i32
    "tpu.region"() ({
      %run_scoped3A_729 = tpu.sem_alloc : memref<!tpu.dma_semaphore, #tpu.memory_space<semaphore_mem>>
      %dma_start3A_730 = arith.constant 0 : i32
      %dma_start3A_731 = arith.constant 0 : i32
      %dma_start3A_732 = tpu.memref_slice %arg8[%run_scoped3A_51, %dma_start3A_730, %dma_start3A_731] : memref<5x80x32xf32, #tpu.memory_space<vmem>> -> memref<1x80x32xf32, #tpu.memory_space<vmem>>
      %dma_start3A_733 = tpu.memref_squeeze %dma_start3A_732 : memref<1x80x32xf32, #tpu.memory_space<vmem>> -> memref<80x32xf32, #tpu.memory_space<vmem>>
      %dma_start3A_734 = arith.constant 0 : i32
      %dma_start3A_735 = tpu.memref_slice %arg9[%add3A_50, %dma_start3A_734] : memref<10240x32xf32, #tpu.memory_space<vmem_shared>> -> memref<80x32xf32, #tpu.memory_space<vmem_shared>>
      %dma_start3A_736 = arith.constant 0 : i32
      %dma_start3A_737 = tpu.memref_slice %arg9[%add3A_50, %dma_start3A_736] : memref<10240x32xf32, #tpu.memory_space<vmem_shared>> -> memref<80x32xf32, #tpu.memory_space<vmem_shared>>
      %dma_start3A_738 = arith.constant 0 : i32
      %dma_start3A_739 = arith.constant 0 : i32
      %dma_start3A_740 = tpu.memref_slice %arg8[%run_scoped3A_51, %dma_start3A_738, %dma_start3A_739] : memref<5x80x32xf32, #tpu.memory_space<vmem>> -> memref<1x80x32xf32, #tpu.memory_space<vmem>>
      %dma_start3A_741 = tpu.memref_squeeze %dma_start3A_740 : memref<1x80x32xf32, #tpu.memory_space<vmem>> -> memref<80x32xf32, #tpu.memory_space<vmem>>
      tpu.enqueue_dma source(%dma_start3A_741 : memref<80x32xf32, #tpu.memory_space<vmem>>) target(%dma_start3A_737 : memref<80x32xf32, #tpu.memory_space<vmem_shared>>) target_semaphore(%run_scoped3A_729 : memref<!tpu.dma_semaphore, #tpu.memory_space<semaphore_mem>>)
      %dma_wait3A_742 = arith.constant 0 : i32
      %dma_wait3A_743 = arith.constant 0 : i32
      %dma_wait3A_744 = tpu.memref_slice %arg8[%run_scoped3A_51, %dma_wait3A_742, %dma_wait3A_743] : memref<5x80x32xf32, #tpu.memory_space<vmem>> -> memref<1x80x32xf32, #tpu.memory_space<vmem>>
      %dma_wait3A_745 = tpu.memref_squeeze %dma_wait3A_744 : memref<1x80x32xf32, #tpu.memory_space<vmem>> -> memref<80x32xf32, #tpu.memory_space<vmem>>
      %dma_wait3A_746 = arith.constant 0 : i32
      %dma_wait3A_747 = tpu.memref_slice %arg9[%add3A_50, %dma_wait3A_746] : memref<10240x32xf32, #tpu.memory_space<vmem_shared>> -> memref<80x32xf32, #tpu.memory_space<vmem_shared>>
      %dma_wait3A_748 = arith.constant 0 : i32
      %dma_wait3A_749 = tpu.memref_slice %arg9[%add3A_50, %dma_wait3A_748] : memref<10240x32xf32, #tpu.memory_space<vmem_shared>> -> memref<80x32xf32, #tpu.memory_space<vmem_shared>>
      %dma_wait3A_750 = arith.constant 0 : i32
      %dma_wait3A_751 = arith.constant 0 : i32
      %dma_wait3A_752 = tpu.memref_slice %arg8[%run_scoped3A_51, %dma_wait3A_750, %dma_wait3A_751] : memref<5x80x32xf32, #tpu.memory_space<vmem>> -> memref<1x80x32xf32, #tpu.memory_space<vmem>>
      %dma_wait3A_753 = tpu.memref_squeeze %dma_wait3A_752 : memref<1x80x32xf32, #tpu.memory_space<vmem>> -> memref<80x32xf32, #tpu.memory_space<vmem>>
      tpu.wait_dma2 semaphore(%run_scoped3A_729 : memref<!tpu.dma_semaphore, #tpu.memory_space<semaphore_mem>>) src(%dma_wait3A_753 : memref<80x32xf32, #tpu.memory_space<vmem>>) dst(%dma_wait3A_749 : memref<80x32xf32, #tpu.memory_space<vmem_shared>>)
      tpu.yield
    }) : () -> ()
    %mul3A_52 = arith.constant 640 : i32
    %mul3A_53 = arith.muli %arg1, %mul3A_52 : i32
    %add3A_54 = arith.constant 400 : i32
    %add3A_55 = arith.addi %mul3A_53, %add3A_54 : i32
    %run_scoped3A_56 = arith.constant 0 : i32
    "tpu.region"() ({
      %run_scoped3A_729 = tpu.sem_alloc : memref<!tpu.dma_semaphore, #tpu.memory_space<semaphore_mem>>
      %dma_start3A_730 = arith.constant 0 : i32
      %dma_start3A_731 = arith.constant 0 : i32
      %dma_start3A_732 = tpu.memref_slice %arg8[%run_scoped3A_56, %dma_start3A_730, %dma_start3A_731] : memref<5x80x32xf32, #tpu.memory_space<vmem>> -> memref<1x80x32xf32, #tpu.memory_space<vmem>>
      %dma_start3A_733 = tpu.memref_squeeze %dma_start3A_732 : memref<1x80x32xf32, #tpu.memory_space<vmem>> -> memref<80x32xf32, #tpu.memory_space<vmem>>
      %dma_start3A_734 = arith.constant 0 : i32
      %dma_start3A_735 = tpu.memref_slice %arg9[%add3A_55, %dma_start3A_734] : memref<10240x32xf32, #tpu.memory_space<vmem_shared>> -> memref<80x32xf32, #tpu.memory_space<vmem_shared>>
      %dma_start3A_736 = arith.constant 0 : i32
      %dma_start3A_737 = tpu.memref_slice %arg9[%add3A_55, %dma_start3A_736] : memref<10240x32xf32, #tpu.memory_space<vmem_shared>> -> memref<80x32xf32, #tpu.memory_space<vmem_shared>>
      %dma_start3A_738 = arith.constant 0 : i32
      %dma_start3A_739 = arith.constant 0 : i32
      %dma_start3A_740 = tpu.memref_slice %arg8[%run_scoped3A_56, %dma_start3A_738, %dma_start3A_739] : memref<5x80x32xf32, #tpu.memory_space<vmem>> -> memref<1x80x32xf32, #tpu.memory_space<vmem>>
      %dma_start3A_741 = tpu.memref_squeeze %dma_start3A_740 : memref<1x80x32xf32, #tpu.memory_space<vmem>> -> memref<80x32xf32, #tpu.memory_space<vmem>>
      tpu.enqueue_dma source(%dma_start3A_741 : memref<80x32xf32, #tpu.memory_space<vmem>>) target(%dma_start3A_737 : memref<80x32xf32, #tpu.memory_space<vmem_shared>>) target_semaphore(%run_scoped3A_729 : memref<!tpu.dma_semaphore, #tpu.memory_space<semaphore_mem>>)
      %dma_wait3A_742 = arith.constant 0 : i32
      %dma_wait3A_743 = arith.constant 0 : i32
      %dma_wait3A_744 = tpu.memref_slice %arg8[%run_scoped3A_56, %dma_wait3A_742, %dma_wait3A_743] : memref<5x80x32xf32, #tpu.memory_space<vmem>> -> memref<1x80x32xf32, #tpu.memory_space<vmem>>
      %dma_wait3A_745 = tpu.memref_squeeze %dma_wait3A_744 : memref<1x80x32xf32, #tpu.memory_space<vmem>> -> memref<80x32xf32, #tpu.memory_space<vmem>>
      %dma_wait3A_746 = arith.constant 0 : i32
      %dma_wait3A_747 = tpu.memref_slice %arg9[%add3A_55, %dma_wait3A_746] : memref<10240x32xf32, #tpu.memory_space<vmem_shared>> -> memref<80x32xf32, #tpu.memory_space<vmem_shared>>
      %dma_wait3A_748 = arith.constant 0 : i32
      %dma_wait3A_749 = tpu.memref_slice %arg9[%add3A_55, %dma_wait3A_748] : memref<10240x32xf32, #tpu.memory_space<vmem_shared>> -> memref<80x32xf32, #tpu.memory_space<vmem_shared>>
      %dma_wait3A_750 = arith.constant 0 : i32
      %dma_wait3A_751 = arith.constant 0 : i32
      %dma_wait3A_752 = tpu.memref_slice %arg8[%run_scoped3A_56, %dma_wait3A_750, %dma_wait3A_751] : memref<5x80x32xf32, #tpu.memory_space<vmem>> -> memref<1x80x32xf32, #tpu.memory_space<vmem>>
      %dma_wait3A_753 = tpu.memref_squeeze %dma_wait3A_752 : memref<1x80x32xf32, #tpu.memory_space<vmem>> -> memref<80x32xf32, #tpu.memory_space<vmem>>
      tpu.wait_dma2 semaphore(%run_scoped3A_729 : memref<!tpu.dma_semaphore, #tpu.memory_space<semaphore_mem>>) src(%dma_wait3A_753 : memref<80x32xf32, #tpu.memory_space<vmem>>) dst(%dma_wait3A_749 : memref<80x32xf32, #tpu.memory_space<vmem_shared>>)
      tpu.yield
    }) : () -> ()
    %mul3A_57 = arith.constant 640 : i32
    %mul3A_58 = arith.muli %arg1, %mul3A_57 : i32
    %add3A_59 = arith.constant 480 : i32
    %add3A_60 = arith.addi %mul3A_58, %add3A_59 : i32
    %run_scoped3A_61 = arith.constant 0 : i32
    "tpu.region"() ({
      %run_scoped3A_729 = tpu.sem_alloc : memref<!tpu.dma_semaphore, #tpu.memory_space<semaphore_mem>>
      %dma_start3A_730 = arith.constant 0 : i32
      %dma_start3A_731 = arith.constant 0 : i32
      %dma_start3A_732 = tpu.memref_slice %arg8[%run_scoped3A_61, %dma_start3A_730, %dma_start3A_731] : memref<5x80x32xf32, #tpu.memory_space<vmem>> -> memref<1x80x32xf32, #tpu.memory_space<vmem>>
      %dma_start3A_733 = tpu.memref_squeeze %dma_start3A_732 : memref<1x80x32xf32, #tpu.memory_space<vmem>> -> memref<80x32xf32, #tpu.memory_space<vmem>>
      %dma_start3A_734 = arith.constant 0 : i32
      %dma_start3A_735 = tpu.memref_slice %arg9[%add3A_60, %dma_start3A_734] : memref<10240x32xf32, #tpu.memory_space<vmem_shared>> -> memref<80x32xf32, #tpu.memory_space<vmem_shared>>
      %dma_start3A_736 = arith.constant 0 : i32
      %dma_start3A_737 = tpu.memref_slice %arg9[%add3A_60, %dma_start3A_736] : memref<10240x32xf32, #tpu.memory_space<vmem_shared>> -> memref<80x32xf32, #tpu.memory_space<vmem_shared>>
      %dma_start3A_738 = arith.constant 0 : i32
      %dma_start3A_739 = arith.constant 0 : i32
      %dma_start3A_740 = tpu.memref_slice %arg8[%run_scoped3A_61, %dma_start3A_738, %dma_start3A_739] : memref<5x80x32xf32, #tpu.memory_space<vmem>> -> memref<1x80x32xf32, #tpu.memory_space<vmem>>
      %dma_start3A_741 = tpu.memref_squeeze %dma_start3A_740 : memref<1x80x32xf32, #tpu.memory_space<vmem>> -> memref<80x32xf32, #tpu.memory_space<vmem>>
      tpu.enqueue_dma source(%dma_start3A_741 : memref<80x32xf32, #tpu.memory_space<vmem>>) target(%dma_start3A_737 : memref<80x32xf32, #tpu.memory_space<vmem_shared>>) target_semaphore(%run_scoped3A_729 : memref<!tpu.dma_semaphore, #tpu.memory_space<semaphore_mem>>)
      %dma_wait3A_742 = arith.constant 0 : i32
      %dma_wait3A_743 = arith.constant 0 : i32
      %dma_wait3A_744 = tpu.memref_slice %arg8[%run_scoped3A_61, %dma_wait3A_742, %dma_wait3A_743] : memref<5x80x32xf32, #tpu.memory_space<vmem>> -> memref<1x80x32xf32, #tpu.memory_space<vmem>>
      %dma_wait3A_745 = tpu.memref_squeeze %dma_wait3A_744 : memref<1x80x32xf32, #tpu.memory_space<vmem>> -> memref<80x32xf32, #tpu.memory_space<vmem>>
      %dma_wait3A_746 = arith.constant 0 : i32
      %dma_wait3A_747 = tpu.memref_slice %arg9[%add3A_60, %dma_wait3A_746] : memref<10240x32xf32, #tpu.memory_space<vmem_shared>> -> memref<80x32xf32, #tpu.memory_space<vmem_shared>>
      %dma_wait3A_748 = arith.constant 0 : i32
      %dma_wait3A_749 = tpu.memref_slice %arg9[%add3A_60, %dma_wait3A_748] : memref<10240x32xf32, #tpu.memory_space<vmem_shared>> -> memref<80x32xf32, #tpu.memory_space<vmem_shared>>
      %dma_wait3A_750 = arith.constant 0 : i32
      %dma_wait3A_751 = arith.constant 0 : i32
      %dma_wait3A_752 = tpu.memref_slice %arg8[%run_scoped3A_61, %dma_wait3A_750, %dma_wait3A_751] : memref<5x80x32xf32, #tpu.memory_space<vmem>> -> memref<1x80x32xf32, #tpu.memory_space<vmem>>
      %dma_wait3A_753 = tpu.memref_squeeze %dma_wait3A_752 : memref<1x80x32xf32, #tpu.memory_space<vmem>> -> memref<80x32xf32, #tpu.memory_space<vmem>>
      tpu.wait_dma2 semaphore(%run_scoped3A_729 : memref<!tpu.dma_semaphore, #tpu.memory_space<semaphore_mem>>) src(%dma_wait3A_753 : memref<80x32xf32, #tpu.memory_space<vmem>>) dst(%dma_wait3A_749 : memref<80x32xf32, #tpu.memory_space<vmem_shared>>)
      tpu.yield
    }) : () -> ()
    %mul3A_62 = arith.constant 640 : i32
    %mul3A_63 = arith.muli %arg1, %mul3A_62 : i32
    %add3A_64 = arith.constant 560 : i32
    %add3A_65 = arith.addi %mul3A_63, %add3A_64 : i32
    %run_scoped3A_66 = arith.constant 0 : i32
    "tpu.region"() ({
      %run_scoped3A_729 = tpu.sem_alloc : memref<!tpu.dma_semaphore, #tpu.memory_space<semaphore_mem>>
      %dma_start3A_730 = arith.constant 0 : i32
      %dma_start3A_731 = arith.constant 0 : i32
      %dma_start3A_732 = tpu.memref_slice %arg8[%run_scoped3A_66, %dma_start3A_730, %dma_start3A_731] : memref<5x80x32xf32, #tpu.memory_space<vmem>> -> memref<1x80x32xf32, #tpu.memory_space<vmem>>
      %dma_start3A_733 = tpu.memref_squeeze %dma_start3A_732 : memref<1x80x32xf32, #tpu.memory_space<vmem>> -> memref<80x32xf32, #tpu.memory_space<vmem>>
      %dma_start3A_734 = arith.constant 0 : i32
      %dma_start3A_735 = tpu.memref_slice %arg9[%add3A_65, %dma_start3A_734] : memref<10240x32xf32, #tpu.memory_space<vmem_shared>> -> memref<80x32xf32, #tpu.memory_space<vmem_shared>>
      %dma_start3A_736 = arith.constant 0 : i32
      %dma_start3A_737 = tpu.memref_slice %arg9[%add3A_65, %dma_start3A_736] : memref<10240x32xf32, #tpu.memory_space<vmem_shared>> -> memref<80x32xf32, #tpu.memory_space<vmem_shared>>
      %dma_start3A_738 = arith.constant 0 : i32
      %dma_start3A_739 = arith.constant 0 : i32
      %dma_start3A_740 = tpu.memref_slice %arg8[%run_scoped3A_66, %dma_start3A_738, %dma_start3A_739] : memref<5x80x32xf32, #tpu.memory_space<vmem>> -> memref<1x80x32xf32, #tpu.memory_space<vmem>>
      %dma_start3A_741 = tpu.memref_squeeze %dma_start3A_740 : memref<1x80x32xf32, #tpu.memory_space<vmem>> -> memref<80x32xf32, #tpu.memory_space<vmem>>
      tpu.enqueue_dma source(%dma_start3A_741 : memref<80x32xf32, #tpu.memory_space<vmem>>) target(%dma_start3A_737 : memref<80x32xf32, #tpu.memory_space<vmem_shared>>) target_semaphore(%run_scoped3A_729 : memref<!tpu.dma_semaphore, #tpu.memory_space<semaphore_mem>>)
      %dma_wait3A_742 = arith.constant 0 : i32
      %dma_wait3A_743 = arith.constant 0 : i32
      %dma_wait3A_744 = tpu.memref_slice %arg8[%run_scoped3A_66, %dma_wait3A_742, %dma_wait3A_743] : memref<5x80x32xf32, #tpu.memory_space<vmem>> -> memref<1x80x32xf32, #tpu.memory_space<vmem>>
      %dma_wait3A_745 = tpu.memref_squeeze %dma_wait3A_744 : memref<1x80x32xf32, #tpu.memory_space<vmem>> -> memref<80x32xf32, #tpu.memory_space<vmem>>
      %dma_wait3A_746 = arith.constant 0 : i32
      %dma_wait3A_747 = tpu.memref_slice %arg9[%add3A_65, %dma_wait3A_746] : memref<10240x32xf32, #tpu.memory_space<vmem_shared>> -> memref<80x32xf32, #tpu.memory_space<vmem_shared>>
      %dma_wait3A_748 = arith.constant 0 : i32
      %dma_wait3A_749 = tpu.memref_slice %arg9[%add3A_65, %dma_wait3A_748] : memref<10240x32xf32, #tpu.memory_space<vmem_shared>> -> memref<80x32xf32, #tpu.memory_space<vmem_shared>>
      %dma_wait3A_750 = arith.constant 0 : i32
      %dma_wait3A_751 = arith.constant 0 : i32
      %dma_wait3A_752 = tpu.memref_slice %arg8[%run_scoped3A_66, %dma_wait3A_750, %dma_wait3A_751] : memref<5x80x32xf32, #tpu.memory_space<vmem>> -> memref<1x80x32xf32, #tpu.memory_space<vmem>>
      %dma_wait3A_753 = tpu.memref_squeeze %dma_wait3A_752 : memref<1x80x32xf32, #tpu.memory_space<vmem>> -> memref<80x32xf32, #tpu.memory_space<vmem>>
      tpu.wait_dma2 semaphore(%run_scoped3A_729 : memref<!tpu.dma_semaphore, #tpu.memory_space<semaphore_mem>>) src(%dma_wait3A_753 : memref<80x32xf32, #tpu.memory_space<vmem>>) dst(%dma_wait3A_749 : memref<80x32xf32, #tpu.memory_space<vmem_shared>>)
      tpu.yield
    }) : () -> ()
    %dma_wait3A = arith.constant 0 : i32
    %dma_wait3A_67 = arith.constant 0 : i32
    %dma_wait3A_68 = arith.constant 0 : i32
    %dma_wait3A_69 = tpu.memref_slice %arg3[%add3A, %dma_wait3A_67, %dma_wait3A_68] : memref<32x125x80xi32, #tpu.memory_space<hbm>> -> memref<1x125x80xi32, #tpu.memory_space<hbm>>
    %dma_wait3A_70 = tpu.memref_squeeze %dma_wait3A_69 : memref<1x125x80xi32, #tpu.memory_space<hbm>> -> memref<125x80xi32, #tpu.memory_space<hbm>>
    %dma_wait3A_71 = tpu.memref_slice %arg10[%dma_wait3A] : memref<2x!tpu.dma_semaphore, #tpu.memory_space<semaphore_mem>> -> memref<1x!tpu.dma_semaphore, #tpu.memory_space<semaphore_mem>>
    %dma_wait3A_72 = tpu.memref_squeeze %dma_wait3A_71 : memref<1x!tpu.dma_semaphore, #tpu.memory_space<semaphore_mem>> -> memref<!tpu.dma_semaphore, #tpu.memory_space<semaphore_mem>>
    %dma_wait3A_73 = arith.constant 0 : i32
    %dma_wait3A_74 = arith.constant 0 : i32
    %dma_wait3A_75 = tpu.memref_slice %arg3[%add3A, %dma_wait3A_73, %dma_wait3A_74] : memref<32x125x80xi32, #tpu.memory_space<hbm>> -> memref<1x125x80xi32, #tpu.memory_space<hbm>>
    %dma_wait3A_76 = tpu.memref_squeeze %dma_wait3A_75 : memref<1x125x80xi32, #tpu.memory_space<hbm>> -> memref<125x80xi32, #tpu.memory_space<hbm>>
    tpu.wait_dma2 semaphore(%dma_wait3A_72 : memref<!tpu.dma_semaphore, #tpu.memory_space<semaphore_mem>>) src(%dma_wait3A_76 : memref<125x80xi32, #tpu.memory_space<hbm>>) dst(%arg6 : memref<125x80xi32, #tpu.memory_space<vmem>>)
    %dma_wait3A_77 = arith.constant 1 : i32
    %dma_wait3A_78 = arith.constant 0 : i32
    %dma_wait3A_79 = arith.constant 0 : i32
    %dma_wait3A_80 = tpu.memref_slice %arg4[%add3A, %dma_wait3A_78, %dma_wait3A_79] : memref<32x125x80xi32, #tpu.memory_space<hbm>> -> memref<1x125x80xi32, #tpu.memory_space<hbm>>
    %dma_wait3A_81 = tpu.memref_squeeze %dma_wait3A_80 : memref<1x125x80xi32, #tpu.memory_space<hbm>> -> memref<125x80xi32, #tpu.memory_space<hbm>>
    %dma_wait3A_82 = tpu.memref_slice %arg10[%dma_wait3A_77] : memref<2x!tpu.dma_semaphore, #tpu.memory_space<semaphore_mem>> -> memref<1x!tpu.dma_semaphore, #tpu.memory_space<semaphore_mem>>
    %dma_wait3A_83 = tpu.memref_squeeze %dma_wait3A_82 : memref<1x!tpu.dma_semaphore, #tpu.memory_space<semaphore_mem>> -> memref<!tpu.dma_semaphore, #tpu.memory_space<semaphore_mem>>
    %dma_wait3A_84 = arith.constant 0 : i32
    %dma_wait3A_85 = arith.constant 0 : i32
    %dma_wait3A_86 = tpu.memref_slice %arg4[%add3A, %dma_wait3A_84, %dma_wait3A_85] : memref<32x125x80xi32, #tpu.memory_space<hbm>> -> memref<1x125x80xi32, #tpu.memory_space<hbm>>
    %dma_wait3A_87 = tpu.memref_squeeze %dma_wait3A_86 : memref<1x125x80xi32, #tpu.memory_space<hbm>> -> memref<125x80xi32, #tpu.memory_space<hbm>>
    tpu.wait_dma2 semaphore(%dma_wait3A_83 : memref<!tpu.dma_semaphore, #tpu.memory_space<semaphore_mem>>) src(%dma_wait3A_87 : memref<125x80xi32, #tpu.memory_space<hbm>>) dst(%arg7 : memref<125x80xi32, #tpu.memory_space<vmem>>)
    %barrier3A = arith.constant 0 : index
    tpu.barrier barrier_id(%barrier3A)
    %dma_start3A_88 = arith.constant 0 : i32
    %dma_start3A_89 = arith.constant 0 : i32
    %dma_start3A_90 = arith.constant 0 : i32
    %dma_start3A_91 = arith.constant 0 : i32
    %dma_start3A_92 = arith.constant 0 : i32
    %dma_start3A_93 = tpu.memref_slice %arg8[%dma_start3A_89, %dma_start3A_91, %dma_start3A_92] : memref<5x80x32xf32, #tpu.memory_space<vmem>> -> memref<1x80x32xf32, #tpu.memory_space<vmem>>
    %dma_start3A_94 = tpu.memref_squeeze %dma_start3A_93 : memref<1x80x32xf32, #tpu.memory_space<vmem>> -> memref<80x32xf32, #tpu.memory_space<vmem>>
    %dma_start3A_95 = arith.constant 0 : i32
    %dma_start3A_96 = tpu.memref_slice %arg6[%dma_start3A_88, %dma_start3A_95] : memref<125x80xi32, #tpu.memory_space<vmem>> -> memref<1x80xi32, #tpu.memory_space<vmem>>
    %dma_start3A_97 = tpu.memref_squeeze %dma_start3A_96 : memref<1x80xi32, #tpu.memory_space<vmem>> -> memref<80xi32, #tpu.memory_space<vmem>>
    %dma_start3A_98 = arith.constant 0 : i32
    %dma_start3A_99 = arith.constant 0 : i32
    %dma_start3A_100 = tpu.memref_slice %arg2[%dma_start3A_98, %dma_start3A_99] : memref<10000x32xf32, #tpu.memory_space<hbm>> -> memref<10000x32xf32, #tpu.memory_space<hbm>>
    %dma_start3A_101 = tpu.memref_slice %arg11[%dma_start3A_90] : memref<5x!tpu.dma_semaphore, #tpu.memory_space<semaphore_mem>> -> memref<1x!tpu.dma_semaphore, #tpu.memory_space<semaphore_mem>>
    %dma_start3A_102 = tpu.memref_squeeze %dma_start3A_101 : memref<1x!tpu.dma_semaphore, #tpu.memory_space<semaphore_mem>> -> memref<!tpu.dma_semaphore, #tpu.memory_space<semaphore_mem>>
    tpu.enqueue_indirect_dma source(%dma_start3A_100 : memref<10000x32xf32, #tpu.memory_space<hbm>>) target(%dma_start3A_94 : memref<80x32xf32, #tpu.memory_space<vmem>>) offsets(%dma_start3A_97 : memref<80xi32, #tpu.memory_space<vmem>>) semaphore(%dma_start3A_102 : memref<!tpu.dma_semaphore, #tpu.memory_space<semaphore_mem>>)
    %dma_wait3A_103 = arith.constant 0 : i32
    %dma_wait3A_104 = arith.constant 0 : i32
    %dma_wait3A_105 = arith.constant 0 : i32
    %dma_wait3A_106 = arith.constant 0 : i32
    %dma_wait3A_107 = arith.constant 0 : i32
    %dma_wait3A_108 = tpu.memref_slice %arg8[%dma_wait3A_104, %dma_wait3A_106, %dma_wait3A_107] : memref<5x80x32xf32, #tpu.memory_space<vmem>> -> memref<1x80x32xf32, #tpu.memory_space<vmem>>
    %dma_wait3A_109 = tpu.memref_squeeze %dma_wait3A_108 : memref<1x80x32xf32, #tpu.memory_space<vmem>> -> memref<80x32xf32, #tpu.memory_space<vmem>>
    %dma_wait3A_110 = arith.constant 0 : i32
    %dma_wait3A_111 = tpu.memref_slice %arg6[%dma_wait3A_103, %dma_wait3A_110] : memref<125x80xi32, #tpu.memory_space<vmem>> -> memref<1x80xi32, #tpu.memory_space<vmem>>
    %dma_wait3A_112 = tpu.memref_squeeze %dma_wait3A_111 : memref<1x80xi32, #tpu.memory_space<vmem>> -> memref<80xi32, #tpu.memory_space<vmem>>
    %dma_wait3A_113 = arith.constant 0 : i32
    %dma_wait3A_114 = arith.constant 0 : i32
    %dma_wait3A_115 = tpu.memref_slice %arg2[%dma_wait3A_113, %dma_wait3A_114] : memref<10000x32xf32, #tpu.memory_space<hbm>> -> memref<10000x32xf32, #tpu.memory_space<hbm>>
    %dma_wait3A_116 = tpu.memref_slice %arg11[%dma_wait3A_105] : memref<5x!tpu.dma_semaphore, #tpu.memory_space<semaphore_mem>> -> memref<1x!tpu.dma_semaphore, #tpu.memory_space<semaphore_mem>>
    %dma_wait3A_117 = tpu.memref_squeeze %dma_wait3A_116 : memref<1x!tpu.dma_semaphore, #tpu.memory_space<semaphore_mem>> -> memref<!tpu.dma_semaphore, #tpu.memory_space<semaphore_mem>>
    tpu.wait_indirect_dma semaphore(%dma_wait3A_117 : memref<!tpu.dma_semaphore, #tpu.memory_space<semaphore_mem>>) src(%dma_wait3A_115 : memref<10000x32xf32, #tpu.memory_space<hbm>>) dst(%dma_wait3A_109 : memref<80x32xf32, #tpu.memory_space<vmem>>)
    %dma_start3A_118 = arith.constant 0 : i32
    %dma_start3A_119 = arith.constant 0 : i32
    %dma_start3A_120 = arith.constant 0 : i32
    %dma_start3A_121 = arith.constant 0 : i32
    %dma_start3A_122 = arith.constant 0 : i32
    %dma_start3A_123 = tpu.memref_slice %arg8[%dma_start3A_118, %dma_start3A_121, %dma_start3A_122] : memref<5x80x32xf32, #tpu.memory_space<vmem>> -> memref<1x80x32xf32, #tpu.memory_space<vmem>>
    %dma_start3A_124 = tpu.memref_squeeze %dma_start3A_123 : memref<1x80x32xf32, #tpu.memory_space<vmem>> -> memref<80x32xf32, #tpu.memory_space<vmem>>
    %dma_start3A_125 = arith.constant 0 : i32
    %dma_start3A_126 = tpu.memref_slice %arg7[%dma_start3A_119, %dma_start3A_125] : memref<125x80xi32, #tpu.memory_space<vmem>> -> memref<1x80xi32, #tpu.memory_space<vmem>>
    %dma_start3A_127 = tpu.memref_squeeze %dma_start3A_126 : memref<1x80xi32, #tpu.memory_space<vmem>> -> memref<80xi32, #tpu.memory_space<vmem>>
    %dma_start3A_128 = arith.constant 0 : i32
    %dma_start3A_129 = arith.constant 0 : i32
    %dma_start3A_130 = tpu.memref_slice %arg9[%dma_start3A_128, %dma_start3A_129] : memref<10240x32xf32, #tpu.memory_space<vmem_shared>> -> memref<10240x32xf32, #tpu.memory_space<vmem_shared>>
    %dma_start3A_131 = tpu.memref_slice %arg12[%dma_start3A_120] : memref<5x!tpu.dma_semaphore, #tpu.memory_space<semaphore_mem>> -> memref<1x!tpu.dma_semaphore, #tpu.memory_space<semaphore_mem>>
    %dma_start3A_132 = tpu.memref_squeeze %dma_start3A_131 : memref<1x!tpu.dma_semaphore, #tpu.memory_space<semaphore_mem>> -> memref<!tpu.dma_semaphore, #tpu.memory_space<semaphore_mem>>
    tpu.enqueue_indirect_dma source(%dma_start3A_124 : memref<80x32xf32, #tpu.memory_space<vmem>>) target(%dma_start3A_130 : memref<10240x32xf32, #tpu.memory_space<vmem_shared>>) offsets(%dma_start3A_127 : memref<80xi32, #tpu.memory_space<vmem>>) semaphore(%dma_start3A_132 : memref<!tpu.dma_semaphore, #tpu.memory_space<semaphore_mem>>) {add = true}
    %dma_start3A_133 = arith.constant 1 : i32
    %dma_start3A_134 = arith.constant 1 : i32
    %dma_start3A_135 = arith.constant 1 : i32
    %dma_start3A_136 = arith.constant 0 : i32
    %dma_start3A_137 = arith.constant 0 : i32
    %dma_start3A_138 = tpu.memref_slice %arg8[%dma_start3A_134, %dma_start3A_136, %dma_start3A_137] : memref<5x80x32xf32, #tpu.memory_space<vmem>> -> memref<1x80x32xf32, #tpu.memory_space<vmem>>
    %dma_start3A_139 = tpu.memref_squeeze %dma_start3A_138 : memref<1x80x32xf32, #tpu.memory_space<vmem>> -> memref<80x32xf32, #tpu.memory_space<vmem>>
    %dma_start3A_140 = arith.constant 0 : i32
    %dma_start3A_141 = tpu.memref_slice %arg6[%dma_start3A_133, %dma_start3A_140] : memref<125x80xi32, #tpu.memory_space<vmem>> -> memref<1x80xi32, #tpu.memory_space<vmem>>
    %dma_start3A_142 = tpu.memref_squeeze %dma_start3A_141 : memref<1x80xi32, #tpu.memory_space<vmem>> -> memref<80xi32, #tpu.memory_space<vmem>>
    %dma_start3A_143 = arith.constant 0 : i32
    %dma_start3A_144 = arith.constant 0 : i32
    %dma_start3A_145 = tpu.memref_slice %arg2[%dma_start3A_143, %dma_start3A_144] : memref<10000x32xf32, #tpu.memory_space<hbm>> -> memref<10000x32xf32, #tpu.memory_space<hbm>>
    %dma_start3A_146 = tpu.memref_slice %arg11[%dma_start3A_135] : memref<5x!tpu.dma_semaphore, #tpu.memory_space<semaphore_mem>> -> memref<1x!tpu.dma_semaphore, #tpu.memory_space<semaphore_mem>>
    %dma_start3A_147 = tpu.memref_squeeze %dma_start3A_146 : memref<1x!tpu.dma_semaphore, #tpu.memory_space<semaphore_mem>> -> memref<!tpu.dma_semaphore, #tpu.memory_space<semaphore_mem>>
    tpu.enqueue_indirect_dma source(%dma_start3A_145 : memref<10000x32xf32, #tpu.memory_space<hbm>>) target(%dma_start3A_139 : memref<80x32xf32, #tpu.memory_space<vmem>>) offsets(%dma_start3A_142 : memref<80xi32, #tpu.memory_space<vmem>>) semaphore(%dma_start3A_147 : memref<!tpu.dma_semaphore, #tpu.memory_space<semaphore_mem>>)
    %dma_wait3A_148 = arith.constant 1 : i32
    %dma_wait3A_149 = arith.constant 1 : i32
    %dma_wait3A_150 = arith.constant 1 : i32
    %dma_wait3A_151 = arith.constant 0 : i32
    %dma_wait3A_152 = arith.constant 0 : i32
    %dma_wait3A_153 = tpu.memref_slice %arg8[%dma_wait3A_149, %dma_wait3A_151, %dma_wait3A_152] : memref<5x80x32xf32, #tpu.memory_space<vmem>> -> memref<1x80x32xf32, #tpu.memory_space<vmem>>
    %dma_wait3A_154 = tpu.memref_squeeze %dma_wait3A_153 : memref<1x80x32xf32, #tpu.memory_space<vmem>> -> memref<80x32xf32, #tpu.memory_space<vmem>>
    %dma_wait3A_155 = arith.constant 0 : i32
    %dma_wait3A_156 = tpu.memref_slice %arg6[%dma_wait3A_148, %dma_wait3A_155] : memref<125x80xi32, #tpu.memory_space<vmem>> -> memref<1x80xi32, #tpu.memory_space<vmem>>
    %dma_wait3A_157 = tpu.memref_squeeze %dma_wait3A_156 : memref<1x80xi32, #tpu.memory_space<vmem>> -> memref<80xi32, #tpu.memory_space<vmem>>
    %dma_wait3A_158 = arith.constant 0 : i32
    %dma_wait3A_159 = arith.constant 0 : i32
    %dma_wait3A_160 = tpu.memref_slice %arg2[%dma_wait3A_158, %dma_wait3A_159] : memref<10000x32xf32, #tpu.memory_space<hbm>> -> memref<10000x32xf32, #tpu.memory_space<hbm>>
    %dma_wait3A_161 = tpu.memref_slice %arg11[%dma_wait3A_150] : memref<5x!tpu.dma_semaphore, #tpu.memory_space<semaphore_mem>> -> memref<1x!tpu.dma_semaphore, #tpu.memory_space<semaphore_mem>>
    %dma_wait3A_162 = tpu.memref_squeeze %dma_wait3A_161 : memref<1x!tpu.dma_semaphore, #tpu.memory_space<semaphore_mem>> -> memref<!tpu.dma_semaphore, #tpu.memory_space<semaphore_mem>>
    tpu.wait_indirect_dma semaphore(%dma_wait3A_162 : memref<!tpu.dma_semaphore, #tpu.memory_space<semaphore_mem>>) src(%dma_wait3A_160 : memref<10000x32xf32, #tpu.memory_space<hbm>>) dst(%dma_wait3A_154 : memref<80x32xf32, #tpu.memory_space<vmem>>)
    %dma_start3A_163 = arith.constant 1 : i32
    %dma_start3A_164 = arith.constant 1 : i32
    %dma_start3A_165 = arith.constant 1 : i32
    %dma_start3A_166 = arith.constant 0 : i32
    %dma_start3A_167 = arith.constant 0 : i32
    %dma_start3A_168 = tpu.memref_slice %arg8[%dma_start3A_163, %dma_start3A_166, %dma_start3A_167] : memref<5x80x32xf32, #tpu.memory_space<vmem>> -> memref<1x80x32xf32, #tpu.memory_space<vmem>>
    %dma_start3A_169 = tpu.memref_squeeze %dma_start3A_168 : memref<1x80x32xf32, #tpu.memory_space<vmem>> -> memref<80x32xf32, #tpu.memory_space<vmem>>
    %dma_start3A_170 = arith.constant 0 : i32
    %dma_start3A_171 = tpu.memref_slice %arg7[%dma_start3A_164, %dma_start3A_170] : memref<125x80xi32, #tpu.memory_space<vmem>> -> memref<1x80xi32, #tpu.memory_space<vmem>>
    %dma_start3A_172 = tpu.memref_squeeze %dma_start3A_171 : memref<1x80xi32, #tpu.memory_space<vmem>> -> memref<80xi32, #tpu.memory_space<vmem>>
    %dma_start3A_173 = arith.constant 0 : i32
    %dma_start3A_174 = arith.constant 0 : i32
    %dma_start3A_175 = tpu.memref_slice %arg9[%dma_start3A_173, %dma_start3A_174] : memref<10240x32xf32, #tpu.memory_space<vmem_shared>> -> memref<10240x32xf32, #tpu.memory_space<vmem_shared>>
    %dma_start3A_176 = tpu.memref_slice %arg12[%dma_start3A_165] : memref<5x!tpu.dma_semaphore, #tpu.memory_space<semaphore_mem>> -> memref<1x!tpu.dma_semaphore, #tpu.memory_space<semaphore_mem>>
    %dma_start3A_177 = tpu.memref_squeeze %dma_start3A_176 : memref<1x!tpu.dma_semaphore, #tpu.memory_space<semaphore_mem>> -> memref<!tpu.dma_semaphore, #tpu.memory_space<semaphore_mem>>
    tpu.enqueue_indirect_dma source(%dma_start3A_169 : memref<80x32xf32, #tpu.memory_space<vmem>>) target(%dma_start3A_175 : memref<10240x32xf32, #tpu.memory_space<vmem_shared>>) offsets(%dma_start3A_172 : memref<80xi32, #tpu.memory_space<vmem>>) semaphore(%dma_start3A_177 : memref<!tpu.dma_semaphore, #tpu.memory_space<semaphore_mem>>) {add = true}
    %dma_start3A_178 = arith.constant 2 : i32
    %dma_start3A_179 = arith.constant 2 : i32
    %dma_start3A_180 = arith.constant 2 : i32
    %dma_start3A_181 = arith.constant 0 : i32
    %dma_start3A_182 = arith.constant 0 : i32
    %dma_start3A_183 = tpu.memref_slice %arg8[%dma_start3A_179, %dma_start3A_181, %dma_start3A_182] : memref<5x80x32xf32, #tpu.memory_space<vmem>> -> memref<1x80x32xf32, #tpu.memory_space<vmem>>
    %dma_start3A_184 = tpu.memref_squeeze %dma_start3A_183 : memref<1x80x32xf32, #tpu.memory_space<vmem>> -> memref<80x32xf32, #tpu.memory_space<vmem>>
    %dma_start3A_185 = arith.constant 0 : i32
    %dma_start3A_186 = tpu.memref_slice %arg6[%dma_start3A_178, %dma_start3A_185] : memref<125x80xi32, #tpu.memory_space<vmem>> -> memref<1x80xi32, #tpu.memory_space<vmem>>
    %dma_start3A_187 = tpu.memref_squeeze %dma_start3A_186 : memref<1x80xi32, #tpu.memory_space<vmem>> -> memref<80xi32, #tpu.memory_space<vmem>>
    %dma_start3A_188 = arith.constant 0 : i32
    %dma_start3A_189 = arith.constant 0 : i32
    %dma_start3A_190 = tpu.memref_slice %arg2[%dma_start3A_188, %dma_start3A_189] : memref<10000x32xf32, #tpu.memory_space<hbm>> -> memref<10000x32xf32, #tpu.memory_space<hbm>>
    %dma_start3A_191 = tpu.memref_slice %arg11[%dma_start3A_180] : memref<5x!tpu.dma_semaphore, #tpu.memory_space<semaphore_mem>> -> memref<1x!tpu.dma_semaphore, #tpu.memory_space<semaphore_mem>>
    %dma_start3A_192 = tpu.memref_squeeze %dma_start3A_191 : memref<1x!tpu.dma_semaphore, #tpu.memory_space<semaphore_mem>> -> memref<!tpu.dma_semaphore, #tpu.memory_space<semaphore_mem>>
    tpu.enqueue_indirect_dma source(%dma_start3A_190 : memref<10000x32xf32, #tpu.memory_space<hbm>>) target(%dma_start3A_184 : memref<80x32xf32, #tpu.memory_space<vmem>>) offsets(%dma_start3A_187 : memref<80xi32, #tpu.memory_space<vmem>>) semaphore(%dma_start3A_192 : memref<!tpu.dma_semaphore, #tpu.memory_space<semaphore_mem>>)
    %dma_wait3A_193 = arith.constant 2 : i32
    %dma_wait3A_194 = arith.constant 2 : i32
    %dma_wait3A_195 = arith.constant 2 : i32
    %dma_wait3A_196 = arith.constant 0 : i32
    %dma_wait3A_197 = arith.constant 0 : i32
    %dma_wait3A_198 = tpu.memref_slice %arg8[%dma_wait3A_194, %dma_wait3A_196, %dma_wait3A_197] : memref<5x80x32xf32, #tpu.memory_space<vmem>> -> memref<1x80x32xf32, #tpu.memory_space<vmem>>
    %dma_wait3A_199 = tpu.memref_squeeze %dma_wait3A_198 : memref<1x80x32xf32, #tpu.memory_space<vmem>> -> memref<80x32xf32, #tpu.memory_space<vmem>>
    %dma_wait3A_200 = arith.constant 0 : i32
    %dma_wait3A_201 = tpu.memref_slice %arg6[%dma_wait3A_193, %dma_wait3A_200] : memref<125x80xi32, #tpu.memory_space<vmem>> -> memref<1x80xi32, #tpu.memory_space<vmem>>
    %dma_wait3A_202 = tpu.memref_squeeze %dma_wait3A_201 : memref<1x80xi32, #tpu.memory_space<vmem>> -> memref<80xi32, #tpu.memory_space<vmem>>
    %dma_wait3A_203 = arith.constant 0 : i32
    %dma_wait3A_204 = arith.constant 0 : i32
    %dma_wait3A_205 = tpu.memref_slice %arg2[%dma_wait3A_203, %dma_wait3A_204] : memref<10000x32xf32, #tpu.memory_space<hbm>> -> memref<10000x32xf32, #tpu.memory_space<hbm>>
    %dma_wait3A_206 = tpu.memref_slice %arg11[%dma_wait3A_195] : memref<5x!tpu.dma_semaphore, #tpu.memory_space<semaphore_mem>> -> memref<1x!tpu.dma_semaphore, #tpu.memory_space<semaphore_mem>>
    %dma_wait3A_207 = tpu.memref_squeeze %dma_wait3A_206 : memref<1x!tpu.dma_semaphore, #tpu.memory_space<semaphore_mem>> -> memref<!tpu.dma_semaphore, #tpu.memory_space<semaphore_mem>>
    tpu.wait_indirect_dma semaphore(%dma_wait3A_207 : memref<!tpu.dma_semaphore, #tpu.memory_space<semaphore_mem>>) src(%dma_wait3A_205 : memref<10000x32xf32, #tpu.memory_space<hbm>>) dst(%dma_wait3A_199 : memref<80x32xf32, #tpu.memory_space<vmem>>)
    %dma_start3A_208 = arith.constant 2 : i32
    %dma_start3A_209 = arith.constant 2 : i32
    %dma_start3A_210 = arith.constant 2 : i32
    %dma_start3A_211 = arith.constant 0 : i32
    %dma_start3A_212 = arith.constant 0 : i32
    %dma_start3A_213 = tpu.memref_slice %arg8[%dma_start3A_208, %dma_start3A_211, %dma_start3A_212] : memref<5x80x32xf32, #tpu.memory_space<vmem>> -> memref<1x80x32xf32, #tpu.memory_space<vmem>>
    %dma_start3A_214 = tpu.memref_squeeze %dma_start3A_213 : memref<1x80x32xf32, #tpu.memory_space<vmem>> -> memref<80x32xf32, #tpu.memory_space<vmem>>
    %dma_start3A_215 = arith.constant 0 : i32
    %dma_start3A_216 = tpu.memref_slice %arg7[%dma_start3A_209, %dma_start3A_215] : memref<125x80xi32, #tpu.memory_space<vmem>> -> memref<1x80xi32, #tpu.memory_space<vmem>>
    %dma_start3A_217 = tpu.memref_squeeze %dma_start3A_216 : memref<1x80xi32, #tpu.memory_space<vmem>> -> memref<80xi32, #tpu.memory_space<vmem>>
    %dma_start3A_218 = arith.constant 0 : i32
    %dma_start3A_219 = arith.constant 0 : i32
    %dma_start3A_220 = tpu.memref_slice %arg9[%dma_start3A_218, %dma_start3A_219] : memref<10240x32xf32, #tpu.memory_space<vmem_shared>> -> memref<10240x32xf32, #tpu.memory_space<vmem_shared>>
    %dma_start3A_221 = tpu.memref_slice %arg12[%dma_start3A_210] : memref<5x!tpu.dma_semaphore, #tpu.memory_space<semaphore_mem>> -> memref<1x!tpu.dma_semaphore, #tpu.memory_space<semaphore_mem>>
    %dma_start3A_222 = tpu.memref_squeeze %dma_start3A_221 : memref<1x!tpu.dma_semaphore, #tpu.memory_space<semaphore_mem>> -> memref<!tpu.dma_semaphore, #tpu.memory_space<semaphore_mem>>
    tpu.enqueue_indirect_dma source(%dma_start3A_214 : memref<80x32xf32, #tpu.memory_space<vmem>>) target(%dma_start3A_220 : memref<10240x32xf32, #tpu.memory_space<vmem_shared>>) offsets(%dma_start3A_217 : memref<80xi32, #tpu.memory_space<vmem>>) semaphore(%dma_start3A_222 : memref<!tpu.dma_semaphore, #tpu.memory_space<semaphore_mem>>) {add = true}
    %dma_start3A_223 = arith.constant 3 : i32
    %dma_start3A_224 = arith.constant 3 : i32
    %dma_start3A_225 = arith.constant 3 : i32
    %dma_start3A_226 = arith.constant 0 : i32
    %dma_start3A_227 = arith.constant 0 : i32
    %dma_start3A_228 = tpu.memref_slice %arg8[%dma_start3A_224, %dma_start3A_226, %dma_start3A_227] : memref<5x80x32xf32, #tpu.memory_space<vmem>> -> memref<1x80x32xf32, #tpu.memory_space<vmem>>
    %dma_start3A_229 = tpu.memref_squeeze %dma_start3A_228 : memref<1x80x32xf32, #tpu.memory_space<vmem>> -> memref<80x32xf32, #tpu.memory_space<vmem>>
    %dma_start3A_230 = arith.constant 0 : i32
    %dma_start3A_231 = tpu.memref_slice %arg6[%dma_start3A_223, %dma_start3A_230] : memref<125x80xi32, #tpu.memory_space<vmem>> -> memref<1x80xi32, #tpu.memory_space<vmem>>
    %dma_start3A_232 = tpu.memref_squeeze %dma_start3A_231 : memref<1x80xi32, #tpu.memory_space<vmem>> -> memref<80xi32, #tpu.memory_space<vmem>>
    %dma_start3A_233 = arith.constant 0 : i32
    %dma_start3A_234 = arith.constant 0 : i32
    %dma_start3A_235 = tpu.memref_slice %arg2[%dma_start3A_233, %dma_start3A_234] : memref<10000x32xf32, #tpu.memory_space<hbm>> -> memref<10000x32xf32, #tpu.memory_space<hbm>>
    %dma_start3A_236 = tpu.memref_slice %arg11[%dma_start3A_225] : memref<5x!tpu.dma_semaphore, #tpu.memory_space<semaphore_mem>> -> memref<1x!tpu.dma_semaphore, #tpu.memory_space<semaphore_mem>>
    %dma_start3A_237 = tpu.memref_squeeze %dma_start3A_236 : memref<1x!tpu.dma_semaphore, #tpu.memory_space<semaphore_mem>> -> memref<!tpu.dma_semaphore, #tpu.memory_space<semaphore_mem>>
    tpu.enqueue_indirect_dma source(%dma_start3A_235 : memref<10000x32xf32, #tpu.memory_space<hbm>>) target(%dma_start3A_229 : memref<80x32xf32, #tpu.memory_space<vmem>>) offsets(%dma_start3A_232 : memref<80xi32, #tpu.memory_space<vmem>>) semaphore(%dma_start3A_237 : memref<!tpu.dma_semaphore, #tpu.memory_space<semaphore_mem>>)
    %dma_wait3A_238 = arith.constant 3 : i32
    %dma_wait3A_239 = arith.constant 3 : i32
    %dma_wait3A_240 = arith.constant 3 : i32
    %dma_wait3A_241 = arith.constant 0 : i32
    %dma_wait3A_242 = arith.constant 0 : i32
    %dma_wait3A_243 = tpu.memref_slice %arg8[%dma_wait3A_239, %dma_wait3A_241, %dma_wait3A_242] : memref<5x80x32xf32, #tpu.memory_space<vmem>> -> memref<1x80x32xf32, #tpu.memory_space<vmem>>
    %dma_wait3A_244 = tpu.memref_squeeze %dma_wait3A_243 : memref<1x80x32xf32, #tpu.memory_space<vmem>> -> memref<80x32xf32, #tpu.memory_space<vmem>>
    %dma_wait3A_245 = arith.constant 0 : i32
    %dma_wait3A_246 = tpu.memref_slice %arg6[%dma_wait3A_238, %dma_wait3A_245] : memref<125x80xi32, #tpu.memory_space<vmem>> -> memref<1x80xi32, #tpu.memory_space<vmem>>
    %dma_wait3A_247 = tpu.memref_squeeze %dma_wait3A_246 : memref<1x80xi32, #tpu.memory_space<vmem>> -> memref<80xi32, #tpu.memory_space<vmem>>
    %dma_wait3A_248 = arith.constant 0 : i32
    %dma_wait3A_249 = arith.constant 0 : i32
    %dma_wait3A_250 = tpu.memref_slice %arg2[%dma_wait3A_248, %dma_wait3A_249] : memref<10000x32xf32, #tpu.memory_space<hbm>> -> memref<10000x32xf32, #tpu.memory_space<hbm>>
    %dma_wait3A_251 = tpu.memref_slice %arg11[%dma_wait3A_240] : memref<5x!tpu.dma_semaphore, #tpu.memory_space<semaphore_mem>> -> memref<1x!tpu.dma_semaphore, #tpu.memory_space<semaphore_mem>>
    %dma_wait3A_252 = tpu.memref_squeeze %dma_wait3A_251 : memref<1x!tpu.dma_semaphore, #tpu.memory_space<semaphore_mem>> -> memref<!tpu.dma_semaphore, #tpu.memory_space<semaphore_mem>>
    tpu.wait_indirect_dma semaphore(%dma_wait3A_252 : memref<!tpu.dma_semaphore, #tpu.memory_space<semaphore_mem>>) src(%dma_wait3A_250 : memref<10000x32xf32, #tpu.memory_space<hbm>>) dst(%dma_wait3A_244 : memref<80x32xf32, #tpu.memory_space<vmem>>)
    %dma_start3A_253 = arith.constant 3 : i32
    %dma_start3A_254 = arith.constant 3 : i32
    %dma_start3A_255 = arith.constant 3 : i32
    %dma_start3A_256 = arith.constant 0 : i32
    %dma_start3A_257 = arith.constant 0 : i32
    %dma_start3A_258 = tpu.memref_slice %arg8[%dma_start3A_253, %dma_start3A_256, %dma_start3A_257] : memref<5x80x32xf32, #tpu.memory_space<vmem>> -> memref<1x80x32xf32, #tpu.memory_space<vmem>>
    %dma_start3A_259 = tpu.memref_squeeze %dma_start3A_258 : memref<1x80x32xf32, #tpu.memory_space<vmem>> -> memref<80x32xf32, #tpu.memory_space<vmem>>
    %dma_start3A_260 = arith.constant 0 : i32
    %dma_start3A_261 = tpu.memref_slice %arg7[%dma_start3A_254, %dma_start3A_260] : memref<125x80xi32, #tpu.memory_space<vmem>> -> memref<1x80xi32, #tpu.memory_space<vmem>>
    %dma_start3A_262 = tpu.memref_squeeze %dma_start3A_261 : memref<1x80xi32, #tpu.memory_space<vmem>> -> memref<80xi32, #tpu.memory_space<vmem>>
    %dma_start3A_263 = arith.constant 0 : i32
    %dma_start3A_264 = arith.constant 0 : i32
    %dma_start3A_265 = tpu.memref_slice %arg9[%dma_start3A_263, %dma_start3A_264] : memref<10240x32xf32, #tpu.memory_space<vmem_shared>> -> memref<10240x32xf32, #tpu.memory_space<vmem_shared>>
    %dma_start3A_266 = tpu.memref_slice %arg12[%dma_start3A_255] : memref<5x!tpu.dma_semaphore, #tpu.memory_space<semaphore_mem>> -> memref<1x!tpu.dma_semaphore, #tpu.memory_space<semaphore_mem>>
    %dma_start3A_267 = tpu.memref_squeeze %dma_start3A_266 : memref<1x!tpu.dma_semaphore, #tpu.memory_space<semaphore_mem>> -> memref<!tpu.dma_semaphore, #tpu.memory_space<semaphore_mem>>
    tpu.enqueue_indirect_dma source(%dma_start3A_259 : memref<80x32xf32, #tpu.memory_space<vmem>>) target(%dma_start3A_265 : memref<10240x32xf32, #tpu.memory_space<vmem_shared>>) offsets(%dma_start3A_262 : memref<80xi32, #tpu.memory_space<vmem>>) semaphore(%dma_start3A_267 : memref<!tpu.dma_semaphore, #tpu.memory_space<semaphore_mem>>) {add = true}
    %dma_start3A_268 = arith.constant 4 : i32
    %dma_start3A_269 = arith.constant 4 : i32
    %dma_start3A_270 = arith.constant 4 : i32
    %dma_start3A_271 = arith.constant 0 : i32
    %dma_start3A_272 = arith.constant 0 : i32
    %dma_start3A_273 = tpu.memref_slice %arg8[%dma_start3A_269, %dma_start3A_271, %dma_start3A_272] : memref<5x80x32xf32, #tpu.memory_space<vmem>> -> memref<1x80x32xf32, #tpu.memory_space<vmem>>
    %dma_start3A_274 = tpu.memref_squeeze %dma_start3A_273 : memref<1x80x32xf32, #tpu.memory_space<vmem>> -> memref<80x32xf32, #tpu.memory_space<vmem>>
    %dma_start3A_275 = arith.constant 0 : i32
    %dma_start3A_276 = tpu.memref_slice %arg6[%dma_start3A_268, %dma_start3A_275] : memref<125x80xi32, #tpu.memory_space<vmem>> -> memref<1x80xi32, #tpu.memory_space<vmem>>
    %dma_start3A_277 = tpu.memref_squeeze %dma_start3A_276 : memref<1x80xi32, #tpu.memory_space<vmem>> -> memref<80xi32, #tpu.memory_space<vmem>>
    %dma_start3A_278 = arith.constant 0 : i32
    %dma_start3A_279 = arith.constant 0 : i32
    %dma_start3A_280 = tpu.memref_slice %arg2[%dma_start3A_278, %dma_start3A_279] : memref<10000x32xf32, #tpu.memory_space<hbm>> -> memref<10000x32xf32, #tpu.memory_space<hbm>>
    %dma_start3A_281 = tpu.memref_slice %arg11[%dma_start3A_270] : memref<5x!tpu.dma_semaphore, #tpu.memory_space<semaphore_mem>> -> memref<1x!tpu.dma_semaphore, #tpu.memory_space<semaphore_mem>>
    %dma_start3A_282 = tpu.memref_squeeze %dma_start3A_281 : memref<1x!tpu.dma_semaphore, #tpu.memory_space<semaphore_mem>> -> memref<!tpu.dma_semaphore, #tpu.memory_space<semaphore_mem>>
    tpu.enqueue_indirect_dma source(%dma_start3A_280 : memref<10000x32xf32, #tpu.memory_space<hbm>>) target(%dma_start3A_274 : memref<80x32xf32, #tpu.memory_space<vmem>>) offsets(%dma_start3A_277 : memref<80xi32, #tpu.memory_space<vmem>>) semaphore(%dma_start3A_282 : memref<!tpu.dma_semaphore, #tpu.memory_space<semaphore_mem>>)
    %dma_wait3A_283 = arith.constant 4 : i32
    %dma_wait3A_284 = arith.constant 4 : i32
    %dma_wait3A_285 = arith.constant 4 : i32
    %dma_wait3A_286 = arith.constant 0 : i32
    %dma_wait3A_287 = arith.constant 0 : i32
    %dma_wait3A_288 = tpu.memref_slice %arg8[%dma_wait3A_284, %dma_wait3A_286, %dma_wait3A_287] : memref<5x80x32xf32, #tpu.memory_space<vmem>> -> memref<1x80x32xf32, #tpu.memory_space<vmem>>
    %dma_wait3A_289 = tpu.memref_squeeze %dma_wait3A_288 : memref<1x80x32xf32, #tpu.memory_space<vmem>> -> memref<80x32xf32, #tpu.memory_space<vmem>>
    %dma_wait3A_290 = arith.constant 0 : i32
    %dma_wait3A_291 = tpu.memref_slice %arg6[%dma_wait3A_283, %dma_wait3A_290] : memref<125x80xi32, #tpu.memory_space<vmem>> -> memref<1x80xi32, #tpu.memory_space<vmem>>
    %dma_wait3A_292 = tpu.memref_squeeze %dma_wait3A_291 : memref<1x80xi32, #tpu.memory_space<vmem>> -> memref<80xi32, #tpu.memory_space<vmem>>
    %dma_wait3A_293 = arith.constant 0 : i32
    %dma_wait3A_294 = arith.constant 0 : i32
    %dma_wait3A_295 = tpu.memref_slice %arg2[%dma_wait3A_293, %dma_wait3A_294] : memref<10000x32xf32, #tpu.memory_space<hbm>> -> memref<10000x32xf32, #tpu.memory_space<hbm>>
    %dma_wait3A_296 = tpu.memref_slice %arg11[%dma_wait3A_285] : memref<5x!tpu.dma_semaphore, #tpu.memory_space<semaphore_mem>> -> memref<1x!tpu.dma_semaphore, #tpu.memory_space<semaphore_mem>>
    %dma_wait3A_297 = tpu.memref_squeeze %dma_wait3A_296 : memref<1x!tpu.dma_semaphore, #tpu.memory_space<semaphore_mem>> -> memref<!tpu.dma_semaphore, #tpu.memory_space<semaphore_mem>>
    tpu.wait_indirect_dma semaphore(%dma_wait3A_297 : memref<!tpu.dma_semaphore, #tpu.memory_space<semaphore_mem>>) src(%dma_wait3A_295 : memref<10000x32xf32, #tpu.memory_space<hbm>>) dst(%dma_wait3A_289 : memref<80x32xf32, #tpu.memory_space<vmem>>)
    %dma_start3A_298 = arith.constant 4 : i32
    %dma_start3A_299 = arith.constant 4 : i32
    %dma_start3A_300 = arith.constant 4 : i32
    %dma_start3A_301 = arith.constant 0 : i32
    %dma_start3A_302 = arith.constant 0 : i32
    %dma_start3A_303 = tpu.memref_slice %arg8[%dma_start3A_298, %dma_start3A_301, %dma_start3A_302] : memref<5x80x32xf32, #tpu.memory_space<vmem>> -> memref<1x80x32xf32, #tpu.memory_space<vmem>>
    %dma_start3A_304 = tpu.memref_squeeze %dma_start3A_303 : memref<1x80x32xf32, #tpu.memory_space<vmem>> -> memref<80x32xf32, #tpu.memory_space<vmem>>
    %dma_start3A_305 = arith.constant 0 : i32
    %dma_start3A_306 = tpu.memref_slice %arg7[%dma_start3A_299, %dma_start3A_305] : memref<125x80xi32, #tpu.memory_space<vmem>> -> memref<1x80xi32, #tpu.memory_space<vmem>>
    %dma_start3A_307 = tpu.memref_squeeze %dma_start3A_306 : memref<1x80xi32, #tpu.memory_space<vmem>> -> memref<80xi32, #tpu.memory_space<vmem>>
    %dma_start3A_308 = arith.constant 0 : i32
    %dma_start3A_309 = arith.constant 0 : i32
    %dma_start3A_310 = tpu.memref_slice %arg9[%dma_start3A_308, %dma_start3A_309] : memref<10240x32xf32, #tpu.memory_space<vmem_shared>> -> memref<10240x32xf32, #tpu.memory_space<vmem_shared>>
    %dma_start3A_311 = tpu.memref_slice %arg12[%dma_start3A_300] : memref<5x!tpu.dma_semaphore, #tpu.memory_space<semaphore_mem>> -> memref<1x!tpu.dma_semaphore, #tpu.memory_space<semaphore_mem>>
    %dma_start3A_312 = tpu.memref_squeeze %dma_start3A_311 : memref<1x!tpu.dma_semaphore, #tpu.memory_space<semaphore_mem>> -> memref<!tpu.dma_semaphore, #tpu.memory_space<semaphore_mem>>
    tpu.enqueue_indirect_dma source(%dma_start3A_304 : memref<80x32xf32, #tpu.memory_space<vmem>>) target(%dma_start3A_310 : memref<10240x32xf32, #tpu.memory_space<vmem_shared>>) offsets(%dma_start3A_307 : memref<80xi32, #tpu.memory_space<vmem>>) semaphore(%dma_start3A_312 : memref<!tpu.dma_semaphore, #tpu.memory_space<semaphore_mem>>) {add = true}
    %dma_wait3A_313 = arith.constant 0 : i32
    %dma_wait3A_314 = arith.constant 0 : i32
    %dma_wait3A_315 = arith.constant 0 : i32
    %dma_wait3A_316 = arith.constant 0 : i32
    %dma_wait3A_317 = tpu.memref_slice %arg8[%dma_wait3A_313, %dma_wait3A_315, %dma_wait3A_316] : memref<5x80x32xf32, #tpu.memory_space<vmem>> -> memref<1x80x32xf32, #tpu.memory_space<vmem>>
    %dma_wait3A_318 = tpu.memref_squeeze %dma_wait3A_317 : memref<1x80x32xf32, #tpu.memory_space<vmem>> -> memref<80x32xf32, #tpu.memory_space<vmem>>
    %dma_wait3A_319 = arith.constant 0 : i32
    %dma_wait3A_320 = arith.constant 0 : i32
    %dma_wait3A_321 = tpu.memref_slice %arg9[%dma_wait3A_319, %dma_wait3A_320] : memref<10240x32xf32, #tpu.memory_space<vmem_shared>> -> memref<80x32xf32, #tpu.memory_space<vmem_shared>>
    %dma_wait3A_322 = tpu.memref_slice %arg12[%dma_wait3A_314] : memref<5x!tpu.dma_semaphore, #tpu.memory_space<semaphore_mem>> -> memref<1x!tpu.dma_semaphore, #tpu.memory_space<semaphore_mem>>
    %dma_wait3A_323 = tpu.memref_squeeze %dma_wait3A_322 : memref<1x!tpu.dma_semaphore, #tpu.memory_space<semaphore_mem>> -> memref<!tpu.dma_semaphore, #tpu.memory_space<semaphore_mem>>
    %dma_wait3A_324 = arith.constant 0 : i32
    %dma_wait3A_325 = arith.constant 0 : i32
    %dma_wait3A_326 = tpu.memref_slice %arg9[%dma_wait3A_324, %dma_wait3A_325] : memref<10240x32xf32, #tpu.memory_space<vmem_shared>> -> memref<80x32xf32, #tpu.memory_space<vmem_shared>>
    %dma_wait3A_327 = arith.constant 0 : i32
    %dma_wait3A_328 = arith.constant 0 : i32
    %dma_wait3A_329 = tpu.memref_slice %arg8[%dma_wait3A_313, %dma_wait3A_327, %dma_wait3A_328] : memref<5x80x32xf32, #tpu.memory_space<vmem>> -> memref<1x80x32xf32, #tpu.memory_space<vmem>>
    %dma_wait3A_330 = tpu.memref_squeeze %dma_wait3A_329 : memref<1x80x32xf32, #tpu.memory_space<vmem>> -> memref<80x32xf32, #tpu.memory_space<vmem>>
    tpu.wait_dma2 semaphore(%dma_wait3A_323 : memref<!tpu.dma_semaphore, #tpu.memory_space<semaphore_mem>>) src(%dma_wait3A_330 : memref<80x32xf32, #tpu.memory_space<vmem>>) dst(%dma_wait3A_326 : memref<80x32xf32, #tpu.memory_space<vmem_shared>>)
    %dma_start3A_331 = arith.constant 5 : i32
    %dma_start3A_332 = arith.constant 0 : i32
    %dma_start3A_333 = arith.constant 0 : i32
    %dma_start3A_334 = arith.constant 0 : i32
    %dma_start3A_335 = arith.constant 0 : i32
    %dma_start3A_336 = tpu.memref_slice %arg8[%dma_start3A_332, %dma_start3A_334, %dma_start3A_335] : memref<5x80x32xf32, #tpu.memory_space<vmem>> -> memref<1x80x32xf32, #tpu.memory_space<vmem>>
    %dma_start3A_337 = tpu.memref_squeeze %dma_start3A_336 : memref<1x80x32xf32, #tpu.memory_space<vmem>> -> memref<80x32xf32, #tpu.memory_space<vmem>>
    %dma_start3A_338 = arith.constant 0 : i32
    %dma_start3A_339 = tpu.memref_slice %arg6[%dma_start3A_331, %dma_start3A_338] : memref<125x80xi32, #tpu.memory_space<vmem>> -> memref<1x80xi32, #tpu.memory_space<vmem>>
    %dma_start3A_340 = tpu.memref_squeeze %dma_start3A_339 : memref<1x80xi32, #tpu.memory_space<vmem>> -> memref<80xi32, #tpu.memory_space<vmem>>
    %dma_start3A_341 = arith.constant 0 : i32
    %dma_start3A_342 = arith.constant 0 : i32
    %dma_start3A_343 = tpu.memref_slice %arg2[%dma_start3A_341, %dma_start3A_342] : memref<10000x32xf32, #tpu.memory_space<hbm>> -> memref<10000x32xf32, #tpu.memory_space<hbm>>
    %dma_start3A_344 = tpu.memref_slice %arg11[%dma_start3A_333] : memref<5x!tpu.dma_semaphore, #tpu.memory_space<semaphore_mem>> -> memref<1x!tpu.dma_semaphore, #tpu.memory_space<semaphore_mem>>
    %dma_start3A_345 = tpu.memref_squeeze %dma_start3A_344 : memref<1x!tpu.dma_semaphore, #tpu.memory_space<semaphore_mem>> -> memref<!tpu.dma_semaphore, #tpu.memory_space<semaphore_mem>>
    tpu.enqueue_indirect_dma source(%dma_start3A_343 : memref<10000x32xf32, #tpu.memory_space<hbm>>) target(%dma_start3A_337 : memref<80x32xf32, #tpu.memory_space<vmem>>) offsets(%dma_start3A_340 : memref<80xi32, #tpu.memory_space<vmem>>) semaphore(%dma_start3A_345 : memref<!tpu.dma_semaphore, #tpu.memory_space<semaphore_mem>>)
    %scan3A_346 = arith.constant 0 : i32
    %scan3A_347 = arith.constant 1 : i32
    %scan3A_348 = arith.constant 23 : i32
    %scan3A_349 = arith.addi %scan3A_347, %scan3A_348 : i32
    %scan3A_350 = arith.constant 1 : i32
    scf.for %scan3A_729 = %scan3A_347 to %scan3A_349 step %scan3A_350  : i32 {
      %mul3A_730 = arith.constant 5 : i32
      %mul3A_731 = arith.muli %scan3A_729, %mul3A_730 : i32
      %add3A_732 = arith.constant 0 : i32
      %add3A_733 = arith.addi %mul3A_731, %add3A_732 : i32
      %dma_wait3A_734 = arith.constant 0 : i32
      %dma_wait3A_735 = arith.constant 0 : i32
      %dma_wait3A_736 = arith.constant 0 : i32
      %dma_wait3A_737 = arith.constant 0 : i32
      %dma_wait3A_738 = tpu.memref_slice %arg8[%dma_wait3A_734, %dma_wait3A_736, %dma_wait3A_737] : memref<5x80x32xf32, #tpu.memory_space<vmem>> -> memref<1x80x32xf32, #tpu.memory_space<vmem>>
      %dma_wait3A_739 = tpu.memref_squeeze %dma_wait3A_738 : memref<1x80x32xf32, #tpu.memory_space<vmem>> -> memref<80x32xf32, #tpu.memory_space<vmem>>
      %dma_wait3A_740 = arith.constant 0 : i32
      %dma_wait3A_741 = tpu.memref_slice %arg6[%add3A_733, %dma_wait3A_740] : memref<125x80xi32, #tpu.memory_space<vmem>> -> memref<1x80xi32, #tpu.memory_space<vmem>>
      %dma_wait3A_742 = tpu.memref_squeeze %dma_wait3A_741 : memref<1x80xi32, #tpu.memory_space<vmem>> -> memref<80xi32, #tpu.memory_space<vmem>>
      %dma_wait3A_743 = arith.constant 0 : i32
      %dma_wait3A_744 = arith.constant 0 : i32
      %dma_wait3A_745 = tpu.memref_slice %arg2[%dma_wait3A_743, %dma_wait3A_744] : memref<10000x32xf32, #tpu.memory_space<hbm>> -> memref<10000x32xf32, #tpu.memory_space<hbm>>
      %dma_wait3A_746 = tpu.memref_slice %arg11[%dma_wait3A_735] : memref<5x!tpu.dma_semaphore, #tpu.memory_space<semaphore_mem>> -> memref<1x!tpu.dma_semaphore, #tpu.memory_space<semaphore_mem>>
      %dma_wait3A_747 = tpu.memref_squeeze %dma_wait3A_746 : memref<1x!tpu.dma_semaphore, #tpu.memory_space<semaphore_mem>> -> memref<!tpu.dma_semaphore, #tpu.memory_space<semaphore_mem>>
      tpu.wait_indirect_dma semaphore(%dma_wait3A_747 : memref<!tpu.dma_semaphore, #tpu.memory_space<semaphore_mem>>) src(%dma_wait3A_745 : memref<10000x32xf32, #tpu.memory_space<hbm>>) dst(%dma_wait3A_739 : memref<80x32xf32, #tpu.memory_space<vmem>>)
      %dma_start3A_748 = arith.constant 0 : i32
      %dma_start3A_749 = arith.constant 0 : i32
      %dma_start3A_750 = arith.constant 0 : i32
      %dma_start3A_751 = arith.constant 0 : i32
      %dma_start3A_752 = tpu.memref_slice %arg8[%dma_start3A_748, %dma_start3A_750, %dma_start3A_751] : memref<5x80x32xf32, #tpu.memory_space<vmem>> -> memref<1x80x32xf32, #tpu.memory_space<vmem>>
      %dma_start3A_753 = tpu.memref_squeeze %dma_start3A_752 : memref<1x80x32xf32, #tpu.memory_space<vmem>> -> memref<80x32xf32, #tpu.memory_space<vmem>>
      %dma_start3A_754 = arith.constant 0 : i32
      %dma_start3A_755 = tpu.memref_slice %arg7[%add3A_733, %dma_start3A_754] : memref<125x80xi32, #tpu.memory_space<vmem>> -> memref<1x80xi32, #tpu.memory_space<vmem>>
      %dma_start3A_756 = tpu.memref_squeeze %dma_start3A_755 : memref<1x80xi32, #tpu.memory_space<vmem>> -> memref<80xi32, #tpu.memory_space<vmem>>
      %dma_start3A_757 = arith.constant 0 : i32
      %dma_start3A_758 = arith.constant 0 : i32
      %dma_start3A_759 = tpu.memref_slice %arg9[%dma_start3A_757, %dma_start3A_758] : memref<10240x32xf32, #tpu.memory_space<vmem_shared>> -> memref<10240x32xf32, #tpu.memory_space<vmem_shared>>
      %dma_start3A_760 = tpu.memref_slice %arg12[%dma_start3A_749] : memref<5x!tpu.dma_semaphore, #tpu.memory_space<semaphore_mem>> -> memref<1x!tpu.dma_semaphore, #tpu.memory_space<semaphore_mem>>
      %dma_start3A_761 = tpu.memref_squeeze %dma_start3A_760 : memref<1x!tpu.dma_semaphore, #tpu.memory_space<semaphore_mem>> -> memref<!tpu.dma_semaphore, #tpu.memory_space<semaphore_mem>>
      tpu.enqueue_indirect_dma source(%dma_start3A_753 : memref<80x32xf32, #tpu.memory_space<vmem>>) target(%dma_start3A_759 : memref<10240x32xf32, #tpu.memory_space<vmem_shared>>) offsets(%dma_start3A_756 : memref<80xi32, #tpu.memory_space<vmem>>) semaphore(%dma_start3A_761 : memref<!tpu.dma_semaphore, #tpu.memory_space<semaphore_mem>>) {add = true}
      %dma_wait3A_762 = arith.constant 1 : i32
      %dma_wait3A_763 = arith.constant 1 : i32
      %dma_wait3A_764 = arith.constant 0 : i32
      %dma_wait3A_765 = arith.constant 0 : i32
      %dma_wait3A_766 = tpu.memref_slice %arg8[%dma_wait3A_762, %dma_wait3A_764, %dma_wait3A_765] : memref<5x80x32xf32, #tpu.memory_space<vmem>> -> memref<1x80x32xf32, #tpu.memory_space<vmem>>
      %dma_wait3A_767 = tpu.memref_squeeze %dma_wait3A_766 : memref<1x80x32xf32, #tpu.memory_space<vmem>> -> memref<80x32xf32, #tpu.memory_space<vmem>>
      %dma_wait3A_768 = arith.constant 0 : i32
      %dma_wait3A_769 = arith.constant 0 : i32
      %dma_wait3A_770 = tpu.memref_slice %arg9[%dma_wait3A_768, %dma_wait3A_769] : memref<10240x32xf32, #tpu.memory_space<vmem_shared>> -> memref<80x32xf32, #tpu.memory_space<vmem_shared>>
      %dma_wait3A_771 = tpu.memref_slice %arg12[%dma_wait3A_763] : memref<5x!tpu.dma_semaphore, #tpu.memory_space<semaphore_mem>> -> memref<1x!tpu.dma_semaphore, #tpu.memory_space<semaphore_mem>>
      %dma_wait3A_772 = tpu.memref_squeeze %dma_wait3A_771 : memref<1x!tpu.dma_semaphore, #tpu.memory_space<semaphore_mem>> -> memref<!tpu.dma_semaphore, #tpu.memory_space<semaphore_mem>>
      %dma_wait3A_773 = arith.constant 0 : i32
      %dma_wait3A_774 = arith.constant 0 : i32
      %dma_wait3A_775 = tpu.memref_slice %arg9[%dma_wait3A_773, %dma_wait3A_774] : memref<10240x32xf32, #tpu.memory_space<vmem_shared>> -> memref<80x32xf32, #tpu.memory_space<vmem_shared>>
      %dma_wait3A_776 = arith.constant 0 : i32
      %dma_wait3A_777 = arith.constant 0 : i32
      %dma_wait3A_778 = tpu.memref_slice %arg8[%dma_wait3A_762, %dma_wait3A_776, %dma_wait3A_777] : memref<5x80x32xf32, #tpu.memory_space<vmem>> -> memref<1x80x32xf32, #tpu.memory_space<vmem>>
      %dma_wait3A_779 = tpu.memref_squeeze %dma_wait3A_778 : memref<1x80x32xf32, #tpu.memory_space<vmem>> -> memref<80x32xf32, #tpu.memory_space<vmem>>
      tpu.wait_dma2 semaphore(%dma_wait3A_772 : memref<!tpu.dma_semaphore, #tpu.memory_space<semaphore_mem>>) src(%dma_wait3A_779 : memref<80x32xf32, #tpu.memory_space<vmem>>) dst(%dma_wait3A_775 : memref<80x32xf32, #tpu.memory_space<vmem_shared>>)
      %add3A_780 = arith.constant 1 : i32
      %add3A_781 = arith.addi %add3A_733, %add3A_780 : i32
      %dma_start3A_782 = arith.constant 1 : i32
      %dma_start3A_783 = arith.constant 1 : i32
      %dma_start3A_784 = arith.constant 0 : i32
      %dma_start3A_785 = arith.constant 0 : i32
      %dma_start3A_786 = tpu.memref_slice %arg8[%dma_start3A_782, %dma_start3A_784, %dma_start3A_785] : memref<5x80x32xf32, #tpu.memory_space<vmem>> -> memref<1x80x32xf32, #tpu.memory_space<vmem>>
      %dma_start3A_787 = tpu.memref_squeeze %dma_start3A_786 : memref<1x80x32xf32, #tpu.memory_space<vmem>> -> memref<80x32xf32, #tpu.memory_space<vmem>>
      %dma_start3A_788 = arith.constant 0 : i32
      %dma_start3A_789 = tpu.memref_slice %arg6[%add3A_781, %dma_start3A_788] : memref<125x80xi32, #tpu.memory_space<vmem>> -> memref<1x80xi32, #tpu.memory_space<vmem>>
      %dma_start3A_790 = tpu.memref_squeeze %dma_start3A_789 : memref<1x80xi32, #tpu.memory_space<vmem>> -> memref<80xi32, #tpu.memory_space<vmem>>
      %dma_start3A_791 = arith.constant 0 : i32
      %dma_start3A_792 = arith.constant 0 : i32
      %dma_start3A_793 = tpu.memref_slice %arg2[%dma_start3A_791, %dma_start3A_792] : memref<10000x32xf32, #tpu.memory_space<hbm>> -> memref<10000x32xf32, #tpu.memory_space<hbm>>
      %dma_start3A_794 = tpu.memref_slice %arg11[%dma_start3A_783] : memref<5x!tpu.dma_semaphore, #tpu.memory_space<semaphore_mem>> -> memref<1x!tpu.dma_semaphore, #tpu.memory_space<semaphore_mem>>
      %dma_start3A_795 = tpu.memref_squeeze %dma_start3A_794 : memref<1x!tpu.dma_semaphore, #tpu.memory_space<semaphore_mem>> -> memref<!tpu.dma_semaphore, #tpu.memory_space<semaphore_mem>>
      tpu.enqueue_indirect_dma source(%dma_start3A_793 : memref<10000x32xf32, #tpu.memory_space<hbm>>) target(%dma_start3A_787 : memref<80x32xf32, #tpu.memory_space<vmem>>) offsets(%dma_start3A_790 : memref<80xi32, #tpu.memory_space<vmem>>) semaphore(%dma_start3A_795 : memref<!tpu.dma_semaphore, #tpu.memory_space<semaphore_mem>>)
      %mul3A_796 = arith.constant 5 : i32
      %mul3A_797 = arith.muli %scan3A_729, %mul3A_796 : i32
      %add3A_798 = arith.constant 1 : i32
      %add3A_799 = arith.addi %mul3A_797, %add3A_798 : i32
      %dma_wait3A_800 = arith.constant 1 : i32
      %dma_wait3A_801 = arith.constant 1 : i32
      %dma_wait3A_802 = arith.constant 0 : i32
      %dma_wait3A_803 = arith.constant 0 : i32
      %dma_wait3A_804 = tpu.memref_slice %arg8[%dma_wait3A_800, %dma_wait3A_802, %dma_wait3A_803] : memref<5x80x32xf32, #tpu.memory_space<vmem>> -> memref<1x80x32xf32, #tpu.memory_space<vmem>>
      %dma_wait3A_805 = tpu.memref_squeeze %dma_wait3A_804 : memref<1x80x32xf32, #tpu.memory_space<vmem>> -> memref<80x32xf32, #tpu.memory_space<vmem>>
      %dma_wait3A_806 = arith.constant 0 : i32
      %dma_wait3A_807 = tpu.memref_slice %arg6[%add3A_799, %dma_wait3A_806] : memref<125x80xi32, #tpu.memory_space<vmem>> -> memref<1x80xi32, #tpu.memory_space<vmem>>
      %dma_wait3A_808 = tpu.memref_squeeze %dma_wait3A_807 : memref<1x80xi32, #tpu.memory_space<vmem>> -> memref<80xi32, #tpu.memory_space<vmem>>
      %dma_wait3A_809 = arith.constant 0 : i32
      %dma_wait3A_810 = arith.constant 0 : i32
      %dma_wait3A_811 = tpu.memref_slice %arg2[%dma_wait3A_809, %dma_wait3A_810] : memref<10000x32xf32, #tpu.memory_space<hbm>> -> memref<10000x32xf32, #tpu.memory_space<hbm>>
      %dma_wait3A_812 = tpu.memref_slice %arg11[%dma_wait3A_801] : memref<5x!tpu.dma_semaphore, #tpu.memory_space<semaphore_mem>> -> memref<1x!tpu.dma_semaphore, #tpu.memory_space<semaphore_mem>>
      %dma_wait3A_813 = tpu.memref_squeeze %dma_wait3A_812 : memref<1x!tpu.dma_semaphore, #tpu.memory_space<semaphore_mem>> -> memref<!tpu.dma_semaphore, #tpu.memory_space<semaphore_mem>>
      tpu.wait_indirect_dma semaphore(%dma_wait3A_813 : memref<!tpu.dma_semaphore, #tpu.memory_space<semaphore_mem>>) src(%dma_wait3A_811 : memref<10000x32xf32, #tpu.memory_space<hbm>>) dst(%dma_wait3A_805 : memref<80x32xf32, #tpu.memory_space<vmem>>)
      %dma_start3A_814 = arith.constant 1 : i32
      %dma_start3A_815 = arith.constant 1 : i32
      %dma_start3A_816 = arith.constant 0 : i32
      %dma_start3A_817 = arith.constant 0 : i32
      %dma_start3A_818 = tpu.memref_slice %arg8[%dma_start3A_814, %dma_start3A_816, %dma_start3A_817] : memref<5x80x32xf32, #tpu.memory_space<vmem>> -> memref<1x80x32xf32, #tpu.memory_space<vmem>>
      %dma_start3A_819 = tpu.memref_squeeze %dma_start3A_818 : memref<1x80x32xf32, #tpu.memory_space<vmem>> -> memref<80x32xf32, #tpu.memory_space<vmem>>
      %dma_start3A_820 = arith.constant 0 : i32
      %dma_start3A_821 = tpu.memref_slice %arg7[%add3A_799, %dma_start3A_820] : memref<125x80xi32, #tpu.memory_space<vmem>> -> memref<1x80xi32, #tpu.memory_space<vmem>>
      %dma_start3A_822 = tpu.memref_squeeze %dma_start3A_821 : memref<1x80xi32, #tpu.memory_space<vmem>> -> memref<80xi32, #tpu.memory_space<vmem>>
      %dma_start3A_823 = arith.constant 0 : i32
      %dma_start3A_824 = arith.constant 0 : i32
      %dma_start3A_825 = tpu.memref_slice %arg9[%dma_start3A_823, %dma_start3A_824] : memref<10240x32xf32, #tpu.memory_space<vmem_shared>> -> memref<10240x32xf32, #tpu.memory_space<vmem_shared>>
      %dma_start3A_826 = tpu.memref_slice %arg12[%dma_start3A_815] : memref<5x!tpu.dma_semaphore, #tpu.memory_space<semaphore_mem>> -> memref<1x!tpu.dma_semaphore, #tpu.memory_space<semaphore_mem>>
      %dma_start3A_827 = tpu.memref_squeeze %dma_start3A_826 : memref<1x!tpu.dma_semaphore, #tpu.memory_space<semaphore_mem>> -> memref<!tpu.dma_semaphore, #tpu.memory_space<semaphore_mem>>
      tpu.enqueue_indirect_dma source(%dma_start3A_819 : memref<80x32xf32, #tpu.memory_space<vmem>>) target(%dma_start3A_825 : memref<10240x32xf32, #tpu.memory_space<vmem_shared>>) offsets(%dma_start3A_822 : memref<80xi32, #tpu.memory_space<vmem>>) semaphore(%dma_start3A_827 : memref<!tpu.dma_semaphore, #tpu.memory_space<semaphore_mem>>) {add = true}
      %dma_wait3A_828 = arith.constant 2 : i32
      %dma_wait3A_829 = arith.constant 2 : i32
      %dma_wait3A_830 = arith.constant 0 : i32
      %dma_wait3A_831 = arith.constant 0 : i32
      %dma_wait3A_832 = tpu.memref_slice %arg8[%dma_wait3A_828, %dma_wait3A_830, %dma_wait3A_831] : memref<5x80x32xf32, #tpu.memory_space<vmem>> -> memref<1x80x32xf32, #tpu.memory_space<vmem>>
      %dma_wait3A_833 = tpu.memref_squeeze %dma_wait3A_832 : memref<1x80x32xf32, #tpu.memory_space<vmem>> -> memref<80x32xf32, #tpu.memory_space<vmem>>
      %dma_wait3A_834 = arith.constant 0 : i32
      %dma_wait3A_835 = arith.constant 0 : i32
      %dma_wait3A_836 = tpu.memref_slice %arg9[%dma_wait3A_834, %dma_wait3A_835] : memref<10240x32xf32, #tpu.memory_space<vmem_shared>> -> memref<80x32xf32, #tpu.memory_space<vmem_shared>>
      %dma_wait3A_837 = tpu.memref_slice %arg12[%dma_wait3A_829] : memref<5x!tpu.dma_semaphore, #tpu.memory_space<semaphore_mem>> -> memref<1x!tpu.dma_semaphore, #tpu.memory_space<semaphore_mem>>
      %dma_wait3A_838 = tpu.memref_squeeze %dma_wait3A_837 : memref<1x!tpu.dma_semaphore, #tpu.memory_space<semaphore_mem>> -> memref<!tpu.dma_semaphore, #tpu.memory_space<semaphore_mem>>
      %dma_wait3A_839 = arith.constant 0 : i32
      %dma_wait3A_840 = arith.constant 0 : i32
      %dma_wait3A_841 = tpu.memref_slice %arg9[%dma_wait3A_839, %dma_wait3A_840] : memref<10240x32xf32, #tpu.memory_space<vmem_shared>> -> memref<80x32xf32, #tpu.memory_space<vmem_shared>>
      %dma_wait3A_842 = arith.constant 0 : i32
      %dma_wait3A_843 = arith.constant 0 : i32
      %dma_wait3A_844 = tpu.memref_slice %arg8[%dma_wait3A_828, %dma_wait3A_842, %dma_wait3A_843] : memref<5x80x32xf32, #tpu.memory_space<vmem>> -> memref<1x80x32xf32, #tpu.memory_space<vmem>>
      %dma_wait3A_845 = tpu.memref_squeeze %dma_wait3A_844 : memref<1x80x32xf32, #tpu.memory_space<vmem>> -> memref<80x32xf32, #tpu.memory_space<vmem>>
      tpu.wait_dma2 semaphore(%dma_wait3A_838 : memref<!tpu.dma_semaphore, #tpu.memory_space<semaphore_mem>>) src(%dma_wait3A_845 : memref<80x32xf32, #tpu.memory_space<vmem>>) dst(%dma_wait3A_841 : memref<80x32xf32, #tpu.memory_space<vmem_shared>>)
      %add3A_846 = arith.constant 1 : i32
      %add3A_847 = arith.addi %add3A_799, %add3A_846 : i32
      %dma_start3A_848 = arith.constant 2 : i32
      %dma_start3A_849 = arith.constant 2 : i32
      %dma_start3A_850 = arith.constant 0 : i32
      %dma_start3A_851 = arith.constant 0 : i32
      %dma_start3A_852 = tpu.memref_slice %arg8[%dma_start3A_848, %dma_start3A_850, %dma_start3A_851] : memref<5x80x32xf32, #tpu.memory_space<vmem>> -> memref<1x80x32xf32, #tpu.memory_space<vmem>>
      %dma_start3A_853 = tpu.memref_squeeze %dma_start3A_852 : memref<1x80x32xf32, #tpu.memory_space<vmem>> -> memref<80x32xf32, #tpu.memory_space<vmem>>
      %dma_start3A_854 = arith.constant 0 : i32
      %dma_start3A_855 = tpu.memref_slice %arg6[%add3A_847, %dma_start3A_854] : memref<125x80xi32, #tpu.memory_space<vmem>> -> memref<1x80xi32, #tpu.memory_space<vmem>>
      %dma_start3A_856 = tpu.memref_squeeze %dma_start3A_855 : memref<1x80xi32, #tpu.memory_space<vmem>> -> memref<80xi32, #tpu.memory_space<vmem>>
      %dma_start3A_857 = arith.constant 0 : i32
      %dma_start3A_858 = arith.constant 0 : i32
      %dma_start3A_859 = tpu.memref_slice %arg2[%dma_start3A_857, %dma_start3A_858] : memref<10000x32xf32, #tpu.memory_space<hbm>> -> memref<10000x32xf32, #tpu.memory_space<hbm>>
      %dma_start3A_860 = tpu.memref_slice %arg11[%dma_start3A_849] : memref<5x!tpu.dma_semaphore, #tpu.memory_space<semaphore_mem>> -> memref<1x!tpu.dma_semaphore, #tpu.memory_space<semaphore_mem>>
      %dma_start3A_861 = tpu.memref_squeeze %dma_start3A_860 : memref<1x!tpu.dma_semaphore, #tpu.memory_space<semaphore_mem>> -> memref<!tpu.dma_semaphore, #tpu.memory_space<semaphore_mem>>
      tpu.enqueue_indirect_dma source(%dma_start3A_859 : memref<10000x32xf32, #tpu.memory_space<hbm>>) target(%dma_start3A_853 : memref<80x32xf32, #tpu.memory_space<vmem>>) offsets(%dma_start3A_856 : memref<80xi32, #tpu.memory_space<vmem>>) semaphore(%dma_start3A_861 : memref<!tpu.dma_semaphore, #tpu.memory_space<semaphore_mem>>)
      %mul3A_862 = arith.constant 5 : i32
      %mul3A_863 = arith.muli %scan3A_729, %mul3A_862 : i32
      %add3A_864 = arith.constant 2 : i32
      %add3A_865 = arith.addi %mul3A_863, %add3A_864 : i32
      %dma_wait3A_866 = arith.constant 2 : i32
      %dma_wait3A_867 = arith.constant 2 : i32
      %dma_wait3A_868 = arith.constant 0 : i32
      %dma_wait3A_869 = arith.constant 0 : i32
      %dma_wait3A_870 = tpu.memref_slice %arg8[%dma_wait3A_866, %dma_wait3A_868, %dma_wait3A_869] : memref<5x80x32xf32, #tpu.memory_space<vmem>> -> memref<1x80x32xf32, #tpu.memory_space<vmem>>
      %dma_wait3A_871 = tpu.memref_squeeze %dma_wait3A_870 : memref<1x80x32xf32, #tpu.memory_space<vmem>> -> memref<80x32xf32, #tpu.memory_space<vmem>>
      %dma_wait3A_872 = arith.constant 0 : i32
      %dma_wait3A_873 = tpu.memref_slice %arg6[%add3A_865, %dma_wait3A_872] : memref<125x80xi32, #tpu.memory_space<vmem>> -> memref<1x80xi32, #tpu.memory_space<vmem>>
      %dma_wait3A_874 = tpu.memref_squeeze %dma_wait3A_873 : memref<1x80xi32, #tpu.memory_space<vmem>> -> memref<80xi32, #tpu.memory_space<vmem>>
      %dma_wait3A_875 = arith.constant 0 : i32
      %dma_wait3A_876 = arith.constant 0 : i32
      %dma_wait3A_877 = tpu.memref_slice %arg2[%dma_wait3A_875, %dma_wait3A_876] : memref<10000x32xf32, #tpu.memory_space<hbm>> -> memref<10000x32xf32, #tpu.memory_space<hbm>>
      %dma_wait3A_878 = tpu.memref_slice %arg11[%dma_wait3A_867] : memref<5x!tpu.dma_semaphore, #tpu.memory_space<semaphore_mem>> -> memref<1x!tpu.dma_semaphore, #tpu.memory_space<semaphore_mem>>
      %dma_wait3A_879 = tpu.memref_squeeze %dma_wait3A_878 : memref<1x!tpu.dma_semaphore, #tpu.memory_space<semaphore_mem>> -> memref<!tpu.dma_semaphore, #tpu.memory_space<semaphore_mem>>
      tpu.wait_indirect_dma semaphore(%dma_wait3A_879 : memref<!tpu.dma_semaphore, #tpu.memory_space<semaphore_mem>>) src(%dma_wait3A_877 : memref<10000x32xf32, #tpu.memory_space<hbm>>) dst(%dma_wait3A_871 : memref<80x32xf32, #tpu.memory_space<vmem>>)
      %dma_start3A_880 = arith.constant 2 : i32
      %dma_start3A_881 = arith.constant 2 : i32
      %dma_start3A_882 = arith.constant 0 : i32
      %dma_start3A_883 = arith.constant 0 : i32
      %dma_start3A_884 = tpu.memref_slice %arg8[%dma_start3A_880, %dma_start3A_882, %dma_start3A_883] : memref<5x80x32xf32, #tpu.memory_space<vmem>> -> memref<1x80x32xf32, #tpu.memory_space<vmem>>
      %dma_start3A_885 = tpu.memref_squeeze %dma_start3A_884 : memref<1x80x32xf32, #tpu.memory_space<vmem>> -> memref<80x32xf32, #tpu.memory_space<vmem>>
      %dma_start3A_886 = arith.constant 0 : i32
      %dma_start3A_887 = tpu.memref_slice %arg7[%add3A_865, %dma_start3A_886] : memref<125x80xi32, #tpu.memory_space<vmem>> -> memref<1x80xi32, #tpu.memory_space<vmem>>
      %dma_start3A_888 = tpu.memref_squeeze %dma_start3A_887 : memref<1x80xi32, #tpu.memory_space<vmem>> -> memref<80xi32, #tpu.memory_space<vmem>>
      %dma_start3A_889 = arith.constant 0 : i32
      %dma_start3A_890 = arith.constant 0 : i32
      %dma_start3A_891 = tpu.memref_slice %arg9[%dma_start3A_889, %dma_start3A_890] : memref<10240x32xf32, #tpu.memory_space<vmem_shared>> -> memref<10240x32xf32, #tpu.memory_space<vmem_shared>>
      %dma_start3A_892 = tpu.memref_slice %arg12[%dma_start3A_881] : memref<5x!tpu.dma_semaphore, #tpu.memory_space<semaphore_mem>> -> memref<1x!tpu.dma_semaphore, #tpu.memory_space<semaphore_mem>>
      %dma_start3A_893 = tpu.memref_squeeze %dma_start3A_892 : memref<1x!tpu.dma_semaphore, #tpu.memory_space<semaphore_mem>> -> memref<!tpu.dma_semaphore, #tpu.memory_space<semaphore_mem>>
      tpu.enqueue_indirect_dma source(%dma_start3A_885 : memref<80x32xf32, #tpu.memory_space<vmem>>) target(%dma_start3A_891 : memref<10240x32xf32, #tpu.memory_space<vmem_shared>>) offsets(%dma_start3A_888 : memref<80xi32, #tpu.memory_space<vmem>>) semaphore(%dma_start3A_893 : memref<!tpu.dma_semaphore, #tpu.memory_space<semaphore_mem>>) {add = true}
      %dma_wait3A_894 = arith.constant 3 : i32
      %dma_wait3A_895 = arith.constant 3 : i32
      %dma_wait3A_896 = arith.constant 0 : i32
      %dma_wait3A_897 = arith.constant 0 : i32
      %dma_wait3A_898 = tpu.memref_slice %arg8[%dma_wait3A_894, %dma_wait3A_896, %dma_wait3A_897] : memref<5x80x32xf32, #tpu.memory_space<vmem>> -> memref<1x80x32xf32, #tpu.memory_space<vmem>>
      %dma_wait3A_899 = tpu.memref_squeeze %dma_wait3A_898 : memref<1x80x32xf32, #tpu.memory_space<vmem>> -> memref<80x32xf32, #tpu.memory_space<vmem>>
      %dma_wait3A_900 = arith.constant 0 : i32
      %dma_wait3A_901 = arith.constant 0 : i32
      %dma_wait3A_902 = tpu.memref_slice %arg9[%dma_wait3A_900, %dma_wait3A_901] : memref<10240x32xf32, #tpu.memory_space<vmem_shared>> -> memref<80x32xf32, #tpu.memory_space<vmem_shared>>
      %dma_wait3A_903 = tpu.memref_slice %arg12[%dma_wait3A_895] : memref<5x!tpu.dma_semaphore, #tpu.memory_space<semaphore_mem>> -> memref<1x!tpu.dma_semaphore, #tpu.memory_space<semaphore_mem>>
      %dma_wait3A_904 = tpu.memref_squeeze %dma_wait3A_903 : memref<1x!tpu.dma_semaphore, #tpu.memory_space<semaphore_mem>> -> memref<!tpu.dma_semaphore, #tpu.memory_space<semaphore_mem>>
      %dma_wait3A_905 = arith.constant 0 : i32
      %dma_wait3A_906 = arith.constant 0 : i32
      %dma_wait3A_907 = tpu.memref_slice %arg9[%dma_wait3A_905, %dma_wait3A_906] : memref<10240x32xf32, #tpu.memory_space<vmem_shared>> -> memref<80x32xf32, #tpu.memory_space<vmem_shared>>
      %dma_wait3A_908 = arith.constant 0 : i32
      %dma_wait3A_909 = arith.constant 0 : i32
      %dma_wait3A_910 = tpu.memref_slice %arg8[%dma_wait3A_894, %dma_wait3A_908, %dma_wait3A_909] : memref<5x80x32xf32, #tpu.memory_space<vmem>> -> memref<1x80x32xf32, #tpu.memory_space<vmem>>
      %dma_wait3A_911 = tpu.memref_squeeze %dma_wait3A_910 : memref<1x80x32xf32, #tpu.memory_space<vmem>> -> memref<80x32xf32, #tpu.memory_space<vmem>>
      tpu.wait_dma2 semaphore(%dma_wait3A_904 : memref<!tpu.dma_semaphore, #tpu.memory_space<semaphore_mem>>) src(%dma_wait3A_911 : memref<80x32xf32, #tpu.memory_space<vmem>>) dst(%dma_wait3A_907 : memref<80x32xf32, #tpu.memory_space<vmem_shared>>)
      %add3A_912 = arith.constant 1 : i32
      %add3A_913 = arith.addi %add3A_865, %add3A_912 : i32
      %dma_start3A_914 = arith.constant 3 : i32
      %dma_start3A_915 = arith.constant 3 : i32
      %dma_start3A_916 = arith.constant 0 : i32
      %dma_start3A_917 = arith.constant 0 : i32
      %dma_start3A_918 = tpu.memref_slice %arg8[%dma_start3A_914, %dma_start3A_916, %dma_start3A_917] : memref<5x80x32xf32, #tpu.memory_space<vmem>> -> memref<1x80x32xf32, #tpu.memory_space<vmem>>
      %dma_start3A_919 = tpu.memref_squeeze %dma_start3A_918 : memref<1x80x32xf32, #tpu.memory_space<vmem>> -> memref<80x32xf32, #tpu.memory_space<vmem>>
      %dma_start3A_920 = arith.constant 0 : i32
      %dma_start3A_921 = tpu.memref_slice %arg6[%add3A_913, %dma_start3A_920] : memref<125x80xi32, #tpu.memory_space<vmem>> -> memref<1x80xi32, #tpu.memory_space<vmem>>
      %dma_start3A_922 = tpu.memref_squeeze %dma_start3A_921 : memref<1x80xi32, #tpu.memory_space<vmem>> -> memref<80xi32, #tpu.memory_space<vmem>>
      %dma_start3A_923 = arith.constant 0 : i32
      %dma_start3A_924 = arith.constant 0 : i32
      %dma_start3A_925 = tpu.memref_slice %arg2[%dma_start3A_923, %dma_start3A_924] : memref<10000x32xf32, #tpu.memory_space<hbm>> -> memref<10000x32xf32, #tpu.memory_space<hbm>>
      %dma_start3A_926 = tpu.memref_slice %arg11[%dma_start3A_915] : memref<5x!tpu.dma_semaphore, #tpu.memory_space<semaphore_mem>> -> memref<1x!tpu.dma_semaphore, #tpu.memory_space<semaphore_mem>>
      %dma_start3A_927 = tpu.memref_squeeze %dma_start3A_926 : memref<1x!tpu.dma_semaphore, #tpu.memory_space<semaphore_mem>> -> memref<!tpu.dma_semaphore, #tpu.memory_space<semaphore_mem>>
      tpu.enqueue_indirect_dma source(%dma_start3A_925 : memref<10000x32xf32, #tpu.memory_space<hbm>>) target(%dma_start3A_919 : memref<80x32xf32, #tpu.memory_space<vmem>>) offsets(%dma_start3A_922 : memref<80xi32, #tpu.memory_space<vmem>>) semaphore(%dma_start3A_927 : memref<!tpu.dma_semaphore, #tpu.memory_space<semaphore_mem>>)
      %mul3A_928 = arith.constant 5 : i32
      %mul3A_929 = arith.muli %scan3A_729, %mul3A_928 : i32
      %add3A_930 = arith.constant 3 : i32
      %add3A_931 = arith.addi %mul3A_929, %add3A_930 : i32
      %dma_wait3A_932 = arith.constant 3 : i32
      %dma_wait3A_933 = arith.constant 3 : i32
      %dma_wait3A_934 = arith.constant 0 : i32
      %dma_wait3A_935 = arith.constant 0 : i32
      %dma_wait3A_936 = tpu.memref_slice %arg8[%dma_wait3A_932, %dma_wait3A_934, %dma_wait3A_935] : memref<5x80x32xf32, #tpu.memory_space<vmem>> -> memref<1x80x32xf32, #tpu.memory_space<vmem>>
      %dma_wait3A_937 = tpu.memref_squeeze %dma_wait3A_936 : memref<1x80x32xf32, #tpu.memory_space<vmem>> -> memref<80x32xf32, #tpu.memory_space<vmem>>
      %dma_wait3A_938 = arith.constant 0 : i32
      %dma_wait3A_939 = tpu.memref_slice %arg6[%add3A_931, %dma_wait3A_938] : memref<125x80xi32, #tpu.memory_space<vmem>> -> memref<1x80xi32, #tpu.memory_space<vmem>>
      %dma_wait3A_940 = tpu.memref_squeeze %dma_wait3A_939 : memref<1x80xi32, #tpu.memory_space<vmem>> -> memref<80xi32, #tpu.memory_space<vmem>>
      %dma_wait3A_941 = arith.constant 0 : i32
      %dma_wait3A_942 = arith.constant 0 : i32
      %dma_wait3A_943 = tpu.memref_slice %arg2[%dma_wait3A_941, %dma_wait3A_942] : memref<10000x32xf32, #tpu.memory_space<hbm>> -> memref<10000x32xf32, #tpu.memory_space<hbm>>
      %dma_wait3A_944 = tpu.memref_slice %arg11[%dma_wait3A_933] : memref<5x!tpu.dma_semaphore, #tpu.memory_space<semaphore_mem>> -> memref<1x!tpu.dma_semaphore, #tpu.memory_space<semaphore_mem>>
      %dma_wait3A_945 = tpu.memref_squeeze %dma_wait3A_944 : memref<1x!tpu.dma_semaphore, #tpu.memory_space<semaphore_mem>> -> memref<!tpu.dma_semaphore, #tpu.memory_space<semaphore_mem>>
      tpu.wait_indirect_dma semaphore(%dma_wait3A_945 : memref<!tpu.dma_semaphore, #tpu.memory_space<semaphore_mem>>) src(%dma_wait3A_943 : memref<10000x32xf32, #tpu.memory_space<hbm>>) dst(%dma_wait3A_937 : memref<80x32xf32, #tpu.memory_space<vmem>>)
      %dma_start3A_946 = arith.constant 3 : i32
      %dma_start3A_947 = arith.constant 3 : i32
      %dma_start3A_948 = arith.constant 0 : i32
      %dma_start3A_949 = arith.constant 0 : i32
      %dma_start3A_950 = tpu.memref_slice %arg8[%dma_start3A_946, %dma_start3A_948, %dma_start3A_949] : memref<5x80x32xf32, #tpu.memory_space<vmem>> -> memref<1x80x32xf32, #tpu.memory_space<vmem>>
      %dma_start3A_951 = tpu.memref_squeeze %dma_start3A_950 : memref<1x80x32xf32, #tpu.memory_space<vmem>> -> memref<80x32xf32, #tpu.memory_space<vmem>>
      %dma_start3A_952 = arith.constant 0 : i32
      %dma_start3A_953 = tpu.memref_slice %arg7[%add3A_931, %dma_start3A_952] : memref<125x80xi32, #tpu.memory_space<vmem>> -> memref<1x80xi32, #tpu.memory_space<vmem>>
      %dma_start3A_954 = tpu.memref_squeeze %dma_start3A_953 : memref<1x80xi32, #tpu.memory_space<vmem>> -> memref<80xi32, #tpu.memory_space<vmem>>
      %dma_start3A_955 = arith.constant 0 : i32
      %dma_start3A_956 = arith.constant 0 : i32
      %dma_start3A_957 = tpu.memref_slice %arg9[%dma_start3A_955, %dma_start3A_956] : memref<10240x32xf32, #tpu.memory_space<vmem_shared>> -> memref<10240x32xf32, #tpu.memory_space<vmem_shared>>
      %dma_start3A_958 = tpu.memref_slice %arg12[%dma_start3A_947] : memref<5x!tpu.dma_semaphore, #tpu.memory_space<semaphore_mem>> -> memref<1x!tpu.dma_semaphore, #tpu.memory_space<semaphore_mem>>
      %dma_start3A_959 = tpu.memref_squeeze %dma_start3A_958 : memref<1x!tpu.dma_semaphore, #tpu.memory_space<semaphore_mem>> -> memref<!tpu.dma_semaphore, #tpu.memory_space<semaphore_mem>>
      tpu.enqueue_indirect_dma source(%dma_start3A_951 : memref<80x32xf32, #tpu.memory_space<vmem>>) target(%dma_start3A_957 : memref<10240x32xf32, #tpu.memory_space<vmem_shared>>) offsets(%dma_start3A_954 : memref<80xi32, #tpu.memory_space<vmem>>) semaphore(%dma_start3A_959 : memref<!tpu.dma_semaphore, #tpu.memory_space<semaphore_mem>>) {add = true}
      %dma_wait3A_960 = arith.constant 4 : i32
      %dma_wait3A_961 = arith.constant 4 : i32
      %dma_wait3A_962 = arith.constant 0 : i32
      %dma_wait3A_963 = arith.constant 0 : i32
      %dma_wait3A_964 = tpu.memref_slice %arg8[%dma_wait3A_960, %dma_wait3A_962, %dma_wait3A_963] : memref<5x80x32xf32, #tpu.memory_space<vmem>> -> memref<1x80x32xf32, #tpu.memory_space<vmem>>
      %dma_wait3A_965 = tpu.memref_squeeze %dma_wait3A_964 : memref<1x80x32xf32, #tpu.memory_space<vmem>> -> memref<80x32xf32, #tpu.memory_space<vmem>>
      %dma_wait3A_966 = arith.constant 0 : i32
      %dma_wait3A_967 = arith.constant 0 : i32
      %dma_wait3A_968 = tpu.memref_slice %arg9[%dma_wait3A_966, %dma_wait3A_967] : memref<10240x32xf32, #tpu.memory_space<vmem_shared>> -> memref<80x32xf32, #tpu.memory_space<vmem_shared>>
      %dma_wait3A_969 = tpu.memref_slice %arg12[%dma_wait3A_961] : memref<5x!tpu.dma_semaphore, #tpu.memory_space<semaphore_mem>> -> memref<1x!tpu.dma_semaphore, #tpu.memory_space<semaphore_mem>>
      %dma_wait3A_970 = tpu.memref_squeeze %dma_wait3A_969 : memref<1x!tpu.dma_semaphore, #tpu.memory_space<semaphore_mem>> -> memref<!tpu.dma_semaphore, #tpu.memory_space<semaphore_mem>>
      %dma_wait3A_971 = arith.constant 0 : i32
      %dma_wait3A_972 = arith.constant 0 : i32
      %dma_wait3A_973 = tpu.memref_slice %arg9[%dma_wait3A_971, %dma_wait3A_972] : memref<10240x32xf32, #tpu.memory_space<vmem_shared>> -> memref<80x32xf32, #tpu.memory_space<vmem_shared>>
      %dma_wait3A_974 = arith.constant 0 : i32
      %dma_wait3A_975 = arith.constant 0 : i32
      %dma_wait3A_976 = tpu.memref_slice %arg8[%dma_wait3A_960, %dma_wait3A_974, %dma_wait3A_975] : memref<5x80x32xf32, #tpu.memory_space<vmem>> -> memref<1x80x32xf32, #tpu.memory_space<vmem>>
      %dma_wait3A_977 = tpu.memref_squeeze %dma_wait3A_976 : memref<1x80x32xf32, #tpu.memory_space<vmem>> -> memref<80x32xf32, #tpu.memory_space<vmem>>
      tpu.wait_dma2 semaphore(%dma_wait3A_970 : memref<!tpu.dma_semaphore, #tpu.memory_space<semaphore_mem>>) src(%dma_wait3A_977 : memref<80x32xf32, #tpu.memory_space<vmem>>) dst(%dma_wait3A_973 : memref<80x32xf32, #tpu.memory_space<vmem_shared>>)
      %add3A_978 = arith.constant 1 : i32
      %add3A_979 = arith.addi %add3A_931, %add3A_978 : i32
      %dma_start3A_980 = arith.constant 4 : i32
      %dma_start3A_981 = arith.constant 4 : i32
      %dma_start3A_982 = arith.constant 0 : i32
      %dma_start3A_983 = arith.constant 0 : i32
      %dma_start3A_984 = tpu.memref_slice %arg8[%dma_start3A_980, %dma_start3A_982, %dma_start3A_983] : memref<5x80x32xf32, #tpu.memory_space<vmem>> -> memref<1x80x32xf32, #tpu.memory_space<vmem>>
      %dma_start3A_985 = tpu.memref_squeeze %dma_start3A_984 : memref<1x80x32xf32, #tpu.memory_space<vmem>> -> memref<80x32xf32, #tpu.memory_space<vmem>>
      %dma_start3A_986 = arith.constant 0 : i32
      %dma_start3A_987 = tpu.memref_slice %arg6[%add3A_979, %dma_start3A_986] : memref<125x80xi32, #tpu.memory_space<vmem>> -> memref<1x80xi32, #tpu.memory_space<vmem>>
      %dma_start3A_988 = tpu.memref_squeeze %dma_start3A_987 : memref<1x80xi32, #tpu.memory_space<vmem>> -> memref<80xi32, #tpu.memory_space<vmem>>
      %dma_start3A_989 = arith.constant 0 : i32
      %dma_start3A_990 = arith.constant 0 : i32
      %dma_start3A_991 = tpu.memref_slice %arg2[%dma_start3A_989, %dma_start3A_990] : memref<10000x32xf32, #tpu.memory_space<hbm>> -> memref<10000x32xf32, #tpu.memory_space<hbm>>
      %dma_start3A_992 = tpu.memref_slice %arg11[%dma_start3A_981] : memref<5x!tpu.dma_semaphore, #tpu.memory_space<semaphore_mem>> -> memref<1x!tpu.dma_semaphore, #tpu.memory_space<semaphore_mem>>
      %dma_start3A_993 = tpu.memref_squeeze %dma_start3A_992 : memref<1x!tpu.dma_semaphore, #tpu.memory_space<semaphore_mem>> -> memref<!tpu.dma_semaphore, #tpu.memory_space<semaphore_mem>>
      tpu.enqueue_indirect_dma source(%dma_start3A_991 : memref<10000x32xf32, #tpu.memory_space<hbm>>) target(%dma_start3A_985 : memref<80x32xf32, #tpu.memory_space<vmem>>) offsets(%dma_start3A_988 : memref<80xi32, #tpu.memory_space<vmem>>) semaphore(%dma_start3A_993 : memref<!tpu.dma_semaphore, #tpu.memory_space<semaphore_mem>>)
      %mul3A_994 = arith.constant 5 : i32
      %mul3A_995 = arith.muli %scan3A_729, %mul3A_994 : i32
      %add3A_996 = arith.constant 4 : i32
      %add3A_997 = arith.addi %mul3A_995, %add3A_996 : i32
      %dma_wait3A_998 = arith.constant 4 : i32
      %dma_wait3A_999 = arith.constant 4 : i32
      %dma_wait3A_1000 = arith.constant 0 : i32
      %dma_wait3A_1001 = arith.constant 0 : i32
      %dma_wait3A_1002 = tpu.memref_slice %arg8[%dma_wait3A_998, %dma_wait3A_1000, %dma_wait3A_1001] : memref<5x80x32xf32, #tpu.memory_space<vmem>> -> memref<1x80x32xf32, #tpu.memory_space<vmem>>
      %dma_wait3A_1003 = tpu.memref_squeeze %dma_wait3A_1002 : memref<1x80x32xf32, #tpu.memory_space<vmem>> -> memref<80x32xf32, #tpu.memory_space<vmem>>
      %dma_wait3A_1004 = arith.constant 0 : i32
      %dma_wait3A_1005 = tpu.memref_slice %arg6[%add3A_997, %dma_wait3A_1004] : memref<125x80xi32, #tpu.memory_space<vmem>> -> memref<1x80xi32, #tpu.memory_space<vmem>>
      %dma_wait3A_1006 = tpu.memref_squeeze %dma_wait3A_1005 : memref<1x80xi32, #tpu.memory_space<vmem>> -> memref<80xi32, #tpu.memory_space<vmem>>
      %dma_wait3A_1007 = arith.constant 0 : i32
      %dma_wait3A_1008 = arith.constant 0 : i32
      %dma_wait3A_1009 = tpu.memref_slice %arg2[%dma_wait3A_1007, %dma_wait3A_1008] : memref<10000x32xf32, #tpu.memory_space<hbm>> -> memref<10000x32xf32, #tpu.memory_space<hbm>>
      %dma_wait3A_1010 = tpu.memref_slice %arg11[%dma_wait3A_999] : memref<5x!tpu.dma_semaphore, #tpu.memory_space<semaphore_mem>> -> memref<1x!tpu.dma_semaphore, #tpu.memory_space<semaphore_mem>>
      %dma_wait3A_1011 = tpu.memref_squeeze %dma_wait3A_1010 : memref<1x!tpu.dma_semaphore, #tpu.memory_space<semaphore_mem>> -> memref<!tpu.dma_semaphore, #tpu.memory_space<semaphore_mem>>
      tpu.wait_indirect_dma semaphore(%dma_wait3A_1011 : memref<!tpu.dma_semaphore, #tpu.memory_space<semaphore_mem>>) src(%dma_wait3A_1009 : memref<10000x32xf32, #tpu.memory_space<hbm>>) dst(%dma_wait3A_1003 : memref<80x32xf32, #tpu.memory_space<vmem>>)
      %dma_start3A_1012 = arith.constant 4 : i32
      %dma_start3A_1013 = arith.constant 4 : i32
      %dma_start3A_1014 = arith.constant 0 : i32
      %dma_start3A_1015 = arith.constant 0 : i32
      %dma_start3A_1016 = tpu.memref_slice %arg8[%dma_start3A_1012, %dma_start3A_1014, %dma_start3A_1015] : memref<5x80x32xf32, #tpu.memory_space<vmem>> -> memref<1x80x32xf32, #tpu.memory_space<vmem>>
      %dma_start3A_1017 = tpu.memref_squeeze %dma_start3A_1016 : memref<1x80x32xf32, #tpu.memory_space<vmem>> -> memref<80x32xf32, #tpu.memory_space<vmem>>
      %dma_start3A_1018 = arith.constant 0 : i32
      %dma_start3A_1019 = tpu.memref_slice %arg7[%add3A_997, %dma_start3A_1018] : memref<125x80xi32, #tpu.memory_space<vmem>> -> memref<1x80xi32, #tpu.memory_space<vmem>>
      %dma_start3A_1020 = tpu.memref_squeeze %dma_start3A_1019 : memref<1x80xi32, #tpu.memory_space<vmem>> -> memref<80xi32, #tpu.memory_space<vmem>>
      %dma_start3A_1021 = arith.constant 0 : i32
      %dma_start3A_1022 = arith.constant 0 : i32
      %dma_start3A_1023 = tpu.memref_slice %arg9[%dma_start3A_1021, %dma_start3A_1022] : memref<10240x32xf32, #tpu.memory_space<vmem_shared>> -> memref<10240x32xf32, #tpu.memory_space<vmem_shared>>
      %dma_start3A_1024 = tpu.memref_slice %arg12[%dma_start3A_1013] : memref<5x!tpu.dma_semaphore, #tpu.memory_space<semaphore_mem>> -> memref<1x!tpu.dma_semaphore, #tpu.memory_space<semaphore_mem>>
      %dma_start3A_1025 = tpu.memref_squeeze %dma_start3A_1024 : memref<1x!tpu.dma_semaphore, #tpu.memory_space<semaphore_mem>> -> memref<!tpu.dma_semaphore, #tpu.memory_space<semaphore_mem>>
      tpu.enqueue_indirect_dma source(%dma_start3A_1017 : memref<80x32xf32, #tpu.memory_space<vmem>>) target(%dma_start3A_1023 : memref<10240x32xf32, #tpu.memory_space<vmem_shared>>) offsets(%dma_start3A_1020 : memref<80xi32, #tpu.memory_space<vmem>>) semaphore(%dma_start3A_1025 : memref<!tpu.dma_semaphore, #tpu.memory_space<semaphore_mem>>) {add = true}
      %dma_wait3A_1026 = arith.constant 0 : i32
      %dma_wait3A_1027 = arith.constant 0 : i32
      %dma_wait3A_1028 = arith.constant 0 : i32
      %dma_wait3A_1029 = arith.constant 0 : i32
      %dma_wait3A_1030 = tpu.memref_slice %arg8[%dma_wait3A_1026, %dma_wait3A_1028, %dma_wait3A_1029] : memref<5x80x32xf32, #tpu.memory_space<vmem>> -> memref<1x80x32xf32, #tpu.memory_space<vmem>>
      %dma_wait3A_1031 = tpu.memref_squeeze %dma_wait3A_1030 : memref<1x80x32xf32, #tpu.memory_space<vmem>> -> memref<80x32xf32, #tpu.memory_space<vmem>>
      %dma_wait3A_1032 = arith.constant 0 : i32
      %dma_wait3A_1033 = arith.constant 0 : i32
      %dma_wait3A_1034 = tpu.memref_slice %arg9[%dma_wait3A_1032, %dma_wait3A_1033] : memref<10240x32xf32, #tpu.memory_space<vmem_shared>> -> memref<80x32xf32, #tpu.memory_space<vmem_shared>>
      %dma_wait3A_1035 = tpu.memref_slice %arg12[%dma_wait3A_1027] : memref<5x!tpu.dma_semaphore, #tpu.memory_space<semaphore_mem>> -> memref<1x!tpu.dma_semaphore, #tpu.memory_space<semaphore_mem>>
      %dma_wait3A_1036 = tpu.memref_squeeze %dma_wait3A_1035 : memref<1x!tpu.dma_semaphore, #tpu.memory_space<semaphore_mem>> -> memref<!tpu.dma_semaphore, #tpu.memory_space<semaphore_mem>>
      %dma_wait3A_1037 = arith.constant 0 : i32
      %dma_wait3A_1038 = arith.constant 0 : i32
      %dma_wait3A_1039 = tpu.memref_slice %arg9[%dma_wait3A_1037, %dma_wait3A_1038] : memref<10240x32xf32, #tpu.memory_space<vmem_shared>> -> memref<80x32xf32, #tpu.memory_space<vmem_shared>>
      %dma_wait3A_1040 = arith.constant 0 : i32
      %dma_wait3A_1041 = arith.constant 0 : i32
      %dma_wait3A_1042 = tpu.memref_slice %arg8[%dma_wait3A_1026, %dma_wait3A_1040, %dma_wait3A_1041] : memref<5x80x32xf32, #tpu.memory_space<vmem>> -> memref<1x80x32xf32, #tpu.memory_space<vmem>>
      %dma_wait3A_1043 = tpu.memref_squeeze %dma_wait3A_1042 : memref<1x80x32xf32, #tpu.memory_space<vmem>> -> memref<80x32xf32, #tpu.memory_space<vmem>>
      tpu.wait_dma2 semaphore(%dma_wait3A_1036 : memref<!tpu.dma_semaphore, #tpu.memory_space<semaphore_mem>>) src(%dma_wait3A_1043 : memref<80x32xf32, #tpu.memory_space<vmem>>) dst(%dma_wait3A_1039 : memref<80x32xf32, #tpu.memory_space<vmem_shared>>)
      %add3A_1044 = arith.constant 1 : i32
      %add3A_1045 = arith.addi %add3A_997, %add3A_1044 : i32
      %dma_start3A_1046 = arith.constant 0 : i32
      %dma_start3A_1047 = arith.constant 0 : i32
      %dma_start3A_1048 = arith.constant 0 : i32
      %dma_start3A_1049 = arith.constant 0 : i32
      %dma_start3A_1050 = tpu.memref_slice %arg8[%dma_start3A_1046, %dma_start3A_1048, %dma_start3A_1049] : memref<5x80x32xf32, #tpu.memory_space<vmem>> -> memref<1x80x32xf32, #tpu.memory_space<vmem>>
      %dma_start3A_1051 = tpu.memref_squeeze %dma_start3A_1050 : memref<1x80x32xf32, #tpu.memory_space<vmem>> -> memref<80x32xf32, #tpu.memory_space<vmem>>
      %dma_start3A_1052 = arith.constant 0 : i32
      %dma_start3A_1053 = tpu.memref_slice %arg6[%add3A_1045, %dma_start3A_1052] : memref<125x80xi32, #tpu.memory_space<vmem>> -> memref<1x80xi32, #tpu.memory_space<vmem>>
      %dma_start3A_1054 = tpu.memref_squeeze %dma_start3A_1053 : memref<1x80xi32, #tpu.memory_space<vmem>> -> memref<80xi32, #tpu.memory_space<vmem>>
      %dma_start3A_1055 = arith.constant 0 : i32
      %dma_start3A_1056 = arith.constant 0 : i32
      %dma_start3A_1057 = tpu.memref_slice %arg2[%dma_start3A_1055, %dma_start3A_1056] : memref<10000x32xf32, #tpu.memory_space<hbm>> -> memref<10000x32xf32, #tpu.memory_space<hbm>>
      %dma_start3A_1058 = tpu.memref_slice %arg11[%dma_start3A_1047] : memref<5x!tpu.dma_semaphore, #tpu.memory_space<semaphore_mem>> -> memref<1x!tpu.dma_semaphore, #tpu.memory_space<semaphore_mem>>
      %dma_start3A_1059 = tpu.memref_squeeze %dma_start3A_1058 : memref<1x!tpu.dma_semaphore, #tpu.memory_space<semaphore_mem>> -> memref<!tpu.dma_semaphore, #tpu.memory_space<semaphore_mem>>
      tpu.enqueue_indirect_dma source(%dma_start3A_1057 : memref<10000x32xf32, #tpu.memory_space<hbm>>) target(%dma_start3A_1051 : memref<80x32xf32, #tpu.memory_space<vmem>>) offsets(%dma_start3A_1054 : memref<80xi32, #tpu.memory_space<vmem>>) semaphore(%dma_start3A_1059 : memref<!tpu.dma_semaphore, #tpu.memory_space<semaphore_mem>>)
    }
    %scan3A_351 = arith.constant 23 : i32
    %dma_wait3A_352 = arith.constant 120 : i32
    %dma_wait3A_353 = arith.constant 0 : i32
    %dma_wait3A_354 = arith.constant 0 : i32
    %dma_wait3A_355 = arith.constant 0 : i32
    %dma_wait3A_356 = arith.constant 0 : i32
    %dma_wait3A_357 = tpu.memref_slice %arg8[%dma_wait3A_353, %dma_wait3A_355, %dma_wait3A_356] : memref<5x80x32xf32, #tpu.memory_space<vmem>> -> memref<1x80x32xf32, #tpu.memory_space<vmem>>
    %dma_wait3A_358 = tpu.memref_squeeze %dma_wait3A_357 : memref<1x80x32xf32, #tpu.memory_space<vmem>> -> memref<80x32xf32, #tpu.memory_space<vmem>>
    %dma_wait3A_359 = arith.constant 0 : i32
    %dma_wait3A_360 = tpu.memref_slice %arg6[%dma_wait3A_352, %dma_wait3A_359] : memref<125x80xi32, #tpu.memory_space<vmem>> -> memref<1x80xi32, #tpu.memory_space<vmem>>
    %dma_wait3A_361 = tpu.memref_squeeze %dma_wait3A_360 : memref<1x80xi32, #tpu.memory_space<vmem>> -> memref<80xi32, #tpu.memory_space<vmem>>
    %dma_wait3A_362 = arith.constant 0 : i32
    %dma_wait3A_363 = arith.constant 0 : i32
    %dma_wait3A_364 = tpu.memref_slice %arg2[%dma_wait3A_362, %dma_wait3A_363] : memref<10000x32xf32, #tpu.memory_space<hbm>> -> memref<10000x32xf32, #tpu.memory_space<hbm>>
    %dma_wait3A_365 = tpu.memref_slice %arg11[%dma_wait3A_354] : memref<5x!tpu.dma_semaphore, #tpu.memory_space<semaphore_mem>> -> memref<1x!tpu.dma_semaphore, #tpu.memory_space<semaphore_mem>>
    %dma_wait3A_366 = tpu.memref_squeeze %dma_wait3A_365 : memref<1x!tpu.dma_semaphore, #tpu.memory_space<semaphore_mem>> -> memref<!tpu.dma_semaphore, #tpu.memory_space<semaphore_mem>>
    tpu.wait_indirect_dma semaphore(%dma_wait3A_366 : memref<!tpu.dma_semaphore, #tpu.memory_space<semaphore_mem>>) src(%dma_wait3A_364 : memref<10000x32xf32, #tpu.memory_space<hbm>>) dst(%dma_wait3A_358 : memref<80x32xf32, #tpu.memory_space<vmem>>)
    %dma_start3A_367 = arith.constant 0 : i32
    %dma_start3A_368 = arith.constant 120 : i32
    %dma_start3A_369 = arith.constant 0 : i32
    %dma_start3A_370 = arith.constant 0 : i32
    %dma_start3A_371 = arith.constant 0 : i32
    %dma_start3A_372 = tpu.memref_slice %arg8[%dma_start3A_367, %dma_start3A_370, %dma_start3A_371] : memref<5x80x32xf32, #tpu.memory_space<vmem>> -> memref<1x80x32xf32, #tpu.memory_space<vmem>>
    %dma_start3A_373 = tpu.memref_squeeze %dma_start3A_372 : memref<1x80x32xf32, #tpu.memory_space<vmem>> -> memref<80x32xf32, #tpu.memory_space<vmem>>
    %dma_start3A_374 = arith.constant 0 : i32
    %dma_start3A_375 = tpu.memref_slice %arg7[%dma_start3A_368, %dma_start3A_374] : memref<125x80xi32, #tpu.memory_space<vmem>> -> memref<1x80xi32, #tpu.memory_space<vmem>>
    %dma_start3A_376 = tpu.memref_squeeze %dma_start3A_375 : memref<1x80xi32, #tpu.memory_space<vmem>> -> memref<80xi32, #tpu.memory_space<vmem>>
    %dma_start3A_377 = arith.constant 0 : i32
    %dma_start3A_378 = arith.constant 0 : i32
    %dma_start3A_379 = tpu.memref_slice %arg9[%dma_start3A_377, %dma_start3A_378] : memref<10240x32xf32, #tpu.memory_space<vmem_shared>> -> memref<10240x32xf32, #tpu.memory_space<vmem_shared>>
    %dma_start3A_380 = tpu.memref_slice %arg12[%dma_start3A_369] : memref<5x!tpu.dma_semaphore, #tpu.memory_space<semaphore_mem>> -> memref<1x!tpu.dma_semaphore, #tpu.memory_space<semaphore_mem>>
    %dma_start3A_381 = tpu.memref_squeeze %dma_start3A_380 : memref<1x!tpu.dma_semaphore, #tpu.memory_space<semaphore_mem>> -> memref<!tpu.dma_semaphore, #tpu.memory_space<semaphore_mem>>
    tpu.enqueue_indirect_dma source(%dma_start3A_373 : memref<80x32xf32, #tpu.memory_space<vmem>>) target(%dma_start3A_379 : memref<10240x32xf32, #tpu.memory_space<vmem_shared>>) offsets(%dma_start3A_376 : memref<80xi32, #tpu.memory_space<vmem>>) semaphore(%dma_start3A_381 : memref<!tpu.dma_semaphore, #tpu.memory_space<semaphore_mem>>) {add = true}
    %dma_wait3A_382 = arith.constant 1 : i32
    %dma_wait3A_383 = arith.constant 1 : i32
    %dma_wait3A_384 = arith.constant 0 : i32
    %dma_wait3A_385 = arith.constant 0 : i32
    %dma_wait3A_386 = tpu.memref_slice %arg8[%dma_wait3A_382, %dma_wait3A_384, %dma_wait3A_385] : memref<5x80x32xf32, #tpu.memory_space<vmem>> -> memref<1x80x32xf32, #tpu.memory_space<vmem>>
    %dma_wait3A_387 = tpu.memref_squeeze %dma_wait3A_386 : memref<1x80x32xf32, #tpu.memory_space<vmem>> -> memref<80x32xf32, #tpu.memory_space<vmem>>
    %dma_wait3A_388 = arith.constant 0 : i32
    %dma_wait3A_389 = arith.constant 0 : i32
    %dma_wait3A_390 = tpu.memref_slice %arg9[%dma_wait3A_388, %dma_wait3A_389] : memref<10240x32xf32, #tpu.memory_space<vmem_shared>> -> memref<80x32xf32, #tpu.memory_space<vmem_shared>>
    %dma_wait3A_391 = tpu.memref_slice %arg12[%dma_wait3A_383] : memref<5x!tpu.dma_semaphore, #tpu.memory_space<semaphore_mem>> -> memref<1x!tpu.dma_semaphore, #tpu.memory_space<semaphore_mem>>
    %dma_wait3A_392 = tpu.memref_squeeze %dma_wait3A_391 : memref<1x!tpu.dma_semaphore, #tpu.memory_space<semaphore_mem>> -> memref<!tpu.dma_semaphore, #tpu.memory_space<semaphore_mem>>
    %dma_wait3A_393 = arith.constant 0 : i32
    %dma_wait3A_394 = arith.constant 0 : i32
    %dma_wait3A_395 = tpu.memref_slice %arg9[%dma_wait3A_393, %dma_wait3A_394] : memref<10240x32xf32, #tpu.memory_space<vmem_shared>> -> memref<80x32xf32, #tpu.memory_space<vmem_shared>>
    %dma_wait3A_396 = arith.constant 0 : i32
    %dma_wait3A_397 = arith.constant 0 : i32
    %dma_wait3A_398 = tpu.memref_slice %arg8[%dma_wait3A_382, %dma_wait3A_396, %dma_wait3A_397] : memref<5x80x32xf32, #tpu.memory_space<vmem>> -> memref<1x80x32xf32, #tpu.memory_space<vmem>>
    %dma_wait3A_399 = tpu.memref_squeeze %dma_wait3A_398 : memref<1x80x32xf32, #tpu.memory_space<vmem>> -> memref<80x32xf32, #tpu.memory_space<vmem>>
    tpu.wait_dma2 semaphore(%dma_wait3A_392 : memref<!tpu.dma_semaphore, #tpu.memory_space<semaphore_mem>>) src(%dma_wait3A_399 : memref<80x32xf32, #tpu.memory_space<vmem>>) dst(%dma_wait3A_395 : memref<80x32xf32, #tpu.memory_space<vmem_shared>>)
    %dma_start3A_400 = arith.constant 121 : i32
    %dma_start3A_401 = arith.constant 1 : i32
    %dma_start3A_402 = arith.constant 1 : i32
    %dma_start3A_403 = arith.constant 0 : i32
    %dma_start3A_404 = arith.constant 0 : i32
    %dma_start3A_405 = tpu.memref_slice %arg8[%dma_start3A_401, %dma_start3A_403, %dma_start3A_404] : memref<5x80x32xf32, #tpu.memory_space<vmem>> -> memref<1x80x32xf32, #tpu.memory_space<vmem>>
    %dma_start3A_406 = tpu.memref_squeeze %dma_start3A_405 : memref<1x80x32xf32, #tpu.memory_space<vmem>> -> memref<80x32xf32, #tpu.memory_space<vmem>>
    %dma_start3A_407 = arith.constant 0 : i32
    %dma_start3A_408 = tpu.memref_slice %arg6[%dma_start3A_400, %dma_start3A_407] : memref<125x80xi32, #tpu.memory_space<vmem>> -> memref<1x80xi32, #tpu.memory_space<vmem>>
    %dma_start3A_409 = tpu.memref_squeeze %dma_start3A_408 : memref<1x80xi32, #tpu.memory_space<vmem>> -> memref<80xi32, #tpu.memory_space<vmem>>
    %dma_start3A_410 = arith.constant 0 : i32
    %dma_start3A_411 = arith.constant 0 : i32
    %dma_start3A_412 = tpu.memref_slice %arg2[%dma_start3A_410, %dma_start3A_411] : memref<10000x32xf32, #tpu.memory_space<hbm>> -> memref<10000x32xf32, #tpu.memory_space<hbm>>
    %dma_start3A_413 = tpu.memref_slice %arg11[%dma_start3A_402] : memref<5x!tpu.dma_semaphore, #tpu.memory_space<semaphore_mem>> -> memref<1x!tpu.dma_semaphore, #tpu.memory_space<semaphore_mem>>
    %dma_start3A_414 = tpu.memref_squeeze %dma_start3A_413 : memref<1x!tpu.dma_semaphore, #tpu.memory_space<semaphore_mem>> -> memref<!tpu.dma_semaphore, #tpu.memory_space<semaphore_mem>>
    tpu.enqueue_indirect_dma source(%dma_start3A_412 : memref<10000x32xf32, #tpu.memory_space<hbm>>) target(%dma_start3A_406 : memref<80x32xf32, #tpu.memory_space<vmem>>) offsets(%dma_start3A_409 : memref<80xi32, #tpu.memory_space<vmem>>) semaphore(%dma_start3A_414 : memref<!tpu.dma_semaphore, #tpu.memory_space<semaphore_mem>>)
    %dma_wait3A_415 = arith.constant 121 : i32
    %dma_wait3A_416 = arith.constant 1 : i32
    %dma_wait3A_417 = arith.constant 1 : i32
    %dma_wait3A_418 = arith.constant 0 : i32
    %dma_wait3A_419 = arith.constant 0 : i32
    %dma_wait3A_420 = tpu.memref_slice %arg8[%dma_wait3A_416, %dma_wait3A_418, %dma_wait3A_419] : memref<5x80x32xf32, #tpu.memory_space<vmem>> -> memref<1x80x32xf32, #tpu.memory_space<vmem>>
    %dma_wait3A_421 = tpu.memref_squeeze %dma_wait3A_420 : memref<1x80x32xf32, #tpu.memory_space<vmem>> -> memref<80x32xf32, #tpu.memory_space<vmem>>
    %dma_wait3A_422 = arith.constant 0 : i32
    %dma_wait3A_423 = tpu.memref_slice %arg6[%dma_wait3A_415, %dma_wait3A_422] : memref<125x80xi32, #tpu.memory_space<vmem>> -> memref<1x80xi32, #tpu.memory_space<vmem>>
    %dma_wait3A_424 = tpu.memref_squeeze %dma_wait3A_423 : memref<1x80xi32, #tpu.memory_space<vmem>> -> memref<80xi32, #tpu.memory_space<vmem>>
    %dma_wait3A_425 = arith.constant 0 : i32
    %dma_wait3A_426 = arith.constant 0 : i32
    %dma_wait3A_427 = tpu.memref_slice %arg2[%dma_wait3A_425, %dma_wait3A_426] : memref<10000x32xf32, #tpu.memory_space<hbm>> -> memref<10000x32xf32, #tpu.memory_space<hbm>>
    %dma_wait3A_428 = tpu.memref_slice %arg11[%dma_wait3A_417] : memref<5x!tpu.dma_semaphore, #tpu.memory_space<semaphore_mem>> -> memref<1x!tpu.dma_semaphore, #tpu.memory_space<semaphore_mem>>
    %dma_wait3A_429 = tpu.memref_squeeze %dma_wait3A_428 : memref<1x!tpu.dma_semaphore, #tpu.memory_space<semaphore_mem>> -> memref<!tpu.dma_semaphore, #tpu.memory_space<semaphore_mem>>
    tpu.wait_indirect_dma semaphore(%dma_wait3A_429 : memref<!tpu.dma_semaphore, #tpu.memory_space<semaphore_mem>>) src(%dma_wait3A_427 : memref<10000x32xf32, #tpu.memory_space<hbm>>) dst(%dma_wait3A_421 : memref<80x32xf32, #tpu.memory_space<vmem>>)
    %dma_start3A_430 = arith.constant 1 : i32
    %dma_start3A_431 = arith.constant 121 : i32
    %dma_start3A_432 = arith.constant 1 : i32
    %dma_start3A_433 = arith.constant 0 : i32
    %dma_start3A_434 = arith.constant 0 : i32
    %dma_start3A_435 = tpu.memref_slice %arg8[%dma_start3A_430, %dma_start3A_433, %dma_start3A_434] : memref<5x80x32xf32, #tpu.memory_space<vmem>> -> memref<1x80x32xf32, #tpu.memory_space<vmem>>
    %dma_start3A_436 = tpu.memref_squeeze %dma_start3A_435 : memref<1x80x32xf32, #tpu.memory_space<vmem>> -> memref<80x32xf32, #tpu.memory_space<vmem>>
    %dma_start3A_437 = arith.constant 0 : i32
    %dma_start3A_438 = tpu.memref_slice %arg7[%dma_start3A_431, %dma_start3A_437] : memref<125x80xi32, #tpu.memory_space<vmem>> -> memref<1x80xi32, #tpu.memory_space<vmem>>
    %dma_start3A_439 = tpu.memref_squeeze %dma_start3A_438 : memref<1x80xi32, #tpu.memory_space<vmem>> -> memref<80xi32, #tpu.memory_space<vmem>>
    %dma_start3A_440 = arith.constant 0 : i32
    %dma_start3A_441 = arith.constant 0 : i32
    %dma_start3A_442 = tpu.memref_slice %arg9[%dma_start3A_440, %dma_start3A_441] : memref<10240x32xf32, #tpu.memory_space<vmem_shared>> -> memref<10240x32xf32, #tpu.memory_space<vmem_shared>>
    %dma_start3A_443 = tpu.memref_slice %arg12[%dma_start3A_432] : memref<5x!tpu.dma_semaphore, #tpu.memory_space<semaphore_mem>> -> memref<1x!tpu.dma_semaphore, #tpu.memory_space<semaphore_mem>>
    %dma_start3A_444 = tpu.memref_squeeze %dma_start3A_443 : memref<1x!tpu.dma_semaphore, #tpu.memory_space<semaphore_mem>> -> memref<!tpu.dma_semaphore, #tpu.memory_space<semaphore_mem>>
    tpu.enqueue_indirect_dma source(%dma_start3A_436 : memref<80x32xf32, #tpu.memory_space<vmem>>) target(%dma_start3A_442 : memref<10240x32xf32, #tpu.memory_space<vmem_shared>>) offsets(%dma_start3A_439 : memref<80xi32, #tpu.memory_space<vmem>>) semaphore(%dma_start3A_444 : memref<!tpu.dma_semaphore, #tpu.memory_space<semaphore_mem>>) {add = true}
    %dma_wait3A_445 = arith.constant 2 : i32
    %dma_wait3A_446 = arith.constant 2 : i32
    %dma_wait3A_447 = arith.constant 0 : i32
    %dma_wait3A_448 = arith.constant 0 : i32
    %dma_wait3A_449 = tpu.memref_slice %arg8[%dma_wait3A_445, %dma_wait3A_447, %dma_wait3A_448] : memref<5x80x32xf32, #tpu.memory_space<vmem>> -> memref<1x80x32xf32, #tpu.memory_space<vmem>>
    %dma_wait3A_450 = tpu.memref_squeeze %dma_wait3A_449 : memref<1x80x32xf32, #tpu.memory_space<vmem>> -> memref<80x32xf32, #tpu.memory_space<vmem>>
    %dma_wait3A_451 = arith.constant 0 : i32
    %dma_wait3A_452 = arith.constant 0 : i32
    %dma_wait3A_453 = tpu.memref_slice %arg9[%dma_wait3A_451, %dma_wait3A_452] : memref<10240x32xf32, #tpu.memory_space<vmem_shared>> -> memref<80x32xf32, #tpu.memory_space<vmem_shared>>
    %dma_wait3A_454 = tpu.memref_slice %arg12[%dma_wait3A_446] : memref<5x!tpu.dma_semaphore, #tpu.memory_space<semaphore_mem>> -> memref<1x!tpu.dma_semaphore, #tpu.memory_space<semaphore_mem>>
    %dma_wait3A_455 = tpu.memref_squeeze %dma_wait3A_454 : memref<1x!tpu.dma_semaphore, #tpu.memory_space<semaphore_mem>> -> memref<!tpu.dma_semaphore, #tpu.memory_space<semaphore_mem>>
    %dma_wait3A_456 = arith.constant 0 : i32
    %dma_wait3A_457 = arith.constant 0 : i32
    %dma_wait3A_458 = tpu.memref_slice %arg9[%dma_wait3A_456, %dma_wait3A_457] : memref<10240x32xf32, #tpu.memory_space<vmem_shared>> -> memref<80x32xf32, #tpu.memory_space<vmem_shared>>
    %dma_wait3A_459 = arith.constant 0 : i32
    %dma_wait3A_460 = arith.constant 0 : i32
    %dma_wait3A_461 = tpu.memref_slice %arg8[%dma_wait3A_445, %dma_wait3A_459, %dma_wait3A_460] : memref<5x80x32xf32, #tpu.memory_space<vmem>> -> memref<1x80x32xf32, #tpu.memory_space<vmem>>
    %dma_wait3A_462 = tpu.memref_squeeze %dma_wait3A_461 : memref<1x80x32xf32, #tpu.memory_space<vmem>> -> memref<80x32xf32, #tpu.memory_space<vmem>>
    tpu.wait_dma2 semaphore(%dma_wait3A_455 : memref<!tpu.dma_semaphore, #tpu.memory_space<semaphore_mem>>) src(%dma_wait3A_462 : memref<80x32xf32, #tpu.memory_space<vmem>>) dst(%dma_wait3A_458 : memref<80x32xf32, #tpu.memory_space<vmem_shared>>)
    %dma_start3A_463 = arith.constant 122 : i32
    %dma_start3A_464 = arith.constant 2 : i32
    %dma_start3A_465 = arith.constant 2 : i32
    %dma_start3A_466 = arith.constant 0 : i32
    %dma_start3A_467 = arith.constant 0 : i32
    %dma_start3A_468 = tpu.memref_slice %arg8[%dma_start3A_464, %dma_start3A_466, %dma_start3A_467] : memref<5x80x32xf32, #tpu.memory_space<vmem>> -> memref<1x80x32xf32, #tpu.memory_space<vmem>>
    %dma_start3A_469 = tpu.memref_squeeze %dma_start3A_468 : memref<1x80x32xf32, #tpu.memory_space<vmem>> -> memref<80x32xf32, #tpu.memory_space<vmem>>
    %dma_start3A_470 = arith.constant 0 : i32
    %dma_start3A_471 = tpu.memref_slice %arg6[%dma_start3A_463, %dma_start3A_470] : memref<125x80xi32, #tpu.memory_space<vmem>> -> memref<1x80xi32, #tpu.memory_space<vmem>>
    %dma_start3A_472 = tpu.memref_squeeze %dma_start3A_471 : memref<1x80xi32, #tpu.memory_space<vmem>> -> memref<80xi32, #tpu.memory_space<vmem>>
    %dma_start3A_473 = arith.constant 0 : i32
    %dma_start3A_474 = arith.constant 0 : i32
    %dma_start3A_475 = tpu.memref_slice %arg2[%dma_start3A_473, %dma_start3A_474] : memref<10000x32xf32, #tpu.memory_space<hbm>> -> memref<10000x32xf32, #tpu.memory_space<hbm>>
    %dma_start3A_476 = tpu.memref_slice %arg11[%dma_start3A_465] : memref<5x!tpu.dma_semaphore, #tpu.memory_space<semaphore_mem>> -> memref<1x!tpu.dma_semaphore, #tpu.memory_space<semaphore_mem>>
    %dma_start3A_477 = tpu.memref_squeeze %dma_start3A_476 : memref<1x!tpu.dma_semaphore, #tpu.memory_space<semaphore_mem>> -> memref<!tpu.dma_semaphore, #tpu.memory_space<semaphore_mem>>
    tpu.enqueue_indirect_dma source(%dma_start3A_475 : memref<10000x32xf32, #tpu.memory_space<hbm>>) target(%dma_start3A_469 : memref<80x32xf32, #tpu.memory_space<vmem>>) offsets(%dma_start3A_472 : memref<80xi32, #tpu.memory_space<vmem>>) semaphore(%dma_start3A_477 : memref<!tpu.dma_semaphore, #tpu.memory_space<semaphore_mem>>)
    %dma_wait3A_478 = arith.constant 122 : i32
    %dma_wait3A_479 = arith.constant 2 : i32
    %dma_wait3A_480 = arith.constant 2 : i32
    %dma_wait3A_481 = arith.constant 0 : i32
    %dma_wait3A_482 = arith.constant 0 : i32
    %dma_wait3A_483 = tpu.memref_slice %arg8[%dma_wait3A_479, %dma_wait3A_481, %dma_wait3A_482] : memref<5x80x32xf32, #tpu.memory_space<vmem>> -> memref<1x80x32xf32, #tpu.memory_space<vmem>>
    %dma_wait3A_484 = tpu.memref_squeeze %dma_wait3A_483 : memref<1x80x32xf32, #tpu.memory_space<vmem>> -> memref<80x32xf32, #tpu.memory_space<vmem>>
    %dma_wait3A_485 = arith.constant 0 : i32
    %dma_wait3A_486 = tpu.memref_slice %arg6[%dma_wait3A_478, %dma_wait3A_485] : memref<125x80xi32, #tpu.memory_space<vmem>> -> memref<1x80xi32, #tpu.memory_space<vmem>>
    %dma_wait3A_487 = tpu.memref_squeeze %dma_wait3A_486 : memref<1x80xi32, #tpu.memory_space<vmem>> -> memref<80xi32, #tpu.memory_space<vmem>>
    %dma_wait3A_488 = arith.constant 0 : i32
    %dma_wait3A_489 = arith.constant 0 : i32
    %dma_wait3A_490 = tpu.memref_slice %arg2[%dma_wait3A_488, %dma_wait3A_489] : memref<10000x32xf32, #tpu.memory_space<hbm>> -> memref<10000x32xf32, #tpu.memory_space<hbm>>
    %dma_wait3A_491 = tpu.memref_slice %arg11[%dma_wait3A_480] : memref<5x!tpu.dma_semaphore, #tpu.memory_space<semaphore_mem>> -> memref<1x!tpu.dma_semaphore, #tpu.memory_space<semaphore_mem>>
    %dma_wait3A_492 = tpu.memref_squeeze %dma_wait3A_491 : memref<1x!tpu.dma_semaphore, #tpu.memory_space<semaphore_mem>> -> memref<!tpu.dma_semaphore, #tpu.memory_space<semaphore_mem>>
    tpu.wait_indirect_dma semaphore(%dma_wait3A_492 : memref<!tpu.dma_semaphore, #tpu.memory_space<semaphore_mem>>) src(%dma_wait3A_490 : memref<10000x32xf32, #tpu.memory_space<hbm>>) dst(%dma_wait3A_484 : memref<80x32xf32, #tpu.memory_space<vmem>>)
    %dma_start3A_493 = arith.constant 2 : i32
    %dma_start3A_494 = arith.constant 122 : i32
    %dma_start3A_495 = arith.constant 2 : i32
    %dma_start3A_496 = arith.constant 0 : i32
    %dma_start3A_497 = arith.constant 0 : i32
    %dma_start3A_498 = tpu.memref_slice %arg8[%dma_start3A_493, %dma_start3A_496, %dma_start3A_497] : memref<5x80x32xf32, #tpu.memory_space<vmem>> -> memref<1x80x32xf32, #tpu.memory_space<vmem>>
    %dma_start3A_499 = tpu.memref_squeeze %dma_start3A_498 : memref<1x80x32xf32, #tpu.memory_space<vmem>> -> memref<80x32xf32, #tpu.memory_space<vmem>>
    %dma_start3A_500 = arith.constant 0 : i32
    %dma_start3A_501 = tpu.memref_slice %arg7[%dma_start3A_494, %dma_start3A_500] : memref<125x80xi32, #tpu.memory_space<vmem>> -> memref<1x80xi32, #tpu.memory_space<vmem>>
    %dma_start3A_502 = tpu.memref_squeeze %dma_start3A_501 : memref<1x80xi32, #tpu.memory_space<vmem>> -> memref<80xi32, #tpu.memory_space<vmem>>
    %dma_start3A_503 = arith.constant 0 : i32
    %dma_start3A_504 = arith.constant 0 : i32
    %dma_start3A_505 = tpu.memref_slice %arg9[%dma_start3A_503, %dma_start3A_504] : memref<10240x32xf32, #tpu.memory_space<vmem_shared>> -> memref<10240x32xf32, #tpu.memory_space<vmem_shared>>
    %dma_start3A_506 = tpu.memref_slice %arg12[%dma_start3A_495] : memref<5x!tpu.dma_semaphore, #tpu.memory_space<semaphore_mem>> -> memref<1x!tpu.dma_semaphore, #tpu.memory_space<semaphore_mem>>
    %dma_start3A_507 = tpu.memref_squeeze %dma_start3A_506 : memref<1x!tpu.dma_semaphore, #tpu.memory_space<semaphore_mem>> -> memref<!tpu.dma_semaphore, #tpu.memory_space<semaphore_mem>>
    tpu.enqueue_indirect_dma source(%dma_start3A_499 : memref<80x32xf32, #tpu.memory_space<vmem>>) target(%dma_start3A_505 : memref<10240x32xf32, #tpu.memory_space<vmem_shared>>) offsets(%dma_start3A_502 : memref<80xi32, #tpu.memory_space<vmem>>) semaphore(%dma_start3A_507 : memref<!tpu.dma_semaphore, #tpu.memory_space<semaphore_mem>>) {add = true}
    %dma_wait3A_508 = arith.constant 3 : i32
    %dma_wait3A_509 = arith.constant 3 : i32
    %dma_wait3A_510 = arith.constant 0 : i32
    %dma_wait3A_511 = arith.constant 0 : i32
    %dma_wait3A_512 = tpu.memref_slice %arg8[%dma_wait3A_508, %dma_wait3A_510, %dma_wait3A_511] : memref<5x80x32xf32, #tpu.memory_space<vmem>> -> memref<1x80x32xf32, #tpu.memory_space<vmem>>
    %dma_wait3A_513 = tpu.memref_squeeze %dma_wait3A_512 : memref<1x80x32xf32, #tpu.memory_space<vmem>> -> memref<80x32xf32, #tpu.memory_space<vmem>>
    %dma_wait3A_514 = arith.constant 0 : i32
    %dma_wait3A_515 = arith.constant 0 : i32
    %dma_wait3A_516 = tpu.memref_slice %arg9[%dma_wait3A_514, %dma_wait3A_515] : memref<10240x32xf32, #tpu.memory_space<vmem_shared>> -> memref<80x32xf32, #tpu.memory_space<vmem_shared>>
    %dma_wait3A_517 = tpu.memref_slice %arg12[%dma_wait3A_509] : memref<5x!tpu.dma_semaphore, #tpu.memory_space<semaphore_mem>> -> memref<1x!tpu.dma_semaphore, #tpu.memory_space<semaphore_mem>>
    %dma_wait3A_518 = tpu.memref_squeeze %dma_wait3A_517 : memref<1x!tpu.dma_semaphore, #tpu.memory_space<semaphore_mem>> -> memref<!tpu.dma_semaphore, #tpu.memory_space<semaphore_mem>>
    %dma_wait3A_519 = arith.constant 0 : i32
    %dma_wait3A_520 = arith.constant 0 : i32
    %dma_wait3A_521 = tpu.memref_slice %arg9[%dma_wait3A_519, %dma_wait3A_520] : memref<10240x32xf32, #tpu.memory_space<vmem_shared>> -> memref<80x32xf32, #tpu.memory_space<vmem_shared>>
    %dma_wait3A_522 = arith.constant 0 : i32
    %dma_wait3A_523 = arith.constant 0 : i32
    %dma_wait3A_524 = tpu.memref_slice %arg8[%dma_wait3A_508, %dma_wait3A_522, %dma_wait3A_523] : memref<5x80x32xf32, #tpu.memory_space<vmem>> -> memref<1x80x32xf32, #tpu.memory_space<vmem>>
    %dma_wait3A_525 = tpu.memref_squeeze %dma_wait3A_524 : memref<1x80x32xf32, #tpu.memory_space<vmem>> -> memref<80x32xf32, #tpu.memory_space<vmem>>
    tpu.wait_dma2 semaphore(%dma_wait3A_518 : memref<!tpu.dma_semaphore, #tpu.memory_space<semaphore_mem>>) src(%dma_wait3A_525 : memref<80x32xf32, #tpu.memory_space<vmem>>) dst(%dma_wait3A_521 : memref<80x32xf32, #tpu.memory_space<vmem_shared>>)
    %dma_start3A_526 = arith.constant 123 : i32
    %dma_start3A_527 = arith.constant 3 : i32
    %dma_start3A_528 = arith.constant 3 : i32
    %dma_start3A_529 = arith.constant 0 : i32
    %dma_start3A_530 = arith.constant 0 : i32
    %dma_start3A_531 = tpu.memref_slice %arg8[%dma_start3A_527, %dma_start3A_529, %dma_start3A_530] : memref<5x80x32xf32, #tpu.memory_space<vmem>> -> memref<1x80x32xf32, #tpu.memory_space<vmem>>
    %dma_start3A_532 = tpu.memref_squeeze %dma_start3A_531 : memref<1x80x32xf32, #tpu.memory_space<vmem>> -> memref<80x32xf32, #tpu.memory_space<vmem>>
    %dma_start3A_533 = arith.constant 0 : i32
    %dma_start3A_534 = tpu.memref_slice %arg6[%dma_start3A_526, %dma_start3A_533] : memref<125x80xi32, #tpu.memory_space<vmem>> -> memref<1x80xi32, #tpu.memory_space<vmem>>
    %dma_start3A_535 = tpu.memref_squeeze %dma_start3A_534 : memref<1x80xi32, #tpu.memory_space<vmem>> -> memref<80xi32, #tpu.memory_space<vmem>>
    %dma_start3A_536 = arith.constant 0 : i32
    %dma_start3A_537 = arith.constant 0 : i32
    %dma_start3A_538 = tpu.memref_slice %arg2[%dma_start3A_536, %dma_start3A_537] : memref<10000x32xf32, #tpu.memory_space<hbm>> -> memref<10000x32xf32, #tpu.memory_space<hbm>>
    %dma_start3A_539 = tpu.memref_slice %arg11[%dma_start3A_528] : memref<5x!tpu.dma_semaphore, #tpu.memory_space<semaphore_mem>> -> memref<1x!tpu.dma_semaphore, #tpu.memory_space<semaphore_mem>>
    %dma_start3A_540 = tpu.memref_squeeze %dma_start3A_539 : memref<1x!tpu.dma_semaphore, #tpu.memory_space<semaphore_mem>> -> memref<!tpu.dma_semaphore, #tpu.memory_space<semaphore_mem>>
    tpu.enqueue_indirect_dma source(%dma_start3A_538 : memref<10000x32xf32, #tpu.memory_space<hbm>>) target(%dma_start3A_532 : memref<80x32xf32, #tpu.memory_space<vmem>>) offsets(%dma_start3A_535 : memref<80xi32, #tpu.memory_space<vmem>>) semaphore(%dma_start3A_540 : memref<!tpu.dma_semaphore, #tpu.memory_space<semaphore_mem>>)
    %dma_wait3A_541 = arith.constant 123 : i32
    %dma_wait3A_542 = arith.constant 3 : i32
    %dma_wait3A_543 = arith.constant 3 : i32
    %dma_wait3A_544 = arith.constant 0 : i32
    %dma_wait3A_545 = arith.constant 0 : i32
    %dma_wait3A_546 = tpu.memref_slice %arg8[%dma_wait3A_542, %dma_wait3A_544, %dma_wait3A_545] : memref<5x80x32xf32, #tpu.memory_space<vmem>> -> memref<1x80x32xf32, #tpu.memory_space<vmem>>
    %dma_wait3A_547 = tpu.memref_squeeze %dma_wait3A_546 : memref<1x80x32xf32, #tpu.memory_space<vmem>> -> memref<80x32xf32, #tpu.memory_space<vmem>>
    %dma_wait3A_548 = arith.constant 0 : i32
    %dma_wait3A_549 = tpu.memref_slice %arg6[%dma_wait3A_541, %dma_wait3A_548] : memref<125x80xi32, #tpu.memory_space<vmem>> -> memref<1x80xi32, #tpu.memory_space<vmem>>
    %dma_wait3A_550 = tpu.memref_squeeze %dma_wait3A_549 : memref<1x80xi32, #tpu.memory_space<vmem>> -> memref<80xi32, #tpu.memory_space<vmem>>
    %dma_wait3A_551 = arith.constant 0 : i32
    %dma_wait3A_552 = arith.constant 0 : i32
    %dma_wait3A_553 = tpu.memref_slice %arg2[%dma_wait3A_551, %dma_wait3A_552] : memref<10000x32xf32, #tpu.memory_space<hbm>> -> memref<10000x32xf32, #tpu.memory_space<hbm>>
    %dma_wait3A_554 = tpu.memref_slice %arg11[%dma_wait3A_543] : memref<5x!tpu.dma_semaphore, #tpu.memory_space<semaphore_mem>> -> memref<1x!tpu.dma_semaphore, #tpu.memory_space<semaphore_mem>>
    %dma_wait3A_555 = tpu.memref_squeeze %dma_wait3A_554 : memref<1x!tpu.dma_semaphore, #tpu.memory_space<semaphore_mem>> -> memref<!tpu.dma_semaphore, #tpu.memory_space<semaphore_mem>>
    tpu.wait_indirect_dma semaphore(%dma_wait3A_555 : memref<!tpu.dma_semaphore, #tpu.memory_space<semaphore_mem>>) src(%dma_wait3A_553 : memref<10000x32xf32, #tpu.memory_space<hbm>>) dst(%dma_wait3A_547 : memref<80x32xf32, #tpu.memory_space<vmem>>)
    %dma_start3A_556 = arith.constant 3 : i32
    %dma_start3A_557 = arith.constant 123 : i32
    %dma_start3A_558 = arith.constant 3 : i32
    %dma_start3A_559 = arith.constant 0 : i32
    %dma_start3A_560 = arith.constant 0 : i32
    %dma_start3A_561 = tpu.memref_slice %arg8[%dma_start3A_556, %dma_start3A_559, %dma_start3A_560] : memref<5x80x32xf32, #tpu.memory_space<vmem>> -> memref<1x80x32xf32, #tpu.memory_space<vmem>>
    %dma_start3A_562 = tpu.memref_squeeze %dma_start3A_561 : memref<1x80x32xf32, #tpu.memory_space<vmem>> -> memref<80x32xf32, #tpu.memory_space<vmem>>
    %dma_start3A_563 = arith.constant 0 : i32
    %dma_start3A_564 = tpu.memref_slice %arg7[%dma_start3A_557, %dma_start3A_563] : memref<125x80xi32, #tpu.memory_space<vmem>> -> memref<1x80xi32, #tpu.memory_space<vmem>>
    %dma_start3A_565 = tpu.memref_squeeze %dma_start3A_564 : memref<1x80xi32, #tpu.memory_space<vmem>> -> memref<80xi32, #tpu.memory_space<vmem>>
    %dma_start3A_566 = arith.constant 0 : i32
    %dma_start3A_567 = arith.constant 0 : i32
    %dma_start3A_568 = tpu.memref_slice %arg9[%dma_start3A_566, %dma_start3A_567] : memref<10240x32xf32, #tpu.memory_space<vmem_shared>> -> memref<10240x32xf32, #tpu.memory_space<vmem_shared>>
    %dma_start3A_569 = tpu.memref_slice %arg12[%dma_start3A_558] : memref<5x!tpu.dma_semaphore, #tpu.memory_space<semaphore_mem>> -> memref<1x!tpu.dma_semaphore, #tpu.memory_space<semaphore_mem>>
    %dma_start3A_570 = tpu.memref_squeeze %dma_start3A_569 : memref<1x!tpu.dma_semaphore, #tpu.memory_space<semaphore_mem>> -> memref<!tpu.dma_semaphore, #tpu.memory_space<semaphore_mem>>
    tpu.enqueue_indirect_dma source(%dma_start3A_562 : memref<80x32xf32, #tpu.memory_space<vmem>>) target(%dma_start3A_568 : memref<10240x32xf32, #tpu.memory_space<vmem_shared>>) offsets(%dma_start3A_565 : memref<80xi32, #tpu.memory_space<vmem>>) semaphore(%dma_start3A_570 : memref<!tpu.dma_semaphore, #tpu.memory_space<semaphore_mem>>) {add = true}
    %dma_wait3A_571 = arith.constant 4 : i32
    %dma_wait3A_572 = arith.constant 4 : i32
    %dma_wait3A_573 = arith.constant 0 : i32
    %dma_wait3A_574 = arith.constant 0 : i32
    %dma_wait3A_575 = tpu.memref_slice %arg8[%dma_wait3A_571, %dma_wait3A_573, %dma_wait3A_574] : memref<5x80x32xf32, #tpu.memory_space<vmem>> -> memref<1x80x32xf32, #tpu.memory_space<vmem>>
    %dma_wait3A_576 = tpu.memref_squeeze %dma_wait3A_575 : memref<1x80x32xf32, #tpu.memory_space<vmem>> -> memref<80x32xf32, #tpu.memory_space<vmem>>
    %dma_wait3A_577 = arith.constant 0 : i32
    %dma_wait3A_578 = arith.constant 0 : i32
    %dma_wait3A_579 = tpu.memref_slice %arg9[%dma_wait3A_577, %dma_wait3A_578] : memref<10240x32xf32, #tpu.memory_space<vmem_shared>> -> memref<80x32xf32, #tpu.memory_space<vmem_shared>>
    %dma_wait3A_580 = tpu.memref_slice %arg12[%dma_wait3A_572] : memref<5x!tpu.dma_semaphore, #tpu.memory_space<semaphore_mem>> -> memref<1x!tpu.dma_semaphore, #tpu.memory_space<semaphore_mem>>
    %dma_wait3A_581 = tpu.memref_squeeze %dma_wait3A_580 : memref<1x!tpu.dma_semaphore, #tpu.memory_space<semaphore_mem>> -> memref<!tpu.dma_semaphore, #tpu.memory_space<semaphore_mem>>
    %dma_wait3A_582 = arith.constant 0 : i32
    %dma_wait3A_583 = arith.constant 0 : i32
    %dma_wait3A_584 = tpu.memref_slice %arg9[%dma_wait3A_582, %dma_wait3A_583] : memref<10240x32xf32, #tpu.memory_space<vmem_shared>> -> memref<80x32xf32, #tpu.memory_space<vmem_shared>>
    %dma_wait3A_585 = arith.constant 0 : i32
    %dma_wait3A_586 = arith.constant 0 : i32
    %dma_wait3A_587 = tpu.memref_slice %arg8[%dma_wait3A_571, %dma_wait3A_585, %dma_wait3A_586] : memref<5x80x32xf32, #tpu.memory_space<vmem>> -> memref<1x80x32xf32, #tpu.memory_space<vmem>>
    %dma_wait3A_588 = tpu.memref_squeeze %dma_wait3A_587 : memref<1x80x32xf32, #tpu.memory_space<vmem>> -> memref<80x32xf32, #tpu.memory_space<vmem>>
    tpu.wait_dma2 semaphore(%dma_wait3A_581 : memref<!tpu.dma_semaphore, #tpu.memory_space<semaphore_mem>>) src(%dma_wait3A_588 : memref<80x32xf32, #tpu.memory_space<vmem>>) dst(%dma_wait3A_584 : memref<80x32xf32, #tpu.memory_space<vmem_shared>>)
    %dma_start3A_589 = arith.constant 124 : i32
    %dma_start3A_590 = arith.constant 4 : i32
    %dma_start3A_591 = arith.constant 4 : i32
    %dma_start3A_592 = arith.constant 0 : i32
    %dma_start3A_593 = arith.constant 0 : i32
    %dma_start3A_594 = tpu.memref_slice %arg8[%dma_start3A_590, %dma_start3A_592, %dma_start3A_593] : memref<5x80x32xf32, #tpu.memory_space<vmem>> -> memref<1x80x32xf32, #tpu.memory_space<vmem>>
    %dma_start3A_595 = tpu.memref_squeeze %dma_start3A_594 : memref<1x80x32xf32, #tpu.memory_space<vmem>> -> memref<80x32xf32, #tpu.memory_space<vmem>>
    %dma_start3A_596 = arith.constant 0 : i32
    %dma_start3A_597 = tpu.memref_slice %arg6[%dma_start3A_589, %dma_start3A_596] : memref<125x80xi32, #tpu.memory_space<vmem>> -> memref<1x80xi32, #tpu.memory_space<vmem>>
    %dma_start3A_598 = tpu.memref_squeeze %dma_start3A_597 : memref<1x80xi32, #tpu.memory_space<vmem>> -> memref<80xi32, #tpu.memory_space<vmem>>
    %dma_start3A_599 = arith.constant 0 : i32
    %dma_start3A_600 = arith.constant 0 : i32
    %dma_start3A_601 = tpu.memref_slice %arg2[%dma_start3A_599, %dma_start3A_600] : memref<10000x32xf32, #tpu.memory_space<hbm>> -> memref<10000x32xf32, #tpu.memory_space<hbm>>
    %dma_start3A_602 = tpu.memref_slice %arg11[%dma_start3A_591] : memref<5x!tpu.dma_semaphore, #tpu.memory_space<semaphore_mem>> -> memref<1x!tpu.dma_semaphore, #tpu.memory_space<semaphore_mem>>
    %dma_start3A_603 = tpu.memref_squeeze %dma_start3A_602 : memref<1x!tpu.dma_semaphore, #tpu.memory_space<semaphore_mem>> -> memref<!tpu.dma_semaphore, #tpu.memory_space<semaphore_mem>>
    tpu.enqueue_indirect_dma source(%dma_start3A_601 : memref<10000x32xf32, #tpu.memory_space<hbm>>) target(%dma_start3A_595 : memref<80x32xf32, #tpu.memory_space<vmem>>) offsets(%dma_start3A_598 : memref<80xi32, #tpu.memory_space<vmem>>) semaphore(%dma_start3A_603 : memref<!tpu.dma_semaphore, #tpu.memory_space<semaphore_mem>>)
    %dma_wait3A_604 = arith.constant 124 : i32
    %dma_wait3A_605 = arith.constant 4 : i32
    %dma_wait3A_606 = arith.constant 4 : i32
    %dma_wait3A_607 = arith.constant 0 : i32
    %dma_wait3A_608 = arith.constant 0 : i32
    %dma_wait3A_609 = tpu.memref_slice %arg8[%dma_wait3A_605, %dma_wait3A_607, %dma_wait3A_608] : memref<5x80x32xf32, #tpu.memory_space<vmem>> -> memref<1x80x32xf32, #tpu.memory_space<vmem>>
    %dma_wait3A_610 = tpu.memref_squeeze %dma_wait3A_609 : memref<1x80x32xf32, #tpu.memory_space<vmem>> -> memref<80x32xf32, #tpu.memory_space<vmem>>
    %dma_wait3A_611 = arith.constant 0 : i32
    %dma_wait3A_612 = tpu.memref_slice %arg6[%dma_wait3A_604, %dma_wait3A_611] : memref<125x80xi32, #tpu.memory_space<vmem>> -> memref<1x80xi32, #tpu.memory_space<vmem>>
    %dma_wait3A_613 = tpu.memref_squeeze %dma_wait3A_612 : memref<1x80xi32, #tpu.memory_space<vmem>> -> memref<80xi32, #tpu.memory_space<vmem>>
    %dma_wait3A_614 = arith.constant 0 : i32
    %dma_wait3A_615 = arith.constant 0 : i32
    %dma_wait3A_616 = tpu.memref_slice %arg2[%dma_wait3A_614, %dma_wait3A_615] : memref<10000x32xf32, #tpu.memory_space<hbm>> -> memref<10000x32xf32, #tpu.memory_space<hbm>>
    %dma_wait3A_617 = tpu.memref_slice %arg11[%dma_wait3A_606] : memref<5x!tpu.dma_semaphore, #tpu.memory_space<semaphore_mem>> -> memref<1x!tpu.dma_semaphore, #tpu.memory_space<semaphore_mem>>
    %dma_wait3A_618 = tpu.memref_squeeze %dma_wait3A_617 : memref<1x!tpu.dma_semaphore, #tpu.memory_space<semaphore_mem>> -> memref<!tpu.dma_semaphore, #tpu.memory_space<semaphore_mem>>
    tpu.wait_indirect_dma semaphore(%dma_wait3A_618 : memref<!tpu.dma_semaphore, #tpu.memory_space<semaphore_mem>>) src(%dma_wait3A_616 : memref<10000x32xf32, #tpu.memory_space<hbm>>) dst(%dma_wait3A_610 : memref<80x32xf32, #tpu.memory_space<vmem>>)
    %dma_start3A_619 = arith.constant 4 : i32
    %dma_start3A_620 = arith.constant 124 : i32
    %dma_start3A_621 = arith.constant 4 : i32
    %dma_start3A_622 = arith.constant 0 : i32
    %dma_start3A_623 = arith.constant 0 : i32
    %dma_start3A_624 = tpu.memref_slice %arg8[%dma_start3A_619, %dma_start3A_622, %dma_start3A_623] : memref<5x80x32xf32, #tpu.memory_space<vmem>> -> memref<1x80x32xf32, #tpu.memory_space<vmem>>
    %dma_start3A_625 = tpu.memref_squeeze %dma_start3A_624 : memref<1x80x32xf32, #tpu.memory_space<vmem>> -> memref<80x32xf32, #tpu.memory_space<vmem>>
    %dma_start3A_626 = arith.constant 0 : i32
    %dma_start3A_627 = tpu.memref_slice %arg7[%dma_start3A_620, %dma_start3A_626] : memref<125x80xi32, #tpu.memory_space<vmem>> -> memref<1x80xi32, #tpu.memory_space<vmem>>
    %dma_start3A_628 = tpu.memref_squeeze %dma_start3A_627 : memref<1x80xi32, #tpu.memory_space<vmem>> -> memref<80xi32, #tpu.memory_space<vmem>>
    %dma_start3A_629 = arith.constant 0 : i32
    %dma_start3A_630 = arith.constant 0 : i32
    %dma_start3A_631 = tpu.memref_slice %arg9[%dma_start3A_629, %dma_start3A_630] : memref<10240x32xf32, #tpu.memory_space<vmem_shared>> -> memref<10240x32xf32, #tpu.memory_space<vmem_shared>>
    %dma_start3A_632 = tpu.memref_slice %arg12[%dma_start3A_621] : memref<5x!tpu.dma_semaphore, #tpu.memory_space<semaphore_mem>> -> memref<1x!tpu.dma_semaphore, #tpu.memory_space<semaphore_mem>>
    %dma_start3A_633 = tpu.memref_squeeze %dma_start3A_632 : memref<1x!tpu.dma_semaphore, #tpu.memory_space<semaphore_mem>> -> memref<!tpu.dma_semaphore, #tpu.memory_space<semaphore_mem>>
    tpu.enqueue_indirect_dma source(%dma_start3A_625 : memref<80x32xf32, #tpu.memory_space<vmem>>) target(%dma_start3A_631 : memref<10240x32xf32, #tpu.memory_space<vmem_shared>>) offsets(%dma_start3A_628 : memref<80xi32, #tpu.memory_space<vmem>>) semaphore(%dma_start3A_633 : memref<!tpu.dma_semaphore, #tpu.memory_space<semaphore_mem>>) {add = true}
    %dma_wait3A_634 = arith.constant 0 : i32
    %dma_wait3A_635 = arith.constant 0 : i32
    %dma_wait3A_636 = arith.constant 0 : i32
    %dma_wait3A_637 = arith.constant 0 : i32
    %dma_wait3A_638 = tpu.memref_slice %arg8[%dma_wait3A_634, %dma_wait3A_636, %dma_wait3A_637] : memref<5x80x32xf32, #tpu.memory_space<vmem>> -> memref<1x80x32xf32, #tpu.memory_space<vmem>>
    %dma_wait3A_639 = tpu.memref_squeeze %dma_wait3A_638 : memref<1x80x32xf32, #tpu.memory_space<vmem>> -> memref<80x32xf32, #tpu.memory_space<vmem>>
    %dma_wait3A_640 = arith.constant 0 : i32
    %dma_wait3A_641 = arith.constant 0 : i32
    %dma_wait3A_642 = tpu.memref_slice %arg9[%dma_wait3A_640, %dma_wait3A_641] : memref<10240x32xf32, #tpu.memory_space<vmem_shared>> -> memref<80x32xf32, #tpu.memory_space<vmem_shared>>
    %dma_wait3A_643 = tpu.memref_slice %arg12[%dma_wait3A_635] : memref<5x!tpu.dma_semaphore, #tpu.memory_space<semaphore_mem>> -> memref<1x!tpu.dma_semaphore, #tpu.memory_space<semaphore_mem>>
    %dma_wait3A_644 = tpu.memref_squeeze %dma_wait3A_643 : memref<1x!tpu.dma_semaphore, #tpu.memory_space<semaphore_mem>> -> memref<!tpu.dma_semaphore, #tpu.memory_space<semaphore_mem>>
    %dma_wait3A_645 = arith.constant 0 : i32
    %dma_wait3A_646 = arith.constant 0 : i32
    %dma_wait3A_647 = tpu.memref_slice %arg9[%dma_wait3A_645, %dma_wait3A_646] : memref<10240x32xf32, #tpu.memory_space<vmem_shared>> -> memref<80x32xf32, #tpu.memory_space<vmem_shared>>
    %dma_wait3A_648 = arith.constant 0 : i32
    %dma_wait3A_649 = arith.constant 0 : i32
    %dma_wait3A_650 = tpu.memref_slice %arg8[%dma_wait3A_634, %dma_wait3A_648, %dma_wait3A_649] : memref<5x80x32xf32, #tpu.memory_space<vmem>> -> memref<1x80x32xf32, #tpu.memory_space<vmem>>
    %dma_wait3A_651 = tpu.memref_squeeze %dma_wait3A_650 : memref<1x80x32xf32, #tpu.memory_space<vmem>> -> memref<80x32xf32, #tpu.memory_space<vmem>>
    tpu.wait_dma2 semaphore(%dma_wait3A_644 : memref<!tpu.dma_semaphore, #tpu.memory_space<semaphore_mem>>) src(%dma_wait3A_651 : memref<80x32xf32, #tpu.memory_space<vmem>>) dst(%dma_wait3A_647 : memref<80x32xf32, #tpu.memory_space<vmem_shared>>)
    %dma_wait3A_652 = arith.constant 1 : i32
    %dma_wait3A_653 = arith.constant 1 : i32
    %dma_wait3A_654 = arith.constant 0 : i32
    %dma_wait3A_655 = arith.constant 0 : i32
    %dma_wait3A_656 = tpu.memref_slice %arg8[%dma_wait3A_652, %dma_wait3A_654, %dma_wait3A_655] : memref<5x80x32xf32, #tpu.memory_space<vmem>> -> memref<1x80x32xf32, #tpu.memory_space<vmem>>
    %dma_wait3A_657 = tpu.memref_squeeze %dma_wait3A_656 : memref<1x80x32xf32, #tpu.memory_space<vmem>> -> memref<80x32xf32, #tpu.memory_space<vmem>>
    %dma_wait3A_658 = arith.constant 0 : i32
    %dma_wait3A_659 = arith.constant 0 : i32
    %dma_wait3A_660 = tpu.memref_slice %arg9[%dma_wait3A_658, %dma_wait3A_659] : memref<10240x32xf32, #tpu.memory_space<vmem_shared>> -> memref<80x32xf32, #tpu.memory_space<vmem_shared>>
    %dma_wait3A_661 = tpu.memref_slice %arg12[%dma_wait3A_653] : memref<5x!tpu.dma_semaphore, #tpu.memory_space<semaphore_mem>> -> memref<1x!tpu.dma_semaphore, #tpu.memory_space<semaphore_mem>>
    %dma_wait3A_662 = tpu.memref_squeeze %dma_wait3A_661 : memref<1x!tpu.dma_semaphore, #tpu.memory_space<semaphore_mem>> -> memref<!tpu.dma_semaphore, #tpu.memory_space<semaphore_mem>>
    %dma_wait3A_663 = arith.constant 0 : i32
    %dma_wait3A_664 = arith.constant 0 : i32
    %dma_wait3A_665 = tpu.memref_slice %arg9[%dma_wait3A_663, %dma_wait3A_664] : memref<10240x32xf32, #tpu.memory_space<vmem_shared>> -> memref<80x32xf32, #tpu.memory_space<vmem_shared>>
    %dma_wait3A_666 = arith.constant 0 : i32
    %dma_wait3A_667 = arith.constant 0 : i32
    %dma_wait3A_668 = tpu.memref_slice %arg8[%dma_wait3A_652, %dma_wait3A_666, %dma_wait3A_667] : memref<5x80x32xf32, #tpu.memory_space<vmem>> -> memref<1x80x32xf32, #tpu.memory_space<vmem>>
    %dma_wait3A_669 = tpu.memref_squeeze %dma_wait3A_668 : memref<1x80x32xf32, #tpu.memory_space<vmem>> -> memref<80x32xf32, #tpu.memory_space<vmem>>
    tpu.wait_dma2 semaphore(%dma_wait3A_662 : memref<!tpu.dma_semaphore, #tpu.memory_space<semaphore_mem>>) src(%dma_wait3A_669 : memref<80x32xf32, #tpu.memory_space<vmem>>) dst(%dma_wait3A_665 : memref<80x32xf32, #tpu.memory_space<vmem_shared>>)
    %dma_wait3A_670 = arith.constant 2 : i32
    %dma_wait3A_671 = arith.constant 2 : i32
    %dma_wait3A_672 = arith.constant 0 : i32
    %dma_wait3A_673 = arith.constant 0 : i32
    %dma_wait3A_674 = tpu.memref_slice %arg8[%dma_wait3A_670, %dma_wait3A_672, %dma_wait3A_673] : memref<5x80x32xf32, #tpu.memory_space<vmem>> -> memref<1x80x32xf32, #tpu.memory_space<vmem>>
    %dma_wait3A_675 = tpu.memref_squeeze %dma_wait3A_674 : memref<1x80x32xf32, #tpu.memory_space<vmem>> -> memref<80x32xf32, #tpu.memory_space<vmem>>
    %dma_wait3A_676 = arith.constant 0 : i32
    %dma_wait3A_677 = arith.constant 0 : i32
    %dma_wait3A_678 = tpu.memref_slice %arg9[%dma_wait3A_676, %dma_wait3A_677] : memref<10240x32xf32, #tpu.memory_space<vmem_shared>> -> memref<80x32xf32, #tpu.memory_space<vmem_shared>>
    %dma_wait3A_679 = tpu.memref_slice %arg12[%dma_wait3A_671] : memref<5x!tpu.dma_semaphore, #tpu.memory_space<semaphore_mem>> -> memref<1x!tpu.dma_semaphore, #tpu.memory_space<semaphore_mem>>
    %dma_wait3A_680 = tpu.memref_squeeze %dma_wait3A_679 : memref<1x!tpu.dma_semaphore, #tpu.memory_space<semaphore_mem>> -> memref<!tpu.dma_semaphore, #tpu.memory_space<semaphore_mem>>
    %dma_wait3A_681 = arith.constant 0 : i32
    %dma_wait3A_682 = arith.constant 0 : i32
    %dma_wait3A_683 = tpu.memref_slice %arg9[%dma_wait3A_681, %dma_wait3A_682] : memref<10240x32xf32, #tpu.memory_space<vmem_shared>> -> memref<80x32xf32, #tpu.memory_space<vmem_shared>>
    %dma_wait3A_684 = arith.constant 0 : i32
    %dma_wait3A_685 = arith.constant 0 : i32
    %dma_wait3A_686 = tpu.memref_slice %arg8[%dma_wait3A_670, %dma_wait3A_684, %dma_wait3A_685] : memref<5x80x32xf32, #tpu.memory_space<vmem>> -> memref<1x80x32xf32, #tpu.memory_space<vmem>>
    %dma_wait3A_687 = tpu.memref_squeeze %dma_wait3A_686 : memref<1x80x32xf32, #tpu.memory_space<vmem>> -> memref<80x32xf32, #tpu.memory_space<vmem>>
    tpu.wait_dma2 semaphore(%dma_wait3A_680 : memref<!tpu.dma_semaphore, #tpu.memory_space<semaphore_mem>>) src(%dma_wait3A_687 : memref<80x32xf32, #tpu.memory_space<vmem>>) dst(%dma_wait3A_683 : memref<80x32xf32, #tpu.memory_space<vmem_shared>>)
    %dma_wait3A_688 = arith.constant 3 : i32
    %dma_wait3A_689 = arith.constant 3 : i32
    %dma_wait3A_690 = arith.constant 0 : i32
    %dma_wait3A_691 = arith.constant 0 : i32
    %dma_wait3A_692 = tpu.memref_slice %arg8[%dma_wait3A_688, %dma_wait3A_690, %dma_wait3A_691] : memref<5x80x32xf32, #tpu.memory_space<vmem>> -> memref<1x80x32xf32, #tpu.memory_space<vmem>>
    %dma_wait3A_693 = tpu.memref_squeeze %dma_wait3A_692 : memref<1x80x32xf32, #tpu.memory_space<vmem>> -> memref<80x32xf32, #tpu.memory_space<vmem>>
    %dma_wait3A_694 = arith.constant 0 : i32
    %dma_wait3A_695 = arith.constant 0 : i32
    %dma_wait3A_696 = tpu.memref_slice %arg9[%dma_wait3A_694, %dma_wait3A_695] : memref<10240x32xf32, #tpu.memory_space<vmem_shared>> -> memref<80x32xf32, #tpu.memory_space<vmem_shared>>
    %dma_wait3A_697 = tpu.memref_slice %arg12[%dma_wait3A_689] : memref<5x!tpu.dma_semaphore, #tpu.memory_space<semaphore_mem>> -> memref<1x!tpu.dma_semaphore, #tpu.memory_space<semaphore_mem>>
    %dma_wait3A_698 = tpu.memref_squeeze %dma_wait3A_697 : memref<1x!tpu.dma_semaphore, #tpu.memory_space<semaphore_mem>> -> memref<!tpu.dma_semaphore, #tpu.memory_space<semaphore_mem>>
    %dma_wait3A_699 = arith.constant 0 : i32
    %dma_wait3A_700 = arith.constant 0 : i32
    %dma_wait3A_701 = tpu.memref_slice %arg9[%dma_wait3A_699, %dma_wait3A_700] : memref<10240x32xf32, #tpu.memory_space<vmem_shared>> -> memref<80x32xf32, #tpu.memory_space<vmem_shared>>
    %dma_wait3A_702 = arith.constant 0 : i32
    %dma_wait3A_703 = arith.constant 0 : i32
    %dma_wait3A_704 = tpu.memref_slice %arg8[%dma_wait3A_688, %dma_wait3A_702, %dma_wait3A_703] : memref<5x80x32xf32, #tpu.memory_space<vmem>> -> memref<1x80x32xf32, #tpu.memory_space<vmem>>
    %dma_wait3A_705 = tpu.memref_squeeze %dma_wait3A_704 : memref<1x80x32xf32, #tpu.memory_space<vmem>> -> memref<80x32xf32, #tpu.memory_space<vmem>>
    tpu.wait_dma2 semaphore(%dma_wait3A_698 : memref<!tpu.dma_semaphore, #tpu.memory_space<semaphore_mem>>) src(%dma_wait3A_705 : memref<80x32xf32, #tpu.memory_space<vmem>>) dst(%dma_wait3A_701 : memref<80x32xf32, #tpu.memory_space<vmem_shared>>)
    %dma_wait3A_706 = arith.constant 4 : i32
    %dma_wait3A_707 = arith.constant 4 : i32
    %dma_wait3A_708 = arith.constant 0 : i32
    %dma_wait3A_709 = arith.constant 0 : i32
    %dma_wait3A_710 = tpu.memref_slice %arg8[%dma_wait3A_706, %dma_wait3A_708, %dma_wait3A_709] : memref<5x80x32xf32, #tpu.memory_space<vmem>> -> memref<1x80x32xf32, #tpu.memory_space<vmem>>
    %dma_wait3A_711 = tpu.memref_squeeze %dma_wait3A_710 : memref<1x80x32xf32, #tpu.memory_space<vmem>> -> memref<80x32xf32, #tpu.memory_space<vmem>>
    %dma_wait3A_712 = arith.constant 0 : i32
    %dma_wait3A_713 = arith.constant 0 : i32
    %dma_wait3A_714 = tpu.memref_slice %arg9[%dma_wait3A_712, %dma_wait3A_713] : memref<10240x32xf32, #tpu.memory_space<vmem_shared>> -> memref<80x32xf32, #tpu.memory_space<vmem_shared>>
    %dma_wait3A_715 = tpu.memref_slice %arg12[%dma_wait3A_707] : memref<5x!tpu.dma_semaphore, #tpu.memory_space<semaphore_mem>> -> memref<1x!tpu.dma_semaphore, #tpu.memory_space<semaphore_mem>>
    %dma_wait3A_716 = tpu.memref_squeeze %dma_wait3A_715 : memref<1x!tpu.dma_semaphore, #tpu.memory_space<semaphore_mem>> -> memref<!tpu.dma_semaphore, #tpu.memory_space<semaphore_mem>>
    %dma_wait3A_717 = arith.constant 0 : i32
    %dma_wait3A_718 = arith.constant 0 : i32
    %dma_wait3A_719 = tpu.memref_slice %arg9[%dma_wait3A_717, %dma_wait3A_718] : memref<10240x32xf32, #tpu.memory_space<vmem_shared>> -> memref<80x32xf32, #tpu.memory_space<vmem_shared>>
    %dma_wait3A_720 = arith.constant 0 : i32
    %dma_wait3A_721 = arith.constant 0 : i32
    %dma_wait3A_722 = tpu.memref_slice %arg8[%dma_wait3A_706, %dma_wait3A_720, %dma_wait3A_721] : memref<5x80x32xf32, #tpu.memory_space<vmem>> -> memref<1x80x32xf32, #tpu.memory_space<vmem>>
    %dma_wait3A_723 = tpu.memref_squeeze %dma_wait3A_722 : memref<1x80x32xf32, #tpu.memory_space<vmem>> -> memref<80x32xf32, #tpu.memory_space<vmem>>
    tpu.wait_dma2 semaphore(%dma_wait3A_716 : memref<!tpu.dma_semaphore, #tpu.memory_space<semaphore_mem>>) src(%dma_wait3A_723 : memref<80x32xf32, #tpu.memory_space<vmem>>) dst(%dma_wait3A_719 : memref<80x32xf32, #tpu.memory_space<vmem_shared>>)
    %barrier3A_724 = arith.constant 0 : index
    tpu.barrier barrier_id(%barrier3A_724)
    %mul3A_725 = arith.constant 640 : i32
    %mul3A_726 = arith.muli %arg1, %mul3A_725 : i32
    %mul3A_727 = arith.constant 640 : i32
    %mul3A_728 = arith.muli %arg1, %mul3A_727 : i32
    "tpu.region"() ({
      %run_scoped3A_729 = tpu.sem_alloc : memref<!tpu.dma_semaphore, #tpu.memory_space<semaphore_mem>>
      %dma_start3A_730 = arith.constant 0 : i32
      %dma_start3A_731 = tpu.memref_slice %arg5[%arg0, %mul3A_728, %dma_start3A_730] : memref<2x10240x32xf32, #tpu.memory_space<hbm>> -> memref<1x640x32xf32, #tpu.memory_space<hbm>>
      %dma_start3A_732 = tpu.memref_squeeze %dma_start3A_731 : memref<1x640x32xf32, #tpu.memory_space<hbm>> -> memref<640x32xf32, #tpu.memory_space<hbm>>
      %dma_start3A_733 = arith.constant 0 : i32
      %dma_start3A_734 = tpu.memref_slice %arg9[%mul3A_726, %dma_start3A_733] : memref<10240x32xf32, #tpu.memory_space<vmem_shared>> -> memref<640x32xf32, #tpu.memory_space<vmem_shared>>
      tpu.enqueue_dma source(%dma_start3A_734 : memref<640x32xf32, #tpu.memory_space<vmem_shared>>) target(%dma_start3A_732 : memref<640x32xf32, #tpu.memory_space<hbm>>) target_semaphore(%run_scoped3A_729 : memref<!tpu.dma_semaphore, #tpu.memory_space<semaphore_mem>>)
      %dma_wait3A_735 = arith.constant 0 : i32
      %dma_wait3A_736 = tpu.memref_slice %arg5[%arg0, %mul3A_728, %dma_wait3A_735] : memref<2x10240x32xf32, #tpu.memory_space<hbm>> -> memref<1x640x32xf32, #tpu.memory_space<hbm>>
      %dma_wait3A_737 = tpu.memref_squeeze %dma_wait3A_736 : memref<1x640x32xf32, #tpu.memory_space<hbm>> -> memref<640x32xf32, #tpu.memory_space<hbm>>
      %dma_wait3A_738 = arith.constant 0 : i32
      %dma_wait3A_739 = tpu.memref_slice %arg9[%mul3A_726, %dma_wait3A_738] : memref<10240x32xf32, #tpu.memory_space<vmem_shared>> -> memref<640x32xf32, #tpu.memory_space<vmem_shared>>
      tpu.wait_dma2 semaphore(%run_scoped3A_729 : memref<!tpu.dma_semaphore, #tpu.memory_space<semaphore_mem>>) src(%dma_wait3A_739 : memref<640x32xf32, #tpu.memory_space<vmem_shared>>) dst(%dma_wait3A_737 : memref<640x32xf32, #tpu.memory_space<hbm>>)
      tpu.yield
    }) : () -> ()
    return
  }
}

module attributes {stable_mosaic.version = 14 : i64} {
  func.func @_tc1_body(%arg0: memref<32x10000xf32, #tpu.memory_space<vmem>>, %arg1: memref<10000x128xf32, #tpu.memory_space<vmem>>, %arg2: memref<128x64xf32, #tpu.memory_space<vmem>>, %arg3: memref<10000x64xf32, #tpu.memory_space<vmem>>) attributes {dimension_semantics = [], scalar_prefetch = 0 : i64, scratch_operands = 0 : i64, tpu.core_type = #tpu.core_type<tc>} {
    %get3A = arith.constant 0 : index
    %get3A_0 = arith.constant 0 : index
    %get3A_1 = vector.load %arg0[%get3A, %get3A_0] : memref<32x10000xf32, #tpu.memory_space<vmem>>, vector<32x10000xf32>
    %reduce_sum3A = arith.constant dense<0.000000e+00> : vector<10000xf32>
    %reduce_sum3A_2 = vector.multi_reduction <add>, %get3A_1, %reduce_sum3A [0] : vector<32x10000xf32> to vector<10000xf32>
    %max3A = arith.constant 1.000000e+00 : f32
    %max3A_3 = vector.broadcast %max3A : f32 to vector<10000xf32>
    %max3A_4 = arith.maximumf %reduce_sum3A_2, %max3A_3 : vector<10000xf32>
    %rsqrt3A = math.rsqrt %max3A_4 : vector<10000xf32>
    %get3A_5 = arith.constant 0 : index
    %get3A_6 = arith.constant 0 : index
    %get3A_7 = vector.load %arg1[%get3A_5, %get3A_6] : memref<10000x128xf32, #tpu.memory_space<vmem>>, vector<10000x128xf32>
    %get3A_8 = arith.constant 0 : index
    %get3A_9 = arith.constant 0 : index
    %get3A_10 = vector.load %arg2[%get3A_8, %get3A_9] : memref<128x64xf32, #tpu.memory_space<vmem>>, vector<128x64xf32>
    %dot_general3A = arith.constant dense<0.000000e+00> : vector<10000x64xf32>
    %dot_general3A_11 = tpu.matmul %get3A_7, %get3A_10, %dot_general3A {dimension_numbers = #tpu.dot_dimension_numbers<[1], [0], [0], [1], [0, 0, 1, 1], [], []>, transpose_lhs_hint = false} : vector<10000x128xf32>, vector<128x64xf32>, vector<10000x64xf32> -> vector<10000x64xf32>
    %broadcast_in_dim3A = vector.shape_cast %rsqrt3A : vector<10000xf32> to vector<10000x1xf32>
    %mul3A = vector.broadcast %broadcast_in_dim3A : vector<10000x1xf32> to vector<10000x64xf32>
    %mul3A_12 = arith.mulf %dot_general3A_11, %mul3A : vector<10000x64xf32>
    %swap3A = arith.constant 0 : index
    %swap3A_13 = arith.constant 0 : index
    %swap3A_14 = vector.load %arg3[%swap3A, %swap3A_13] : memref<10000x64xf32, #tpu.memory_space<vmem>>, vector<10000x64xf32>
    tpu.vector_store %arg3[%swap3A, %swap3A_13], %mul3A_12 {strides = array<i32>} : memref<10000x64xf32, #tpu.memory_space<vmem>>, vector<10000x64xf32>,
    return
  }
}

module attributes {stable_mosaic.version = 14 : i64} {
  func.func @_tc2_body(%arg0: memref<2x10240x64xf32, #tpu.memory_space<vmem>>, %arg1: memref<32x10000xf32, #tpu.memory_space<vmem>>, %arg2: memref<64x32xf32, #tpu.memory_space<vmem>>, %arg3: memref<10000x32xf32, #tpu.memory_space<vmem>>) attributes {dimension_semantics = [], scalar_prefetch = 0 : i64, scratch_operands = 0 : i64, tpu.core_type = #tpu.core_type<tc>} {
    %get3A = arith.constant 0 : index
    %get3A_0 = arith.constant 0 : index
    %get3A_1 = vector.load %arg1[%get3A, %get3A_0] : memref<32x10000xf32, #tpu.memory_space<vmem>>, vector<32x10000xf32>
    %reduce_sum3A = arith.constant dense<0.000000e+00> : vector<10000xf32>
    %reduce_sum3A_2 = vector.multi_reduction <add>, %get3A_1, %reduce_sum3A [0] : vector<32x10000xf32> to vector<10000xf32>
    %max3A = arith.constant 1.000000e+00 : f32
    %max3A_3 = vector.broadcast %max3A : f32 to vector<10000xf32>
    %max3A_4 = arith.maximumf %reduce_sum3A_2, %max3A_3 : vector<10000xf32>
    %rsqrt3A = math.rsqrt %max3A_4 : vector<10000xf32>
    %get3A_5 = arith.constant 0 : index
    %get3A_6 = arith.constant 0 : index
    %get3A_7 = arith.constant 0 : index
    %get3A_8 = vector.load %arg0[%get3A_5, %get3A_6, %get3A_7] : memref<2x10240x64xf32, #tpu.memory_space<vmem>>, vector<1x10000x64xf32>
    %get3A_9 = vector.shape_cast %get3A_8 : vector<1x10000x64xf32> to vector<10000x64xf32>
    %get3A_10 = arith.constant 1 : index
    %get3A_11 = arith.constant 0 : index
    %get3A_12 = arith.constant 0 : index
    %get3A_13 = vector.load %arg0[%get3A_10, %get3A_11, %get3A_12] : memref<2x10240x64xf32, #tpu.memory_space<vmem>>, vector<1x10000x64xf32>
    %get3A_14 = vector.shape_cast %get3A_13 : vector<1x10000x64xf32> to vector<10000x64xf32>
    %add3A = arith.addf %get3A_9, %get3A_14 : vector<10000x64xf32>
    %broadcast_in_dim3A = vector.shape_cast %rsqrt3A : vector<10000xf32> to vector<10000x1xf32>
    %mul3A = vector.broadcast %broadcast_in_dim3A : vector<10000x1xf32> to vector<10000x64xf32>
    %mul3A_15 = arith.mulf %add3A, %mul3A : vector<10000x64xf32>
    %max3A_16 = arith.constant 0.000000e+00 : f32
    %max3A_17 = vector.broadcast %max3A_16 : f32 to vector<10000x64xf32>
    %max3A_18 = arith.maximumf %mul3A_15, %max3A_17 : vector<10000x64xf32>
    %get3A_19 = arith.constant 0 : index
    %get3A_20 = arith.constant 0 : index
    %get3A_21 = vector.load %arg2[%get3A_19, %get3A_20] : memref<64x32xf32, #tpu.memory_space<vmem>>, vector<64x32xf32>
    %dot_general3A = arith.constant dense<0.000000e+00> : vector<10000x32xf32>
    %dot_general3A_22 = tpu.matmul %max3A_18, %get3A_21, %dot_general3A {dimension_numbers = #tpu.dot_dimension_numbers<[1], [0], [0], [1], [0, 0, 1, 1], [], []>, transpose_lhs_hint = false} : vector<10000x64xf32>, vector<64x32xf32>, vector<10000x32xf32> -> vector<10000x32xf32>
    %broadcast_in_dim3A_23 = vector.shape_cast %rsqrt3A : vector<10000xf32> to vector<10000x1xf32>
    %mul3A_24 = vector.broadcast %broadcast_in_dim3A_23 : vector<10000x1xf32> to vector<10000x32xf32>
    %mul3A_25 = arith.mulf %dot_general3A_22, %mul3A_24 : vector<10000x32xf32>
    %swap3A = arith.constant 0 : index
    %swap3A_26 = arith.constant 0 : index
    %swap3A_27 = vector.load %arg3[%swap3A, %swap3A_26] : memref<10000x32xf32, #tpu.memory_space<vmem>>, vector<10000x32xf32>
    tpu.vector_store %arg3[%swap3A, %swap3A_26], %mul3A_25 {strides = array<i32>} : memref<10000x32xf32, #tpu.memory_space<vmem>>, vector<10000x32xf32>,
    return
  }
}

module attributes {stable_mosaic.version = 14 : i64} {
  func.func @_tc3_body(%arg0: memref<2x10240x32xf32, #tpu.memory_space<vmem>>, %arg1: memref<32x10000xf32, #tpu.memory_space<vmem>>, %arg2: memref<10000x32xf32, #tpu.memory_space<vmem>>) attributes {dimension_semantics = [], scalar_prefetch = 0 : i64, scratch_operands = 0 : i64, tpu.core_type = #tpu.core_type<tc>} {
    %get3A = arith.constant 0 : index
    %get3A_0 = arith.constant 0 : index
    %get3A_1 = vector.load %arg1[%get3A, %get3A_0] : memref<32x10000xf32, #tpu.memory_space<vmem>>, vector<32x10000xf32>
    %reduce_sum3A = arith.constant dense<0.000000e+00> : vector<10000xf32>
    %reduce_sum3A_2 = vector.multi_reduction <add>, %get3A_1, %reduce_sum3A [0] : vector<32x10000xf32> to vector<10000xf32>
    %max3A = arith.constant 1.000000e+00 : f32
    %max3A_3 = vector.broadcast %max3A : f32 to vector<10000xf32>
    %max3A_4 = arith.maximumf %reduce_sum3A_2, %max3A_3 : vector<10000xf32>
    %rsqrt3A = math.rsqrt %max3A_4 : vector<10000xf32>
    %get3A_5 = arith.constant 0 : index
    %get3A_6 = arith.constant 0 : index
    %get3A_7 = arith.constant 0 : index
    %get3A_8 = vector.load %arg0[%get3A_5, %get3A_6, %get3A_7] : memref<2x10240x32xf32, #tpu.memory_space<vmem>>, vector<1x10000x32xf32>
    %get3A_9 = vector.shape_cast %get3A_8 : vector<1x10000x32xf32> to vector<10000x32xf32>
    %get3A_10 = arith.constant 1 : index
    %get3A_11 = arith.constant 0 : index
    %get3A_12 = arith.constant 0 : index
    %get3A_13 = vector.load %arg0[%get3A_10, %get3A_11, %get3A_12] : memref<2x10240x32xf32, #tpu.memory_space<vmem>>, vector<1x10000x32xf32>
    %get3A_14 = vector.shape_cast %get3A_13 : vector<1x10000x32xf32> to vector<10000x32xf32>
    %add3A = arith.addf %get3A_9, %get3A_14 : vector<10000x32xf32>
    %broadcast_in_dim3A = vector.shape_cast %rsqrt3A : vector<10000xf32> to vector<10000x1xf32>
    %mul3A = vector.broadcast %broadcast_in_dim3A : vector<10000x1xf32> to vector<10000x32xf32>
    %mul3A_15 = arith.mulf %add3A, %mul3A : vector<10000x32xf32>
    %swap3A = arith.constant 0 : index
    %swap3A_16 = arith.constant 0 : index
    %swap3A_17 = vector.load %arg2[%swap3A, %swap3A_16] : memref<10000x32xf32, #tpu.memory_space<vmem>>, vector<10000x32xf32>
    tpu.vector_store %arg2[%swap3A, %swap3A_16], %mul3A_15 {strides = array<i32>} : memref<10000x32xf32, #tpu.memory_space<vmem>>, vector<10000x32xf32>,
    return
  }
}

</mosaic_0001>

<sc_bundles>
// kernel: kernel.11.cloned.1.call-start
scs
__scs_entry_jumppad:
0x0: {  	(pc) =	sbr.rel $0x88, $3  }
0x1: {  	(tag) =	ssettag $0x0;
	lr =	simm.s32 $0x1  }
0x2: {  	[smem:$0x3F9D] =	sst lr;
	_ =	strace $0xD0000000  }
0x3: {  	_ = 	snop  }
0x4: {  	_ = 	snop  }
0x5: {  	_ = 	snop  }
0x6: {  	_ = 	snop  }
0x7: {  	_ = 	snop  }
__scs_overlays_trampoline_lowered:
0x8: {  	[smem:$0x3FAC] =	sst s0  }
0x9: {  	[smem:$0x3FAD] =	sst s1  }
0xa: {  	[smem:$0x3FAE] =	sst s2  }
0xb: {  	[smem:$0x3FAF] =	sst s3  }
0xc: {  	[smem:$0x3FB0] =	sst s4  }
0xd: {  	[smem:$0x3FB1] =	sst s5  }
0xe: {  	[smem:$0x3FB2] =	sst s6  }
0xf: {  	[smem:$0x3FB3] =	sst s7  }
0x10: {  	[smem:$0x3FB4] =	sst s8  }
0x11: {  	[smem:$0x3FB5] =	sst s9;
	s0 =	simm.s32 @!p0 $0x0  }
0x12: {  	s1 =	sld [smem:$0x3F9B];
	s0 =	simm.s32 @p0 $0x1  }
0x13: {  	[smem:$0x3FB6] =	sst s0;
	s0 =	simm.s32 @!p1 $0x0  }
0x14: {  	s2 =	sld [smem:$0x3F9A];
	s0 =	simm.s32 @p1 $0x1  }
0x15: {  	[smem:$0x3FB7] =	sst s0;
	s0 =	simm.s32 @!p2 $0x0  }
0x16: {  	s3 =	sld [smem:$0x3FDB];
	s0 =	simm.s32 @p2 $0x1  }
0x17: {  	s4 =	simm.s32 $0x1BF5;
	[smem:$0x3FB9] =	sst s0  }
0x18: {  	s0 =	sld [smem:$0x3F9C];
	_ =	swait.ge [sflag:s4], $0x0  }
0x19: {  	s7 =	sld [smem:$0x3F9D]  }
0x1a: {  	s8 =	sadd.s32 $0xFFFFE003, lr  }
0x1b: {  	s9 =	sadd.s32 $0xFFFFFEF7, lr;
	s5 =	simm.s32 $0xFFFFFFFF;
	p2 =	slt.u32 s8, $0xFFFFF086  }
0x1c: {  	p1 =	slt.u32 s9, $0xF7A;
	s5 =	simm.s32 @!p2 $0x0  }
0x1d: {  	s5 =	simm.s32 @p1 $0x1;
	p0 =	seq.s32 s7, s2  }
0x1e: {  	s7 =	smul.u32 @!p0 $0xF7A, s2;
	p2 =	seq.s32 @!p0 s5, $0x0  }
0x1f: {  	s9 =	smul.u32 $0xF7A, s1;
	s8 =	simm.s32 @!p0 $0x1BF5;
	p2 =	por !p2, p0  }
0x20: {  	[sflag:s8] =	ssyncset.s32 @!p0 $0xFFFFF086;
	s6 =	sadd.s32 @!p0 s3, s7;
	s7 =	simm.s32 @!p0 $0x108  }
0x21: {  	s3 =	sadd.s32 s3, s9;
	s6 =	sadd.s32 @!p0 $0x88, s6;
	s7 =	simm.s32 @p2 $0x1082  }
0x22: {  	[simem:s7], [sflag:s8] =	dma.local @!p0 [hbm:s6], $0xF7A  }
0x23: {  	s9 =	sor.u32 $0xD0000000, s2;
	s6 =	simm.s32 $0x108;
	_ =	swait.ge @!p0 [sflag:s8], $0x0  }
0x24: {  	s3 =	sadd.s32 $0x88, s3;
	s6 =	simm.s32 @!p1 $0x1082;
	[sflag:s4] =	ssyncset.s32 $0xFFFFF086  }
0x25: {  	[simem:s6], [sflag:s4] =	dma.local [hbm:s3], $0xF7A  }
0x26: {  	[smem:$0x3F9D] =	sst s1;
	(tag) =	ssettag s2;
	_ =	strace s9  }
0x27: {  	s1 =	sld [smem:$0x3FAD]  }
0x28: {  	s2 =	sld [smem:$0x3FAE]  }
0x29: {  	s4 =	sld [smem:$0x3FB0]  }
0x2a: {  	p0 =	seq.s32 s5, $0x0;
	s5 =	sld [smem:$0x3FB1]  }
0x2b: {  	s6 =	sld [smem:$0x3FB2]  }
0x2c: {  	s7 =	sld [smem:$0x3FB3]  }
0x2d: {  	s3 =	simm.s32 $0x108;
	s8 =	sld [smem:$0x3FB4]  }
0x2e: {  	s3 =	simm.s32 @!p0 $0x1082;
	s9 =	sld [smem:$0x3FB5]  }
0x2f: {  	lr =	sadd.s32 s0, s3;
	s0 =	sld [smem:$0x3FAC]  }
0x30: {  	s3 =	sld [smem:$0x3FAF]  }
0x31: {  	[smem:$0x3FB8] =	sst s10  }
0x32: {  	s10 =	sld [smem:$0x3FB6];
	_ =	sdelay $0x3  }
0x33: {  	p0 =	seq.s32 s10, $0x1;
	s10 =	sld [smem:$0x3FB8];
	_ =	sdelay $0x3  }
0x34: {  	[smem:$0x3FB8] =	sst s10  }
0x35: {  	s10 =	sld [smem:$0x3FB7];
	_ =	sdelay $0x3  }
0x36: {  	p1 =	seq.s32 s10, $0x1;
	s10 =	sld [smem:$0x3FB8];
	_ =	sdelay $0x3  }
0x37: {  	[smem:$0x3FB8] =	sst s10  }
0x38: {  	s10 =	sld [smem:$0x3FB9]  }
0x39: {  	_ = 	snop;
	(pc) =	sbr.ind lr, $3  }
0x3a: {  	_ = 	snop  }
0x3b: {  	_ = 	snop  }
0x3c: {  	p2 =	seq.s32 s10, $0x1;
	s10 =	sld [smem:$0x3FB8]  }
0x3d: {  	_ =	shalt  }
0x3e: {  	_ =	shalt  }
0x3f: {  	_ =	shalt  }
0x40: {  	_ =	shalt  }
0x41: {  	_ =	shalt  }
0x42: {  	_ =	shalt  }
0x43: {  	_ =	shalt  }
0x44: {  	_ =	shalt  }
0x45: {  	_ =	shalt  }
0x46: {  	_ =	shalt  }
0x47: {  	_ =	shalt  }
0x48: {  	_ =	shalt  }
0x49: {  	_ =	shalt  }
0x4a: {  	_ =	shalt  }
0x4b: {  	_ =	shalt  }
0x4c: {  	_ =	shalt  }
0x4d: {  	_ =	shalt  }
0x4e: {  	_ =	shalt  }
0x4f: {  	_ =	shalt  }
0x50: {  	_ =	shalt  }
0x51: {  	_ =	shalt  }
0x52: {  	_ =	shalt  }
0x53: {  	_ =	shalt  }
0x54: {  	_ =	shalt  }
0x55: {  	_ =	shalt  }
0x56: {  	_ =	shalt  }
0x57: {  	_ =	shalt  }
0x58: {  	_ =	shalt  }
0x59: {  	_ =	shalt  }
0x5a: {  	_ =	shalt  }
0x5b: {  	_ =	shalt  }
0x5c: {  	_ =	shalt  }
0x5d: {  	_ =	shalt  }
0x5e: {  	_ =	shalt  }
0x5f: {  	_ =	shalt  }
0x60: {  	_ =	shalt  }
0x61: {  	_ =	shalt  }
0x62: {  	_ =	shalt  }
0x63: {  	_ =	shalt  }
0x64: {  	_ =	shalt  }
0x65: {  	_ =	shalt  }
0x66: {  	_ =	shalt  }
0x67: {  	_ =	shalt  }
0x68: {  	_ =	shalt  }
0x69: {  	_ =	shalt  }
0x6a: {  	_ =	shalt  }
0x6b: {  	_ =	shalt  }
0x6c: {  	_ =	shalt  }
0x6d: {  	_ =	shalt  }
0x6e: {  	_ =	shalt  }
0x6f: {  	_ =	shalt  }
0x70: {  	_ =	shalt  }
0x71: {  	_ =	shalt  }
0x72: {  	_ =	shalt  }
0x73: {  	_ =	shalt  }
0x74: {  	_ =	shalt  }
0x75: {  	_ =	shalt  }
0x76: {  	_ =	shalt  }
0x77: {  	_ =	shalt  }
0x78: {  	_ =	shalt  }
0x79: {  	_ =	shalt  }
0x7a: {  	_ =	shalt  }
0x7b: {  	_ =	shalt  }
0x7c: {  	_ =	shalt  }
0x7d: {  	_ =	shalt  }
0x7e: {  	_ =	shalt  }
0x7f: {  	_ =	shalt  }
0x80: {  	_ =	shalt  }
0x81: {  	_ =	shalt  }
0x82: {  	_ =	shalt  }
0x83: {  	_ =	shalt  }
0x84: {  	_ =	shalt  }
0x85: {  	_ =	shalt  }
0x86: {  	_ =	shalt  }
0x87: {  	_ =	shalt  }
.Lfunc_end0:
.L_simem_size_0:
called_computation.1_lowered:
.L_overlay_start_0:
0x88: {  	s2 =	sld [smem:$0x3FD9]  }
0x89: {  	s3 =	sld [smem:$0x3FFE];
	_ =	sdelay $0x1  }
0x8a: {  	s1 =	srdreg.scid  }
0x8b: {  	s0 =	sand.u32 $0x1, s1  }
0x8c: {  	s16 =	sshll.u32 s0, $0xA;
	s2 =	sadd.s32 s3, s2  }
0x8d: {  	s2 =	sadd.s32 s2, s16  }
0x8e: {  	[smem:$0x3FC4] =	sst s2  }
0x8f: {  	_ = 	snop  }
0x90: {  	(tm) =	ssettm $0x1  }
0x91: {  	s17 =	sld [smem:$0x3FFB];
	_ =	sdelay $0x3  }
0x92: {  	_ =	strace s17  }
0x93: {  	s2 =	sld [smem:$0x3FFC];
	_ =	sdelay $0x3  }
0x94: {  	_ =	strace s2  }
0x95: {  	s2 =	sld [smem:$0x3FFD];
	_ =	sdelay $0x3  }
0x96: {  	_ =	strace s2  }
0x97: {  	_ =	strace $0x8FFFFFFF  }
0x98: {  	s18 =	sld [smem:$0x3FDB];
	_ =	sdelay $0x1  }
0x99: {  	s19 =	simm.s32 $_scs_section_size  }
0x9a: {  	s4 =	simm.s32 $_size__tile_overlayer_lowered;
	s5 =	simm.s32 $_tile_overlayer_lowered  }
0x9b: {  	s22 =	simm.s32 $0x1BFF;
	s21 =	sshll.u32 s5, $0x1;
	s2 =	sadd.s32 s19, s18  }
0x9c: {  	s6 =	simm.s32 $0x0;
	s20 =	sshll.u32 s4, $0x1;
	s4 =	sadd.s32 s21, s2  }
0x9d: {  	[timem:s6], [sflag:s22] =	dma.local [hbm:s4], s20  }
0x9e: {  	_ =	swait.ge [sflag:s22], s20  }
0x9f: {  	s3 =	ssub.s32 $0x0, s20;
	[sflag:s22] =	ssyncset.done $0x0  }
0xa0: {  	[sflag:s22] =	ssyncadd.s32 s3;
	_ =	sdelay $0x1  }
0xa1: {  	s23 =	simm.s32 $0x1B8B  }
0xa2: {  	_ =	swait.ge [sflag:s23], $0x1  }
0xa3: {  	[sflag:s23] =	ssyncset.done $0x0  }
0xa4: {  	s25 =	simm.s32 $0x1B8E;
	s24 =	sld [smem:$0x3FFE];
	[sflag:s23] =	ssyncadd.s32 $0xFFFFFFFF  }
0xa5: {  	s26 =	simm.s32 $execute0_lowered;
	[smem:$0x3FD2] =	sst s25  }
0xa6: {  	s4 =	sshll.u32 s26, $0x1;
	_ =	strace $0x80000049;
	[dreg:$0x1] =	wrdreg $0xFFFFFFFF  }
0xa7: {  	s28 =	simm.s32 $_size_execute0_lowered;
	s2 =	sadd.s32 s2, s4;
	[dreg:$0x0] =	wrdreg $0x0  }
0xa8: {  	s4 =	sshll.u32 s28, $0x1;
	[dreg:$0x2] =	wrdreg s2  }
0xa9: {  	[dreg:$0x3] =	wrdreg s4  }
0xaa: {  	[dreg:$0x4] =	wrdreg $0xC0  }
0xab: {  	_ =	task [dreg:s6], $0x5FFFF  }
0xac: {  	[dreg:$0x1] =	wrdreg $0xFFFFFFFF  }
0xad: {  	[dreg:$0x0] =	wrdreg $0x60  }
0xae: {  	[dreg:$0x2] =	wrdreg s24  }
0xaf: {  	[dreg:$0x3] =	wrdreg $0xB2200  }
0xb0: {  	[dreg:$0x4] =	wrdreg $0x9  }
0xb1: {  	_ =	task.clear_ibuf [dreg:s6], $0x5FFFF;
	_ =	strace $0x90000049  }
0xb2: {  	s29 =	simm.s32 $0x9;
	_ =	strace $0x8000004B  }
0xb3: {  	_ =	swait.ge [sflag:s29], $0x1  }
0xb4: {  	[sflag:s29] =	ssyncadd.s32 $0xFFFFFFFF  }
0xb5: {  	_ =	strace $0x9000004B  }
0xb6: {  	_ =	sfence  }
0xb7: {  	s30 =	sld [smem:$0x0];
	_ =	sdelay $0x2  }
0xb8: {  	s31 =	sshll.u32 s1, $0xD;
	s1 =	sshrl.u32 s1, $0x2  }
0xb9: {  	s3 =	sand.u32 $0x4000, s31;
	s1 =	sadd.s32 s1, s30  }
0xba: {  	s0 =	sor.u32 s3, s0;
	s1 =	sshll.u32 s1, $0x11  }
0xbb: {  	s0 =	sor.u32 s1, s0  }
0xbc: {  	s0 =	sadd.s32 $0x8F2B, s0  }
0xbd: {  	[sflag:s0] =	ssyncadd.remote.s32 $0x1  }
0xbe: {  	_ =	sfence.sel $0xFFFF  }
0xbf: {  	[dreg:$0x0] =	wrdreg $0xFFFFFFFF;
	(pc) =	sbr.abs _section_cstart, $3  }
0xc0: {  	[dreg:$0x1] =	wrdreg $0xFFFFFFFF  }
0xc1: {  	_ =	task.clear_ibuf [dreg:s6], $0x2FFFF;
	_ =	strace $0x9FFFFFFF  }
0xc2: {  	(tm) =	ssettm $0x7FFFFFFF  }
0xc3: {  	_ =	shalt  }
tec
execute0_lowered:
.L_overlay_start_1:
0x0: {  	(tag) =	ssettag $0x1  }
0x1: {  	s0 =	rddreg [dreg:$0x0]  }
0x2: {  	s2 =	rddreg [dreg:$0x1]  }
0x3: {  	s1 =	srdreg.scid;
	s7 =	stileid.u32;
	s4 =	simm.s32 $0x0  }
0x4: {  	s18 =	simm.s32 $0x4E20;
	s19 =	simm.s32 $0xD;
	s29 =	simm.s32 $0x7620  }
0x5: {  	s30 =	simm.s32 $0x5;
	s28 =	simm.s32 $0x7;
	s31 =	simm.s32 $0x8  }
0x6: {  	s9 =	simm.s32 $0x0;
	s1 =	sand.u32 $0x1, s1;
	s5 =	smul.u32 $0xA000, s7  }
0x7: {  	[smem:$0x7FF] =	sst s4;
	s4 =	sadd.s32 $0x14E00, s0;
	s3 =	sshll.u32 s1, $0x4  }
0x8: {  	s6 =	smul.u32 $0xA0000, s1;
	_ =	strace $0x8000004A;
	s1 =	ssub.s32 $0x2, s1  }
0x9: {  	s3 =	sor.u32 s7, s3;
	s7 =	smul.u32 $0x28000, s7;
	s8 =	sshrl.u32 s1, $0x1  }
0xa: {  	s3 =	smul.u32 $0x4E2, s3;
	s6 =	sadd.s32 s5, s6;
	s1 =	ssub.s32 s1, s8  }
0xb: {  	s8 =	simm.s32 $0xC;
	s6 =	sshrl.u32 s6, $0x3;
	s20 =	sshrl.u32 s7, $0x2  }
0xc: {  	s7 =	sadd.s32 s5, s2;
	s16 =	smax.u32 s1, $0x1;
	s1 =	simm.s32 $0x8A20  }
0xd: {  	s5 =	simm.s32 $0xA;
	s3 =	sadd.s32 s3, s0;
	s0 =	sadd.s32 s6, s0  }
0xe: {  	s22 =	sadd.s32 s20, s2;
	s20 =	simm.s32 $0x1;
	s21 =	sadd.s32 $0x1200, s3  }
0xf: {  	s6 =	simm.s32 $0xB;
	s3 =	sadd.s32 $0xB000, s3;
	[dreg:$0x3] =	wrdreg s21  }
0x10: {  	s23 =	sadd.s32 $0x1400, s22;
	s24 =	sadd.s32 $0x2800, s22;
	[dreg:$0x4] =	wrdreg s3  }
0x11: {  	s25 =	sadd.s32 $0x3C00, s22;
	s26 =	sadd.s32 $0x5000, s22;
	[dreg:$0x5] =	wrdreg s23  }
0x12: {  	s12 =	sadd.s32 $0x6400, s22;
	s13 =	sadd.s32 $0x7800, s22;
	[dreg:$0x6] =	wrdreg s24  }
0x13: {  	s14 =	sadd.s32 $0x8C00, s22;
	s15 =	sadd.s32 $0x28800, s0;
	[dreg:$0x7] =	wrdreg s25  }
0x14: {  	s22 =	simm.s32 $0x50;
	s0 =	simm.s32 $0x9E20;
	[dreg:$0x8] =	wrdreg s26  }
0x15: {  	s21 =	simm.s32 $0x2;
	s23 =	simm.s32 $0x3;
	s24 =	simm.s32 $0x6220  }
0x16: {  	v0 =	vimm.f32 $0.0e+00;
	s25 =	simm.s32 $0x4;
	s26 =	simm.s32 $0x6;
	s3 =	simm.s32 $0x9  }
.LBB2_1:
0x17: {  	s10 =	simm.s32 $0x0;
	s11 =	rddreg [dreg:$0x3]  }
0x18: {  	[tilespmem:s10], [sflag:$0x1] =	stream.linear.gather [hbm4b:s11+s10], $0x2710, $0x38;
	[tilespmem:$0x15220] =	vst v63  }
0x19: {  	s17 =	simm.s32 $0x2710;
	s11 =	rddreg [dreg:$0x4]  }
0x1a: {  	[tilespmem:s17], [sflag:$0x2] =	stream.linear.gather [hbm4b:s11+s10], $0x2710, $0x38;
	[tilespmem:$0x15220] =	vst v63  }
0x1b: {  	s11 =	simm.s32 $0x100;
	s10 =	simm.s32 $0x0  }
.LBB2_2:
0x1c: {  	p0 =	sne.s32 s11, $0x4F00;
	[tilespmem:s10+$0x4E50] =	vst v0;
	s17 =	smov.u32 s11;
	s11 =	sadd.s32 $0x100, s11  }
.Ltmp0:
0x1d: {  	[tilespmem:s10+$0x4E40] =	vst v0;
	(pc) =	sbr.rel @p0 .LBB2_2-.Ltmp0, $3  }
0x1e: {  	[tilespmem:s10+$0x4E20] =	vst v0  }
0x1f: {  	[tilespmem:s10+$0x4E30] =	vst v0;
	_ =	sdelay $0x1  }
0x20: {  	s10 =	sshra.s32 s17, $0x2  }
0x21: {  	[tilespmem:s10+$0x4E50] =	vst v0  }
0x22: {  	[tilespmem:s10+$0x4E40] =	vst v0  }
0x23: {  	[tilespmem:s10+$0x4E20] =	vst v0  }
0x24: {  	[tilespmem:s10+$0x4E30] =	vst v0  }
0x25: {  	[spmem:s7] =	stream.linear.scatter [tilespmem:s18], [sflag:$0xD], $0x1400, $0x38;
	[tilespmem:$0x15220] =	vst v63  }
0x26: {  	_ =	swait.ge [sflag:s19], $0x1400  }
0x27: {  	[sflag:s19] =	ssyncset.done $0x0  }
0x28: {  	s17 =	rddreg [dreg:$0x5];
	[sflag:s19] =	ssyncadd.s32 $0xFFFFEC00  }
0x29: {  	[spmem:s17] =	stream.linear.scatter [tilespmem:s18], [sflag:$0xD], $0x1400, $0x38;
	[tilespmem:$0x15220] =	vst v63  }
0x2a: {  	_ =	swait.ge [sflag:s19], $0x1400  }
0x2b: {  	[sflag:s19] =	ssyncset.done $0x0  }
0x2c: {  	s11 =	rddreg [dreg:$0x6];
	[sflag:s19] =	ssyncadd.s32 $0xFFFFEC00  }
0x2d: {  	[spmem:s11] =	stream.linear.scatter [tilespmem:s18], [sflag:$0xD], $0x1400, $0x38;
	[tilespmem:$0x15220] =	vst v63  }
0x2e: {  	_ =	swait.ge [sflag:s19], $0x1400  }
0x2f: {  	[sflag:s19] =	ssyncset.done $0x0  }
0x30: {  	s17 =	rddreg [dreg:$0x7];
	[sflag:s19] =	ssyncadd.s32 $0xFFFFEC00  }
0x31: {  	[spmem:s17] =	stream.linear.scatter [tilespmem:s18], [sflag:$0xD], $0x1400, $0x38;
	[tilespmem:$0x15220] =	vst v63  }
0x32: {  	_ =	swait.ge [sflag:s19], $0x1400  }
0x33: {  	[sflag:s19] =	ssyncset.done $0x0  }
0x34: {  	s11 =	rddreg [dreg:$0x8];
	[sflag:s19] =	ssyncadd.s32 $0xFFFFEC00  }
0x35: {  	[spmem:s11] =	stream.linear.scatter [tilespmem:s18], [sflag:$0xD], $0x1400, $0x38;
	[tilespmem:$0x15220] =	vst v63  }
0x36: {  	_ =	swait.ge [sflag:s19], $0x1400  }
0x37: {  	[sflag:s19] =	ssyncset.done $0x0  }
0x38: {  	[sflag:s19] =	ssyncadd.s32 $0xFFFFEC00  }
0x39: {  	[spmem:s12] =	stream.linear.scatter [tilespmem:s18], [sflag:$0xD], $0x1400, $0x38;
	[tilespmem:$0x15220] =	vst v63  }
0x3a: {  	_ =	swait.ge [sflag:s19], $0x1400  }
0x3b: {  	[sflag:s19] =	ssyncset.done $0x0  }
0x3c: {  	[sflag:s19] =	ssyncadd.s32 $0xFFFFEC00  }
0x3d: {  	[spmem:s13] =	stream.linear.scatter [tilespmem:s18], [sflag:$0xD], $0x1400, $0x38;
	[tilespmem:$0x15220] =	vst v63  }
0x3e: {  	_ =	swait.ge [sflag:s19], $0x1400  }
0x3f: {  	[sflag:s19] =	ssyncset.done $0x0  }
0x40: {  	[sflag:s19] =	ssyncadd.s32 $0xFFFFEC00  }
0x41: {  	[spmem:s14] =	stream.linear.scatter [tilespmem:s18], [sflag:$0xD], $0x1400, $0x38;
	[tilespmem:$0x15220] =	vst v63  }
0x42: {  	_ =	swait.ge [sflag:s19], $0x1400  }
0x43: {  	[sflag:s19] =	ssyncset.done $0x0  }
0x44: {  	[sflag:s19] =	ssyncadd.s32 $0xFFFFEC00  }
0x45: {  	_ =	swait.ge [sflag:s20], $0x2710  }
0x46: {  	[sflag:s20] =	ssyncset.done $0x0  }
0x47: {  	[sflag:s20] =	ssyncadd.s32 $0xFFFFD8F0  }
0x48: {  	_ =	swait.ge [sflag:s21], $0x2710  }
0x49: {  	[sflag:s21] =	ssyncset.done $0x0  }
0x4a: {  	[sflag:s21] =	ssyncadd.s32 $0xFFFFD8F0  }
0x4b: {  	s17 =	simm.s32 $0x0;
	[bflag:$0x0] =	sbarrier.arrive $0xFFFF  }
0x4c: {  	[tilespmem:s18], [sflag:$0x3] =	stream.indirect.gather [hbm4b:s4+s22], $0x40, s17, s22, $0xb8;
	[tilespmem:$0x15220] =	vst v63  }
0x4d: {  	_ =	swait.ge [sflag:s23], $0x1400  }
0x4e: {  	[sflag:s23] =	ssyncset.done $0x0  }
0x4f: {  	s11 =	simm.s32 $0x2710;
	[sflag:s23] =	ssyncadd.s32 $0xFFFFEC00  }
0x50: {  	[spmem:s2] =	stream.indirect.scatter.add.f32 [tilespmem:s18], [sflag:$0x8], $0x40, s11, s22, $0xb8;
	[tilespmem:$0x15220] =	vst v63  }
0x51: {  	_ = 	snop  }
0x52: {  	[tilespmem:s24], [sflag:$0x4] =	stream.indirect.gather [hbm4b:s4+s22], $0x40, s22, s22, $0xb8;
	[tilespmem:$0x15220] =	vst v63  }
0x53: {  	_ =	swait.ge [sflag:s25], $0x1400  }
0x54: {  	[sflag:s25] =	ssyncset.done $0x0  }
0x55: {  	s17 =	simm.s32 $0x2760;
	[sflag:s25] =	ssyncadd.s32 $0xFFFFEC00  }
0x56: {  	[spmem:s2] =	stream.indirect.scatter.add.f32 [tilespmem:s24], [sflag:$0x9], $0x40, s17, s22, $0xb8;
	[tilespmem:$0x15220] =	vst v63  }
0x57: {  	s11 =	simm.s32 $0xA0  }
0x58: {  	[tilespmem:s29], [sflag:$0x5] =	stream.indirect.gather [hbm4b:s4+s22], $0x40, s11, s22, $0xb8;
	[tilespmem:$0x15220] =	vst v63  }
0x59: {  	_ =	swait.ge [sflag:s30], $0x1400  }
0x5a: {  	[sflag:s30] =	ssyncset.done $0x0  }
0x5b: {  	s17 =	simm.s32 $0x27B0;
	[sflag:s30] =	ssyncadd.s32 $0xFFFFEC00  }
0x5c: {  	[spmem:s2] =	stream.indirect.scatter.add.f32 [tilespmem:s29], [sflag:$0xA], $0x40, s17, s22, $0xb8;
	[tilespmem:$0x15220] =	vst v63  }
0x5d: {  	s11 =	simm.s32 $0xF0  }
0x5e: {  	[tilespmem:s1], [sflag:$0x6] =	stream.indirect.gather [hbm4b:s4+s22], $0x40, s11, s22, $0xb8;
	[tilespmem:$0x15220] =	vst v63  }
0x5f: {  	_ =	swait.ge [sflag:s26], $0x1400  }
0x60: {  	[sflag:s26] =	ssyncset.done $0x0  }
0x61: {  	s17 =	simm.s32 $0x2800;
	[sflag:s26] =	ssyncadd.s32 $0xFFFFEC00  }
0x62: {  	[spmem:s2] =	stream.indirect.scatter.add.f32 [tilespmem:s1], [sflag:$0xB], $0x40, s17, s22, $0xb8;
	[tilespmem:$0x15220] =	vst v63  }
0x63: {  	s11 =	simm.s32 $0x140  }
0x64: {  	[tilespmem:s0], [sflag:$0x7] =	stream.indirect.gather [hbm4b:s4+s22], $0x40, s11, s22, $0xb8;
	[tilespmem:$0x15220] =	vst v63  }
0x65: {  	_ =	swait.ge [sflag:s28], $0x1400  }
0x66: {  	[sflag:s28] =	ssyncset.done $0x0  }
0x67: {  	s17 =	simm.s32 $0x2850;
	[sflag:s28] =	ssyncadd.s32 $0xFFFFEC00  }
0x68: {  	[spmem:s2] =	stream.indirect.scatter.add.f32 [tilespmem:s0], [sflag:$0xC], $0x40, s17, s22, $0xb8;
	[tilespmem:$0x15220] =	vst v63  }
0x69: {  	_ =	swait.ge [sflag:s31], $0x1400  }
0x6a: {  	[sflag:s31] =	ssyncset.done $0x0  }
0x6b: {  	s11 =	simm.s32 $0x190;
	[sflag:s31] =	ssyncadd.s32 $0xFFFFEC00  }
0x6c: {  	[tilespmem:s18], [sflag:$0x3] =	stream.indirect.gather [hbm4b:s4+s22], $0x40, s11, s22, $0xb8;
	[tilespmem:$0x15220] =	vst v63  }
0x6d: {  	_ =	swait.ge [sflag:s23], $0x1400  }
0x6e: {  	[sflag:s23] =	ssyncset.done $0x0  }
0x6f: {  	s17 =	simm.s32 $0x28A0;
	[sflag:s23] =	ssyncadd.s32 $0xFFFFEC00  }
0x70: {  	[spmem:s2] =	stream.indirect.scatter.add.f32 [tilespmem:s18], [sflag:$0x8], $0x40, s17, s22, $0xb8;
	[tilespmem:$0x15220] =	vst v63  }
0x71: {  	_ =	swait.ge [sflag:s3], $0x1400  }
0x72: {  	[sflag:s3] =	ssyncset.done $0x0  }
0x73: {  	s11 =	simm.s32 $0x1E0;
	[sflag:s3] =	ssyncadd.s32 $0xFFFFEC00  }
0x74: {  	[tilespmem:s24], [sflag:$0x4] =	stream.indirect.gather [hbm4b:s4+s22], $0x40, s11, s22, $0xb8;
	[tilespmem:$0x15220] =	vst v63  }
0x75: {  	_ =	swait.ge [sflag:s25], $0x1400  }
0x76: {  	[sflag:s25] =	ssyncset.done $0x0  }
0x77: {  	s17 =	simm.s32 $0x28F0;
	[sflag:s25] =	ssyncadd.s32 $0xFFFFEC00  }
0x78: {  	[spmem:s2] =	stream.indirect.scatter.add.f32 [tilespmem:s24], [sflag:$0x9], $0x40, s17, s22, $0xb8;
	[tilespmem:$0x15220] =	vst v63  }
0x79: {  	_ =	swait.ge [sflag:s5], $0x1400  }
0x7a: {  	[sflag:s5] =	ssyncset.done $0x0  }
0x7b: {  	s11 =	simm.s32 $0x230;
	[sflag:s5] =	ssyncadd.s32 $0xFFFFEC00  }
0x7c: {  	[tilespmem:s29], [sflag:$0x5] =	stream.indirect.gather [hbm4b:s4+s22], $0x40, s11, s22, $0xb8;
	[tilespmem:$0x15220] =	vst v63  }
0x7d: {  	_ =	swait.ge [sflag:s30], $0x1400  }
0x7e: {  	[sflag:s30] =	ssyncset.done $0x0  }
0x7f: {  	s17 =	simm.s32 $0x2940;
	[sflag:s30] =	ssyncadd.s32 $0xFFFFEC00  }
0x80: {  	[spmem:s2] =	stream.indirect.scatter.add.f32 [tilespmem:s29], [sflag:$0xA], $0x40, s17, s22, $0xb8;
	[tilespmem:$0x15220] =	vst v63  }
0x81: {  	_ =	swait.ge [sflag:s6], $0x1400  }
0x82: {  	[sflag:s6] =	ssyncset.done $0x0  }
0x83: {  	s11 =	simm.s32 $0x280;
	[sflag:s6] =	ssyncadd.s32 $0xFFFFEC00  }
0x84: {  	[tilespmem:s1], [sflag:$0x6] =	stream.indirect.gather [hbm4b:s4+s22], $0x40, s11, s22, $0xb8;
	[tilespmem:$0x15220] =	vst v63  }
0x85: {  	_ =	swait.ge [sflag:s26], $0x1400  }
0x86: {  	[sflag:s26] =	ssyncset.done $0x0  }
0x87: {  	s17 =	simm.s32 $0x2990;
	[sflag:s26] =	ssyncadd.s32 $0xFFFFEC00  }
0x88: {  	[spmem:s2] =	stream.indirect.scatter.add.f32 [tilespmem:s1], [sflag:$0xB], $0x40, s17, s22, $0xb8;
	[tilespmem:$0x15220] =	vst v63  }
0x89: {  	_ =	swait.ge [sflag:s8], $0x1400  }
0x8a: {  	[sflag:s8] =	ssyncset.done $0x0  }
0x8b: {  	s11 =	simm.s32 $0x2D0;
	[sflag:s8] =	ssyncadd.s32 $0xFFFFEC00  }
0x8c: {  	[tilespmem:s0], [sflag:$0x7] =	stream.indirect.gather [hbm4b:s4+s22], $0x40, s11, s22, $0xb8;
	[tilespmem:$0x15220] =	vst v63  }
0x8d: {  	_ =	swait.ge [sflag:s28], $0x1400  }
0x8e: {  	[sflag:s28] =	ssyncset.done $0x0  }
0x8f: {  	s17 =	simm.s32 $0x29E0;
	[sflag:s28] =	ssyncadd.s32 $0xFFFFEC00  }
0x90: {  	[spmem:s2] =	stream.indirect.scatter.add.f32 [tilespmem:s0], [sflag:$0xC], $0x40, s17, s22, $0xb8;
	[tilespmem:$0x15220] =	vst v63  }
0x91: {  	_ =	swait.ge [sflag:s31], $0x1400  }
0x92: {  	[sflag:s31] =	ssyncset.done $0x0  }
0x93: {  	s10 =	simm.s32 $0x640;
	s11 =	simm.s32 $0x320;
	[sflag:s31] =	ssyncadd.s32 $0xFFFFEC00  }
.LBB2_4:
0x94: {  	[tilespmem:s18], [sflag:$0x3] =	stream.indirect.gather [hbm4b:s4+s22], $0x40, s11, s22, $0xb8;
	[tilespmem:$0x15220] =	vst v63  }
0x95: {  	s11 =	smov.u32 s10  }
0x96: {  	p0 =	sne.s32 s10, $0x8980;
	s10 =	sadd.s32 $0x640, s10;
	_ =	swait.ge [sflag:s23], $0x1400  }
0x97: {  	s11 =	sshra.s32 s11, $0x2;
	[sflag:s23] =	ssyncset.done $0x0  }
0x98: {  	s17 =	sadd.s32 $0x28A0, s11;
	[sflag:s23] =	ssyncadd.s32 $0xFFFFEC00  }
0x99: {  	[spmem:s2] =	stream.indirect.scatter.add.f32 [tilespmem:s18], [sflag:$0x8], $0x40, s17, s22, $0xb8;
	[tilespmem:$0x15220] =	vst v63  }
0x9a: {  	_ =	swait.ge [sflag:s3], $0x1400  }
0x9b: {  	[sflag:s3] =	ssyncset.done $0x0  }
0x9c: {  	s17 =	sadd.s32 $0x1E0, s11;
	[sflag:s3] =	ssyncadd.s32 $0xFFFFEC00  }
0x9d: {  	[tilespmem:s24], [sflag:$0x4] =	stream.indirect.gather [hbm4b:s4+s22], $0x40, s17, s22, $0xb8;
	[tilespmem:$0x15220] =	vst v63  }
0x9e: {  	_ =	swait.ge [sflag:s25], $0x1400  }
0x9f: {  	[sflag:s25] =	ssyncset.done $0x0  }
0xa0: {  	s17 =	sadd.s32 $0x28F0, s11;
	[sflag:s25] =	ssyncadd.s32 $0xFFFFEC00  }
0xa1: {  	[spmem:s2] =	stream.indirect.scatter.add.f32 [tilespmem:s24], [sflag:$0x9], $0x40, s17, s22, $0xb8;
	[tilespmem:$0x15220] =	vst v63  }
0xa2: {  	_ =	swait.ge [sflag:s5], $0x1400  }
0xa3: {  	[sflag:s5] =	ssyncset.done $0x0  }
0xa4: {  	s17 =	sadd.s32 $0x230, s11;
	[sflag:s5] =	ssyncadd.s32 $0xFFFFEC00  }
0xa5: {  	[tilespmem:s29], [sflag:$0x5] =	stream.indirect.gather [hbm4b:s4+s22], $0x40, s17, s22, $0xb8;
	[tilespmem:$0x15220] =	vst v63  }
0xa6: {  	_ =	swait.ge [sflag:s30], $0x1400  }
0xa7: {  	[sflag:s30] =	ssyncset.done $0x0  }
0xa8: {  	s17 =	sadd.s32 $0x2940, s11;
	[sflag:s30] =	ssyncadd.s32 $0xFFFFEC00  }
0xa9: {  	[spmem:s2] =	stream.indirect.scatter.add.f32 [tilespmem:s29], [sflag:$0xA], $0x40, s17, s22, $0xb8;
	[tilespmem:$0x15220] =	vst v63  }
0xaa: {  	_ =	swait.ge [sflag:s6], $0x1400  }
0xab: {  	[sflag:s6] =	ssyncset.done $0x0  }
0xac: {  	s17 =	sadd.s32 $0x280, s11;
	[sflag:s6] =	ssyncadd.s32 $0xFFFFEC00  }
0xad: {  	[tilespmem:s1], [sflag:$0x6] =	stream.indirect.gather [hbm4b:s4+s22], $0x40, s17, s22, $0xb8;
	[tilespmem:$0x15220] =	vst v63  }
0xae: {  	_ =	swait.ge [sflag:s26], $0x1400  }
0xaf: {  	[sflag:s26] =	ssyncset.done $0x0  }
0xb0: {  	s17 =	sadd.s32 $0x2990, s11;
	[sflag:s26] =	ssyncadd.s32 $0xFFFFEC00  }
0xb1: {  	[spmem:s2] =	stream.indirect.scatter.add.f32 [tilespmem:s1], [sflag:$0xB], $0x40, s17, s22, $0xb8;
	[tilespmem:$0x15220] =	vst v63  }
0xb2: {  	_ =	swait.ge [sflag:s8], $0x1400  }
0xb3: {  	[sflag:s8] =	ssyncset.done $0x0  }
0xb4: {  	s17 =	sadd.s32 $0x2D0, s11;
	[sflag:s8] =	ssyncadd.s32 $0xFFFFEC00  }
0xb5: {  	[tilespmem:s0], [sflag:$0x7] =	stream.indirect.gather [hbm4b:s4+s22], $0x40, s17, s22, $0xb8;
	[tilespmem:$0x15220] =	vst v63  }
0xb6: {  	_ =	swait.ge [sflag:s28], $0x1400  }
0xb7: {  	[sflag:s28] =	ssyncset.done $0x0  }
.Ltmp1:
0xb8: {  	s17 =	sadd.s32 $0x29E0, s11;
	[sflag:s28] =	ssyncadd.s32 $0xFFFFEC00;
	(pc) =	sbr.rel @p0 .LBB2_4-.Ltmp1, $4  }
0xb9: {  	[spmem:s2] =	stream.indirect.scatter.add.f32 [tilespmem:s0], [sflag:$0xC], $0x40, s17, s22, $0xb8;
	[tilespmem:$0x15220] =	vst v63  }
0xba: {  	_ =	swait.ge [sflag:s31], $0x1400  }
0xbb: {  	[sflag:s31] =	ssyncset.done $0x0  }
0xbc: {  	s11 =	sadd.s32 $0x320, s11;
	[sflag:s31] =	ssyncadd.s32 $0xFFFFEC00  }
0xbd: {  	[tilespmem:s18], [sflag:$0x3] =	stream.indirect.gather [hbm4b:s4+s22], $0x40, s11, s22, $0xb8;
	[tilespmem:$0x15220] =	vst v63  }
0xbe: {  	_ =	swait.ge [sflag:s23], $0x1400  }
0xbf: {  	[sflag:s23] =	ssyncset.done $0x0  }
0xc0: {  	s10 =	simm.s32 $0x4C90;
	[sflag:s23] =	ssyncadd.s32 $0xFFFFEC00  }
0xc1: {  	[spmem:s2] =	stream.indirect.scatter.add.f32 [tilespmem:s18], [sflag:$0x8], $0x40, s10, s22, $0xb8;
	[tilespmem:$0x15220] =	vst v63  }
0xc2: {  	_ =	swait.ge [sflag:s3], $0x1400  }
0xc3: {  	[sflag:s3] =	ssyncset.done $0x0  }
0xc4: {  	s11 =	simm.s32 $0x25D0;
	[sflag:s3] =	ssyncadd.s32 $0xFFFFEC00  }
0xc5: {  	[tilespmem:s24], [sflag:$0x4] =	stream.indirect.gather [hbm4b:s4+s22], $0x40, s11, s22, $0xb8;
	[tilespmem:$0x15220] =	vst v63  }
0xc6: {  	_ =	swait.ge [sflag:s25], $0x1400  }
0xc7: {  	[sflag:s25] =	ssyncset.done $0x0  }
0xc8: {  	s17 =	simm.s32 $0x4CE0;
	[sflag:s25] =	ssyncadd.s32 $0xFFFFEC00  }
0xc9: {  	[spmem:s2] =	stream.indirect.scatter.add.f32 [tilespmem:s24], [sflag:$0x9], $0x40, s17, s22, $0xb8;
	[tilespmem:$0x15220] =	vst v63  }
0xca: {  	_ =	swait.ge [sflag:s5], $0x1400  }
0xcb: {  	[sflag:s5] =	ssyncset.done $0x0  }
0xcc: {  	s11 =	simm.s32 $0x2620;
	[sflag:s5] =	ssyncadd.s32 $0xFFFFEC00  }
0xcd: {  	[tilespmem:s29], [sflag:$0x5] =	stream.indirect.gather [hbm4b:s4+s22], $0x40, s11, s22, $0xb8;
	[tilespmem:$0x15220] =	vst v63  }
0xce: {  	_ =	swait.ge [sflag:s30], $0x1400  }
0xcf: {  	[sflag:s30] =	ssyncset.done $0x0  }
0xd0: {  	s17 =	simm.s32 $0x4D30;
	[sflag:s30] =	ssyncadd.s32 $0xFFFFEC00  }
0xd1: {  	[spmem:s2] =	stream.indirect.scatter.add.f32 [tilespmem:s29], [sflag:$0xA], $0x40, s17, s22, $0xb8;
	[tilespmem:$0x15220] =	vst v63  }
0xd2: {  	_ =	swait.ge [sflag:s6], $0x1400  }
0xd3: {  	[sflag:s6] =	ssyncset.done $0x0  }
0xd4: {  	s11 =	simm.s32 $0x2670;
	[sflag:s6] =	ssyncadd.s32 $0xFFFFEC00  }
0xd5: {  	[tilespmem:s1], [sflag:$0x6] =	stream.indirect.gather [hbm4b:s4+s22], $0x40, s11, s22, $0xb8;
	[tilespmem:$0x15220] =	vst v63  }
0xd6: {  	_ =	swait.ge [sflag:s26], $0x1400  }
0xd7: {  	[sflag:s26] =	ssyncset.done $0x0  }
0xd8: {  	s17 =	simm.s32 $0x4D80;
	[sflag:s26] =	ssyncadd.s32 $0xFFFFEC00  }
0xd9: {  	[spmem:s2] =	stream.indirect.scatter.add.f32 [tilespmem:s1], [sflag:$0xB], $0x40, s17, s22, $0xb8;
	[tilespmem:$0x15220] =	vst v63  }
0xda: {  	_ =	swait.ge [sflag:s8], $0x1400  }
0xdb: {  	[sflag:s8] =	ssyncset.done $0x0  }
0xdc: {  	s11 =	simm.s32 $0x26C0;
	[sflag:s8] =	ssyncadd.s32 $0xFFFFEC00  }
0xdd: {  	[tilespmem:s0], [sflag:$0x7] =	stream.indirect.gather [hbm4b:s4+s22], $0x40, s11, s22, $0xb8;
	[tilespmem:$0x15220] =	vst v63  }
0xde: {  	_ =	swait.ge [sflag:s28], $0x1400  }
0xdf: {  	[sflag:s28] =	ssyncset.done $0x0  }
0xe0: {  	s17 =	simm.s32 $0x4DD0;
	[sflag:s28] =	ssyncadd.s32 $0xFFFFEC00  }
0xe1: {  	[spmem:s2] =	stream.indirect.scatter.add.f32 [tilespmem:s0], [sflag:$0xC], $0x40, s17, s22, $0xb8;
	[tilespmem:$0x15220] =	vst v63  }
0xe2: {  	_ =	swait.ge [sflag:s31], $0x1400  }
0xe3: {  	[sflag:s31] =	ssyncset.done $0x0  }
0xe4: {  	[sflag:s31] =	ssyncadd.s32 $0xFFFFEC00  }
0xe5: {  	_ =	swait.ge [sflag:s3], $0x1400  }
0xe6: {  	[sflag:s3] =	ssyncset.done $0x0  }
0xe7: {  	[sflag:s3] =	ssyncadd.s32 $0xFFFFEC00  }
0xe8: {  	_ =	swait.ge [sflag:s5], $0x1400  }
0xe9: {  	[sflag:s5] =	ssyncset.done $0x0  }
0xea: {  	[sflag:s5] =	ssyncadd.s32 $0xFFFFEC00  }
0xeb: {  	_ =	swait.ge [sflag:s6], $0x1400  }
0xec: {  	[sflag:s6] =	ssyncset.done $0x0  }
0xed: {  	[sflag:s6] =	ssyncadd.s32 $0xFFFFEC00  }
0xee: {  	s11 =	stileid.u32;
	_ =	swait.ge [sflag:s8], $0x1400  }
0xef: {  	s9 =	sadd.s32 $0x1, s9;
	s10 =	sshll.u32 s11, $0x6;
	[sflag:s8] =	ssyncset.done $0x0  }
0xf0: {  	p0 =	sne.s32 s9, s16;
	s10 =	sor.u32 $0x1C0D, s10;
	[sflag:s8] =	ssyncadd.s32 $0xFFFFEC00  }
.Ltmp2:
0xf1: {  	s17 =	sshrl.u32 s7, $0x3;
	[bflag:$0x0] =	sbarrier.arrive $0xFFFF;
	(pc) =	sbr.rel @p0 .LBB2_1-.Ltmp2, $4  }
0xf2: {  	[hbm:s15], [sflag:s10] =	dma.local [spmem:s17], $0x1400  }
0xf3: {  	_ =	swait.ge [sflag:s19], $0x1400  }
0xf4: {  	[sflag:s19] =	ssyncset.done $0x0  }
0xf5: {  	[sflag:s19] =	ssyncadd.s32 $0xFFFFEC00  }
0xf6: {  	_ =	sfence.sel $0x180000  }
0xf7: {  	[bflag:$0x0] =	sbarrier.arrive $0xFFFF  }
0xf8: {  	_ =	strace $0x9000004A  }
0xf9: {  	s0 =	stileid.u32;
	[bflag:$0x2] =	sbarrier.arrive $0xFFFF  }
0xfa: {  	p0 =	sne.s32 s0, $0x0;
	s0 =	rddreg [dreg:$0x2]  }
0xfb: {  	s0 =	sadd.s32 @!p0 $0x100000, s0  }
0xfc: {  	[sflag:s0] =	ssyncadd.tile.s32 @!p0 $0x1;
	_ =	shalt  }
.Lfunc_end2:
_tile_overlayer_lowered:
.L_overlay_start_2:
0xfd: {  	(tag) =	ssettag $0x2  }
0xfe: {  	s0 =	rddreg [dreg:$0x0];
	s2 =	stileid.u32  }
0xff: {  	s1 =	rddreg [dreg:$0x1];
	p0 =	sne.s32 s2, $0x0  }
0x100: {  	s3 =	rddreg [dreg:$0x2];
	[bflag:$0x3] =	sbarrier.arrive $0xFFFF;
	s2 =	simm.s32 @!p0 $0x1C0D  }
0x101: {  	[timem:s3], [sflag:s2] =	dma.local @!p0 [hbm:s0], s1  }
0x102: {  	s0 =	simm.s32 @!p0 $0xD  }
0x103: {  	_ =	swait.ge @!p0 [sflag:s0], s1  }
0x104: {  	s1 =	ssub.s32 @!p0 $0x0, s1;
	[sflag:s0] =	ssyncset.done @!p0 $0x0  }
0x105: {  	[sflag:s0] =	ssyncadd.s32 @!p0 s1  }
0x106: {  	[bflag:$0x3] =	sbarrier.arrive $0xFFFF  }
0x107: {  	_ =	shalt  }

// kernel: kernel.14.cloned.1.call-start
scs
__scs_entry_jumppad:
0x0: {  	(pc) =	sbr.rel $0x88, $3  }
0x1: {  	(tag) =	ssettag $0x0;
	lr =	simm.s32 $0x1  }
0x2: {  	[smem:$0x3F9D] =	sst lr;
	_ =	strace $0xD0000000  }
0x3: {  	_ = 	snop  }
0x4: {  	_ = 	snop  }
0x5: {  	_ = 	snop  }
0x6: {  	_ = 	snop  }
0x7: {  	_ = 	snop  }
__scs_overlays_trampoline_lowered:
0x8: {  	[smem:$0x3FAC] =	sst s0  }
0x9: {  	[smem:$0x3FAD] =	sst s1  }
0xa: {  	[smem:$0x3FAE] =	sst s2  }
0xb: {  	[smem:$0x3FAF] =	sst s3  }
0xc: {  	[smem:$0x3FB0] =	sst s4  }
0xd: {  	[smem:$0x3FB1] =	sst s5  }
0xe: {  	[smem:$0x3FB2] =	sst s6  }
0xf: {  	[smem:$0x3FB3] =	sst s7  }
0x10: {  	[smem:$0x3FB4] =	sst s8  }
0x11: {  	[smem:$0x3FB5] =	sst s9;
	s0 =	simm.s32 @!p0 $0x0  }
0x12: {  	s1 =	sld [smem:$0x3F9B];
	s0 =	simm.s32 @p0 $0x1  }
0x13: {  	[smem:$0x3FB6] =	sst s0;
	s0 =	simm.s32 @!p1 $0x0  }
0x14: {  	s2 =	sld [smem:$0x3F9A];
	s0 =	simm.s32 @p1 $0x1  }
0x15: {  	[smem:$0x3FB7] =	sst s0;
	s0 =	simm.s32 @!p2 $0x0  }
0x16: {  	s3 =	sld [smem:$0x3FDB];
	s0 =	simm.s32 @p2 $0x1  }
0x17: {  	s4 =	simm.s32 $0x1BF5;
	[smem:$0x3FB9] =	sst s0  }
0x18: {  	s0 =	sld [smem:$0x3F9C];
	_ =	swait.ge [sflag:s4], $0x0  }
0x19: {  	s7 =	sld [smem:$0x3F9D]  }
0x1a: {  	s8 =	sadd.s32 $0xFFFFE003, lr  }
0x1b: {  	s9 =	sadd.s32 $0xFFFFFEF7, lr;
	s5 =	simm.s32 $0xFFFFFFFF;
	p2 =	slt.u32 s8, $0xFFFFF086  }
0x1c: {  	p1 =	slt.u32 s9, $0xF7A;
	s5 =	simm.s32 @!p2 $0x0  }
0x1d: {  	s5 =	simm.s32 @p1 $0x1;
	p0 =	seq.s32 s7, s2  }
0x1e: {  	s7 =	smul.u32 @!p0 $0xF7A, s2;
	p2 =	seq.s32 @!p0 s5, $0x0  }
0x1f: {  	s9 =	smul.u32 $0xF7A, s1;
	s8 =	simm.s32 @!p0 $0x1BF5;
	p2 =	por !p2, p0  }
0x20: {  	[sflag:s8] =	ssyncset.s32 @!p0 $0xFFFFF086;
	s6 =	sadd.s32 @!p0 s3, s7;
	s7 =	simm.s32 @!p0 $0x108  }
0x21: {  	s3 =	sadd.s32 s3, s9;
	s6 =	sadd.s32 @!p0 $0x88, s6;
	s7 =	simm.s32 @p2 $0x1082  }
0x22: {  	[simem:s7], [sflag:s8] =	dma.local @!p0 [hbm:s6], $0xF7A  }
0x23: {  	s9 =	sor.u32 $0xD0000000, s2;
	s6 =	simm.s32 $0x108;
	_ =	swait.ge @!p0 [sflag:s8], $0x0  }
0x24: {  	s3 =	sadd.s32 $0x88, s3;
	s6 =	simm.s32 @!p1 $0x1082;
	[sflag:s4] =	ssyncset.s32 $0xFFFFF086  }
0x25: {  	[simem:s6], [sflag:s4] =	dma.local [hbm:s3], $0xF7A  }
0x26: {  	[smem:$0x3F9D] =	sst s1;
	(tag) =	ssettag s2;
	_ =	strace s9  }
0x27: {  	s1 =	sld [smem:$0x3FAD]  }
0x28: {  	s2 =	sld [smem:$0x3FAE]  }
0x29: {  	s4 =	sld [smem:$0x3FB0]  }
0x2a: {  	p0 =	seq.s32 s5, $0x0;
	s5 =	sld [smem:$0x3FB1]  }
0x2b: {  	s6 =	sld [smem:$0x3FB2]  }
0x2c: {  	s7 =	sld [smem:$0x3FB3]  }
0x2d: {  	s3 =	simm.s32 $0x108;
	s8 =	sld [smem:$0x3FB4]  }
0x2e: {  	s3 =	simm.s32 @!p0 $0x1082;
	s9 =	sld [smem:$0x3FB5]  }
0x2f: {  	lr =	sadd.s32 s0, s3;
	s0 =	sld [smem:$0x3FAC]  }
0x30: {  	s3 =	sld [smem:$0x3FAF]  }
0x31: {  	[smem:$0x3FB8] =	sst s10  }
0x32: {  	s10 =	sld [smem:$0x3FB6];
	_ =	sdelay $0x3  }
0x33: {  	p0 =	seq.s32 s10, $0x1;
	s10 =	sld [smem:$0x3FB8];
	_ =	sdelay $0x3  }
0x34: {  	[smem:$0x3FB8] =	sst s10  }
0x35: {  	s10 =	sld [smem:$0x3FB7];
	_ =	sdelay $0x3  }
0x36: {  	p1 =	seq.s32 s10, $0x1;
	s10 =	sld [smem:$0x3FB8];
	_ =	sdelay $0x3  }
0x37: {  	[smem:$0x3FB8] =	sst s10  }
0x38: {  	s10 =	sld [smem:$0x3FB9]  }
0x39: {  	_ = 	snop;
	(pc) =	sbr.ind lr, $3  }
0x3a: {  	_ = 	snop  }
0x3b: {  	_ = 	snop  }
0x3c: {  	p2 =	seq.s32 s10, $0x1;
	s10 =	sld [smem:$0x3FB8]  }
0x3d: {  	_ =	shalt  }
0x3e: {  	_ =	shalt  }
0x3f: {  	_ =	shalt  }
0x40: {  	_ =	shalt  }
0x41: {  	_ =	shalt  }
0x42: {  	_ =	shalt  }
0x43: {  	_ =	shalt  }
0x44: {  	_ =	shalt  }
0x45: {  	_ =	shalt  }
0x46: {  	_ =	shalt  }
0x47: {  	_ =	shalt  }
0x48: {  	_ =	shalt  }
0x49: {  	_ =	shalt  }
0x4a: {  	_ =	shalt  }
0x4b: {  	_ =	shalt  }
0x4c: {  	_ =	shalt  }
0x4d: {  	_ =	shalt  }
0x4e: {  	_ =	shalt  }
0x4f: {  	_ =	shalt  }
0x50: {  	_ =	shalt  }
0x51: {  	_ =	shalt  }
0x52: {  	_ =	shalt  }
0x53: {  	_ =	shalt  }
0x54: {  	_ =	shalt  }
0x55: {  	_ =	shalt  }
0x56: {  	_ =	shalt  }
0x57: {  	_ =	shalt  }
0x58: {  	_ =	shalt  }
0x59: {  	_ =	shalt  }
0x5a: {  	_ =	shalt  }
0x5b: {  	_ =	shalt  }
0x5c: {  	_ =	shalt  }
0x5d: {  	_ =	shalt  }
0x5e: {  	_ =	shalt  }
0x5f: {  	_ =	shalt  }
0x60: {  	_ =	shalt  }
0x61: {  	_ =	shalt  }
0x62: {  	_ =	shalt  }
0x63: {  	_ =	shalt  }
0x64: {  	_ =	shalt  }
0x65: {  	_ =	shalt  }
0x66: {  	_ =	shalt  }
0x67: {  	_ =	shalt  }
0x68: {  	_ =	shalt  }
0x69: {  	_ =	shalt  }
0x6a: {  	_ =	shalt  }
0x6b: {  	_ =	shalt  }
0x6c: {  	_ =	shalt  }
0x6d: {  	_ =	shalt  }
0x6e: {  	_ =	shalt  }
0x6f: {  	_ =	shalt  }
0x70: {  	_ =	shalt  }
0x71: {  	_ =	shalt  }
0x72: {  	_ =	shalt  }
0x73: {  	_ =	shalt  }
0x74: {  	_ =	shalt  }
0x75: {  	_ =	shalt  }
0x76: {  	_ =	shalt  }
0x77: {  	_ =	shalt  }
0x78: {  	_ =	shalt  }
0x79: {  	_ =	shalt  }
0x7a: {  	_ =	shalt  }
0x7b: {  	_ =	shalt  }
0x7c: {  	_ =	shalt  }
0x7d: {  	_ =	shalt  }
0x7e: {  	_ =	shalt  }
0x7f: {  	_ =	shalt  }
0x80: {  	_ =	shalt  }
0x81: {  	_ =	shalt  }
0x82: {  	_ =	shalt  }
0x83: {  	_ =	shalt  }
0x84: {  	_ =	shalt  }
0x85: {  	_ =	shalt  }
0x86: {  	_ =	shalt  }
0x87: {  	_ =	shalt  }
.Lfunc_end0:
.L_simem_size_0:
called_computation.2_lowered:
.L_overlay_start_0:
0x88: {  	s2 =	sld [smem:$0x3FD9]  }
0x89: {  	s3 =	sld [smem:$0x3FFE];
	_ =	sdelay $0x1  }
0x8a: {  	s1 =	srdreg.scid  }
0x8b: {  	s0 =	sand.u32 $0x1, s1  }
0x8c: {  	s17 =	sshll.u32 s0, $0xA;
	s2 =	sadd.s32 s3, s2  }
0x8d: {  	s2 =	sadd.s32 s2, s17  }
0x8e: {  	[smem:$0x3FC4] =	sst s2  }
0x8f: {  	_ = 	snop  }
0x90: {  	s2 =	sld [smem:$0x3FD0];
	(tm) =	ssettm $0x1  }
0x91: {  	s18 =	sld [smem:$0x3FFB];
	_ =	sdelay $0x3  }
0x92: {  	_ =	strace s18  }
0x93: {  	s3 =	sld [smem:$0x3FFC];
	_ =	sdelay $0x3  }
0x94: {  	_ =	strace s3  }
0x95: {  	s3 =	sld [smem:$0x3FFD];
	_ =	sdelay $0x3  }
0x96: {  	_ =	strace s3  }
0x97: {  	_ =	strace $0x8FFFFFFF  }
0x98: {  	s19 =	sld [smem:$0x3FDB];
	_ =	sdelay $0x1  }
0x99: {  	s4 =	simm.s32 $_scs_section_size  }
0x9a: {  	s5 =	simm.s32 $_size__tile_overlayer_lowered;
	s6 =	simm.s32 $_tile_overlayer_lowered  }
0x9b: {  	s22 =	simm.s32 $0x1BFF;
	s21 =	sshll.u32 s6, $0x1;
	s3 =	sadd.s32 s4, s19  }
0x9c: {  	s7 =	simm.s32 $0x0;
	s20 =	sshll.u32 s5, $0x1;
	s5 =	sadd.s32 s21, s3  }
0x9d: {  	[timem:s7], [sflag:s22] =	dma.local [hbm:s5], s20  }
0x9e: {  	_ =	swait.ge [sflag:s22], s20  }
0x9f: {  	s4 =	ssub.s32 $0x0, s20;
	[sflag:s22] =	ssyncset.done $0x0  }
0xa0: {  	[sflag:s22] =	ssyncadd.s32 s4;
	_ =	sdelay $0x1  }
0xa1: {  	s23 =	simm.s32 $0x1B8B  }
0xa2: {  	_ =	swait.ge [sflag:s23], $0x1  }
0xa3: {  	[sflag:s23] =	ssyncset.done $0x0  }
0xa4: {  	s25 =	simm.s32 $0x1B8E;
	s24 =	sld [smem:$0x3FFE];
	[sflag:s23] =	ssyncadd.s32 $0xFFFFFFFF  }
0xa5: {  	s26 =	simm.s32 $execute0_lowered;
	[smem:$0x3FD2] =	sst s25  }
0xa6: {  	s5 =	sshll.u32 s26, $0x1;
	_ =	strace $0x8000004C;
	[dreg:$0x1] =	wrdreg $0xFFFFFFFF  }
0xa7: {  	s28 =	simm.s32 $_size_execute0_lowered;
	s3 =	sadd.s32 s3, s5;
	[dreg:$0x0] =	wrdreg $0x0  }
0xa8: {  	s5 =	sshll.u32 s28, $0x1;
	[dreg:$0x2] =	wrdreg s3  }
0xa9: {  	[dreg:$0x3] =	wrdreg s5  }
0xaa: {  	[dreg:$0x4] =	wrdreg $0xC0  }
0xab: {  	_ =	task [dreg:s7], $0x5FFFF  }
0xac: {  	[dreg:$0x1] =	wrdreg $0xFFFFFFFF  }
0xad: {  	[dreg:$0x0] =	wrdreg $0x60  }
0xae: {  	[dreg:$0x2] =	wrdreg s2  }
0xaf: {  	[dreg:$0x3] =	wrdreg s24  }
0xb0: {  	[dreg:$0x4] =	wrdreg $0x80200  }
0xb1: {  	[dreg:$0x5] =	wrdreg $0x9  }
0xb2: {  	_ =	task.clear_ibuf [dreg:s7], $0x6FFFF;
	_ =	strace $0x9000004C  }
0xb3: {  	s29 =	simm.s32 $0x9;
	_ =	strace $0x8000004E  }
0xb4: {  	_ =	swait.ge [sflag:s29], $0x1  }
0xb5: {  	[sflag:s29] =	ssyncadd.s32 $0xFFFFFFFF  }
0xb6: {  	_ =	strace $0x9000004E  }
0xb7: {  	_ =	sfence  }
0xb8: {  	s30 =	sld [smem:$0x0];
	_ =	sdelay $0x2  }
0xb9: {  	s31 =	sshll.u32 s1, $0xD;
	s1 =	sshrl.u32 s1, $0x2  }
0xba: {  	s3 =	sand.u32 $0x4000, s31;
	s1 =	sadd.s32 s1, s30  }
0xbb: {  	s0 =	sor.u32 s3, s0;
	s1 =	sshll.u32 s1, $0x11  }
0xbc: {  	s0 =	sor.u32 s1, s0  }
0xbd: {  	s0 =	sadd.s32 $0x8F2B, s0  }
0xbe: {  	[sflag:s0] =	ssyncadd.remote.s32 $0x1  }
0xbf: {  	_ =	sfence.sel $0xFFFF  }
0xc0: {  	[dreg:$0x0] =	wrdreg $0xFFFFFFFF;
	(pc) =	sbr.abs _section_cstart, $3  }
0xc1: {  	[dreg:$0x1] =	wrdreg $0xFFFFFFFF  }
0xc2: {  	_ =	task.clear_ibuf [dreg:s7], $0x2FFFF;
	_ =	strace $0x9FFFFFFF  }
0xc3: {  	(tm) =	ssettm $0x7FFFFFFF  }
tec
execute0_lowered:
.L_overlay_start_1:
0x0: {  	(tag) =	ssettag $0x1  }
0x1: {  	s1 =	rddreg [dreg:$0x0]  }
0x2: {  	s0 =	rddreg [dreg:$0x1]  }
0x3: {  	s3 =	rddreg [dreg:$0x2]  }
0x4: {  	s2 =	srdreg.scid;
	s7 =	stileid.u32  }
0x5: {  	s6 =	simm.s32 $0x0;
	s18 =	simm.s32 $0x4E20;
	s29 =	simm.s32 $0x6220  }
0x6: {  	s30 =	simm.s32 $0x5;
	s28 =	simm.s32 $0x7;
	s31 =	simm.s32 $0x8  }
0x7: {  	s9 =	simm.s32 $0x0;
	s2 =	sand.u32 $0x1, s2;
	s5 =	smul.u32 $0x5000, s7  }
0x8: {  	[smem:$0x7FF] =	sst s6;
	s4 =	sshll.u32 s2, $0x4;
	s19 =	smul.u32 $0x50000, s2  }
0x9: {  	s2 =	ssub.s32 $0x2, s2;
	s4 =	sor.u32 s7, s4;
	s7 =	smul.u32 $0x14000, s7  }
0xa: {  	_ =	strace $0x8000004D;
	s8 =	sshrl.u32 s2, $0x1;
	s4 =	smul.u32 $0x4E2, s4  }
0xb: {  	s6 =	sadd.s32 s5, s19;
	s2 =	ssub.s32 s2, s8;
	s19 =	simm.s32 $0xD  }
0xc: {  	s8 =	simm.s32 $0xC;
	s6 =	sshrl.u32 s6, $0x3;
	s20 =	sshrl.u32 s7, $0x2  }
0xd: {  	s7 =	sadd.s32 s5, s3;
	s16 =	smax.u32 s2, $0x1;
	s2 =	simm.s32 $0x6C20  }
0xe: {  	s5 =	simm.s32 $0xA;
	s4 =	sadd.s32 s4, s0;
	s0 =	sadd.s32 s6, s0  }
0xf: {  	s22 =	sadd.s32 s20, s3;
	s20 =	simm.s32 $0x1;
	s21 =	sadd.s32 $0x1200, s4  }
0x10: {  	s6 =	simm.s32 $0xB;
	s4 =	sadd.s32 $0xB000, s4;
	[dreg:$0x4] =	wrdreg s21  }
0x11: {  	s23 =	sadd.s32 $0xA00, s22;
	s24 =	sadd.s32 $0x1400, s22;
	[dreg:$0x5] =	wrdreg s4  }
0x12: {  	s25 =	sadd.s32 $0x1E00, s22;
	s26 =	sadd.s32 $0x2800, s22;
	[dreg:$0x6] =	wrdreg s23  }
0x13: {  	s12 =	sadd.s32 $0x3200, s22;
	s13 =	sadd.s32 $0x3C00, s22;
	[dreg:$0x7] =	wrdreg s24  }
0x14: {  	s14 =	sadd.s32 $0x4600, s22;
	s15 =	sadd.s32 $0x14E00, s0;
	[dreg:$0x8] =	wrdreg s25  }
0x15: {  	s22 =	simm.s32 $0x50;
	s0 =	simm.s32 $0x7620;
	[dreg:$0x9] =	wrdreg s26  }
0x16: {  	s21 =	simm.s32 $0x2;
	s23 =	simm.s32 $0x3;
	s24 =	simm.s32 $0x5820  }
0x17: {  	v0 =	vimm.f32 $0.0e+00;
	s25 =	simm.s32 $0x4;
	s26 =	simm.s32 $0x6;
	s4 =	simm.s32 $0x9  }
.LBB2_1:
0x18: {  	s10 =	simm.s32 $0x0;
	s11 =	rddreg [dreg:$0x4]  }
0x19: {  	[tilespmem:s10], [sflag:$0x1] =	stream.linear.gather [hbm4b:s11+s10], $0x2710, $0x38;
	[tilespmem:$0xD020] =	vst v63  }
0x1a: {  	s17 =	simm.s32 $0x2710;
	s11 =	rddreg [dreg:$0x5]  }
0x1b: {  	[tilespmem:s17], [sflag:$0x2] =	stream.linear.gather [hbm4b:s11+s10], $0x2710, $0x38;
	[tilespmem:$0xD020] =	vst v63  }
0x1c: {  	s10 =	simm.s32 $0x80;
	s11 =	simm.s32 $0x0  }
.LBB2_2:
0x1d: {  	p0 =	sne.s32 s10, $0x2780;
	[tilespmem:s11+$0x4E20] =	vst v0;
	s17 =	smov.u32 s10;
	s10 =	sadd.s32 $0x80, s10  }
.Ltmp0:
0x1e: {  	[tilespmem:s11+$0x4E30] =	vst v0;
	(pc) =	sbr.rel @p0 .LBB2_2-.Ltmp0, $2  }
0x1f: {  	_ =	sdelay $0x2  }
0x20: {  	s11 =	sshra.s32 s17, $0x2  }
0x21: {  	[tilespmem:s11+$0x4E20] =	vst v0  }
0x22: {  	[tilespmem:s11+$0x4E30] =	vst v0  }
0x23: {  	[spmem:s7] =	stream.linear.scatter [tilespmem:s18], [sflag:$0xD], $0xA00, $0x38;
	[tilespmem:$0xD020] =	vst v63  }
0x24: {  	_ =	swait.ge [sflag:s19], $0xA00  }
0x25: {  	[sflag:s19] =	ssyncset.done $0x0  }
0x26: {  	s10 =	rddreg [dreg:$0x6];
	[sflag:s19] =	ssyncadd.s32 $0xFFFFF600  }
0x27: {  	[spmem:s10] =	stream.linear.scatter [tilespmem:s18], [sflag:$0xD], $0xA00, $0x38;
	[tilespmem:$0xD020] =	vst v63  }
0x28: {  	_ =	swait.ge [sflag:s19], $0xA00  }
0x29: {  	[sflag:s19] =	ssyncset.done $0x0  }
0x2a: {  	s11 =	rddreg [dreg:$0x7];
	[sflag:s19] =	ssyncadd.s32 $0xFFFFF600  }
0x2b: {  	[spmem:s11] =	stream.linear.scatter [tilespmem:s18], [sflag:$0xD], $0xA00, $0x38;
	[tilespmem:$0xD020] =	vst v63  }
0x2c: {  	_ =	swait.ge [sflag:s19], $0xA00  }
0x2d: {  	[sflag:s19] =	ssyncset.done $0x0  }
0x2e: {  	s17 =	rddreg [dreg:$0x8];
	[sflag:s19] =	ssyncadd.s32 $0xFFFFF600  }
0x2f: {  	[spmem:s17] =	stream.linear.scatter [tilespmem:s18], [sflag:$0xD], $0xA00, $0x38;
	[tilespmem:$0xD020] =	vst v63  }
0x30: {  	_ =	swait.ge [sflag:s19], $0xA00  }
0x31: {  	[sflag:s19] =	ssyncset.done $0x0  }
0x32: {  	s11 =	rddreg [dreg:$0x9];
	[sflag:s19] =	ssyncadd.s32 $0xFFFFF600  }
0x33: {  	[spmem:s11] =	stream.linear.scatter [tilespmem:s18], [sflag:$0xD], $0xA00, $0x38;
	[tilespmem:$0xD020] =	vst v63  }
0x34: {  	_ =	swait.ge [sflag:s19], $0xA00  }
0x35: {  	[sflag:s19] =	ssyncset.done $0x0  }
0x36: {  	[sflag:s19] =	ssyncadd.s32 $0xFFFFF600  }
0x37: {  	[spmem:s12] =	stream.linear.scatter [tilespmem:s18], [sflag:$0xD], $0xA00, $0x38;
	[tilespmem:$0xD020] =	vst v63  }
0x38: {  	_ =	swait.ge [sflag:s19], $0xA00  }
0x39: {  	[sflag:s19] =	ssyncset.done $0x0  }
0x3a: {  	[sflag:s19] =	ssyncadd.s32 $0xFFFFF600  }
0x3b: {  	[spmem:s13] =	stream.linear.scatter [tilespmem:s18], [sflag:$0xD], $0xA00, $0x38;
	[tilespmem:$0xD020] =	vst v63  }
0x3c: {  	_ =	swait.ge [sflag:s19], $0xA00  }
0x3d: {  	[sflag:s19] =	ssyncset.done $0x0  }
0x3e: {  	[sflag:s19] =	ssyncadd.s32 $0xFFFFF600  }
0x3f: {  	[spmem:s14] =	stream.linear.scatter [tilespmem:s18], [sflag:$0xD], $0xA00, $0x38;
	[tilespmem:$0xD020] =	vst v63  }
0x40: {  	_ =	swait.ge [sflag:s19], $0xA00  }
0x41: {  	[sflag:s19] =	ssyncset.done $0x0  }
0x42: {  	[sflag:s19] =	ssyncadd.s32 $0xFFFFF600  }
0x43: {  	_ =	swait.ge [sflag:s20], $0x2710  }
0x44: {  	[sflag:s20] =	ssyncset.done $0x0  }
0x45: {  	[sflag:s20] =	ssyncadd.s32 $0xFFFFD8F0  }
0x46: {  	_ =	swait.ge [sflag:s21], $0x2710  }
0x47: {  	[sflag:s21] =	ssyncset.done $0x0  }
0x48: {  	[sflag:s21] =	ssyncadd.s32 $0xFFFFD8F0  }
0x49: {  	s17 =	simm.s32 $0x0;
	[bflag:$0x0] =	sbarrier.arrive $0xFFFF  }
0x4a: {  	[tilespmem:s18], [sflag:$0x3] =	stream.indirect.gather [hbm4b:s1+s22], $0x20, s17, s22, $0xb8;
	[tilespmem:$0xD020] =	vst v63  }
0x4b: {  	_ =	swait.ge [sflag:s23], $0xA00  }
0x4c: {  	[sflag:s23] =	ssyncset.done $0x0  }
0x4d: {  	s11 =	simm.s32 $0x2710;
	[sflag:s23] =	ssyncadd.s32 $0xFFFFF600  }
0x4e: {  	[spmem:s3] =	stream.indirect.scatter.add.f32 [tilespmem:s18], [sflag:$0x8], $0x20, s11, s22, $0xb8;
	[tilespmem:$0xD020] =	vst v63  }
0x4f: {  	_ = 	snop  }
0x50: {  	[tilespmem:s24], [sflag:$0x4] =	stream.indirect.gather [hbm4b:s1+s22], $0x20, s22, s22, $0xb8;
	[tilespmem:$0xD020] =	vst v63  }
0x51: {  	_ =	swait.ge [sflag:s25], $0xA00  }
0x52: {  	[sflag:s25] =	ssyncset.done $0x0  }
0x53: {  	s17 =	simm.s32 $0x2760;
	[sflag:s25] =	ssyncadd.s32 $0xFFFFF600  }
0x54: {  	[spmem:s3] =	stream.indirect.scatter.add.f32 [tilespmem:s24], [sflag:$0x9], $0x20, s17, s22, $0xb8;
	[tilespmem:$0xD020] =	vst v63  }
0x55: {  	s11 =	simm.s32 $0xA0  }
0x56: {  	[tilespmem:s29], [sflag:$0x5] =	stream.indirect.gather [hbm4b:s1+s22], $0x20, s11, s22, $0xb8;
	[tilespmem:$0xD020] =	vst v63  }
0x57: {  	_ =	swait.ge [sflag:s30], $0xA00  }
0x58: {  	[sflag:s30] =	ssyncset.done $0x0  }
0x59: {  	s17 =	simm.s32 $0x27B0;
	[sflag:s30] =	ssyncadd.s32 $0xFFFFF600  }
0x5a: {  	[spmem:s3] =	stream.indirect.scatter.add.f32 [tilespmem:s29], [sflag:$0xA], $0x20, s17, s22, $0xb8;
	[tilespmem:$0xD020] =	vst v63  }
0x5b: {  	s11 =	simm.s32 $0xF0  }
0x5c: {  	[tilespmem:s2], [sflag:$0x6] =	stream.indirect.gather [hbm4b:s1+s22], $0x20, s11, s22, $0xb8;
	[tilespmem:$0xD020] =	vst v63  }
0x5d: {  	_ =	swait.ge [sflag:s26], $0xA00  }
0x5e: {  	[sflag:s26] =	ssyncset.done $0x0  }
0x5f: {  	s17 =	simm.s32 $0x2800;
	[sflag:s26] =	ssyncadd.s32 $0xFFFFF600  }
0x60: {  	[spmem:s3] =	stream.indirect.scatter.add.f32 [tilespmem:s2], [sflag:$0xB], $0x20, s17, s22, $0xb8;
	[tilespmem:$0xD020] =	vst v63  }
0x61: {  	s11 =	simm.s32 $0x140  }
0x62: {  	[tilespmem:s0], [sflag:$0x7] =	stream.indirect.gather [hbm4b:s1+s22], $0x20, s11, s22, $0xb8;
	[tilespmem:$0xD020] =	vst v63  }
0x63: {  	_ =	swait.ge [sflag:s28], $0xA00  }
0x64: {  	[sflag:s28] =	ssyncset.done $0x0  }
0x65: {  	s17 =	simm.s32 $0x2850;
	[sflag:s28] =	ssyncadd.s32 $0xFFFFF600  }
0x66: {  	[spmem:s3] =	stream.indirect.scatter.add.f32 [tilespmem:s0], [sflag:$0xC], $0x20, s17, s22, $0xb8;
	[tilespmem:$0xD020] =	vst v63  }
0x67: {  	_ =	swait.ge [sflag:s31], $0xA00  }
0x68: {  	[sflag:s31] =	ssyncset.done $0x0  }
0x69: {  	s11 =	simm.s32 $0x190;
	[sflag:s31] =	ssyncadd.s32 $0xFFFFF600  }
0x6a: {  	[tilespmem:s18], [sflag:$0x3] =	stream.indirect.gather [hbm4b:s1+s22], $0x20, s11, s22, $0xb8;
	[tilespmem:$0xD020] =	vst v63  }
0x6b: {  	_ =	swait.ge [sflag:s23], $0xA00  }
0x6c: {  	[sflag:s23] =	ssyncset.done $0x0  }
0x6d: {  	s17 =	simm.s32 $0x28A0;
	[sflag:s23] =	ssyncadd.s32 $0xFFFFF600  }
0x6e: {  	[spmem:s3] =	stream.indirect.scatter.add.f32 [tilespmem:s18], [sflag:$0x8], $0x20, s17, s22, $0xb8;
	[tilespmem:$0xD020] =	vst v63  }
0x6f: {  	_ =	swait.ge [sflag:s4], $0xA00  }
0x70: {  	[sflag:s4] =	ssyncset.done $0x0  }
0x71: {  	s11 =	simm.s32 $0x1E0;
	[sflag:s4] =	ssyncadd.s32 $0xFFFFF600  }
0x72: {  	[tilespmem:s24], [sflag:$0x4] =	stream.indirect.gather [hbm4b:s1+s22], $0x20, s11, s22, $0xb8;
	[tilespmem:$0xD020] =	vst v63  }
0x73: {  	_ =	swait.ge [sflag:s25], $0xA00  }
0x74: {  	[sflag:s25] =	ssyncset.done $0x0  }
0x75: {  	s17 =	simm.s32 $0x28F0;
	[sflag:s25] =	ssyncadd.s32 $0xFFFFF600  }
0x76: {  	[spmem:s3] =	stream.indirect.scatter.add.f32 [tilespmem:s24], [sflag:$0x9], $0x20, s17, s22, $0xb8;
	[tilespmem:$0xD020] =	vst v63  }
0x77: {  	_ =	swait.ge [sflag:s5], $0xA00  }
0x78: {  	[sflag:s5] =	ssyncset.done $0x0  }
0x79: {  	s11 =	simm.s32 $0x230;
	[sflag:s5] =	ssyncadd.s32 $0xFFFFF600  }
0x7a: {  	[tilespmem:s29], [sflag:$0x5] =	stream.indirect.gather [hbm4b:s1+s22], $0x20, s11, s22, $0xb8;
	[tilespmem:$0xD020] =	vst v63  }
0x7b: {  	_ =	swait.ge [sflag:s30], $0xA00  }
0x7c: {  	[sflag:s30] =	ssyncset.done $0x0  }
0x7d: {  	s17 =	simm.s32 $0x2940;
	[sflag:s30] =	ssyncadd.s32 $0xFFFFF600  }
0x7e: {  	[spmem:s3] =	stream.indirect.scatter.add.f32 [tilespmem:s29], [sflag:$0xA], $0x20, s17, s22, $0xb8;
	[tilespmem:$0xD020] =	vst v63  }
0x7f: {  	_ =	swait.ge [sflag:s6], $0xA00  }
0x80: {  	[sflag:s6] =	ssyncset.done $0x0  }
0x81: {  	s11 =	simm.s32 $0x280;
	[sflag:s6] =	ssyncadd.s32 $0xFFFFF600  }
0x82: {  	[tilespmem:s2], [sflag:$0x6] =	stream.indirect.gather [hbm4b:s1+s22], $0x20, s11, s22, $0xb8;
	[tilespmem:$0xD020] =	vst v63  }
0x83: {  	_ =	swait.ge [sflag:s26], $0xA00  }
0x84: {  	[sflag:s26] =	ssyncset.done $0x0  }
0x85: {  	s17 =	simm.s32 $0x2990;
	[sflag:s26] =	ssyncadd.s32 $0xFFFFF600  }
0x86: {  	[spmem:s3] =	stream.indirect.scatter.add.f32 [tilespmem:s2], [sflag:$0xB], $0x20, s17, s22, $0xb8;
	[tilespmem:$0xD020] =	vst v63  }
0x87: {  	_ =	swait.ge [sflag:s8], $0xA00  }
0x88: {  	[sflag:s8] =	ssyncset.done $0x0  }
0x89: {  	s11 =	simm.s32 $0x2D0;
	[sflag:s8] =	ssyncadd.s32 $0xFFFFF600  }
0x8a: {  	[tilespmem:s0], [sflag:$0x7] =	stream.indirect.gather [hbm4b:s1+s22], $0x20, s11, s22, $0xb8;
	[tilespmem:$0xD020] =	vst v63  }
0x8b: {  	_ =	swait.ge [sflag:s28], $0xA00  }
0x8c: {  	[sflag:s28] =	ssyncset.done $0x0  }
0x8d: {  	s17 =	simm.s32 $0x29E0;
	[sflag:s28] =	ssyncadd.s32 $0xFFFFF600  }
0x8e: {  	[spmem:s3] =	stream.indirect.scatter.add.f32 [tilespmem:s0], [sflag:$0xC], $0x20, s17, s22, $0xb8;
	[tilespmem:$0xD020] =	vst v63  }
0x8f: {  	_ =	swait.ge [sflag:s31], $0xA00  }
0x90: {  	[sflag:s31] =	ssyncset.done $0x0  }
0x91: {  	s10 =	simm.s32 $0x640;
	s11 =	simm.s32 $0x320;
	[sflag:s31] =	ssyncadd.s32 $0xFFFFF600  }
.LBB2_4:
0x92: {  	[tilespmem:s18], [sflag:$0x3] =	stream.indirect.gather [hbm4b:s1+s22], $0x20, s11, s22, $0xb8;
	[tilespmem:$0xD020] =	vst v63  }
0x93: {  	s11 =	smov.u32 s10  }
0x94: {  	p0 =	sne.s32 s10, $0x8980;
	s10 =	sadd.s32 $0x640, s10;
	_ =	swait.ge [sflag:s23], $0xA00  }
0x95: {  	s11 =	sshra.s32 s11, $0x2;
	[sflag:s23] =	ssyncset.done $0x0  }
0x96: {  	s17 =	sadd.s32 $0x28A0, s11;
	[sflag:s23] =	ssyncadd.s32 $0xFFFFF600  }
0x97: {  	[spmem:s3] =	stream.indirect.scatter.add.f32 [tilespmem:s18], [sflag:$0x8], $0x20, s17, s22, $0xb8;
	[tilespmem:$0xD020] =	vst v63  }
0x98: {  	_ =	swait.ge [sflag:s4], $0xA00  }
0x99: {  	[sflag:s4] =	ssyncset.done $0x0  }
0x9a: {  	s17 =	sadd.s32 $0x1E0, s11;
	[sflag:s4] =	ssyncadd.s32 $0xFFFFF600  }
0x9b: {  	[tilespmem:s24], [sflag:$0x4] =	stream.indirect.gather [hbm4b:s1+s22], $0x20, s17, s22, $0xb8;
	[tilespmem:$0xD020] =	vst v63  }
0x9c: {  	_ =	swait.ge [sflag:s25], $0xA00  }
0x9d: {  	[sflag:s25] =	ssyncset.done $0x0  }
0x9e: {  	s17 =	sadd.s32 $0x28F0, s11;
	[sflag:s25] =	ssyncadd.s32 $0xFFFFF600  }
0x9f: {  	[spmem:s3] =	stream.indirect.scatter.add.f32 [tilespmem:s24], [sflag:$0x9], $0x20, s17, s22, $0xb8;
	[tilespmem:$0xD020] =	vst v63  }
0xa0: {  	_ =	swait.ge [sflag:s5], $0xA00  }
0xa1: {  	[sflag:s5] =	ssyncset.done $0x0  }
0xa2: {  	s17 =	sadd.s32 $0x230, s11;
	[sflag:s5] =	ssyncadd.s32 $0xFFFFF600  }
0xa3: {  	[tilespmem:s29], [sflag:$0x5] =	stream.indirect.gather [hbm4b:s1+s22], $0x20, s17, s22, $0xb8;
	[tilespmem:$0xD020] =	vst v63  }
0xa4: {  	_ =	swait.ge [sflag:s30], $0xA00  }
0xa5: {  	[sflag:s30] =	ssyncset.done $0x0  }
0xa6: {  	s17 =	sadd.s32 $0x2940, s11;
	[sflag:s30] =	ssyncadd.s32 $0xFFFFF600  }
0xa7: {  	[spmem:s3] =	stream.indirect.scatter.add.f32 [tilespmem:s29], [sflag:$0xA], $0x20, s17, s22, $0xb8;
	[tilespmem:$0xD020] =	vst v63  }
0xa8: {  	_ =	swait.ge [sflag:s6], $0xA00  }
0xa9: {  	[sflag:s6] =	ssyncset.done $0x0  }
0xaa: {  	s17 =	sadd.s32 $0x280, s11;
	[sflag:s6] =	ssyncadd.s32 $0xFFFFF600  }
0xab: {  	[tilespmem:s2], [sflag:$0x6] =	stream.indirect.gather [hbm4b:s1+s22], $0x20, s17, s22, $0xb8;
	[tilespmem:$0xD020] =	vst v63  }
0xac: {  	_ =	swait.ge [sflag:s26], $0xA00  }
0xad: {  	[sflag:s26] =	ssyncset.done $0x0  }
0xae: {  	s17 =	sadd.s32 $0x2990, s11;
	[sflag:s26] =	ssyncadd.s32 $0xFFFFF600  }
0xaf: {  	[spmem:s3] =	stream.indirect.scatter.add.f32 [tilespmem:s2], [sflag:$0xB], $0x20, s17, s22, $0xb8;
	[tilespmem:$0xD020] =	vst v63  }
0xb0: {  	_ =	swait.ge [sflag:s8], $0xA00  }
0xb1: {  	[sflag:s8] =	ssyncset.done $0x0  }
0xb2: {  	s17 =	sadd.s32 $0x2D0, s11;
	[sflag:s8] =	ssyncadd.s32 $0xFFFFF600  }
0xb3: {  	[tilespmem:s0], [sflag:$0x7] =	stream.indirect.gather [hbm4b:s1+s22], $0x20, s17, s22, $0xb8;
	[tilespmem:$0xD020] =	vst v63  }
0xb4: {  	_ =	swait.ge [sflag:s28], $0xA00  }
0xb5: {  	[sflag:s28] =	ssyncset.done $0x0  }
.Ltmp1:
0xb6: {  	s17 =	sadd.s32 $0x29E0, s11;
	[sflag:s28] =	ssyncadd.s32 $0xFFFFF600;
	(pc) =	sbr.rel @p0 .LBB2_4-.Ltmp1, $4  }
0xb7: {  	[spmem:s3] =	stream.indirect.scatter.add.f32 [tilespmem:s0], [sflag:$0xC], $0x20, s17, s22, $0xb8;
	[tilespmem:$0xD020] =	vst v63  }
0xb8: {  	_ =	swait.ge [sflag:s31], $0xA00  }
0xb9: {  	[sflag:s31] =	ssyncset.done $0x0  }
0xba: {  	s11 =	sadd.s32 $0x320, s11;
	[sflag:s31] =	ssyncadd.s32 $0xFFFFF600  }
0xbb: {  	[tilespmem:s18], [sflag:$0x3] =	stream.indirect.gather [hbm4b:s1+s22], $0x20, s11, s22, $0xb8;
	[tilespmem:$0xD020] =	vst v63  }
0xbc: {  	_ =	swait.ge [sflag:s23], $0xA00  }
0xbd: {  	[sflag:s23] =	ssyncset.done $0x0  }
0xbe: {  	s10 =	simm.s32 $0x4C90;
	[sflag:s23] =	ssyncadd.s32 $0xFFFFF600  }
0xbf: {  	[spmem:s3] =	stream.indirect.scatter.add.f32 [tilespmem:s18], [sflag:$0x8], $0x20, s10, s22, $0xb8;
	[tilespmem:$0xD020] =	vst v63  }
0xc0: {  	_ =	swait.ge [sflag:s4], $0xA00  }
0xc1: {  	[sflag:s4] =	ssyncset.done $0x0  }
0xc2: {  	s11 =	simm.s32 $0x25D0;
	[sflag:s4] =	ssyncadd.s32 $0xFFFFF600  }
0xc3: {  	[tilespmem:s24], [sflag:$0x4] =	stream.indirect.gather [hbm4b:s1+s22], $0x20, s11, s22, $0xb8;
	[tilespmem:$0xD020] =	vst v63  }
0xc4: {  	_ =	swait.ge [sflag:s25], $0xA00  }
0xc5: {  	[sflag:s25] =	ssyncset.done $0x0  }
0xc6: {  	s17 =	simm.s32 $0x4CE0;
	[sflag:s25] =	ssyncadd.s32 $0xFFFFF600  }
0xc7: {  	[spmem:s3] =	stream.indirect.scatter.add.f32 [tilespmem:s24], [sflag:$0x9], $0x20, s17, s22, $0xb8;
	[tilespmem:$0xD020] =	vst v63  }
0xc8: {  	_ =	swait.ge [sflag:s5], $0xA00  }
0xc9: {  	[sflag:s5] =	ssyncset.done $0x0  }
0xca: {  	s11 =	simm.s32 $0x2620;
	[sflag:s5] =	ssyncadd.s32 $0xFFFFF600  }
0xcb: {  	[tilespmem:s29], [sflag:$0x5] =	stream.indirect.gather [hbm4b:s1+s22], $0x20, s11, s22, $0xb8;
	[tilespmem:$0xD020] =	vst v63  }
0xcc: {  	_ =	swait.ge [sflag:s30], $0xA00  }
0xcd: {  	[sflag:s30] =	ssyncset.done $0x0  }
0xce: {  	s17 =	simm.s32 $0x4D30;
	[sflag:s30] =	ssyncadd.s32 $0xFFFFF600  }
0xcf: {  	[spmem:s3] =	stream.indirect.scatter.add.f32 [tilespmem:s29], [sflag:$0xA], $0x20, s17, s22, $0xb8;
	[tilespmem:$0xD020] =	vst v63  }
0xd0: {  	_ =	swait.ge [sflag:s6], $0xA00  }
0xd1: {  	[sflag:s6] =	ssyncset.done $0x0  }
0xd2: {  	s11 =	simm.s32 $0x2670;
	[sflag:s6] =	ssyncadd.s32 $0xFFFFF600  }
0xd3: {  	[tilespmem:s2], [sflag:$0x6] =	stream.indirect.gather [hbm4b:s1+s22], $0x20, s11, s22, $0xb8;
	[tilespmem:$0xD020] =	vst v63  }
0xd4: {  	_ =	swait.ge [sflag:s26], $0xA00  }
0xd5: {  	[sflag:s26] =	ssyncset.done $0x0  }
0xd6: {  	s17 =	simm.s32 $0x4D80;
	[sflag:s26] =	ssyncadd.s32 $0xFFFFF600  }
0xd7: {  	[spmem:s3] =	stream.indirect.scatter.add.f32 [tilespmem:s2], [sflag:$0xB], $0x20, s17, s22, $0xb8;
	[tilespmem:$0xD020] =	vst v63  }
0xd8: {  	_ =	swait.ge [sflag:s8], $0xA00  }
0xd9: {  	[sflag:s8] =	ssyncset.done $0x0  }
0xda: {  	s11 =	simm.s32 $0x26C0;
	[sflag:s8] =	ssyncadd.s32 $0xFFFFF600  }
0xdb: {  	[tilespmem:s0], [sflag:$0x7] =	stream.indirect.gather [hbm4b:s1+s22], $0x20, s11, s22, $0xb8;
	[tilespmem:$0xD020] =	vst v63  }
0xdc: {  	_ =	swait.ge [sflag:s28], $0xA00  }
0xdd: {  	[sflag:s28] =	ssyncset.done $0x0  }
0xde: {  	s17 =	simm.s32 $0x4DD0;
	[sflag:s28] =	ssyncadd.s32 $0xFFFFF600  }
0xdf: {  	[spmem:s3] =	stream.indirect.scatter.add.f32 [tilespmem:s0], [sflag:$0xC], $0x20, s17, s22, $0xb8;
	[tilespmem:$0xD020] =	vst v63  }
0xe0: {  	_ =	swait.ge [sflag:s31], $0xA00  }
0xe1: {  	[sflag:s31] =	ssyncset.done $0x0  }
0xe2: {  	[sflag:s31] =	ssyncadd.s32 $0xFFFFF600  }
0xe3: {  	_ =	swait.ge [sflag:s4], $0xA00  }
0xe4: {  	[sflag:s4] =	ssyncset.done $0x0  }
0xe5: {  	[sflag:s4] =	ssyncadd.s32 $0xFFFFF600  }
0xe6: {  	_ =	swait.ge [sflag:s5], $0xA00  }
0xe7: {  	[sflag:s5] =	ssyncset.done $0x0  }
0xe8: {  	[sflag:s5] =	ssyncadd.s32 $0xFFFFF600  }
0xe9: {  	_ =	swait.ge [sflag:s6], $0xA00  }
0xea: {  	[sflag:s6] =	ssyncset.done $0x0  }
0xeb: {  	[sflag:s6] =	ssyncadd.s32 $0xFFFFF600  }
0xec: {  	s11 =	stileid.u32;
	_ =	swait.ge [sflag:s8], $0xA00  }
0xed: {  	s9 =	sadd.s32 $0x1, s9;
	s10 =	sshll.u32 s11, $0x6;
	[sflag:s8] =	ssyncset.done $0x0  }
0xee: {  	p0 =	sne.s32 s9, s16;
	s10 =	sor.u32 $0x1C0D, s10;
	[sflag:s8] =	ssyncadd.s32 $0xFFFFF600  }
.Ltmp2:
0xef: {  	s17 =	sshrl.u32 s7, $0x3;
	[bflag:$0x0] =	sbarrier.arrive $0xFFFF;
	(pc) =	sbr.rel @p0 .LBB2_1-.Ltmp2, $4  }
0xf0: {  	[hbm:s15], [sflag:s10] =	dma.local [spmem:s17], $0xA00  }
0xf1: {  	_ =	swait.ge [sflag:s19], $0xA00  }
0xf2: {  	[sflag:s19] =	ssyncset.done $0x0  }
0xf3: {  	[sflag:s19] =	ssyncadd.s32 $0xFFFFF600  }
0xf4: {  	_ =	sfence.sel $0x180000  }
0xf5: {  	[bflag:$0x0] =	sbarrier.arrive $0xFFFF  }
0xf6: {  	_ =	strace $0x9000004D  }
0xf7: {  	s0 =	stileid.u32;
	[bflag:$0x2] =	sbarrier.arrive $0xFFFF  }
0xf8: {  	p0 =	sne.s32 s0, $0x0;
	s0 =	rddreg [dreg:$0x3]  }
0xf9: {  	s0 =	sadd.s32 @!p0 $0x100000, s0  }
0xfa: {  	[sflag:s0] =	ssyncadd.tile.s32 @!p0 $0x1;
	_ =	shalt  }
.Lfunc_end2:
_tile_overlayer_lowered:
.L_overlay_start_2:
0xfb: {  	(tag) =	ssettag $0x2  }
0xfc: {  	s0 =	rddreg [dreg:$0x0];
	s2 =	stileid.u32  }
0xfd: {  	s1 =	rddreg [dreg:$0x1];
	p0 =	sne.s32 s2, $0x0  }
0xfe: {  	s3 =	rddreg [dreg:$0x2];
	[bflag:$0x3] =	sbarrier.arrive $0xFFFF;
	s2 =	simm.s32 @!p0 $0x1C0D  }
0xff: {  	[timem:s3], [sflag:s2] =	dma.local @!p0 [hbm:s0], s1  }
0x100: {  	s0 =	simm.s32 @!p0 $0xD  }
0x101: {  	_ =	swait.ge @!p0 [sflag:s0], s1  }
0x102: {  	s1 =	ssub.s32 @!p0 $0x0, s1;
	[sflag:s0] =	ssyncset.done @!p0 $0x0  }
0x103: {  	[sflag:s0] =	ssyncadd.s32 @!p0 s1  }
0x104: {  	[bflag:$0x3] =	sbarrier.arrive $0xFFFF  }
0x105: {  	_ =	shalt  }

// kernel: kernel.8.cloned.1.call-start
scs
__scs_entry_jumppad:
0x0: {  	(pc) =	sbr.rel $0x88, $3  }
0x1: {  	(tag) =	ssettag $0x0;
	lr =	simm.s32 $0x1  }
0x2: {  	[smem:$0x3F9D] =	sst lr;
	_ =	strace $0xD0000000  }
0x3: {  	_ = 	snop  }
0x4: {  	_ = 	snop  }
0x5: {  	_ = 	snop  }
0x6: {  	_ = 	snop  }
0x7: {  	_ = 	snop  }
__scs_overlays_trampoline_lowered:
0x8: {  	[smem:$0x3FAC] =	sst s0  }
0x9: {  	[smem:$0x3FAD] =	sst s1  }
0xa: {  	[smem:$0x3FAE] =	sst s2  }
0xb: {  	[smem:$0x3FAF] =	sst s3  }
0xc: {  	[smem:$0x3FB0] =	sst s4  }
0xd: {  	[smem:$0x3FB1] =	sst s5  }
0xe: {  	[smem:$0x3FB2] =	sst s6  }
0xf: {  	[smem:$0x3FB3] =	sst s7  }
0x10: {  	[smem:$0x3FB4] =	sst s8  }
0x11: {  	[smem:$0x3FB5] =	sst s9;
	s0 =	simm.s32 @!p0 $0x0  }
0x12: {  	s1 =	sld [smem:$0x3F9B];
	s0 =	simm.s32 @p0 $0x1  }
0x13: {  	[smem:$0x3FB6] =	sst s0;
	s0 =	simm.s32 @!p1 $0x0  }
0x14: {  	s2 =	sld [smem:$0x3F9A];
	s0 =	simm.s32 @p1 $0x1  }
0x15: {  	[smem:$0x3FB7] =	sst s0;
	s0 =	simm.s32 @!p2 $0x0  }
0x16: {  	s3 =	sld [smem:$0x3FDB];
	s0 =	simm.s32 @p2 $0x1  }
0x17: {  	s4 =	simm.s32 $0x1BF5;
	[smem:$0x3FB9] =	sst s0  }
0x18: {  	s0 =	sld [smem:$0x3F9C];
	_ =	swait.ge [sflag:s4], $0x0  }
0x19: {  	s7 =	sld [smem:$0x3F9D]  }
0x1a: {  	s8 =	sadd.s32 $0xFFFFE003, lr  }
0x1b: {  	s9 =	sadd.s32 $0xFFFFFEF7, lr;
	s5 =	simm.s32 $0xFFFFFFFF;
	p2 =	slt.u32 s8, $0xFFFFF086  }
0x1c: {  	p1 =	slt.u32 s9, $0xF7A;
	s5 =	simm.s32 @!p2 $0x0  }
0x1d: {  	s5 =	simm.s32 @p1 $0x1;
	p0 =	seq.s32 s7, s2  }
0x1e: {  	s7 =	smul.u32 @!p0 $0xF7A, s2;
	p2 =	seq.s32 @!p0 s5, $0x0  }
0x1f: {  	s9 =	smul.u32 $0xF7A, s1;
	s8 =	simm.s32 @!p0 $0x1BF5;
	p2 =	por !p2, p0  }
0x20: {  	[sflag:s8] =	ssyncset.s32 @!p0 $0xFFFFF086;
	s6 =	sadd.s32 @!p0 s3, s7;
	s7 =	simm.s32 @!p0 $0x108  }
0x21: {  	s3 =	sadd.s32 s3, s9;
	s6 =	sadd.s32 @!p0 $0x88, s6;
	s7 =	simm.s32 @p2 $0x1082  }
0x22: {  	[simem:s7], [sflag:s8] =	dma.local @!p0 [hbm:s6], $0xF7A  }
0x23: {  	s9 =	sor.u32 $0xD0000000, s2;
	s6 =	simm.s32 $0x108;
	_ =	swait.ge @!p0 [sflag:s8], $0x0  }
0x24: {  	s3 =	sadd.s32 $0x88, s3;
	s6 =	simm.s32 @!p1 $0x1082;
	[sflag:s4] =	ssyncset.s32 $0xFFFFF086  }
0x25: {  	[simem:s6], [sflag:s4] =	dma.local [hbm:s3], $0xF7A  }
0x26: {  	[smem:$0x3F9D] =	sst s1;
	(tag) =	ssettag s2;
	_ =	strace s9  }
0x27: {  	s1 =	sld [smem:$0x3FAD]  }
0x28: {  	s2 =	sld [smem:$0x3FAE]  }
0x29: {  	s4 =	sld [smem:$0x3FB0]  }
0x2a: {  	p0 =	seq.s32 s5, $0x0;
	s5 =	sld [smem:$0x3FB1]  }
0x2b: {  	s6 =	sld [smem:$0x3FB2]  }
0x2c: {  	s7 =	sld [smem:$0x3FB3]  }
0x2d: {  	s3 =	simm.s32 $0x108;
	s8 =	sld [smem:$0x3FB4]  }
0x2e: {  	s3 =	simm.s32 @!p0 $0x1082;
	s9 =	sld [smem:$0x3FB5]  }
0x2f: {  	lr =	sadd.s32 s0, s3;
	s0 =	sld [smem:$0x3FAC]  }
0x30: {  	s3 =	sld [smem:$0x3FAF]  }
0x31: {  	[smem:$0x3FB8] =	sst s10  }
0x32: {  	s10 =	sld [smem:$0x3FB6];
	_ =	sdelay $0x3  }
0x33: {  	p0 =	seq.s32 s10, $0x1;
	s10 =	sld [smem:$0x3FB8];
	_ =	sdelay $0x3  }
0x34: {  	[smem:$0x3FB8] =	sst s10  }
0x35: {  	s10 =	sld [smem:$0x3FB7];
	_ =	sdelay $0x3  }
0x36: {  	p1 =	seq.s32 s10, $0x1;
	s10 =	sld [smem:$0x3FB8];
	_ =	sdelay $0x3  }
0x37: {  	[smem:$0x3FB8] =	sst s10  }
0x38: {  	s10 =	sld [smem:$0x3FB9]  }
0x39: {  	_ = 	snop;
	(pc) =	sbr.ind lr, $3  }
0x3a: {  	_ = 	snop  }
0x3b: {  	_ = 	snop  }
0x3c: {  	p2 =	seq.s32 s10, $0x1;
	s10 =	sld [smem:$0x3FB8]  }
0x3d: {  	_ =	shalt  }
0x3e: {  	_ =	shalt  }
0x3f: {  	_ =	shalt  }
0x40: {  	_ =	shalt  }
0x41: {  	_ =	shalt  }
0x42: {  	_ =	shalt  }
0x43: {  	_ =	shalt  }
0x44: {  	_ =	shalt  }
0x45: {  	_ =	shalt  }
0x46: {  	_ =	shalt  }
0x47: {  	_ =	shalt  }
0x48: {  	_ =	shalt  }
0x49: {  	_ =	shalt  }
0x4a: {  	_ =	shalt  }
0x4b: {  	_ =	shalt  }
0x4c: {  	_ =	shalt  }
0x4d: {  	_ =	shalt  }
0x4e: {  	_ =	shalt  }
0x4f: {  	_ =	shalt  }
0x50: {  	_ =	shalt  }
0x51: {  	_ =	shalt  }
0x52: {  	_ =	shalt  }
0x53: {  	_ =	shalt  }
0x54: {  	_ =	shalt  }
0x55: {  	_ =	shalt  }
0x56: {  	_ =	shalt  }
0x57: {  	_ =	shalt  }
0x58: {  	_ =	shalt  }
0x59: {  	_ =	shalt  }
0x5a: {  	_ =	shalt  }
0x5b: {  	_ =	shalt  }
0x5c: {  	_ =	shalt  }
0x5d: {  	_ =	shalt  }
0x5e: {  	_ =	shalt  }
0x5f: {  	_ =	shalt  }
0x60: {  	_ =	shalt  }
0x61: {  	_ =	shalt  }
0x62: {  	_ =	shalt  }
0x63: {  	_ =	shalt  }
0x64: {  	_ =	shalt  }
0x65: {  	_ =	shalt  }
0x66: {  	_ =	shalt  }
0x67: {  	_ =	shalt  }
0x68: {  	_ =	shalt  }
0x69: {  	_ =	shalt  }
0x6a: {  	_ =	shalt  }
0x6b: {  	_ =	shalt  }
0x6c: {  	_ =	shalt  }
0x6d: {  	_ =	shalt  }
0x6e: {  	_ =	shalt  }
0x6f: {  	_ =	shalt  }
0x70: {  	_ =	shalt  }
0x71: {  	_ =	shalt  }
0x72: {  	_ =	shalt  }
0x73: {  	_ =	shalt  }
0x74: {  	_ =	shalt  }
0x75: {  	_ =	shalt  }
0x76: {  	_ =	shalt  }
0x77: {  	_ =	shalt  }
0x78: {  	_ =	shalt  }
0x79: {  	_ =	shalt  }
0x7a: {  	_ =	shalt  }
0x7b: {  	_ =	shalt  }
0x7c: {  	_ =	shalt  }
0x7d: {  	_ =	shalt  }
0x7e: {  	_ =	shalt  }
0x7f: {  	_ =	shalt  }
0x80: {  	_ =	shalt  }
0x81: {  	_ =	shalt  }
0x82: {  	_ =	shalt  }
0x83: {  	_ =	shalt  }
0x84: {  	_ =	shalt  }
0x85: {  	_ =	shalt  }
0x86: {  	_ =	shalt  }
0x87: {  	_ =	shalt  }
.Lfunc_end0:
.L_simem_size_0:
called_computation_lowered:
.L_overlay_start_0:
0x88: {  	s2 =	sld [smem:$0x3FD9]  }
0x89: {  	s3 =	sld [smem:$0x3FFE];
	_ =	sdelay $0x1  }
0x8a: {  	s1 =	srdreg.scid  }
0x8b: {  	s0 =	sand.u32 $0x1, s1  }
0x8c: {  	s17 =	sshll.u32 s0, $0xA;
	s2 =	sadd.s32 s3, s2  }
0x8d: {  	s2 =	sadd.s32 s2, s17  }
0x8e: {  	[smem:$0x3FC4] =	sst s2  }
0x8f: {  	_ = 	snop  }
0x90: {  	s2 =	sld [smem:$0x3FD0];
	(tm) =	ssettm $0x1  }
0x91: {  	s18 =	sld [smem:$0x3FFB];
	_ =	sdelay $0x3  }
0x92: {  	_ =	strace s18  }
0x93: {  	s3 =	sld [smem:$0x3FFC];
	_ =	sdelay $0x3  }
0x94: {  	_ =	strace s3  }
0x95: {  	s3 =	sld [smem:$0x3FFD];
	_ =	sdelay $0x3  }
0x96: {  	_ =	strace s3  }
0x97: {  	_ =	strace $0x8FFFFFFF  }
0x98: {  	s19 =	sld [smem:$0x3FDB];
	_ =	sdelay $0x1  }
0x99: {  	s4 =	simm.s32 $_scs_section_size  }
0x9a: {  	s5 =	simm.s32 $_size__tile_overlayer_lowered;
	s6 =	simm.s32 $_tile_overlayer_lowered  }
0x9b: {  	s22 =	simm.s32 $0x1BFF;
	s21 =	sshll.u32 s6, $0x1;
	s3 =	sadd.s32 s4, s19  }
0x9c: {  	s7 =	simm.s32 $0x0;
	s20 =	sshll.u32 s5, $0x1;
	s5 =	sadd.s32 s21, s3  }
0x9d: {  	[timem:s7], [sflag:s22] =	dma.local [hbm:s5], s20  }
0x9e: {  	_ =	swait.ge [sflag:s22], s20  }
0x9f: {  	s4 =	ssub.s32 $0x0, s20;
	[sflag:s22] =	ssyncset.done $0x0  }
0xa0: {  	[sflag:s22] =	ssyncadd.s32 s4;
	_ =	sdelay $0x1  }
0xa1: {  	s23 =	simm.s32 $0x1B8B  }
0xa2: {  	_ =	swait.ge [sflag:s23], $0x1  }
0xa3: {  	[sflag:s23] =	ssyncset.done $0x0  }
0xa4: {  	s25 =	simm.s32 $0x1B8E;
	s24 =	sld [smem:$0x3FFE];
	[sflag:s23] =	ssyncadd.s32 $0xFFFFFFFF  }
0xa5: {  	s26 =	simm.s32 $execute0_lowered;
	[smem:$0x3FD2] =	sst s25  }
0xa6: {  	s5 =	sshll.u32 s26, $0x1;
	_ =	strace $0x80000046;
	[dreg:$0x1] =	wrdreg $0xFFFFFFFF  }
0xa7: {  	s28 =	simm.s32 $_size_execute0_lowered;
	s3 =	sadd.s32 s3, s5;
	[dreg:$0x0] =	wrdreg $0x0  }
0xa8: {  	s5 =	sshll.u32 s28, $0x1;
	[dreg:$0x2] =	wrdreg s3  }
0xa9: {  	[dreg:$0x3] =	wrdreg s5  }
0xaa: {  	[dreg:$0x4] =	wrdreg $0xC0  }
0xab: {  	_ =	task [dreg:s7], $0x5FFFF  }
0xac: {  	[dreg:$0x1] =	wrdreg $0xFFFFFFFF  }
0xad: {  	[dreg:$0x0] =	wrdreg $0x60  }
0xae: {  	[dreg:$0x2] =	wrdreg s24  }
0xaf: {  	[dreg:$0x3] =	wrdreg s2  }
0xb0: {  	[dreg:$0x4] =	wrdreg $0x9  }
0xb1: {  	_ =	task.clear_ibuf [dreg:s7], $0x5FFFF;
	_ =	strace $0x90000046  }
0xb2: {  	s29 =	simm.s32 $0x9;
	_ =	strace $0x80000048  }
0xb3: {  	_ =	swait.ge [sflag:s29], $0x1  }
0xb4: {  	[sflag:s29] =	ssyncadd.s32 $0xFFFFFFFF  }
0xb5: {  	_ =	strace $0x90000048  }
0xb6: {  	_ =	sfence  }
0xb7: {  	s30 =	sld [smem:$0x0];
	_ =	sdelay $0x2  }
0xb8: {  	s31 =	sshll.u32 s1, $0xD;
	s1 =	sshrl.u32 s1, $0x2  }
0xb9: {  	s3 =	sand.u32 $0x4000, s31;
	s1 =	sadd.s32 s1, s30  }
0xba: {  	s0 =	sor.u32 s3, s0;
	s1 =	sshll.u32 s1, $0x11  }
0xbb: {  	s0 =	sor.u32 s1, s0  }
0xbc: {  	s0 =	sadd.s32 $0x8F2B, s0  }
0xbd: {  	[sflag:s0] =	ssyncadd.remote.s32 $0x1  }
0xbe: {  	_ =	sfence.sel $0xFFFF  }
0xbf: {  	[dreg:$0x0] =	wrdreg $0xFFFFFFFF;
	(pc) =	sbr.abs _section_cstart, $3  }
0xc0: {  	[dreg:$0x1] =	wrdreg $0xFFFFFFFF  }
0xc1: {  	_ =	task.clear_ibuf [dreg:s7], $0x2FFFF;
	_ =	strace $0x9FFFFFFF  }
0xc2: {  	(tm) =	ssettm $0x7FFFFFFF  }
0xc3: {  	_ =	shalt  }
tec
execute0_lowered:
.L_overlay_start_1:
0x0: {  	(tag) =	ssettag $0x1  }
0x1: {  	s4 =	rddreg [dreg:$0x0]  }
0x2: {  	s0 =	srdreg.scid;
	s5 =	rddreg [dreg:$0x1];
	s2 =	simm.s32 $0x0  }
0x3: {  	s10 =	simm.s32 $0x1;
	s11 =	simm.s32 $0x800;
	s3 =	sand.u32 $0x1, s0  }
0x4: {  	s12 =	simm.s32 $0x80;
	s0 =	stileid.u32;
	s1 =	sshll.u32 s3, $0x4  }
0x5: {  	s13 =	simm.s32 $0x400;
	[smem:$0x7FF] =	sst s2;
	s6 =	sor.u32 s0, s1  }
0x6: {  	s8 =	sshll.u32 s0, $0x7;
	s7 =	sshrl.u32 s6, $0x3;
	s6 =	smul.u32 $0x2710, s6  }
0x7: {  	s3 =	ssub.s32 $0x2, s3;
	s1 =	rddreg [dreg:$0x2];
	s7 =	smul.u32 $0x13C00, s7  }
0x8: {  	s8 =	sand.u32 $0x380, s8;
	_ =	strace $0x80000047;
	s9 =	sshrl.u32 s3, $0x1  }
0x9: {  	s29 =	ssub.s32 s3, s9;
	s6 =	sshrl.u32 s6, $0x3;
	s7 =	sor.u32 s8, s7  }
0xa: {  	s31 =	sadd.s32 s6, s4;
	s4 =	smax.u32 s29, $0x1;
	s30 =	sshrl.u32 s7, $0x3  }
0xb: {  	s6 =	sadd.s32 $0xB0FA, s31;
	s7 =	sadd.s32 $0xB1F4, s31;
	s8 =	sadd.s32 $0xB2EE, s31  }
0xc: {  	v0 =	vimm.f32 $0.0e+00;
	v1 =	vimm.f32 $1.000000000e+00;
	s9 =	sadd.s32 $0xB3E8, s31;
	s3 =	sadd.s32 s5, s30;
	s5 =	sadd.s32 $0xB000, s31  }
.LBB2_1:
0xd: {  	s14 =	simm.s32 $0x40;
	s15 =	simm.s32 $0x0  }
.LBB2_2:
0xe: {  	p0 =	sne.s32 s14, $0x9C00;
	[tilespmem:s15+$0x800] =	vst v0;
	s15 =	smov.u32 s14;
	s14 =	sadd.s32 $0x40, s14  }
.Ltmp0:
0xf: {  	(pc) =	sbr.rel @p0 .LBB2_2-.Ltmp0, $2  }
0x10: {  	_ =	sdelay $0x2  }
0x11: {  	s15 =	sshra.s32 s15, $0x2  }
0x12: {  	[tilespmem:s15+$0x800] =	vst v0;
	s14 =	simm.s32 $0x0  }
0x13: {  	[tilespmem:s14], [sflag:$0x1] =	stream.linear.gather [hbm4b:s5+s14], $0x7D0, $0x38;
	[tilespmem:$0x2F80] =	vst v63  }
0x14: {  	_ =	swait.ge [sflag:s10], $0x7D0  }
0x15: {  	[sflag:s10] =	ssyncset.done $0x0  }
0x16: {  	s15 =	simm.s32 $0x0;
	s14 =	simm.s32 $0x40;
	[sflag:s10] =	ssyncadd.s32 $0xFFFFF830  }
.LBB2_4:
0x17: {  	p0 =	sne.s32 s14, $0x1F00;
	v2 =	vld [tilespmem:s15+$0x0];
	_ =	sdelay $0x3  }
.Ltmp1:
0x18: {  	(pc) =	sbr.rel @p0 .LBB2_4-.Ltmp1, $2  }
0x19: {  	_ =	sdelay $0x2  }
0x1a: {  	s15 =	sshra.s32 s14, $0x2;
	s14 =	sadd.s32 $0x40, s14;
	[tilespmem:v2+s11+$0x0] =	vst.idx.add.f32.msk $0xffff, v1  }
0x1b: {  	v2 =	vld [tilespmem:s15+$0x0];
	_ =	sdelay $0x7  }
0x1c: {  	s14 =	simm.s32 $0x0;
	[tilespmem:v2+s11+$0x0] =	vst.idx.add.f32.msk $0xffff, v1  }
0x1d: {  	[tilespmem:s14], [sflag:$0x1] =	stream.linear.gather [hbm4b:s6+s14], $0x7D0, $0x38;
	[tilespmem:$0x2F80] =	vst v63  }
0x1e: {  	_ =	swait.ge [sflag:s10], $0x7D0  }
0x1f: {  	[sflag:s10] =	ssyncset.done $0x0  }
0x20: {  	s15 =	simm.s32 $0x0;
	s14 =	simm.s32 $0x40;
	[sflag:s10] =	ssyncadd.s32 $0xFFFFF830  }
.LBB2_6:
0x21: {  	p0 =	sne.s32 s14, $0x1F00;
	v2 =	vld [tilespmem:s15+$0x0];
	_ =	sdelay $0x3  }
.Ltmp2:
0x22: {  	(pc) =	sbr.rel @p0 .LBB2_6-.Ltmp2, $2  }
0x23: {  	_ =	sdelay $0x2  }
0x24: {  	s15 =	sshra.s32 s14, $0x2;
	s14 =	sadd.s32 $0x40, s14;
	[tilespmem:v2+s11+$0x0] =	vst.idx.add.f32.msk $0xffff, v1  }
0x25: {  	v2 =	vld [tilespmem:s15+$0x0];
	_ =	sdelay $0x7  }
0x26: {  	s14 =	simm.s32 $0x0;
	[tilespmem:v2+s11+$0x0] =	vst.idx.add.f32.msk $0xffff, v1  }
0x27: {  	[tilespmem:s14], [sflag:$0x1] =	stream.linear.gather [hbm4b:s7+s14], $0x7D0, $0x38;
	[tilespmem:$0x2F80] =	vst v63  }
0x28: {  	_ =	swait.ge [sflag:s10], $0x7D0  }
0x29: {  	[sflag:s10] =	ssyncset.done $0x0  }
0x2a: {  	s15 =	simm.s32 $0x0;
	s14 =	simm.s32 $0x40;
	[sflag:s10] =	ssyncadd.s32 $0xFFFFF830  }
.LBB2_8:
0x2b: {  	p0 =	sne.s32 s14, $0x1F00;
	v2 =	vld [tilespmem:s15+$0x0];
	_ =	sdelay $0x3  }
.Ltmp3:
0x2c: {  	(pc) =	sbr.rel @p0 .LBB2_8-.Ltmp3, $2  }
0x2d: {  	_ =	sdelay $0x2  }
0x2e: {  	s15 =	sshra.s32 s14, $0x2;
	s14 =	sadd.s32 $0x40, s14;
	[tilespmem:v2+s11+$0x0] =	vst.idx.add.f32.msk $0xffff, v1  }
0x2f: {  	v2 =	vld [tilespmem:s15+$0x0];
	_ =	sdelay $0x7  }
0x30: {  	s14 =	simm.s32 $0x0;
	[tilespmem:v2+s11+$0x0] =	vst.idx.add.f32.msk $0xffff, v1  }
0x31: {  	[tilespmem:s14], [sflag:$0x1] =	stream.linear.gather [hbm4b:s8+s14], $0x7D0, $0x38;
	[tilespmem:$0x2F80] =	vst v63  }
0x32: {  	_ =	swait.ge [sflag:s10], $0x7D0  }
0x33: {  	[sflag:s10] =	ssyncset.done $0x0  }
0x34: {  	s15 =	simm.s32 $0x0;
	s14 =	simm.s32 $0x40;
	[sflag:s10] =	ssyncadd.s32 $0xFFFFF830  }
.LBB2_10:
0x35: {  	p0 =	sne.s32 s14, $0x1F00;
	v2 =	vld [tilespmem:s15+$0x0];
	_ =	sdelay $0x3  }
.Ltmp4:
0x36: {  	(pc) =	sbr.rel @p0 .LBB2_10-.Ltmp4, $2  }
0x37: {  	_ =	sdelay $0x2  }
0x38: {  	s15 =	sshra.s32 s14, $0x2;
	s14 =	sadd.s32 $0x40, s14;
	[tilespmem:v2+s11+$0x0] =	vst.idx.add.f32.msk $0xffff, v1  }
0x39: {  	v2 =	vld [tilespmem:s15+$0x0];
	_ =	sdelay $0x7  }
0x3a: {  	s14 =	simm.s32 $0x0;
	[tilespmem:v2+s11+$0x0] =	vst.idx.add.f32.msk $0xffff, v1  }
0x3b: {  	[tilespmem:s14], [sflag:$0x1] =	stream.linear.gather [hbm4b:s9+s14], $0x7D0, $0x38;
	[tilespmem:$0x2F80] =	vst v63  }
0x3c: {  	_ =	swait.ge [sflag:s10], $0x7D0  }
0x3d: {  	[sflag:s10] =	ssyncset.done $0x0  }
0x3e: {  	s15 =	simm.s32 $0x0;
	s14 =	simm.s32 $0x40;
	[sflag:s10] =	ssyncadd.s32 $0xFFFFF830  }
.LBB2_12:
0x3f: {  	p0 =	sne.s32 s14, $0x1F00;
	v2 =	vld [tilespmem:s15+$0x0];
	_ =	sdelay $0x3  }
.Ltmp5:
0x40: {  	(pc) =	sbr.rel @p0 .LBB2_12-.Ltmp5, $2  }
0x41: {  	_ =	sdelay $0x2  }
0x42: {  	s15 =	sshra.s32 s14, $0x2;
	s14 =	sadd.s32 $0x40, s14;
	[tilespmem:v2+s11+$0x0] =	vst.idx.add.f32.msk $0xffff, v1  }
0x43: {  	v2 =	vld [tilespmem:s15+$0x0];
	_ =	sdelay $0x5  }
0x44: {  	s2 =	sadd.s32 $0x1, s2  }
0x45: {  	p0 =	sne.s32 s2, s4  }
.Ltmp6:
0x46: {  	[tilespmem:v2+s11+$0x0] =	vst.idx.add.f32.msk $0xffff, v1;
	(pc) =	sbr.rel @p0 .LBB2_1-.Ltmp6, $4  }
0x47: {  	[hbm4b:s3+s12] =	stream.strided.scatter [tilespmem:s11], [sflag:$0x1], $0x2780, s13, s12, $0x38;
	[tilespmem:$0x2F80] =	vst v63  }
0x48: {  	_ =	swait.ge [sflag:s10], $0x2780  }
0x49: {  	[sflag:s10] =	ssyncset.done $0x0  }
0x4a: {  	[sflag:s10] =	ssyncadd.s32 $0xFFFFD880  }
0x4b: {  	_ =	sfence.sel $0x180000  }
0x4c: {  	[bflag:$0x0] =	sbarrier.arrive $0xFFFF  }
0x4d: {  	p0 =	sne.s32 s0, $0x0;
	_ =	strace $0x90000047  }
0x4e: {  	s0 =	sadd.s32 @!p0 $0x100000, s1;
	[bflag:$0x2] =	sbarrier.arrive $0xFFFF  }
0x4f: {  	[sflag:s0] =	ssyncadd.tile.s32 @!p0 $0x1;
	_ =	shalt  }
.Lfunc_end2:
_tile_overlayer_lowered:
.L_overlay_start_2:
0x50: {  	(tag) =	ssettag $0x2  }
0x51: {  	s0 =	rddreg [dreg:$0x0];
	s2 =	stileid.u32  }
0x52: {  	s1 =	rddreg [dreg:$0x1];
	p0 =	sne.s32 s2, $0x0  }
0x53: {  	s3 =	rddreg [dreg:$0x2];
	[bflag:$0x3] =	sbarrier.arrive $0xFFFF;
	s2 =	simm.s32 @!p0 $0x1C01  }
0x54: {  	[timem:s3], [sflag:s2] =	dma.local @!p0 [hbm:s0], s1  }
0x55: {  	s0 =	simm.s32 @!p0 $0x1  }
0x56: {  	_ =	swait.ge @!p0 [sflag:s0], s1  }
0x57: {  	s1 =	ssub.s32 @!p0 $0x0, s1;
	[sflag:s0] =	ssyncset.done @!p0 $0x0  }
0x58: {  	[sflag:s0] =	ssyncadd.s32 @!p0 s1  }
0x59: {  	[bflag:$0x3] =	sbarrier.arrive $0xFFFF  }
0x5a: {  	_ =	shalt  }

</sc_bundles>
